<compile_context>
chip_gen: v7x
topology: tpu7x:2x2x1
jax: 0.10.2.dev20260603
libtpu: 0.0.44.dev20260713+nightly
codegen_flags: <defaults>
</compile_context>

<pallas_src>
import functools

import jax
import jax.numpy as jnp
from jax import lax
from jax.experimental import pallas as pl
from jax.experimental.pallas import tpu as pltpu
from jax.experimental.pallas import tpu_sc as plsc

N = 10000
E = 320000
D = 128

NC = 2
NS = 16
NW = NC * NS
EW = E // NW
K = 50
CH = EW // K
IB = 100
NSLOT = 4
NBLK = CH // IB
NP = 10240
RPT = NP // NS
RZC = 40
KF = K // 16
KR = K - 16 * KF


def _make_sc_segsum(with_deg):
  mesh = plsc.VectorSubcoreMesh(core_axis_name="c", subcore_axis_name="s")

  out_type = jax.ShapeDtypeStruct((2 * NP, D), jnp.float32)
  scratch = [
      pltpu.VMEM((IB, K), jnp.int32),
      pltpu.VMEM((IB, K), jnp.int32),
      pltpu.VMEM_SHARED((NP, D), jnp.float32),
  ]
  scratch += [pltpu.VMEM((K, D), jnp.float32) for _ in range(NSLOT)]
  scratch += [pltpu.SemaphoreType.DMA for _ in range(2 * NSLOT)]
  if with_deg:
    out_type = [out_type, jax.ShapeDtypeStruct((NW, NP), jnp.float32)]
    scratch = scratch + [
        pltpu.VMEM((NP,), jnp.float32),
    ]

  @functools.partial(
      pl.kernel,
      out_type=out_type,
      mesh=mesh,
      compiler_params=pltpu.CompilerParams(use_tc_tiling_on_sc=False,
                                           needs_layout_passes=False),
      scratch_types=scratch,
  )
  def segsum(tab_hbm, edges_hbm, out_hbm, *rest):
    if with_deg:
      deg_hbm = rest[0]
      rest = rest[1:]
    src_v, dst_v, acc_sh = rest[0], rest[1], rest[2]
    rows_bufs = rest[3:3 + NSLOT]
    sems = rest[3 + NSLOT:3 + 3 * NSLOT]
    if with_deg:
      degloc = rest[3 + 3 * NSLOT]
    rows0 = rows_bufs[0]
    slots = tuple((rows_bufs[t], sems[2 * t], sems[2 * t + 1])
                  for t in range(NSLOT))
    cid = lax.axis_index("c")
    sid = lax.axis_index("s")
    wid = cid * NS + sid

    zero = jnp.zeros((16,), jnp.float32)

    def zrow(r, carry):
      def zcol(c, carry2):
        rows0[r, pl.ds(c * 16, 16)] = zero
        return carry2
      return lax.fori_loop(0, D // 16, zcol, carry)

    lax.fori_loop(0, RZC, zrow, 0)
    for j in range(RPT // RZC):
      pltpu.sync_copy(rows0.at[pl.ds(0, RZC)],
                      acc_sh.at[pl.ds(sid * RPT + j * RZC, RZC)])

    if with_deg:
      def zdeg(r, carry):
        degloc[pl.ds(r * 16, 16)] = zero
        return carry
      lax.fori_loop(0, NP // 16, zdeg, 0)

    pltpu.sync_copy(edges_hbm.at[0, wid, pl.ds(0, IB)], src_v)
    pltpu.sync_copy(edges_hbm.at[1, wid, pl.ds(0, IB)], dst_v)

    plsc.subcore_barrier()

    def g_issue(rows, c, sem):
      pltpu.async_copy(tab_hbm.at[src_v.at[c]], rows, sem)

    def g_wait(rows, c, sem):
      pltpu.make_async_copy(tab_hbm.at[src_v.at[c]], rows, sem).wait()

    def s_issue(rows, c, sem):
      pltpu.async_copy(rows, acc_sh.at[dst_v.at[c]], sem, add=True)

    def s_wait(rows, c, sem):
      pltpu.make_async_copy(rows, acc_sh.at[dst_v.at[c]], sem).wait()

    if with_deg:
      ones16 = jnp.ones((16,), jnp.float32)
      rmask = lax.iota(jnp.int32, 16) >= 16 - KR

      def histo(c):
        for g in range(KF):
          idx = dst_v[c, pl.ds(g * 16, 16)]
          plsc.addupdate_scatter(degloc, [idx], ones16)
        if KR:
          idx = dst_v[c, pl.ds(K - 16, 16)]
          plsc.addupdate_scatter(degloc, [idx], ones16, mask=rmask)
    else:
      def histo(c):
        del c

    for b in range(NBLK):
      if b > 0:
        pltpu.sync_copy(edges_hbm.at[0, wid, pl.ds(b * IB, IB)], src_v)
        pltpu.sync_copy(edges_hbm.at[1, wid, pl.ds(b * IB, IB)], dst_v)

      for t, (rows, sg, ss) in enumerate(slots):
        g_issue(rows, t, sg)

      def group(q, carry):
        c0 = NSLOT * q
        for t, (rows, sg, ss) in enumerate(slots):
          g_wait(rows, c0 + t, sg)
          s_issue(rows, c0 + t, ss)
          histo(c0 + t)
        for t, (rows, sg, ss) in enumerate(slots):
          s_wait(rows, c0 + t, ss)
          g_issue(rows, c0 + t + NSLOT, sg)
        return carry

      lax.fori_loop(0, IB // NSLOT - 1, group, 0)

      c0 = IB - NSLOT
      for t, (rows, sg, ss) in enumerate(slots):
        g_wait(rows, c0 + t, sg)
        s_issue(rows, c0 + t, ss)
        histo(c0 + t)
      for t, (rows, sg, ss) in enumerate(slots):
        s_wait(rows, c0 + t, ss)

    if with_deg:
      pltpu.sync_copy(degloc, deg_hbm.at[wid])

    plsc.subcore_barrier()

    row = sid * RPT
    pltpu.sync_copy(acc_sh.at[pl.ds(row, RPT)],
                    out_hbm.at[pl.ds(cid * NP + row, RPT)])

  return segsum


_sc_segsum_deg = _make_sc_segsum(True)
_sc_segsum = _make_sc_segsum(False)



_RB = 2048


def _dense_body(p_ref, d_ref, x_ref, wm_ref, ws_ref, b_ref, o_ref):
  a = p_ref[0] + p_ref[1]
  deg = jnp.sum(d_ref[...], axis=1, keepdims=True)
  scale = 1.0 / jnp.maximum(deg, 1.0)
  agg = jnp.dot(a * scale, wm_ref[...], preferred_element_type=jnp.float32)
  self_t = jnp.dot(x_ref[...], ws_ref[...], preferred_element_type=jnp.float32)
  o_ref[...] = jnp.maximum(agg + self_t + b_ref[...], 0.0)


def _dense_layer(P, degT, x, Wm, Ws, b):
  return pl.pallas_call(
      _dense_body,
      grid=(NP // _RB,),
      in_specs=[
          pl.BlockSpec((2, _RB, D), lambda i: (0, i, 0)),
          pl.BlockSpec((_RB, NW), lambda i: (i, 0)),
          pl.BlockSpec((_RB, D), lambda i: (i, 0)),
          pl.BlockSpec((D, D), lambda i: (0, 0)),
          pl.BlockSpec((D, D), lambda i: (0, 0)),
          pl.BlockSpec((1, D), lambda i: (0, 0)),
      ],
      out_specs=pl.BlockSpec((_RB, D), lambda i: (i, 0)),
      out_shape=jax.ShapeDtypeStruct((NP, D), jnp.float32),
  )(P, degT, x, Wm, Ws, b.reshape(1, D))



def _dense2_head_body(p_ref, d_ref, x_ref, wm_ref, ws_ref, b_ref,
                      w1_ref, b1_ref, w2_ref, b2_ref, o_ref, gmax):
  i = pl.program_id(0)
  a = p_ref[0] + p_ref[1]
  deg = jnp.sum(d_ref[...], axis=1, keepdims=True)
  scale = 1.0 / jnp.maximum(deg, 1.0)
  agg = jnp.dot(a * scale, wm_ref[...], preferred_element_type=jnp.float32)
  self_t = jnp.dot(x_ref[...], ws_ref[...], preferred_element_type=jnp.float32)
  h2 = jnp.maximum(agg + self_t + b_ref[...], 0.0)
  rows = i * _RB + lax.broadcasted_iota(jnp.int32, (_RB, 1), 0)
  bm = jnp.max(jnp.where(rows < N, h2, -jnp.inf), axis=0, keepdims=True)

  @pl.when(i == 0)
  def _():
    gmax[...] = bm

  @pl.when(i > 0)
  def _():
    gmax[...] = jnp.maximum(gmax[...], bm)

  @pl.when(i == NP // _RB - 1)
  def _():
    g = gmax[...]
    h1v = jnp.maximum(
        jnp.dot(g, w1_ref[...], preferred_element_type=jnp.float32)
        + b1_ref[...], 0.0)
    o_ref[...] = jnp.dot(h1v, w2_ref[...],
                         preferred_element_type=jnp.float32) + b2_ref[...]


def _dense2_head(P, degT, x, Wm, Ws, b, fc1_w, fc1_b, fc2_w, fc2_b):
  return pl.pallas_call(
      _dense2_head_body,
      grid=(NP // _RB,),
      in_specs=[
          pl.BlockSpec((2, _RB, D), lambda i: (0, i, 0)),
          pl.BlockSpec((_RB, NW), lambda i: (i, 0)),
          pl.BlockSpec((_RB, D), lambda i: (i, 0)),
          pl.BlockSpec((D, D), lambda i: (0, 0)),
          pl.BlockSpec((D, D), lambda i: (0, 0)),
          pl.BlockSpec((1, D), lambda i: (0, 0)),
          pl.BlockSpec((D, D // 2), lambda i: (0, 0)),
          pl.BlockSpec((1, D // 2), lambda i: (0, 0)),
          pl.BlockSpec((D // 2, D), lambda i: (0, 0)),
          pl.BlockSpec((1, D), lambda i: (0, 0)),
      ],
      out_specs=pl.BlockSpec((1, D), lambda i: (0, 0)),
      out_shape=jax.ShapeDtypeStruct((1, D), jnp.float32),
      scratch_shapes=[pltpu.VMEM((1, D), jnp.float32)],
  )(P, degT, x, Wm, Ws, b.reshape(1, D),
    fc1_w, fc1_b.reshape(1, -1), fc2_w, fc2_b.reshape(1, D))


def kernel(x, edge_index, W_msg0, W_self0, b0, W_msg1, W_self1, b1,
           fc1_w, fc1_b, fc2_w, fc2_b):
  edges = edge_index.astype(jnp.int32).reshape(2, NW, CH, K)

  x_pad = jnp.pad(x, ((0, NP - N), (0, 0)))

  P1, deg = _sc_segsum_deg(x_pad, edges)
  degT = jnp.transpose(deg)
  h1 = _dense_layer(P1.reshape(2, NP, D), degT, x_pad, W_msg0, W_self0, b0)

  P2 = _sc_segsum(h1, edges)
  return _dense2_head(P2.reshape(2, NP, D), degT, h1, W_msg1, W_self1, b1,
                      fc1_w, fc1_b, fc2_w, fc2_b)

# --- scband reference (transcript-rebuilt; emitter-appended) ---
"""Pipeline reference for scband-point-cloud-encoder-1468878815877 (READ-ONLY COPY).

The authoritative reference and input builder live on the scoring server;
editing this copy changes nothing except your own understanding.
"""

import jax, jax.numpy as jnp
import numpy as np

N_NODES = 10000
N_EDGES = 320000
D_IN = 128
D_HID = 128
D_OUT = 128


def setup_inputs(seed: int = 0) -> dict:
    key = jax.random.key(seed)
    ks = jax.random.split(key, 12)
    s = 0.05
    x = jax.random.normal(ks[0], (N_NODES, D_IN), dtype=jnp.float32)
    edge_index = jax.random.randint(ks[1], (2, N_EDGES), 0, N_NODES).astype(jnp.int64)
    W_msg0 = jax.random.normal(ks[2], (D_IN, D_HID), dtype=jnp.float32) * s
    W_self0 = jax.random.normal(ks[3], (D_IN, D_HID), dtype=jnp.float32) * s
    b0 = jnp.zeros((D_HID,), dtype=jnp.float32)
    W_msg1 = jax.random.normal(ks[4], (D_HID, D_HID), dtype=jnp.float32) * s
    W_self1 = jax.random.normal(ks[5], (D_HID, D_HID), dtype=jnp.float32) * s
    b1 = jnp.zeros((D_HID,), dtype=jnp.float32)
    fc1_w = jax.random.normal(ks[6], (D_HID, D_HID // 2), dtype=jnp.float32) * s
    fc1_b = jnp.zeros((D_HID // 2,), dtype=jnp.float32)
    fc2_w = jax.random.normal(ks[7], (D_HID // 2, D_OUT), dtype=jnp.float32) * s
    fc2_b = jnp.zeros((D_OUT,), dtype=jnp.float32)
    return {
        'x': x, 'edge_index': edge_index,
        'W_msg0': W_msg0, 'W_self0': W_self0, 'b0': b0,
        'W_msg1': W_msg1, 'W_self1': W_self1, 'b1': b1,
        'fc1_w': fc1_w, 'fc1_b': fc1_b, 'fc2_w': fc2_w, 'fc2_b': fc2_b,
    }


def _point_conv_layer(h, src, dst, n_nodes, Wm, Ws, b):
    # message: linear transform of gathered source features
    m = jnp.take(h, src, axis=0) @ Wm
    # mean aggregation to destination nodes (scatter-add + degree normalize)
    agg = jax.ops.segment_sum(m, dst, num_segments=n_nodes)
    deg = jax.ops.segment_sum(jnp.ones((src.shape[0], 1), dtype=h.dtype), dst, num_segments=n_nodes)
    agg = agg / jnp.maximum(deg, 1.0)
    return jax.nn.relu(agg + h @ Ws + b)


def reference(x, edge_index, W_msg0, W_self0, b0, W_msg1, W_self1, b1, fc1_w, fc1_b, fc2_w, fc2_b):
    src = edge_index[0]
    dst = edge_index[1]
    n = x.shape[0]
    # PointConv: num_layers=2 stacked message-passing layers
    h = _point_conv_layer(x, src, dst, n, W_msg0, W_self0, b0)
    h = _point_conv_layer(h, src, dst, n, W_msg1, W_self1, b1)
    # global_max_pool with batch=None -> max over all nodes, single graph
    g = jnp.max(h, axis=0, keepdims=True)
    h1 = jax.nn.relu(g @ fc1_w + fc1_b)
    out = h1 @ fc2_w + fc2_b
    return out

if __name__ == "__main__":
    import jax
    _d = setup_inputs()
    print(jax.jit(kernel)(*tuple(_d.values())))

</pallas_src>

<mosaic_0001>
#map = affine_map<(d0, d1) -> (0, 0)>
#map1 = affine_map<(d0, d1) -> (0, 0, 0, 0)>
module attributes {stable_mosaic.version = 14 : i64} {
  func.func @segsum(%arg0: i32, %arg1: i32, %arg2: memref<10240x128xf32, #tpu.memory_space<hbm>>, %arg3: memref<2x32x200x50xi32, #tpu.memory_space<hbm>>, %arg4: memref<20480x128xf32, #tpu.memory_space<hbm>>, %arg5: memref<32x10240xf32, #tpu.memory_space<hbm>>, %arg6: memref<100x50xi32, #tpu.memory_space<vmem>>, %arg7: memref<100x50xi32, #tpu.memory_space<vmem>>, %arg8: memref<10240x128xf32, #tpu.memory_space<vmem_shared>>, %arg9: memref<50x128xf32, #tpu.memory_space<vmem>>, %arg10: memref<50x128xf32, #tpu.memory_space<vmem>>, %arg11: memref<50x128xf32, #tpu.memory_space<vmem>>, %arg12: memref<50x128xf32, #tpu.memory_space<vmem>>, %arg13: memref<!tpu.dma_semaphore, #tpu.memory_space<semaphore_mem>>, %arg14: memref<!tpu.dma_semaphore, #tpu.memory_space<semaphore_mem>>, %arg15: memref<!tpu.dma_semaphore, #tpu.memory_space<semaphore_mem>>, %arg16: memref<!tpu.dma_semaphore, #tpu.memory_space<semaphore_mem>>, %arg17: memref<!tpu.dma_semaphore, #tpu.memory_space<semaphore_mem>>, %arg18: memref<!tpu.dma_semaphore, #tpu.memory_space<semaphore_mem>>, %arg19: memref<!tpu.dma_semaphore, #tpu.memory_space<semaphore_mem>>, %arg20: memref<!tpu.dma_semaphore, #tpu.memory_space<semaphore_mem>>, %arg21: memref<10240xf32, #tpu.memory_space<vmem>>) attributes {dimension_semantics = [#tpu.dimension_semantics<core_parallel>, #tpu.dimension_semantics<subcore_parallel>], iteration_bounds = array<i64: 2, 16>, scalar_prefetch = 0 : i64, scratch_operands = 16 : i64, tpu.core_type = #tpu.core_type<sc_vector_subcore>, window_params = [{transform_indices = #map}, {transform_indices = #map1}, {transform_indices = #map}, {transform_indices = #map}]} {
    %mul3A = arith.constant 16 : i32
    %mul3A_0 = arith.muli %arg0, %mul3A : i32
    %add3A = arith.addi %mul3A_0, %arg1 : i32
    %broadcast_in_dim3A = arith.constant 0.000000e+00 : f32
    %broadcast_in_dim3A_1 = vector.broadcast %broadcast_in_dim3A : f32 to vector<16xf32>
    %scan3A = arith.constant 0 : i32
    %scan3A_2 = arith.constant 0 : i32
    %scan3A_3 = arith.constant 40 : i32
    %scan3A_4 = arith.addi %scan3A_2, %scan3A_3 : i32
    %scan3A_5 = arith.constant 1 : i32
    scf.for %scan3A_451 = %scan3A_2 to %scan3A_4 step %scan3A_5  : i32 {
      %scan3A_452 = arith.constant 0 : i32
      %scan3A_453 = arith.constant 8 : i32
      %scan3A_454 = arith.addi %scan3A_452, %scan3A_453 : i32
      %scan3A_455 = arith.constant 1 : i32
      scf.for %scan3A_457 = %scan3A_452 to %scan3A_454 step %scan3A_455  : i32 {
        %mul3A_458 = arith.constant 16 : i32
        %mul3A_459 = arith.muli %scan3A_457, %mul3A_458 : i32
        %swap3A = arith.index_cast %scan3A_451 : i32 to index
        %swap3A_460 = arith.index_cast %mul3A_459 : i32 to index
        %swap3A_461 = tpu.vector_load %arg9[%swap3A, %swap3A_460] {strides = array<i32>} : memref<50x128xf32, #tpu.memory_space<vmem>>, vector<16xf32>,
        tpu.vector_store %arg9[%swap3A, %swap3A_460], %broadcast_in_dim3A_1 {strides = array<i32>} : memref<50x128xf32, #tpu.memory_space<vmem>>, vector<16xf32>,
      }
      %scan3A_456 = arith.constant 8 : i32
    }
    %scan3A_6 = arith.constant 40 : i32
    %mul3A_7 = arith.constant 640 : i32
    %mul3A_8 = arith.muli %arg1, %mul3A_7 : i32
    %add3A_9 = arith.constant 0 : i32
    %add3A_10 = arith.addi %mul3A_8, %add3A_9 : i32
    "tpu.region"() ({
      %run_scoped3A_451 = tpu.sem_alloc : memref<!tpu.dma_semaphore, #tpu.memory_space<semaphore_mem>>
      %dma_start3A_452 = arith.constant 0 : i32
      %dma_start3A_453 = arith.constant 0 : i32
      %dma_start3A_454 = tpu.memref_slice %arg9[%dma_start3A_452, %dma_start3A_453] : memref<50x128xf32, #tpu.memory_space<vmem>> -> memref<40x128xf32, #tpu.memory_space<vmem>>
      %dma_start3A_455 = arith.constant 0 : i32
      %dma_start3A_456 = tpu.memref_slice %arg8[%add3A_10, %dma_start3A_455] : memref<10240x128xf32, #tpu.memory_space<vmem_shared>> -> memref<40x128xf32, #tpu.memory_space<vmem_shared>>
      %dma_start3A_457 = arith.constant 0 : i32
      %dma_start3A_458 = tpu.memref_slice %arg8[%add3A_10, %dma_start3A_457] : memref<10240x128xf32, #tpu.memory_space<vmem_shared>> -> memref<40x128xf32, #tpu.memory_space<vmem_shared>>
      %dma_start3A_459 = arith.constant 0 : i32
      %dma_start3A_460 = arith.constant 0 : i32
      %dma_start3A_461 = tpu.memref_slice %arg9[%dma_start3A_459, %dma_start3A_460] : memref<50x128xf32, #tpu.memory_space<vmem>> -> memref<40x128xf32, #tpu.memory_space<vmem>>
      tpu.enqueue_dma source(%dma_start3A_461 : memref<40x128xf32, #tpu.memory_space<vmem>>) target(%dma_start3A_458 : memref<40x128xf32, #tpu.memory_space<vmem_shared>>) target_semaphore(%run_scoped3A_451 : memref<!tpu.dma_semaphore, #tpu.memory_space<semaphore_mem>>)
      %dma_wait3A_462 = arith.constant 0 : i32
      %dma_wait3A_463 = arith.constant 0 : i32
      %dma_wait3A_464 = tpu.memref_slice %arg9[%dma_wait3A_462, %dma_wait3A_463] : memref<50x128xf32, #tpu.memory_space<vmem>> -> memref<40x128xf32, #tpu.memory_space<vmem>>
      %dma_wait3A_465 = arith.constant 0 : i32
      %dma_wait3A_466 = tpu.memref_slice %arg8[%add3A_10, %dma_wait3A_465] : memref<10240x128xf32, #tpu.memory_space<vmem_shared>> -> memref<40x128xf32, #tpu.memory_space<vmem_shared>>
      %dma_wait3A_467 = arith.constant 0 : i32
      %dma_wait3A_468 = tpu.memref_slice %arg8[%add3A_10, %dma_wait3A_467] : memref<10240x128xf32, #tpu.memory_space<vmem_shared>> -> memref<40x128xf32, #tpu.memory_space<vmem_shared>>
      %dma_wait3A_469 = arith.constant 0 : i32
      %dma_wait3A_470 = arith.constant 0 : i32
      %dma_wait3A_471 = tpu.memref_slice %arg9[%dma_wait3A_469, %dma_wait3A_470] : memref<50x128xf32, #tpu.memory_space<vmem>> -> memref<40x128xf32, #tpu.memory_space<vmem>>
      tpu.wait_dma2 semaphore(%run_scoped3A_451 : memref<!tpu.dma_semaphore, #tpu.memory_space<semaphore_mem>>) src(%dma_wait3A_471 : memref<40x128xf32, #tpu.memory_space<vmem>>) dst(%dma_wait3A_468 : memref<40x128xf32, #tpu.memory_space<vmem_shared>>)
      tpu.yield
    }) : () -> ()
    %mul3A_11 = arith.constant 640 : i32
    %mul3A_12 = arith.muli %arg1, %mul3A_11 : i32
    %add3A_13 = arith.constant 40 : i32
    %add3A_14 = arith.addi %mul3A_12, %add3A_13 : i32
    "tpu.region"() ({
      %run_scoped3A_451 = tpu.sem_alloc : memref<!tpu.dma_semaphore, #tpu.memory_space<semaphore_mem>>
      %dma_start3A_452 = arith.constant 0 : i32
      %dma_start3A_453 = arith.constant 0 : i32
      %dma_start3A_454 = tpu.memref_slice %arg9[%dma_start3A_452, %dma_start3A_453] : memref<50x128xf32, #tpu.memory_space<vmem>> -> memref<40x128xf32, #tpu.memory_space<vmem>>
      %dma_start3A_455 = arith.constant 0 : i32
      %dma_start3A_456 = tpu.memref_slice %arg8[%add3A_14, %dma_start3A_455] : memref<10240x128xf32, #tpu.memory_space<vmem_shared>> -> memref<40x128xf32, #tpu.memory_space<vmem_shared>>
      %dma_start3A_457 = arith.constant 0 : i32
      %dma_start3A_458 = tpu.memref_slice %arg8[%add3A_14, %dma_start3A_457] : memref<10240x128xf32, #tpu.memory_space<vmem_shared>> -> memref<40x128xf32, #tpu.memory_space<vmem_shared>>
      %dma_start3A_459 = arith.constant 0 : i32
      %dma_start3A_460 = arith.constant 0 : i32
      %dma_start3A_461 = tpu.memref_slice %arg9[%dma_start3A_459, %dma_start3A_460] : memref<50x128xf32, #tpu.memory_space<vmem>> -> memref<40x128xf32, #tpu.memory_space<vmem>>
      tpu.enqueue_dma source(%dma_start3A_461 : memref<40x128xf32, #tpu.memory_space<vmem>>) target(%dma_start3A_458 : memref<40x128xf32, #tpu.memory_space<vmem_shared>>) target_semaphore(%run_scoped3A_451 : memref<!tpu.dma_semaphore, #tpu.memory_space<semaphore_mem>>)
      %dma_wait3A_462 = arith.constant 0 : i32
      %dma_wait3A_463 = arith.constant 0 : i32
      %dma_wait3A_464 = tpu.memref_slice %arg9[%dma_wait3A_462, %dma_wait3A_463] : memref<50x128xf32, #tpu.memory_space<vmem>> -> memref<40x128xf32, #tpu.memory_space<vmem>>
      %dma_wait3A_465 = arith.constant 0 : i32
      %dma_wait3A_466 = tpu.memref_slice %arg8[%add3A_14, %dma_wait3A_465] : memref<10240x128xf32, #tpu.memory_space<vmem_shared>> -> memref<40x128xf32, #tpu.memory_space<vmem_shared>>
      %dma_wait3A_467 = arith.constant 0 : i32
      %dma_wait3A_468 = tpu.memref_slice %arg8[%add3A_14, %dma_wait3A_467] : memref<10240x128xf32, #tpu.memory_space<vmem_shared>> -> memref<40x128xf32, #tpu.memory_space<vmem_shared>>
      %dma_wait3A_469 = arith.constant 0 : i32
      %dma_wait3A_470 = arith.constant 0 : i32
      %dma_wait3A_471 = tpu.memref_slice %arg9[%dma_wait3A_469, %dma_wait3A_470] : memref<50x128xf32, #tpu.memory_space<vmem>> -> memref<40x128xf32, #tpu.memory_space<vmem>>
      tpu.wait_dma2 semaphore(%run_scoped3A_451 : memref<!tpu.dma_semaphore, #tpu.memory_space<semaphore_mem>>) src(%dma_wait3A_471 : memref<40x128xf32, #tpu.memory_space<vmem>>) dst(%dma_wait3A_468 : memref<40x128xf32, #tpu.memory_space<vmem_shared>>)
      tpu.yield
    }) : () -> ()
    %mul3A_15 = arith.constant 640 : i32
    %mul3A_16 = arith.muli %arg1, %mul3A_15 : i32
    %add3A_17 = arith.constant 80 : i32
    %add3A_18 = arith.addi %mul3A_16, %add3A_17 : i32
    "tpu.region"() ({
      %run_scoped3A_451 = tpu.sem_alloc : memref<!tpu.dma_semaphore, #tpu.memory_space<semaphore_mem>>
      %dma_start3A_452 = arith.constant 0 : i32
      %dma_start3A_453 = arith.constant 0 : i32
      %dma_start3A_454 = tpu.memref_slice %arg9[%dma_start3A_452, %dma_start3A_453] : memref<50x128xf32, #tpu.memory_space<vmem>> -> memref<40x128xf32, #tpu.memory_space<vmem>>
      %dma_start3A_455 = arith.constant 0 : i32
      %dma_start3A_456 = tpu.memref_slice %arg8[%add3A_18, %dma_start3A_455] : memref<10240x128xf32, #tpu.memory_space<vmem_shared>> -> memref<40x128xf32, #tpu.memory_space<vmem_shared>>
      %dma_start3A_457 = arith.constant 0 : i32
      %dma_start3A_458 = tpu.memref_slice %arg8[%add3A_18, %dma_start3A_457] : memref<10240x128xf32, #tpu.memory_space<vmem_shared>> -> memref<40x128xf32, #tpu.memory_space<vmem_shared>>
      %dma_start3A_459 = arith.constant 0 : i32
      %dma_start3A_460 = arith.constant 0 : i32
      %dma_start3A_461 = tpu.memref_slice %arg9[%dma_start3A_459, %dma_start3A_460] : memref<50x128xf32, #tpu.memory_space<vmem>> -> memref<40x128xf32, #tpu.memory_space<vmem>>
      tpu.enqueue_dma source(%dma_start3A_461 : memref<40x128xf32, #tpu.memory_space<vmem>>) target(%dma_start3A_458 : memref<40x128xf32, #tpu.memory_space<vmem_shared>>) target_semaphore(%run_scoped3A_451 : memref<!tpu.dma_semaphore, #tpu.memory_space<semaphore_mem>>)
      %dma_wait3A_462 = arith.constant 0 : i32
      %dma_wait3A_463 = arith.constant 0 : i32
      %dma_wait3A_464 = tpu.memref_slice %arg9[%dma_wait3A_462, %dma_wait3A_463] : memref<50x128xf32, #tpu.memory_space<vmem>> -> memref<40x128xf32, #tpu.memory_space<vmem>>
      %dma_wait3A_465 = arith.constant 0 : i32
      %dma_wait3A_466 = tpu.memref_slice %arg8[%add3A_18, %dma_wait3A_465] : memref<10240x128xf32, #tpu.memory_space<vmem_shared>> -> memref<40x128xf32, #tpu.memory_space<vmem_shared>>
      %dma_wait3A_467 = arith.constant 0 : i32
      %dma_wait3A_468 = tpu.memref_slice %arg8[%add3A_18, %dma_wait3A_467] : memref<10240x128xf32, #tpu.memory_space<vmem_shared>> -> memref<40x128xf32, #tpu.memory_space<vmem_shared>>
      %dma_wait3A_469 = arith.constant 0 : i32
      %dma_wait3A_470 = arith.constant 0 : i32
      %dma_wait3A_471 = tpu.memref_slice %arg9[%dma_wait3A_469, %dma_wait3A_470] : memref<50x128xf32, #tpu.memory_space<vmem>> -> memref<40x128xf32, #tpu.memory_space<vmem>>
      tpu.wait_dma2 semaphore(%run_scoped3A_451 : memref<!tpu.dma_semaphore, #tpu.memory_space<semaphore_mem>>) src(%dma_wait3A_471 : memref<40x128xf32, #tpu.memory_space<vmem>>) dst(%dma_wait3A_468 : memref<40x128xf32, #tpu.memory_space<vmem_shared>>)
      tpu.yield
    }) : () -> ()
    %mul3A_19 = arith.constant 640 : i32
    %mul3A_20 = arith.muli %arg1, %mul3A_19 : i32
    %add3A_21 = arith.constant 120 : i32
    %add3A_22 = arith.addi %mul3A_20, %add3A_21 : i32
    "tpu.region"() ({
      %run_scoped3A_451 = tpu.sem_alloc : memref<!tpu.dma_semaphore, #tpu.memory_space<semaphore_mem>>
      %dma_start3A_452 = arith.constant 0 : i32
      %dma_start3A_453 = arith.constant 0 : i32
      %dma_start3A_454 = tpu.memref_slice %arg9[%dma_start3A_452, %dma_start3A_453] : memref<50x128xf32, #tpu.memory_space<vmem>> -> memref<40x128xf32, #tpu.memory_space<vmem>>
      %dma_start3A_455 = arith.constant 0 : i32
      %dma_start3A_456 = tpu.memref_slice %arg8[%add3A_22, %dma_start3A_455] : memref<10240x128xf32, #tpu.memory_space<vmem_shared>> -> memref<40x128xf32, #tpu.memory_space<vmem_shared>>
      %dma_start3A_457 = arith.constant 0 : i32
      %dma_start3A_458 = tpu.memref_slice %arg8[%add3A_22, %dma_start3A_457] : memref<10240x128xf32, #tpu.memory_space<vmem_shared>> -> memref<40x128xf32, #tpu.memory_space<vmem_shared>>
      %dma_start3A_459 = arith.constant 0 : i32
      %dma_start3A_460 = arith.constant 0 : i32
      %dma_start3A_461 = tpu.memref_slice %arg9[%dma_start3A_459, %dma_start3A_460] : memref<50x128xf32, #tpu.memory_space<vmem>> -> memref<40x128xf32, #tpu.memory_space<vmem>>
      tpu.enqueue_dma source(%dma_start3A_461 : memref<40x128xf32, #tpu.memory_space<vmem>>) target(%dma_start3A_458 : memref<40x128xf32, #tpu.memory_space<vmem_shared>>) target_semaphore(%run_scoped3A_451 : memref<!tpu.dma_semaphore, #tpu.memory_space<semaphore_mem>>)
      %dma_wait3A_462 = arith.constant 0 : i32
      %dma_wait3A_463 = arith.constant 0 : i32
      %dma_wait3A_464 = tpu.memref_slice %arg9[%dma_wait3A_462, %dma_wait3A_463] : memref<50x128xf32, #tpu.memory_space<vmem>> -> memref<40x128xf32, #tpu.memory_space<vmem>>
      %dma_wait3A_465 = arith.constant 0 : i32
      %dma_wait3A_466 = tpu.memref_slice %arg8[%add3A_22, %dma_wait3A_465] : memref<10240x128xf32, #tpu.memory_space<vmem_shared>> -> memref<40x128xf32, #tpu.memory_space<vmem_shared>>
      %dma_wait3A_467 = arith.constant 0 : i32
      %dma_wait3A_468 = tpu.memref_slice %arg8[%add3A_22, %dma_wait3A_467] : memref<10240x128xf32, #tpu.memory_space<vmem_shared>> -> memref<40x128xf32, #tpu.memory_space<vmem_shared>>
      %dma_wait3A_469 = arith.constant 0 : i32
      %dma_wait3A_470 = arith.constant 0 : i32
      %dma_wait3A_471 = tpu.memref_slice %arg9[%dma_wait3A_469, %dma_wait3A_470] : memref<50x128xf32, #tpu.memory_space<vmem>> -> memref<40x128xf32, #tpu.memory_space<vmem>>
      tpu.wait_dma2 semaphore(%run_scoped3A_451 : memref<!tpu.dma_semaphore, #tpu.memory_space<semaphore_mem>>) src(%dma_wait3A_471 : memref<40x128xf32, #tpu.memory_space<vmem>>) dst(%dma_wait3A_468 : memref<40x128xf32, #tpu.memory_space<vmem_shared>>)
      tpu.yield
    }) : () -> ()
    %mul3A_23 = arith.constant 640 : i32
    %mul3A_24 = arith.muli %arg1, %mul3A_23 : i32
    %add3A_25 = arith.constant 160 : i32
    %add3A_26 = arith.addi %mul3A_24, %add3A_25 : i32
    "tpu.region"() ({
      %run_scoped3A_451 = tpu.sem_alloc : memref<!tpu.dma_semaphore, #tpu.memory_space<semaphore_mem>>
      %dma_start3A_452 = arith.constant 0 : i32
      %dma_start3A_453 = arith.constant 0 : i32
      %dma_start3A_454 = tpu.memref_slice %arg9[%dma_start3A_452, %dma_start3A_453] : memref<50x128xf32, #tpu.memory_space<vmem>> -> memref<40x128xf32, #tpu.memory_space<vmem>>
      %dma_start3A_455 = arith.constant 0 : i32
      %dma_start3A_456 = tpu.memref_slice %arg8[%add3A_26, %dma_start3A_455] : memref<10240x128xf32, #tpu.memory_space<vmem_shared>> -> memref<40x128xf32, #tpu.memory_space<vmem_shared>>
      %dma_start3A_457 = arith.constant 0 : i32
      %dma_start3A_458 = tpu.memref_slice %arg8[%add3A_26, %dma_start3A_457] : memref<10240x128xf32, #tpu.memory_space<vmem_shared>> -> memref<40x128xf32, #tpu.memory_space<vmem_shared>>
      %dma_start3A_459 = arith.constant 0 : i32
      %dma_start3A_460 = arith.constant 0 : i32
      %dma_start3A_461 = tpu.memref_slice %arg9[%dma_start3A_459, %dma_start3A_460] : memref<50x128xf32, #tpu.memory_space<vmem>> -> memref<40x128xf32, #tpu.memory_space<vmem>>
      tpu.enqueue_dma source(%dma_start3A_461 : memref<40x128xf32, #tpu.memory_space<vmem>>) target(%dma_start3A_458 : memref<40x128xf32, #tpu.memory_space<vmem_shared>>) target_semaphore(%run_scoped3A_451 : memref<!tpu.dma_semaphore, #tpu.memory_space<semaphore_mem>>)
      %dma_wait3A_462 = arith.constant 0 : i32
      %dma_wait3A_463 = arith.constant 0 : i32
      %dma_wait3A_464 = tpu.memref_slice %arg9[%dma_wait3A_462, %dma_wait3A_463] : memref<50x128xf32, #tpu.memory_space<vmem>> -> memref<40x128xf32, #tpu.memory_space<vmem>>
      %dma_wait3A_465 = arith.constant 0 : i32
      %dma_wait3A_466 = tpu.memref_slice %arg8[%add3A_26, %dma_wait3A_465] : memref<10240x128xf32, #tpu.memory_space<vmem_shared>> -> memref<40x128xf32, #tpu.memory_space<vmem_shared>>
      %dma_wait3A_467 = arith.constant 0 : i32
      %dma_wait3A_468 = tpu.memref_slice %arg8[%add3A_26, %dma_wait3A_467] : memref<10240x128xf32, #tpu.memory_space<vmem_shared>> -> memref<40x128xf32, #tpu.memory_space<vmem_shared>>
      %dma_wait3A_469 = arith.constant 0 : i32
      %dma_wait3A_470 = arith.constant 0 : i32
      %dma_wait3A_471 = tpu.memref_slice %arg9[%dma_wait3A_469, %dma_wait3A_470] : memref<50x128xf32, #tpu.memory_space<vmem>> -> memref<40x128xf32, #tpu.memory_space<vmem>>
      tpu.wait_dma2 semaphore(%run_scoped3A_451 : memref<!tpu.dma_semaphore, #tpu.memory_space<semaphore_mem>>) src(%dma_wait3A_471 : memref<40x128xf32, #tpu.memory_space<vmem>>) dst(%dma_wait3A_468 : memref<40x128xf32, #tpu.memory_space<vmem_shared>>)
      tpu.yield
    }) : () -> ()
    %mul3A_27 = arith.constant 640 : i32
    %mul3A_28 = arith.muli %arg1, %mul3A_27 : i32
    %add3A_29 = arith.constant 200 : i32
    %add3A_30 = arith.addi %mul3A_28, %add3A_29 : i32
    "tpu.region"() ({
      %run_scoped3A_451 = tpu.sem_alloc : memref<!tpu.dma_semaphore, #tpu.memory_space<semaphore_mem>>
      %dma_start3A_452 = arith.constant 0 : i32
      %dma_start3A_453 = arith.constant 0 : i32
      %dma_start3A_454 = tpu.memref_slice %arg9[%dma_start3A_452, %dma_start3A_453] : memref<50x128xf32, #tpu.memory_space<vmem>> -> memref<40x128xf32, #tpu.memory_space<vmem>>
      %dma_start3A_455 = arith.constant 0 : i32
      %dma_start3A_456 = tpu.memref_slice %arg8[%add3A_30, %dma_start3A_455] : memref<10240x128xf32, #tpu.memory_space<vmem_shared>> -> memref<40x128xf32, #tpu.memory_space<vmem_shared>>
      %dma_start3A_457 = arith.constant 0 : i32
      %dma_start3A_458 = tpu.memref_slice %arg8[%add3A_30, %dma_start3A_457] : memref<10240x128xf32, #tpu.memory_space<vmem_shared>> -> memref<40x128xf32, #tpu.memory_space<vmem_shared>>
      %dma_start3A_459 = arith.constant 0 : i32
      %dma_start3A_460 = arith.constant 0 : i32
      %dma_start3A_461 = tpu.memref_slice %arg9[%dma_start3A_459, %dma_start3A_460] : memref<50x128xf32, #tpu.memory_space<vmem>> -> memref<40x128xf32, #tpu.memory_space<vmem>>
      tpu.enqueue_dma source(%dma_start3A_461 : memref<40x128xf32, #tpu.memory_space<vmem>>) target(%dma_start3A_458 : memref<40x128xf32, #tpu.memory_space<vmem_shared>>) target_semaphore(%run_scoped3A_451 : memref<!tpu.dma_semaphore, #tpu.memory_space<semaphore_mem>>)
      %dma_wait3A_462 = arith.constant 0 : i32
      %dma_wait3A_463 = arith.constant 0 : i32
      %dma_wait3A_464 = tpu.memref_slice %arg9[%dma_wait3A_462, %dma_wait3A_463] : memref<50x128xf32, #tpu.memory_space<vmem>> -> memref<40x128xf32, #tpu.memory_space<vmem>>
      %dma_wait3A_465 = arith.constant 0 : i32
      %dma_wait3A_466 = tpu.memref_slice %arg8[%add3A_30, %dma_wait3A_465] : memref<10240x128xf32, #tpu.memory_space<vmem_shared>> -> memref<40x128xf32, #tpu.memory_space<vmem_shared>>
      %dma_wait3A_467 = arith.constant 0 : i32
      %dma_wait3A_468 = tpu.memref_slice %arg8[%add3A_30, %dma_wait3A_467] : memref<10240x128xf32, #tpu.memory_space<vmem_shared>> -> memref<40x128xf32, #tpu.memory_space<vmem_shared>>
      %dma_wait3A_469 = arith.constant 0 : i32
      %dma_wait3A_470 = arith.constant 0 : i32
      %dma_wait3A_471 = tpu.memref_slice %arg9[%dma_wait3A_469, %dma_wait3A_470] : memref<50x128xf32, #tpu.memory_space<vmem>> -> memref<40x128xf32, #tpu.memory_space<vmem>>
      tpu.wait_dma2 semaphore(%run_scoped3A_451 : memref<!tpu.dma_semaphore, #tpu.memory_space<semaphore_mem>>) src(%dma_wait3A_471 : memref<40x128xf32, #tpu.memory_space<vmem>>) dst(%dma_wait3A_468 : memref<40x128xf32, #tpu.memory_space<vmem_shared>>)
      tpu.yield
    }) : () -> ()
    %mul3A_31 = arith.constant 640 : i32
    %mul3A_32 = arith.muli %arg1, %mul3A_31 : i32
    %add3A_33 = arith.constant 240 : i32
    %add3A_34 = arith.addi %mul3A_32, %add3A_33 : i32
    "tpu.region"() ({
      %run_scoped3A_451 = tpu.sem_alloc : memref<!tpu.dma_semaphore, #tpu.memory_space<semaphore_mem>>
      %dma_start3A_452 = arith.constant 0 : i32
      %dma_start3A_453 = arith.constant 0 : i32
      %dma_start3A_454 = tpu.memref_slice %arg9[%dma_start3A_452, %dma_start3A_453] : memref<50x128xf32, #tpu.memory_space<vmem>> -> memref<40x128xf32, #tpu.memory_space<vmem>>
      %dma_start3A_455 = arith.constant 0 : i32
      %dma_start3A_456 = tpu.memref_slice %arg8[%add3A_34, %dma_start3A_455] : memref<10240x128xf32, #tpu.memory_space<vmem_shared>> -> memref<40x128xf32, #tpu.memory_space<vmem_shared>>
      %dma_start3A_457 = arith.constant 0 : i32
      %dma_start3A_458 = tpu.memref_slice %arg8[%add3A_34, %dma_start3A_457] : memref<10240x128xf32, #tpu.memory_space<vmem_shared>> -> memref<40x128xf32, #tpu.memory_space<vmem_shared>>
      %dma_start3A_459 = arith.constant 0 : i32
      %dma_start3A_460 = arith.constant 0 : i32
      %dma_start3A_461 = tpu.memref_slice %arg9[%dma_start3A_459, %dma_start3A_460] : memref<50x128xf32, #tpu.memory_space<vmem>> -> memref<40x128xf32, #tpu.memory_space<vmem>>
      tpu.enqueue_dma source(%dma_start3A_461 : memref<40x128xf32, #tpu.memory_space<vmem>>) target(%dma_start3A_458 : memref<40x128xf32, #tpu.memory_space<vmem_shared>>) target_semaphore(%run_scoped3A_451 : memref<!tpu.dma_semaphore, #tpu.memory_space<semaphore_mem>>)
      %dma_wait3A_462 = arith.constant 0 : i32
      %dma_wait3A_463 = arith.constant 0 : i32
      %dma_wait3A_464 = tpu.memref_slice %arg9[%dma_wait3A_462, %dma_wait3A_463] : memref<50x128xf32, #tpu.memory_space<vmem>> -> memref<40x128xf32, #tpu.memory_space<vmem>>
      %dma_wait3A_465 = arith.constant 0 : i32
      %dma_wait3A_466 = tpu.memref_slice %arg8[%add3A_34, %dma_wait3A_465] : memref<10240x128xf32, #tpu.memory_space<vmem_shared>> -> memref<40x128xf32, #tpu.memory_space<vmem_shared>>
      %dma_wait3A_467 = arith.constant 0 : i32
      %dma_wait3A_468 = tpu.memref_slice %arg8[%add3A_34, %dma_wait3A_467] : memref<10240x128xf32, #tpu.memory_space<vmem_shared>> -> memref<40x128xf32, #tpu.memory_space<vmem_shared>>
      %dma_wait3A_469 = arith.constant 0 : i32
      %dma_wait3A_470 = arith.constant 0 : i32
      %dma_wait3A_471 = tpu.memref_slice %arg9[%dma_wait3A_469, %dma_wait3A_470] : memref<50x128xf32, #tpu.memory_space<vmem>> -> memref<40x128xf32, #tpu.memory_space<vmem>>
      tpu.wait_dma2 semaphore(%run_scoped3A_451 : memref<!tpu.dma_semaphore, #tpu.memory_space<semaphore_mem>>) src(%dma_wait3A_471 : memref<40x128xf32, #tpu.memory_space<vmem>>) dst(%dma_wait3A_468 : memref<40x128xf32, #tpu.memory_space<vmem_shared>>)
      tpu.yield
    }) : () -> ()
    %mul3A_35 = arith.constant 640 : i32
    %mul3A_36 = arith.muli %arg1, %mul3A_35 : i32
    %add3A_37 = arith.constant 280 : i32
    %add3A_38 = arith.addi %mul3A_36, %add3A_37 : i32
    "tpu.region"() ({
      %run_scoped3A_451 = tpu.sem_alloc : memref<!tpu.dma_semaphore, #tpu.memory_space<semaphore_mem>>
      %dma_start3A_452 = arith.constant 0 : i32
      %dma_start3A_453 = arith.constant 0 : i32
      %dma_start3A_454 = tpu.memref_slice %arg9[%dma_start3A_452, %dma_start3A_453] : memref<50x128xf32, #tpu.memory_space<vmem>> -> memref<40x128xf32, #tpu.memory_space<vmem>>
      %dma_start3A_455 = arith.constant 0 : i32
      %dma_start3A_456 = tpu.memref_slice %arg8[%add3A_38, %dma_start3A_455] : memref<10240x128xf32, #tpu.memory_space<vmem_shared>> -> memref<40x128xf32, #tpu.memory_space<vmem_shared>>
      %dma_start3A_457 = arith.constant 0 : i32
      %dma_start3A_458 = tpu.memref_slice %arg8[%add3A_38, %dma_start3A_457] : memref<10240x128xf32, #tpu.memory_space<vmem_shared>> -> memref<40x128xf32, #tpu.memory_space<vmem_shared>>
      %dma_start3A_459 = arith.constant 0 : i32
      %dma_start3A_460 = arith.constant 0 : i32
      %dma_start3A_461 = tpu.memref_slice %arg9[%dma_start3A_459, %dma_start3A_460] : memref<50x128xf32, #tpu.memory_space<vmem>> -> memref<40x128xf32, #tpu.memory_space<vmem>>
      tpu.enqueue_dma source(%dma_start3A_461 : memref<40x128xf32, #tpu.memory_space<vmem>>) target(%dma_start3A_458 : memref<40x128xf32, #tpu.memory_space<vmem_shared>>) target_semaphore(%run_scoped3A_451 : memref<!tpu.dma_semaphore, #tpu.memory_space<semaphore_mem>>)
      %dma_wait3A_462 = arith.constant 0 : i32
      %dma_wait3A_463 = arith.constant 0 : i32
      %dma_wait3A_464 = tpu.memref_slice %arg9[%dma_wait3A_462, %dma_wait3A_463] : memref<50x128xf32, #tpu.memory_space<vmem>> -> memref<40x128xf32, #tpu.memory_space<vmem>>
      %dma_wait3A_465 = arith.constant 0 : i32
      %dma_wait3A_466 = tpu.memref_slice %arg8[%add3A_38, %dma_wait3A_465] : memref<10240x128xf32, #tpu.memory_space<vmem_shared>> -> memref<40x128xf32, #tpu.memory_space<vmem_shared>>
      %dma_wait3A_467 = arith.constant 0 : i32
      %dma_wait3A_468 = tpu.memref_slice %arg8[%add3A_38, %dma_wait3A_467] : memref<10240x128xf32, #tpu.memory_space<vmem_shared>> -> memref<40x128xf32, #tpu.memory_space<vmem_shared>>
      %dma_wait3A_469 = arith.constant 0 : i32
      %dma_wait3A_470 = arith.constant 0 : i32
      %dma_wait3A_471 = tpu.memref_slice %arg9[%dma_wait3A_469, %dma_wait3A_470] : memref<50x128xf32, #tpu.memory_space<vmem>> -> memref<40x128xf32, #tpu.memory_space<vmem>>
      tpu.wait_dma2 semaphore(%run_scoped3A_451 : memref<!tpu.dma_semaphore, #tpu.memory_space<semaphore_mem>>) src(%dma_wait3A_471 : memref<40x128xf32, #tpu.memory_space<vmem>>) dst(%dma_wait3A_468 : memref<40x128xf32, #tpu.memory_space<vmem_shared>>)
      tpu.yield
    }) : () -> ()
    %mul3A_39 = arith.constant 640 : i32
    %mul3A_40 = arith.muli %arg1, %mul3A_39 : i32
    %add3A_41 = arith.constant 320 : i32
    %add3A_42 = arith.addi %mul3A_40, %add3A_41 : i32
    "tpu.region"() ({
      %run_scoped3A_451 = tpu.sem_alloc : memref<!tpu.dma_semaphore, #tpu.memory_space<semaphore_mem>>
      %dma_start3A_452 = arith.constant 0 : i32
      %dma_start3A_453 = arith.constant 0 : i32
      %dma_start3A_454 = tpu.memref_slice %arg9[%dma_start3A_452, %dma_start3A_453] : memref<50x128xf32, #tpu.memory_space<vmem>> -> memref<40x128xf32, #tpu.memory_space<vmem>>
      %dma_start3A_455 = arith.constant 0 : i32
      %dma_start3A_456 = tpu.memref_slice %arg8[%add3A_42, %dma_start3A_455] : memref<10240x128xf32, #tpu.memory_space<vmem_shared>> -> memref<40x128xf32, #tpu.memory_space<vmem_shared>>
      %dma_start3A_457 = arith.constant 0 : i32
      %dma_start3A_458 = tpu.memref_slice %arg8[%add3A_42, %dma_start3A_457] : memref<10240x128xf32, #tpu.memory_space<vmem_shared>> -> memref<40x128xf32, #tpu.memory_space<vmem_shared>>
      %dma_start3A_459 = arith.constant 0 : i32
      %dma_start3A_460 = arith.constant 0 : i32
      %dma_start3A_461 = tpu.memref_slice %arg9[%dma_start3A_459, %dma_start3A_460] : memref<50x128xf32, #tpu.memory_space<vmem>> -> memref<40x128xf32, #tpu.memory_space<vmem>>
      tpu.enqueue_dma source(%dma_start3A_461 : memref<40x128xf32, #tpu.memory_space<vmem>>) target(%dma_start3A_458 : memref<40x128xf32, #tpu.memory_space<vmem_shared>>) target_semaphore(%run_scoped3A_451 : memref<!tpu.dma_semaphore, #tpu.memory_space<semaphore_mem>>)
      %dma_wait3A_462 = arith.constant 0 : i32
      %dma_wait3A_463 = arith.constant 0 : i32
      %dma_wait3A_464 = tpu.memref_slice %arg9[%dma_wait3A_462, %dma_wait3A_463] : memref<50x128xf32, #tpu.memory_space<vmem>> -> memref<40x128xf32, #tpu.memory_space<vmem>>
      %dma_wait3A_465 = arith.constant 0 : i32
      %dma_wait3A_466 = tpu.memref_slice %arg8[%add3A_42, %dma_wait3A_465] : memref<10240x128xf32, #tpu.memory_space<vmem_shared>> -> memref<40x128xf32, #tpu.memory_space<vmem_shared>>
      %dma_wait3A_467 = arith.constant 0 : i32
      %dma_wait3A_468 = tpu.memref_slice %arg8[%add3A_42, %dma_wait3A_467] : memref<10240x128xf32, #tpu.memory_space<vmem_shared>> -> memref<40x128xf32, #tpu.memory_space<vmem_shared>>
      %dma_wait3A_469 = arith.constant 0 : i32
      %dma_wait3A_470 = arith.constant 0 : i32
      %dma_wait3A_471 = tpu.memref_slice %arg9[%dma_wait3A_469, %dma_wait3A_470] : memref<50x128xf32, #tpu.memory_space<vmem>> -> memref<40x128xf32, #tpu.memory_space<vmem>>
      tpu.wait_dma2 semaphore(%run_scoped3A_451 : memref<!tpu.dma_semaphore, #tpu.memory_space<semaphore_mem>>) src(%dma_wait3A_471 : memref<40x128xf32, #tpu.memory_space<vmem>>) dst(%dma_wait3A_468 : memref<40x128xf32, #tpu.memory_space<vmem_shared>>)
      tpu.yield
    }) : () -> ()
    %mul3A_43 = arith.constant 640 : i32
    %mul3A_44 = arith.muli %arg1, %mul3A_43 : i32
    %add3A_45 = arith.constant 360 : i32
    %add3A_46 = arith.addi %mul3A_44, %add3A_45 : i32
    "tpu.region"() ({
      %run_scoped3A_451 = tpu.sem_alloc : memref<!tpu.dma_semaphore, #tpu.memory_space<semaphore_mem>>
      %dma_start3A_452 = arith.constant 0 : i32
      %dma_start3A_453 = arith.constant 0 : i32
      %dma_start3A_454 = tpu.memref_slice %arg9[%dma_start3A_452, %dma_start3A_453] : memref<50x128xf32, #tpu.memory_space<vmem>> -> memref<40x128xf32, #tpu.memory_space<vmem>>
      %dma_start3A_455 = arith.constant 0 : i32
      %dma_start3A_456 = tpu.memref_slice %arg8[%add3A_46, %dma_start3A_455] : memref<10240x128xf32, #tpu.memory_space<vmem_shared>> -> memref<40x128xf32, #tpu.memory_space<vmem_shared>>
      %dma_start3A_457 = arith.constant 0 : i32
      %dma_start3A_458 = tpu.memref_slice %arg8[%add3A_46, %dma_start3A_457] : memref<10240x128xf32, #tpu.memory_space<vmem_shared>> -> memref<40x128xf32, #tpu.memory_space<vmem_shared>>
      %dma_start3A_459 = arith.constant 0 : i32
      %dma_start3A_460 = arith.constant 0 : i32
      %dma_start3A_461 = tpu.memref_slice %arg9[%dma_start3A_459, %dma_start3A_460] : memref<50x128xf32, #tpu.memory_space<vmem>> -> memref<40x128xf32, #tpu.memory_space<vmem>>
      tpu.enqueue_dma source(%dma_start3A_461 : memref<40x128xf32, #tpu.memory_space<vmem>>) target(%dma_start3A_458 : memref<40x128xf32, #tpu.memory_space<vmem_shared>>) target_semaphore(%run_scoped3A_451 : memref<!tpu.dma_semaphore, #tpu.memory_space<semaphore_mem>>)
      %dma_wait3A_462 = arith.constant 0 : i32
      %dma_wait3A_463 = arith.constant 0 : i32
      %dma_wait3A_464 = tpu.memref_slice %arg9[%dma_wait3A_462, %dma_wait3A_463] : memref<50x128xf32, #tpu.memory_space<vmem>> -> memref<40x128xf32, #tpu.memory_space<vmem>>
      %dma_wait3A_465 = arith.constant 0 : i32
      %dma_wait3A_466 = tpu.memref_slice %arg8[%add3A_46, %dma_wait3A_465] : memref<10240x128xf32, #tpu.memory_space<vmem_shared>> -> memref<40x128xf32, #tpu.memory_space<vmem_shared>>
      %dma_wait3A_467 = arith.constant 0 : i32
      %dma_wait3A_468 = tpu.memref_slice %arg8[%add3A_46, %dma_wait3A_467] : memref<10240x128xf32, #tpu.memory_space<vmem_shared>> -> memref<40x128xf32, #tpu.memory_space<vmem_shared>>
      %dma_wait3A_469 = arith.constant 0 : i32
      %dma_wait3A_470 = arith.constant 0 : i32
      %dma_wait3A_471 = tpu.memref_slice %arg9[%dma_wait3A_469, %dma_wait3A_470] : memref<50x128xf32, #tpu.memory_space<vmem>> -> memref<40x128xf32, #tpu.memory_space<vmem>>
      tpu.wait_dma2 semaphore(%run_scoped3A_451 : memref<!tpu.dma_semaphore, #tpu.memory_space<semaphore_mem>>) src(%dma_wait3A_471 : memref<40x128xf32, #tpu.memory_space<vmem>>) dst(%dma_wait3A_468 : memref<40x128xf32, #tpu.memory_space<vmem_shared>>)
      tpu.yield
    }) : () -> ()
    %mul3A_47 = arith.constant 640 : i32
    %mul3A_48 = arith.muli %arg1, %mul3A_47 : i32
    %add3A_49 = arith.constant 400 : i32
    %add3A_50 = arith.addi %mul3A_48, %add3A_49 : i32
    "tpu.region"() ({
      %run_scoped3A_451 = tpu.sem_alloc : memref<!tpu.dma_semaphore, #tpu.memory_space<semaphore_mem>>
      %dma_start3A_452 = arith.constant 0 : i32
      %dma_start3A_453 = arith.constant 0 : i32
      %dma_start3A_454 = tpu.memref_slice %arg9[%dma_start3A_452, %dma_start3A_453] : memref<50x128xf32, #tpu.memory_space<vmem>> -> memref<40x128xf32, #tpu.memory_space<vmem>>
      %dma_start3A_455 = arith.constant 0 : i32
      %dma_start3A_456 = tpu.memref_slice %arg8[%add3A_50, %dma_start3A_455] : memref<10240x128xf32, #tpu.memory_space<vmem_shared>> -> memref<40x128xf32, #tpu.memory_space<vmem_shared>>
      %dma_start3A_457 = arith.constant 0 : i32
      %dma_start3A_458 = tpu.memref_slice %arg8[%add3A_50, %dma_start3A_457] : memref<10240x128xf32, #tpu.memory_space<vmem_shared>> -> memref<40x128xf32, #tpu.memory_space<vmem_shared>>
      %dma_start3A_459 = arith.constant 0 : i32
      %dma_start3A_460 = arith.constant 0 : i32
      %dma_start3A_461 = tpu.memref_slice %arg9[%dma_start3A_459, %dma_start3A_460] : memref<50x128xf32, #tpu.memory_space<vmem>> -> memref<40x128xf32, #tpu.memory_space<vmem>>
      tpu.enqueue_dma source(%dma_start3A_461 : memref<40x128xf32, #tpu.memory_space<vmem>>) target(%dma_start3A_458 : memref<40x128xf32, #tpu.memory_space<vmem_shared>>) target_semaphore(%run_scoped3A_451 : memref<!tpu.dma_semaphore, #tpu.memory_space<semaphore_mem>>)
      %dma_wait3A_462 = arith.constant 0 : i32
      %dma_wait3A_463 = arith.constant 0 : i32
      %dma_wait3A_464 = tpu.memref_slice %arg9[%dma_wait3A_462, %dma_wait3A_463] : memref<50x128xf32, #tpu.memory_space<vmem>> -> memref<40x128xf32, #tpu.memory_space<vmem>>
      %dma_wait3A_465 = arith.constant 0 : i32
      %dma_wait3A_466 = tpu.memref_slice %arg8[%add3A_50, %dma_wait3A_465] : memref<10240x128xf32, #tpu.memory_space<vmem_shared>> -> memref<40x128xf32, #tpu.memory_space<vmem_shared>>
      %dma_wait3A_467 = arith.constant 0 : i32
      %dma_wait3A_468 = tpu.memref_slice %arg8[%add3A_50, %dma_wait3A_467] : memref<10240x128xf32, #tpu.memory_space<vmem_shared>> -> memref<40x128xf32, #tpu.memory_space<vmem_shared>>
      %dma_wait3A_469 = arith.constant 0 : i32
      %dma_wait3A_470 = arith.constant 0 : i32
      %dma_wait3A_471 = tpu.memref_slice %arg9[%dma_wait3A_469, %dma_wait3A_470] : memref<50x128xf32, #tpu.memory_space<vmem>> -> memref<40x128xf32, #tpu.memory_space<vmem>>
      tpu.wait_dma2 semaphore(%run_scoped3A_451 : memref<!tpu.dma_semaphore, #tpu.memory_space<semaphore_mem>>) src(%dma_wait3A_471 : memref<40x128xf32, #tpu.memory_space<vmem>>) dst(%dma_wait3A_468 : memref<40x128xf32, #tpu.memory_space<vmem_shared>>)
      tpu.yield
    }) : () -> ()
    %mul3A_51 = arith.constant 640 : i32
    %mul3A_52 = arith.muli %arg1, %mul3A_51 : i32
    %add3A_53 = arith.constant 440 : i32
    %add3A_54 = arith.addi %mul3A_52, %add3A_53 : i32
    "tpu.region"() ({
      %run_scoped3A_451 = tpu.sem_alloc : memref<!tpu.dma_semaphore, #tpu.memory_space<semaphore_mem>>
      %dma_start3A_452 = arith.constant 0 : i32
      %dma_start3A_453 = arith.constant 0 : i32
      %dma_start3A_454 = tpu.memref_slice %arg9[%dma_start3A_452, %dma_start3A_453] : memref<50x128xf32, #tpu.memory_space<vmem>> -> memref<40x128xf32, #tpu.memory_space<vmem>>
      %dma_start3A_455 = arith.constant 0 : i32
      %dma_start3A_456 = tpu.memref_slice %arg8[%add3A_54, %dma_start3A_455] : memref<10240x128xf32, #tpu.memory_space<vmem_shared>> -> memref<40x128xf32, #tpu.memory_space<vmem_shared>>
      %dma_start3A_457 = arith.constant 0 : i32
      %dma_start3A_458 = tpu.memref_slice %arg8[%add3A_54, %dma_start3A_457] : memref<10240x128xf32, #tpu.memory_space<vmem_shared>> -> memref<40x128xf32, #tpu.memory_space<vmem_shared>>
      %dma_start3A_459 = arith.constant 0 : i32
      %dma_start3A_460 = arith.constant 0 : i32
      %dma_start3A_461 = tpu.memref_slice %arg9[%dma_start3A_459, %dma_start3A_460] : memref<50x128xf32, #tpu.memory_space<vmem>> -> memref<40x128xf32, #tpu.memory_space<vmem>>
      tpu.enqueue_dma source(%dma_start3A_461 : memref<40x128xf32, #tpu.memory_space<vmem>>) target(%dma_start3A_458 : memref<40x128xf32, #tpu.memory_space<vmem_shared>>) target_semaphore(%run_scoped3A_451 : memref<!tpu.dma_semaphore, #tpu.memory_space<semaphore_mem>>)
      %dma_wait3A_462 = arith.constant 0 : i32
      %dma_wait3A_463 = arith.constant 0 : i32
      %dma_wait3A_464 = tpu.memref_slice %arg9[%dma_wait3A_462, %dma_wait3A_463] : memref<50x128xf32, #tpu.memory_space<vmem>> -> memref<40x128xf32, #tpu.memory_space<vmem>>
      %dma_wait3A_465 = arith.constant 0 : i32
      %dma_wait3A_466 = tpu.memref_slice %arg8[%add3A_54, %dma_wait3A_465] : memref<10240x128xf32, #tpu.memory_space<vmem_shared>> -> memref<40x128xf32, #tpu.memory_space<vmem_shared>>
      %dma_wait3A_467 = arith.constant 0 : i32
      %dma_wait3A_468 = tpu.memref_slice %arg8[%add3A_54, %dma_wait3A_467] : memref<10240x128xf32, #tpu.memory_space<vmem_shared>> -> memref<40x128xf32, #tpu.memory_space<vmem_shared>>
      %dma_wait3A_469 = arith.constant 0 : i32
      %dma_wait3A_470 = arith.constant 0 : i32
      %dma_wait3A_471 = tpu.memref_slice %arg9[%dma_wait3A_469, %dma_wait3A_470] : memref<50x128xf32, #tpu.memory_space<vmem>> -> memref<40x128xf32, #tpu.memory_space<vmem>>
      tpu.wait_dma2 semaphore(%run_scoped3A_451 : memref<!tpu.dma_semaphore, #tpu.memory_space<semaphore_mem>>) src(%dma_wait3A_471 : memref<40x128xf32, #tpu.memory_space<vmem>>) dst(%dma_wait3A_468 : memref<40x128xf32, #tpu.memory_space<vmem_shared>>)
      tpu.yield
    }) : () -> ()
    %mul3A_55 = arith.constant 640 : i32
    %mul3A_56 = arith.muli %arg1, %mul3A_55 : i32
    %add3A_57 = arith.constant 480 : i32
    %add3A_58 = arith.addi %mul3A_56, %add3A_57 : i32
    "tpu.region"() ({
      %run_scoped3A_451 = tpu.sem_alloc : memref<!tpu.dma_semaphore, #tpu.memory_space<semaphore_mem>>
      %dma_start3A_452 = arith.constant 0 : i32
      %dma_start3A_453 = arith.constant 0 : i32
      %dma_start3A_454 = tpu.memref_slice %arg9[%dma_start3A_452, %dma_start3A_453] : memref<50x128xf32, #tpu.memory_space<vmem>> -> memref<40x128xf32, #tpu.memory_space<vmem>>
      %dma_start3A_455 = arith.constant 0 : i32
      %dma_start3A_456 = tpu.memref_slice %arg8[%add3A_58, %dma_start3A_455] : memref<10240x128xf32, #tpu.memory_space<vmem_shared>> -> memref<40x128xf32, #tpu.memory_space<vmem_shared>>
      %dma_start3A_457 = arith.constant 0 : i32
      %dma_start3A_458 = tpu.memref_slice %arg8[%add3A_58, %dma_start3A_457] : memref<10240x128xf32, #tpu.memory_space<vmem_shared>> -> memref<40x128xf32, #tpu.memory_space<vmem_shared>>
      %dma_start3A_459 = arith.constant 0 : i32
      %dma_start3A_460 = arith.constant 0 : i32
      %dma_start3A_461 = tpu.memref_slice %arg9[%dma_start3A_459, %dma_start3A_460] : memref<50x128xf32, #tpu.memory_space<vmem>> -> memref<40x128xf32, #tpu.memory_space<vmem>>
      tpu.enqueue_dma source(%dma_start3A_461 : memref<40x128xf32, #tpu.memory_space<vmem>>) target(%dma_start3A_458 : memref<40x128xf32, #tpu.memory_space<vmem_shared>>) target_semaphore(%run_scoped3A_451 : memref<!tpu.dma_semaphore, #tpu.memory_space<semaphore_mem>>)
      %dma_wait3A_462 = arith.constant 0 : i32
      %dma_wait3A_463 = arith.constant 0 : i32
      %dma_wait3A_464 = tpu.memref_slice %arg9[%dma_wait3A_462, %dma_wait3A_463] : memref<50x128xf32, #tpu.memory_space<vmem>> -> memref<40x128xf32, #tpu.memory_space<vmem>>
      %dma_wait3A_465 = arith.constant 0 : i32
      %dma_wait3A_466 = tpu.memref_slice %arg8[%add3A_58, %dma_wait3A_465] : memref<10240x128xf32, #tpu.memory_space<vmem_shared>> -> memref<40x128xf32, #tpu.memory_space<vmem_shared>>
      %dma_wait3A_467 = arith.constant 0 : i32
      %dma_wait3A_468 = tpu.memref_slice %arg8[%add3A_58, %dma_wait3A_467] : memref<10240x128xf32, #tpu.memory_space<vmem_shared>> -> memref<40x128xf32, #tpu.memory_space<vmem_shared>>
      %dma_wait3A_469 = arith.constant 0 : i32
      %dma_wait3A_470 = arith.constant 0 : i32
      %dma_wait3A_471 = tpu.memref_slice %arg9[%dma_wait3A_469, %dma_wait3A_470] : memref<50x128xf32, #tpu.memory_space<vmem>> -> memref<40x128xf32, #tpu.memory_space<vmem>>
      tpu.wait_dma2 semaphore(%run_scoped3A_451 : memref<!tpu.dma_semaphore, #tpu.memory_space<semaphore_mem>>) src(%dma_wait3A_471 : memref<40x128xf32, #tpu.memory_space<vmem>>) dst(%dma_wait3A_468 : memref<40x128xf32, #tpu.memory_space<vmem_shared>>)
      tpu.yield
    }) : () -> ()
    %mul3A_59 = arith.constant 640 : i32
    %mul3A_60 = arith.muli %arg1, %mul3A_59 : i32
    %add3A_61 = arith.constant 520 : i32
    %add3A_62 = arith.addi %mul3A_60, %add3A_61 : i32
    "tpu.region"() ({
      %run_scoped3A_451 = tpu.sem_alloc : memref<!tpu.dma_semaphore, #tpu.memory_space<semaphore_mem>>
      %dma_start3A_452 = arith.constant 0 : i32
      %dma_start3A_453 = arith.constant 0 : i32
      %dma_start3A_454 = tpu.memref_slice %arg9[%dma_start3A_452, %dma_start3A_453] : memref<50x128xf32, #tpu.memory_space<vmem>> -> memref<40x128xf32, #tpu.memory_space<vmem>>
      %dma_start3A_455 = arith.constant 0 : i32
      %dma_start3A_456 = tpu.memref_slice %arg8[%add3A_62, %dma_start3A_455] : memref<10240x128xf32, #tpu.memory_space<vmem_shared>> -> memref<40x128xf32, #tpu.memory_space<vmem_shared>>
      %dma_start3A_457 = arith.constant 0 : i32
      %dma_start3A_458 = tpu.memref_slice %arg8[%add3A_62, %dma_start3A_457] : memref<10240x128xf32, #tpu.memory_space<vmem_shared>> -> memref<40x128xf32, #tpu.memory_space<vmem_shared>>
      %dma_start3A_459 = arith.constant 0 : i32
      %dma_start3A_460 = arith.constant 0 : i32
      %dma_start3A_461 = tpu.memref_slice %arg9[%dma_start3A_459, %dma_start3A_460] : memref<50x128xf32, #tpu.memory_space<vmem>> -> memref<40x128xf32, #tpu.memory_space<vmem>>
      tpu.enqueue_dma source(%dma_start3A_461 : memref<40x128xf32, #tpu.memory_space<vmem>>) target(%dma_start3A_458 : memref<40x128xf32, #tpu.memory_space<vmem_shared>>) target_semaphore(%run_scoped3A_451 : memref<!tpu.dma_semaphore, #tpu.memory_space<semaphore_mem>>)
      %dma_wait3A_462 = arith.constant 0 : i32
      %dma_wait3A_463 = arith.constant 0 : i32
      %dma_wait3A_464 = tpu.memref_slice %arg9[%dma_wait3A_462, %dma_wait3A_463] : memref<50x128xf32, #tpu.memory_space<vmem>> -> memref<40x128xf32, #tpu.memory_space<vmem>>
      %dma_wait3A_465 = arith.constant 0 : i32
      %dma_wait3A_466 = tpu.memref_slice %arg8[%add3A_62, %dma_wait3A_465] : memref<10240x128xf32, #tpu.memory_space<vmem_shared>> -> memref<40x128xf32, #tpu.memory_space<vmem_shared>>
      %dma_wait3A_467 = arith.constant 0 : i32
      %dma_wait3A_468 = tpu.memref_slice %arg8[%add3A_62, %dma_wait3A_467] : memref<10240x128xf32, #tpu.memory_space<vmem_shared>> -> memref<40x128xf32, #tpu.memory_space<vmem_shared>>
      %dma_wait3A_469 = arith.constant 0 : i32
      %dma_wait3A_470 = arith.constant 0 : i32
      %dma_wait3A_471 = tpu.memref_slice %arg9[%dma_wait3A_469, %dma_wait3A_470] : memref<50x128xf32, #tpu.memory_space<vmem>> -> memref<40x128xf32, #tpu.memory_space<vmem>>
      tpu.wait_dma2 semaphore(%run_scoped3A_451 : memref<!tpu.dma_semaphore, #tpu.memory_space<semaphore_mem>>) src(%dma_wait3A_471 : memref<40x128xf32, #tpu.memory_space<vmem>>) dst(%dma_wait3A_468 : memref<40x128xf32, #tpu.memory_space<vmem_shared>>)
      tpu.yield
    }) : () -> ()
    %mul3A_63 = arith.constant 640 : i32
    %mul3A_64 = arith.muli %arg1, %mul3A_63 : i32
    %add3A_65 = arith.constant 560 : i32
    %add3A_66 = arith.addi %mul3A_64, %add3A_65 : i32
    "tpu.region"() ({
      %run_scoped3A_451 = tpu.sem_alloc : memref<!tpu.dma_semaphore, #tpu.memory_space<semaphore_mem>>
      %dma_start3A_452 = arith.constant 0 : i32
      %dma_start3A_453 = arith.constant 0 : i32
      %dma_start3A_454 = tpu.memref_slice %arg9[%dma_start3A_452, %dma_start3A_453] : memref<50x128xf32, #tpu.memory_space<vmem>> -> memref<40x128xf32, #tpu.memory_space<vmem>>
      %dma_start3A_455 = arith.constant 0 : i32
      %dma_start3A_456 = tpu.memref_slice %arg8[%add3A_66, %dma_start3A_455] : memref<10240x128xf32, #tpu.memory_space<vmem_shared>> -> memref<40x128xf32, #tpu.memory_space<vmem_shared>>
      %dma_start3A_457 = arith.constant 0 : i32
      %dma_start3A_458 = tpu.memref_slice %arg8[%add3A_66, %dma_start3A_457] : memref<10240x128xf32, #tpu.memory_space<vmem_shared>> -> memref<40x128xf32, #tpu.memory_space<vmem_shared>>
      %dma_start3A_459 = arith.constant 0 : i32
      %dma_start3A_460 = arith.constant 0 : i32
      %dma_start3A_461 = tpu.memref_slice %arg9[%dma_start3A_459, %dma_start3A_460] : memref<50x128xf32, #tpu.memory_space<vmem>> -> memref<40x128xf32, #tpu.memory_space<vmem>>
      tpu.enqueue_dma source(%dma_start3A_461 : memref<40x128xf32, #tpu.memory_space<vmem>>) target(%dma_start3A_458 : memref<40x128xf32, #tpu.memory_space<vmem_shared>>) target_semaphore(%run_scoped3A_451 : memref<!tpu.dma_semaphore, #tpu.memory_space<semaphore_mem>>)
      %dma_wait3A_462 = arith.constant 0 : i32
      %dma_wait3A_463 = arith.constant 0 : i32
      %dma_wait3A_464 = tpu.memref_slice %arg9[%dma_wait3A_462, %dma_wait3A_463] : memref<50x128xf32, #tpu.memory_space<vmem>> -> memref<40x128xf32, #tpu.memory_space<vmem>>
      %dma_wait3A_465 = arith.constant 0 : i32
      %dma_wait3A_466 = tpu.memref_slice %arg8[%add3A_66, %dma_wait3A_465] : memref<10240x128xf32, #tpu.memory_space<vmem_shared>> -> memref<40x128xf32, #tpu.memory_space<vmem_shared>>
      %dma_wait3A_467 = arith.constant 0 : i32
      %dma_wait3A_468 = tpu.memref_slice %arg8[%add3A_66, %dma_wait3A_467] : memref<10240x128xf32, #tpu.memory_space<vmem_shared>> -> memref<40x128xf32, #tpu.memory_space<vmem_shared>>
      %dma_wait3A_469 = arith.constant 0 : i32
      %dma_wait3A_470 = arith.constant 0 : i32
      %dma_wait3A_471 = tpu.memref_slice %arg9[%dma_wait3A_469, %dma_wait3A_470] : memref<50x128xf32, #tpu.memory_space<vmem>> -> memref<40x128xf32, #tpu.memory_space<vmem>>
      tpu.wait_dma2 semaphore(%run_scoped3A_451 : memref<!tpu.dma_semaphore, #tpu.memory_space<semaphore_mem>>) src(%dma_wait3A_471 : memref<40x128xf32, #tpu.memory_space<vmem>>) dst(%dma_wait3A_468 : memref<40x128xf32, #tpu.memory_space<vmem_shared>>)
      tpu.yield
    }) : () -> ()
    %mul3A_67 = arith.constant 640 : i32
    %mul3A_68 = arith.muli %arg1, %mul3A_67 : i32
    %add3A_69 = arith.constant 600 : i32
    %add3A_70 = arith.addi %mul3A_68, %add3A_69 : i32
    "tpu.region"() ({
      %run_scoped3A_451 = tpu.sem_alloc : memref<!tpu.dma_semaphore, #tpu.memory_space<semaphore_mem>>
      %dma_start3A_452 = arith.constant 0 : i32
      %dma_start3A_453 = arith.constant 0 : i32
      %dma_start3A_454 = tpu.memref_slice %arg9[%dma_start3A_452, %dma_start3A_453] : memref<50x128xf32, #tpu.memory_space<vmem>> -> memref<40x128xf32, #tpu.memory_space<vmem>>
      %dma_start3A_455 = arith.constant 0 : i32
      %dma_start3A_456 = tpu.memref_slice %arg8[%add3A_70, %dma_start3A_455] : memref<10240x128xf32, #tpu.memory_space<vmem_shared>> -> memref<40x128xf32, #tpu.memory_space<vmem_shared>>
      %dma_start3A_457 = arith.constant 0 : i32
      %dma_start3A_458 = tpu.memref_slice %arg8[%add3A_70, %dma_start3A_457] : memref<10240x128xf32, #tpu.memory_space<vmem_shared>> -> memref<40x128xf32, #tpu.memory_space<vmem_shared>>
      %dma_start3A_459 = arith.constant 0 : i32
      %dma_start3A_460 = arith.constant 0 : i32
      %dma_start3A_461 = tpu.memref_slice %arg9[%dma_start3A_459, %dma_start3A_460] : memref<50x128xf32, #tpu.memory_space<vmem>> -> memref<40x128xf32, #tpu.memory_space<vmem>>
      tpu.enqueue_dma source(%dma_start3A_461 : memref<40x128xf32, #tpu.memory_space<vmem>>) target(%dma_start3A_458 : memref<40x128xf32, #tpu.memory_space<vmem_shared>>) target_semaphore(%run_scoped3A_451 : memref<!tpu.dma_semaphore, #tpu.memory_space<semaphore_mem>>)
      %dma_wait3A_462 = arith.constant 0 : i32
      %dma_wait3A_463 = arith.constant 0 : i32
      %dma_wait3A_464 = tpu.memref_slice %arg9[%dma_wait3A_462, %dma_wait3A_463] : memref<50x128xf32, #tpu.memory_space<vmem>> -> memref<40x128xf32, #tpu.memory_space<vmem>>
      %dma_wait3A_465 = arith.constant 0 : i32
      %dma_wait3A_466 = tpu.memref_slice %arg8[%add3A_70, %dma_wait3A_465] : memref<10240x128xf32, #tpu.memory_space<vmem_shared>> -> memref<40x128xf32, #tpu.memory_space<vmem_shared>>
      %dma_wait3A_467 = arith.constant 0 : i32
      %dma_wait3A_468 = tpu.memref_slice %arg8[%add3A_70, %dma_wait3A_467] : memref<10240x128xf32, #tpu.memory_space<vmem_shared>> -> memref<40x128xf32, #tpu.memory_space<vmem_shared>>
      %dma_wait3A_469 = arith.constant 0 : i32
      %dma_wait3A_470 = arith.constant 0 : i32
      %dma_wait3A_471 = tpu.memref_slice %arg9[%dma_wait3A_469, %dma_wait3A_470] : memref<50x128xf32, #tpu.memory_space<vmem>> -> memref<40x128xf32, #tpu.memory_space<vmem>>
      tpu.wait_dma2 semaphore(%run_scoped3A_451 : memref<!tpu.dma_semaphore, #tpu.memory_space<semaphore_mem>>) src(%dma_wait3A_471 : memref<40x128xf32, #tpu.memory_space<vmem>>) dst(%dma_wait3A_468 : memref<40x128xf32, #tpu.memory_space<vmem_shared>>)
      tpu.yield
    }) : () -> ()
    %scan3A_71 = arith.constant 0 : i32
    %scan3A_72 = arith.constant 0 : i32
    %scan3A_73 = arith.constant 640 : i32
    %scan3A_74 = arith.addi %scan3A_72, %scan3A_73 : i32
    %scan3A_75 = arith.constant 1 : i32
    scf.for %scan3A_451 = %scan3A_72 to %scan3A_74 step %scan3A_75  : i32 {
      %mul3A_452 = arith.constant 16 : i32
      %mul3A_453 = arith.muli %scan3A_451, %mul3A_452 : i32
      %swap3A = arith.index_cast %mul3A_453 : i32 to index
      %swap3A_454 = tpu.vector_load %arg21[%swap3A] {strides = array<i32>} : memref<10240xf32, #tpu.memory_space<vmem>>, vector<16xf32>,
      tpu.vector_store %arg21[%swap3A], %broadcast_in_dim3A_1 {strides = array<i32>} : memref<10240xf32, #tpu.memory_space<vmem>>, vector<16xf32>,
    }
    %scan3A_76 = arith.constant 640 : i32
    %run_scoped3A = arith.constant 0 : i32
    "tpu.region"() ({
      %run_scoped3A_451 = tpu.sem_alloc : memref<!tpu.dma_semaphore, #tpu.memory_space<semaphore_mem>>
      %dma_start3A_452 = arith.constant 0 : i32
      %dma_start3A_453 = arith.constant 0 : i32
      %dma_start3A_454 = tpu.memref_slice %arg3[%run_scoped3A, %add3A, %dma_start3A_452, %dma_start3A_453] : memref<2x32x200x50xi32, #tpu.memory_space<hbm>> -> memref<1x1x100x50xi32, #tpu.memory_space<hbm>>
      %dma_start3A_455 = tpu.memref_squeeze %dma_start3A_454 : memref<1x1x100x50xi32, #tpu.memory_space<hbm>> -> memref<100x50xi32, #tpu.memory_space<hbm>>
      %dma_start3A_456 = arith.constant 0 : i32
      %dma_start3A_457 = arith.constant 0 : i32
      %dma_start3A_458 = tpu.memref_slice %arg3[%run_scoped3A, %add3A, %dma_start3A_456, %dma_start3A_457] : memref<2x32x200x50xi32, #tpu.memory_space<hbm>> -> memref<1x1x100x50xi32, #tpu.memory_space<hbm>>
      %dma_start3A_459 = tpu.memref_squeeze %dma_start3A_458 : memref<1x1x100x50xi32, #tpu.memory_space<hbm>> -> memref<100x50xi32, #tpu.memory_space<hbm>>
      tpu.enqueue_dma source(%dma_start3A_459 : memref<100x50xi32, #tpu.memory_space<hbm>>) target(%arg6 : memref<100x50xi32, #tpu.memory_space<vmem>>) target_semaphore(%run_scoped3A_451 : memref<!tpu.dma_semaphore, #tpu.memory_space<semaphore_mem>>)
      %dma_wait3A_460 = arith.constant 0 : i32
      %dma_wait3A_461 = arith.constant 0 : i32
      %dma_wait3A_462 = tpu.memref_slice %arg3[%run_scoped3A, %add3A, %dma_wait3A_460, %dma_wait3A_461] : memref<2x32x200x50xi32, #tpu.memory_space<hbm>> -> memref<1x1x100x50xi32, #tpu.memory_space<hbm>>
      %dma_wait3A_463 = tpu.memref_squeeze %dma_wait3A_462 : memref<1x1x100x50xi32, #tpu.memory_space<hbm>> -> memref<100x50xi32, #tpu.memory_space<hbm>>
      %dma_wait3A_464 = arith.constant 0 : i32
      %dma_wait3A_465 = arith.constant 0 : i32
      %dma_wait3A_466 = tpu.memref_slice %arg3[%run_scoped3A, %add3A, %dma_wait3A_464, %dma_wait3A_465] : memref<2x32x200x50xi32, #tpu.memory_space<hbm>> -> memref<1x1x100x50xi32, #tpu.memory_space<hbm>>
      %dma_wait3A_467 = tpu.memref_squeeze %dma_wait3A_466 : memref<1x1x100x50xi32, #tpu.memory_space<hbm>> -> memref<100x50xi32, #tpu.memory_space<hbm>>
      tpu.wait_dma2 semaphore(%run_scoped3A_451 : memref<!tpu.dma_semaphore, #tpu.memory_space<semaphore_mem>>) src(%dma_wait3A_467 : memref<100x50xi32, #tpu.memory_space<hbm>>) dst(%arg6 : memref<100x50xi32, #tpu.memory_space<vmem>>)
      tpu.yield
    }) : () -> ()
    %run_scoped3A_77 = arith.constant 1 : i32
    "tpu.region"() ({
      %run_scoped3A_451 = tpu.sem_alloc : memref<!tpu.dma_semaphore, #tpu.memory_space<semaphore_mem>>
      %dma_start3A_452 = arith.constant 0 : i32
      %dma_start3A_453 = arith.constant 0 : i32
      %dma_start3A_454 = tpu.memref_slice %arg3[%run_scoped3A_77, %add3A, %dma_start3A_452, %dma_start3A_453] : memref<2x32x200x50xi32, #tpu.memory_space<hbm>> -> memref<1x1x100x50xi32, #tpu.memory_space<hbm>>
      %dma_start3A_455 = tpu.memref_squeeze %dma_start3A_454 : memref<1x1x100x50xi32, #tpu.memory_space<hbm>> -> memref<100x50xi32, #tpu.memory_space<hbm>>
      %dma_start3A_456 = arith.constant 0 : i32
      %dma_start3A_457 = arith.constant 0 : i32
      %dma_start3A_458 = tpu.memref_slice %arg3[%run_scoped3A_77, %add3A, %dma_start3A_456, %dma_start3A_457] : memref<2x32x200x50xi32, #tpu.memory_space<hbm>> -> memref<1x1x100x50xi32, #tpu.memory_space<hbm>>
      %dma_start3A_459 = tpu.memref_squeeze %dma_start3A_458 : memref<1x1x100x50xi32, #tpu.memory_space<hbm>> -> memref<100x50xi32, #tpu.memory_space<hbm>>
      tpu.enqueue_dma source(%dma_start3A_459 : memref<100x50xi32, #tpu.memory_space<hbm>>) target(%arg7 : memref<100x50xi32, #tpu.memory_space<vmem>>) target_semaphore(%run_scoped3A_451 : memref<!tpu.dma_semaphore, #tpu.memory_space<semaphore_mem>>)
      %dma_wait3A_460 = arith.constant 0 : i32
      %dma_wait3A_461 = arith.constant 0 : i32
      %dma_wait3A_462 = tpu.memref_slice %arg3[%run_scoped3A_77, %add3A, %dma_wait3A_460, %dma_wait3A_461] : memref<2x32x200x50xi32, #tpu.memory_space<hbm>> -> memref<1x1x100x50xi32, #tpu.memory_space<hbm>>
      %dma_wait3A_463 = tpu.memref_squeeze %dma_wait3A_462 : memref<1x1x100x50xi32, #tpu.memory_space<hbm>> -> memref<100x50xi32, #tpu.memory_space<hbm>>
      %dma_wait3A_464 = arith.constant 0 : i32
      %dma_wait3A_465 = arith.constant 0 : i32
      %dma_wait3A_466 = tpu.memref_slice %arg3[%run_scoped3A_77, %add3A, %dma_wait3A_464, %dma_wait3A_465] : memref<2x32x200x50xi32, #tpu.memory_space<hbm>> -> memref<1x1x100x50xi32, #tpu.memory_space<hbm>>
      %dma_wait3A_467 = tpu.memref_squeeze %dma_wait3A_466 : memref<1x1x100x50xi32, #tpu.memory_space<hbm>> -> memref<100x50xi32, #tpu.memory_space<hbm>>
      tpu.wait_dma2 semaphore(%run_scoped3A_451 : memref<!tpu.dma_semaphore, #tpu.memory_space<semaphore_mem>>) src(%dma_wait3A_467 : memref<100x50xi32, #tpu.memory_space<hbm>>) dst(%arg7 : memref<100x50xi32, #tpu.memory_space<vmem>>)
      tpu.yield
    }) : () -> ()
    %barrier3A = arith.constant 0 : index
    tpu.barrier barrier_id(%barrier3A)
    %broadcast_in_dim3A_78 = arith.constant 1.000000e+00 : f32
    %broadcast_in_dim3A_79 = vector.broadcast %broadcast_in_dim3A_78 : f32 to vector<16xf32>
    %iota3A = tpu.iota {dimensions = array<i32: 0>} : vector<16xi32>
    %ge3A = arith.constant 14 : i32
    %ge3A_80 = vector.broadcast %ge3A : i32 to vector<16xi32>
    %ge3A_81 = arith.cmpi sge, %iota3A, %ge3A_80 : vector<16xi32>
    %dma_start3A = arith.constant 0 : i32
    %dma_start3A_82 = arith.constant 0 : i32
    %dma_start3A_83 = tpu.memref_slice %arg6[%dma_start3A, %dma_start3A_82] : memref<100x50xi32, #tpu.memory_space<vmem>> -> memref<1x50xi32, #tpu.memory_space<vmem>>
    %dma_start3A_84 = tpu.memref_squeeze %dma_start3A_83 : memref<1x50xi32, #tpu.memory_space<vmem>> -> memref<50xi32, #tpu.memory_space<vmem>>
    %dma_start3A_85 = arith.constant 0 : i32
    %dma_start3A_86 = arith.constant 0 : i32
    %dma_start3A_87 = tpu.memref_slice %arg2[%dma_start3A_85, %dma_start3A_86] : memref<10240x128xf32, #tpu.memory_space<hbm>> -> memref<10240x128xf32, #tpu.memory_space<hbm>>
    tpu.enqueue_indirect_dma source(%dma_start3A_87 : memref<10240x128xf32, #tpu.memory_space<hbm>>) target(%arg9 : memref<50x128xf32, #tpu.memory_space<vmem>>) offsets(%dma_start3A_84 : memref<50xi32, #tpu.memory_space<vmem>>) semaphore(%arg13 : memref<!tpu.dma_semaphore, #tpu.memory_space<semaphore_mem>>)
    %dma_start3A_88 = arith.constant 1 : i32
    %dma_start3A_89 = arith.constant 0 : i32
    %dma_start3A_90 = tpu.memref_slice %arg6[%dma_start3A_88, %dma_start3A_89] : memref<100x50xi32, #tpu.memory_space<vmem>> -> memref<1x50xi32, #tpu.memory_space<vmem>>
    %dma_start3A_91 = tpu.memref_squeeze %dma_start3A_90 : memref<1x50xi32, #tpu.memory_space<vmem>> -> memref<50xi32, #tpu.memory_space<vmem>>
    %dma_start3A_92 = arith.constant 0 : i32
    %dma_start3A_93 = arith.constant 0 : i32
    %dma_start3A_94 = tpu.memref_slice %arg2[%dma_start3A_92, %dma_start3A_93] : memref<10240x128xf32, #tpu.memory_space<hbm>> -> memref<10240x128xf32, #tpu.memory_space<hbm>>
    tpu.enqueue_indirect_dma source(%dma_start3A_94 : memref<10240x128xf32, #tpu.memory_space<hbm>>) target(%arg10 : memref<50x128xf32, #tpu.memory_space<vmem>>) offsets(%dma_start3A_91 : memref<50xi32, #tpu.memory_space<vmem>>) semaphore(%arg15 : memref<!tpu.dma_semaphore, #tpu.memory_space<semaphore_mem>>)
    %dma_start3A_95 = arith.constant 2 : i32
    %dma_start3A_96 = arith.constant 0 : i32
    %dma_start3A_97 = tpu.memref_slice %arg6[%dma_start3A_95, %dma_start3A_96] : memref<100x50xi32, #tpu.memory_space<vmem>> -> memref<1x50xi32, #tpu.memory_space<vmem>>
    %dma_start3A_98 = tpu.memref_squeeze %dma_start3A_97 : memref<1x50xi32, #tpu.memory_space<vmem>> -> memref<50xi32, #tpu.memory_space<vmem>>
    %dma_start3A_99 = arith.constant 0 : i32
    %dma_start3A_100 = arith.constant 0 : i32
    %dma_start3A_101 = tpu.memref_slice %arg2[%dma_start3A_99, %dma_start3A_100] : memref<10240x128xf32, #tpu.memory_space<hbm>> -> memref<10240x128xf32, #tpu.memory_space<hbm>>
    tpu.enqueue_indirect_dma source(%dma_start3A_101 : memref<10240x128xf32, #tpu.memory_space<hbm>>) target(%arg11 : memref<50x128xf32, #tpu.memory_space<vmem>>) offsets(%dma_start3A_98 : memref<50xi32, #tpu.memory_space<vmem>>) semaphore(%arg17 : memref<!tpu.dma_semaphore, #tpu.memory_space<semaphore_mem>>)
    %dma_start3A_102 = arith.constant 3 : i32
    %dma_start3A_103 = arith.constant 0 : i32
    %dma_start3A_104 = tpu.memref_slice %arg6[%dma_start3A_102, %dma_start3A_103] : memref<100x50xi32, #tpu.memory_space<vmem>> -> memref<1x50xi32, #tpu.memory_space<vmem>>
    %dma_start3A_105 = tpu.memref_squeeze %dma_start3A_104 : memref<1x50xi32, #tpu.memory_space<vmem>> -> memref<50xi32, #tpu.memory_space<vmem>>
    %dma_start3A_106 = arith.constant 0 : i32
    %dma_start3A_107 = arith.constant 0 : i32
    %dma_start3A_108 = tpu.memref_slice %arg2[%dma_start3A_106, %dma_start3A_107] : memref<10240x128xf32, #tpu.memory_space<hbm>> -> memref<10240x128xf32, #tpu.memory_space<hbm>>
    tpu.enqueue_indirect_dma source(%dma_start3A_108 : memref<10240x128xf32, #tpu.memory_space<hbm>>) target(%arg12 : memref<50x128xf32, #tpu.memory_space<vmem>>) offsets(%dma_start3A_105 : memref<50xi32, #tpu.memory_space<vmem>>) semaphore(%arg19 : memref<!tpu.dma_semaphore, #tpu.memory_space<semaphore_mem>>)
    %scan3A_109 = arith.constant 0 : i32
    %scan3A_110 = arith.constant 0 : i32
    %scan3A_111 = arith.constant 24 : i32
    %scan3A_112 = arith.addi %scan3A_110, %scan3A_111 : i32
    %scan3A_113 = arith.constant 1 : i32
    scf.for %scan3A_451 = %scan3A_110 to %scan3A_112 step %scan3A_113  : i32 {
      %mul3A_452 = arith.constant 4 : i32
      %mul3A_453 = arith.muli %mul3A_452, %scan3A_451 : i32
      %add3A_454 = arith.constant 0 : i32
      %add3A_455 = arith.addi %mul3A_453, %add3A_454 : i32
      %dma_wait3A_456 = arith.constant 0 : i32
      %dma_wait3A_457 = tpu.memref_slice %arg6[%add3A_455, %dma_wait3A_456] : memref<100x50xi32, #tpu.memory_space<vmem>> -> memref<1x50xi32, #tpu.memory_space<vmem>>
      %dma_wait3A_458 = tpu.memref_squeeze %dma_wait3A_457 : memref<1x50xi32, #tpu.memory_space<vmem>> -> memref<50xi32, #tpu.memory_space<vmem>>
      %dma_wait3A_459 = arith.constant 0 : i32
      %dma_wait3A_460 = arith.constant 0 : i32
      %dma_wait3A_461 = tpu.memref_slice %arg2[%dma_wait3A_459, %dma_wait3A_460] : memref<10240x128xf32, #tpu.memory_space<hbm>> -> memref<10240x128xf32, #tpu.memory_space<hbm>>
      tpu.wait_indirect_dma semaphore(%arg13 : memref<!tpu.dma_semaphore, #tpu.memory_space<semaphore_mem>>) src(%dma_wait3A_461 : memref<10240x128xf32, #tpu.memory_space<hbm>>) dst(%arg9 : memref<50x128xf32, #tpu.memory_space<vmem>>)
      %add3A_462 = arith.constant 0 : i32
      %add3A_463 = arith.addi %mul3A_453, %add3A_462 : i32
      %dma_start3A_464 = arith.constant 0 : i32
      %dma_start3A_465 = tpu.memref_slice %arg7[%add3A_463, %dma_start3A_464] : memref<100x50xi32, #tpu.memory_space<vmem>> -> memref<1x50xi32, #tpu.memory_space<vmem>>
      %dma_start3A_466 = tpu.memref_squeeze %dma_start3A_465 : memref<1x50xi32, #tpu.memory_space<vmem>> -> memref<50xi32, #tpu.memory_space<vmem>>
      %dma_start3A_467 = arith.constant 0 : i32
      %dma_start3A_468 = arith.constant 0 : i32
      %dma_start3A_469 = tpu.memref_slice %arg8[%dma_start3A_467, %dma_start3A_468] : memref<10240x128xf32, #tpu.memory_space<vmem_shared>> -> memref<10240x128xf32, #tpu.memory_space<vmem_shared>>
      tpu.enqueue_indirect_dma source(%arg9 : memref<50x128xf32, #tpu.memory_space<vmem>>) target(%dma_start3A_469 : memref<10240x128xf32, #tpu.memory_space<vmem_shared>>) offsets(%dma_start3A_466 : memref<50xi32, #tpu.memory_space<vmem>>) semaphore(%arg14 : memref<!tpu.dma_semaphore, #tpu.memory_space<semaphore_mem>>) {add = true}
      %add3A_470 = arith.constant 0 : i32
      %add3A_471 = arith.addi %mul3A_453, %add3A_470 : i32
      %get3A_472 = arith.index_cast %add3A_471 : i32 to index
      %get3A_473 = arith.constant 0 : index
      %get3A_474 = tpu.vector_load %arg7[%get3A_472, %get3A_473] {strides = array<i32>} : memref<100x50xi32, #tpu.memory_space<vmem>>, vector<16xi32>,
      tpu.vector_store_idx %arg21[%get3A_474], %broadcast_in_dim3A_79 {add = true} : memref<10240xf32, #tpu.memory_space<vmem>>[vector<16xi32>], vector<16xf32>,
      %get3A_475 = arith.index_cast %add3A_471 : i32 to index
      %get3A_476 = arith.constant 16 : index
      %get3A_477 = tpu.vector_load %arg7[%get3A_475, %get3A_476] {strides = array<i32>} : memref<100x50xi32, #tpu.memory_space<vmem>>, vector<16xi32>,
      tpu.vector_store_idx %arg21[%get3A_477], %broadcast_in_dim3A_79 {add = true} : memref<10240xf32, #tpu.memory_space<vmem>>[vector<16xi32>], vector<16xf32>,
      %get3A_478 = arith.index_cast %add3A_471 : i32 to index
      %get3A_479 = arith.constant 32 : index
      %get3A_480 = tpu.vector_load %arg7[%get3A_478, %get3A_479] {strides = array<i32>} : memref<100x50xi32, #tpu.memory_space<vmem>>, vector<16xi32>,
      tpu.vector_store_idx %arg21[%get3A_480], %broadcast_in_dim3A_79 {add = true} : memref<10240xf32, #tpu.memory_space<vmem>>[vector<16xi32>], vector<16xf32>,
      %get3A_481 = arith.index_cast %add3A_471 : i32 to index
      %get3A_482 = arith.constant 34 : index
      %get3A_483 = tpu.vector_load %arg7[%get3A_481, %get3A_482] {strides = array<i32>} : memref<100x50xi32, #tpu.memory_space<vmem>>, vector<16xi32>,
      tpu.vector_store_idx %arg21[%get3A_483], %broadcast_in_dim3A_79 masked %ge3A_81 {add = true} : memref<10240xf32, #tpu.memory_space<vmem>>[vector<16xi32>], vector<16xf32>, vector<16xi1>
      %add3A_484 = arith.constant 1 : i32
      %add3A_485 = arith.addi %mul3A_453, %add3A_484 : i32
      %dma_wait3A_486 = arith.constant 0 : i32
      %dma_wait3A_487 = tpu.memref_slice %arg6[%add3A_485, %dma_wait3A_486] : memref<100x50xi32, #tpu.memory_space<vmem>> -> memref<1x50xi32, #tpu.memory_space<vmem>>
      %dma_wait3A_488 = tpu.memref_squeeze %dma_wait3A_487 : memref<1x50xi32, #tpu.memory_space<vmem>> -> memref<50xi32, #tpu.memory_space<vmem>>
      %dma_wait3A_489 = arith.constant 0 : i32
      %dma_wait3A_490 = arith.constant 0 : i32
      %dma_wait3A_491 = tpu.memref_slice %arg2[%dma_wait3A_489, %dma_wait3A_490] : memref<10240x128xf32, #tpu.memory_space<hbm>> -> memref<10240x128xf32, #tpu.memory_space<hbm>>
      tpu.wait_indirect_dma semaphore(%arg15 : memref<!tpu.dma_semaphore, #tpu.memory_space<semaphore_mem>>) src(%dma_wait3A_491 : memref<10240x128xf32, #tpu.memory_space<hbm>>) dst(%arg10 : memref<50x128xf32, #tpu.memory_space<vmem>>)
      %add3A_492 = arith.constant 1 : i32
      %add3A_493 = arith.addi %mul3A_453, %add3A_492 : i32
      %dma_start3A_494 = arith.constant 0 : i32
      %dma_start3A_495 = tpu.memref_slice %arg7[%add3A_493, %dma_start3A_494] : memref<100x50xi32, #tpu.memory_space<vmem>> -> memref<1x50xi32, #tpu.memory_space<vmem>>
      %dma_start3A_496 = tpu.memref_squeeze %dma_start3A_495 : memref<1x50xi32, #tpu.memory_space<vmem>> -> memref<50xi32, #tpu.memory_space<vmem>>
      %dma_start3A_497 = arith.constant 0 : i32
      %dma_start3A_498 = arith.constant 0 : i32
      %dma_start3A_499 = tpu.memref_slice %arg8[%dma_start3A_497, %dma_start3A_498] : memref<10240x128xf32, #tpu.memory_space<vmem_shared>> -> memref<10240x128xf32, #tpu.memory_space<vmem_shared>>
      tpu.enqueue_indirect_dma source(%arg10 : memref<50x128xf32, #tpu.memory_space<vmem>>) target(%dma_start3A_499 : memref<10240x128xf32, #tpu.memory_space<vmem_shared>>) offsets(%dma_start3A_496 : memref<50xi32, #tpu.memory_space<vmem>>) semaphore(%arg16 : memref<!tpu.dma_semaphore, #tpu.memory_space<semaphore_mem>>) {add = true}
      %add3A_500 = arith.constant 1 : i32
      %add3A_501 = arith.addi %mul3A_453, %add3A_500 : i32
      %get3A_502 = arith.index_cast %add3A_501 : i32 to index
      %get3A_503 = arith.constant 0 : index
      %get3A_504 = tpu.vector_load %arg7[%get3A_502, %get3A_503] {strides = array<i32>} : memref<100x50xi32, #tpu.memory_space<vmem>>, vector<16xi32>,
      tpu.vector_store_idx %arg21[%get3A_504], %broadcast_in_dim3A_79 {add = true} : memref<10240xf32, #tpu.memory_space<vmem>>[vector<16xi32>], vector<16xf32>,
      %get3A_505 = arith.index_cast %add3A_501 : i32 to index
      %get3A_506 = arith.constant 16 : index
      %get3A_507 = tpu.vector_load %arg7[%get3A_505, %get3A_506] {strides = array<i32>} : memref<100x50xi32, #tpu.memory_space<vmem>>, vector<16xi32>,
      tpu.vector_store_idx %arg21[%get3A_507], %broadcast_in_dim3A_79 {add = true} : memref<10240xf32, #tpu.memory_space<vmem>>[vector<16xi32>], vector<16xf32>,
      %get3A_508 = arith.index_cast %add3A_501 : i32 to index
      %get3A_509 = arith.constant 32 : index
      %get3A_510 = tpu.vector_load %arg7[%get3A_508, %get3A_509] {strides = array<i32>} : memref<100x50xi32, #tpu.memory_space<vmem>>, vector<16xi32>,
      tpu.vector_store_idx %arg21[%get3A_510], %broadcast_in_dim3A_79 {add = true} : memref<10240xf32, #tpu.memory_space<vmem>>[vector<16xi32>], vector<16xf32>,
      %get3A_511 = arith.index_cast %add3A_501 : i32 to index
      %get3A_512 = arith.constant 34 : index
      %get3A_513 = tpu.vector_load %arg7[%get3A_511, %get3A_512] {strides = array<i32>} : memref<100x50xi32, #tpu.memory_space<vmem>>, vector<16xi32>,
      tpu.vector_store_idx %arg21[%get3A_513], %broadcast_in_dim3A_79 masked %ge3A_81 {add = true} : memref<10240xf32, #tpu.memory_space<vmem>>[vector<16xi32>], vector<16xf32>, vector<16xi1>
      %add3A_514 = arith.constant 2 : i32
      %add3A_515 = arith.addi %mul3A_453, %add3A_514 : i32
      %dma_wait3A_516 = arith.constant 0 : i32
      %dma_wait3A_517 = tpu.memref_slice %arg6[%add3A_515, %dma_wait3A_516] : memref<100x50xi32, #tpu.memory_space<vmem>> -> memref<1x50xi32, #tpu.memory_space<vmem>>
      %dma_wait3A_518 = tpu.memref_squeeze %dma_wait3A_517 : memref<1x50xi32, #tpu.memory_space<vmem>> -> memref<50xi32, #tpu.memory_space<vmem>>
      %dma_wait3A_519 = arith.constant 0 : i32
      %dma_wait3A_520 = arith.constant 0 : i32
      %dma_wait3A_521 = tpu.memref_slice %arg2[%dma_wait3A_519, %dma_wait3A_520] : memref<10240x128xf32, #tpu.memory_space<hbm>> -> memref<10240x128xf32, #tpu.memory_space<hbm>>
      tpu.wait_indirect_dma semaphore(%arg17 : memref<!tpu.dma_semaphore, #tpu.memory_space<semaphore_mem>>) src(%dma_wait3A_521 : memref<10240x128xf32, #tpu.memory_space<hbm>>) dst(%arg11 : memref<50x128xf32, #tpu.memory_space<vmem>>)
      %add3A_522 = arith.constant 2 : i32
      %add3A_523 = arith.addi %mul3A_453, %add3A_522 : i32
      %dma_start3A_524 = arith.constant 0 : i32
      %dma_start3A_525 = tpu.memref_slice %arg7[%add3A_523, %dma_start3A_524] : memref<100x50xi32, #tpu.memory_space<vmem>> -> memref<1x50xi32, #tpu.memory_space<vmem>>
      %dma_start3A_526 = tpu.memref_squeeze %dma_start3A_525 : memref<1x50xi32, #tpu.memory_space<vmem>> -> memref<50xi32, #tpu.memory_space<vmem>>
      %dma_start3A_527 = arith.constant 0 : i32
      %dma_start3A_528 = arith.constant 0 : i32
      %dma_start3A_529 = tpu.memref_slice %arg8[%dma_start3A_527, %dma_start3A_528] : memref<10240x128xf32, #tpu.memory_space<vmem_shared>> -> memref<10240x128xf32, #tpu.memory_space<vmem_shared>>
      tpu.enqueue_indirect_dma source(%arg11 : memref<50x128xf32, #tpu.memory_space<vmem>>) target(%dma_start3A_529 : memref<10240x128xf32, #tpu.memory_space<vmem_shared>>) offsets(%dma_start3A_526 : memref<50xi32, #tpu.memory_space<vmem>>) semaphore(%arg18 : memref<!tpu.dma_semaphore, #tpu.memory_space<semaphore_mem>>) {add = true}
      %add3A_530 = arith.constant 2 : i32
      %add3A_531 = arith.addi %mul3A_453, %add3A_530 : i32
      %get3A_532 = arith.index_cast %add3A_531 : i32 to index
      %get3A_533 = arith.constant 0 : index
      %get3A_534 = tpu.vector_load %arg7[%get3A_532, %get3A_533] {strides = array<i32>} : memref<100x50xi32, #tpu.memory_space<vmem>>, vector<16xi32>,
      tpu.vector_store_idx %arg21[%get3A_534], %broadcast_in_dim3A_79 {add = true} : memref<10240xf32, #tpu.memory_space<vmem>>[vector<16xi32>], vector<16xf32>,
      %get3A_535 = arith.index_cast %add3A_531 : i32 to index
      %get3A_536 = arith.constant 16 : index
      %get3A_537 = tpu.vector_load %arg7[%get3A_535, %get3A_536] {strides = array<i32>} : memref<100x50xi32, #tpu.memory_space<vmem>>, vector<16xi32>,
      tpu.vector_store_idx %arg21[%get3A_537], %broadcast_in_dim3A_79 {add = true} : memref<10240xf32, #tpu.memory_space<vmem>>[vector<16xi32>], vector<16xf32>,
      %get3A_538 = arith.index_cast %add3A_531 : i32 to index
      %get3A_539 = arith.constant 32 : index
      %get3A_540 = tpu.vector_load %arg7[%get3A_538, %get3A_539] {strides = array<i32>} : memref<100x50xi32, #tpu.memory_space<vmem>>, vector<16xi32>,
      tpu.vector_store_idx %arg21[%get3A_540], %broadcast_in_dim3A_79 {add = true} : memref<10240xf32, #tpu.memory_space<vmem>>[vector<16xi32>], vector<16xf32>,
      %get3A_541 = arith.index_cast %add3A_531 : i32 to index
      %get3A_542 = arith.constant 34 : index
      %get3A_543 = tpu.vector_load %arg7[%get3A_541, %get3A_542] {strides = array<i32>} : memref<100x50xi32, #tpu.memory_space<vmem>>, vector<16xi32>,
      tpu.vector_store_idx %arg21[%get3A_543], %broadcast_in_dim3A_79 masked %ge3A_81 {add = true} : memref<10240xf32, #tpu.memory_space<vmem>>[vector<16xi32>], vector<16xf32>, vector<16xi1>
      %add3A_544 = arith.constant 3 : i32
      %add3A_545 = arith.addi %mul3A_453, %add3A_544 : i32
      %dma_wait3A_546 = arith.constant 0 : i32
      %dma_wait3A_547 = tpu.memref_slice %arg6[%add3A_545, %dma_wait3A_546] : memref<100x50xi32, #tpu.memory_space<vmem>> -> memref<1x50xi32, #tpu.memory_space<vmem>>
      %dma_wait3A_548 = tpu.memref_squeeze %dma_wait3A_547 : memref<1x50xi32, #tpu.memory_space<vmem>> -> memref<50xi32, #tpu.memory_space<vmem>>
      %dma_wait3A_549 = arith.constant 0 : i32
      %dma_wait3A_550 = arith.constant 0 : i32
      %dma_wait3A_551 = tpu.memref_slice %arg2[%dma_wait3A_549, %dma_wait3A_550] : memref<10240x128xf32, #tpu.memory_space<hbm>> -> memref<10240x128xf32, #tpu.memory_space<hbm>>
      tpu.wait_indirect_dma semaphore(%arg19 : memref<!tpu.dma_semaphore, #tpu.memory_space<semaphore_mem>>) src(%dma_wait3A_551 : memref<10240x128xf32, #tpu.memory_space<hbm>>) dst(%arg12 : memref<50x128xf32, #tpu.memory_space<vmem>>)
      %add3A_552 = arith.constant 3 : i32
      %add3A_553 = arith.addi %mul3A_453, %add3A_552 : i32
      %dma_start3A_554 = arith.constant 0 : i32
      %dma_start3A_555 = tpu.memref_slice %arg7[%add3A_553, %dma_start3A_554] : memref<100x50xi32, #tpu.memory_space<vmem>> -> memref<1x50xi32, #tpu.memory_space<vmem>>
      %dma_start3A_556 = tpu.memref_squeeze %dma_start3A_555 : memref<1x50xi32, #tpu.memory_space<vmem>> -> memref<50xi32, #tpu.memory_space<vmem>>
      %dma_start3A_557 = arith.constant 0 : i32
      %dma_start3A_558 = arith.constant 0 : i32
      %dma_start3A_559 = tpu.memref_slice %arg8[%dma_start3A_557, %dma_start3A_558] : memref<10240x128xf32, #tpu.memory_space<vmem_shared>> -> memref<10240x128xf32, #tpu.memory_space<vmem_shared>>
      tpu.enqueue_indirect_dma source(%arg12 : memref<50x128xf32, #tpu.memory_space<vmem>>) target(%dma_start3A_559 : memref<10240x128xf32, #tpu.memory_space<vmem_shared>>) offsets(%dma_start3A_556 : memref<50xi32, #tpu.memory_space<vmem>>) semaphore(%arg20 : memref<!tpu.dma_semaphore, #tpu.memory_space<semaphore_mem>>) {add = true}
      %add3A_560 = arith.constant 3 : i32
      %add3A_561 = arith.addi %mul3A_453, %add3A_560 : i32
      %get3A_562 = arith.index_cast %add3A_561 : i32 to index
      %get3A_563 = arith.constant 0 : index
      %get3A_564 = tpu.vector_load %arg7[%get3A_562, %get3A_563] {strides = array<i32>} : memref<100x50xi32, #tpu.memory_space<vmem>>, vector<16xi32>,
      tpu.vector_store_idx %arg21[%get3A_564], %broadcast_in_dim3A_79 {add = true} : memref<10240xf32, #tpu.memory_space<vmem>>[vector<16xi32>], vector<16xf32>,
      %get3A_565 = arith.index_cast %add3A_561 : i32 to index
      %get3A_566 = arith.constant 16 : index
      %get3A_567 = tpu.vector_load %arg7[%get3A_565, %get3A_566] {strides = array<i32>} : memref<100x50xi32, #tpu.memory_space<vmem>>, vector<16xi32>,
      tpu.vector_store_idx %arg21[%get3A_567], %broadcast_in_dim3A_79 {add = true} : memref<10240xf32, #tpu.memory_space<vmem>>[vector<16xi32>], vector<16xf32>,
      %get3A_568 = arith.index_cast %add3A_561 : i32 to index
      %get3A_569 = arith.constant 32 : index
      %get3A_570 = tpu.vector_load %arg7[%get3A_568, %get3A_569] {strides = array<i32>} : memref<100x50xi32, #tpu.memory_space<vmem>>, vector<16xi32>,
      tpu.vector_store_idx %arg21[%get3A_570], %broadcast_in_dim3A_79 {add = true} : memref<10240xf32, #tpu.memory_space<vmem>>[vector<16xi32>], vector<16xf32>,
      %get3A_571 = arith.index_cast %add3A_561 : i32 to index
      %get3A_572 = arith.constant 34 : index
      %get3A_573 = tpu.vector_load %arg7[%get3A_571, %get3A_572] {strides = array<i32>} : memref<100x50xi32, #tpu.memory_space<vmem>>, vector<16xi32>,
      tpu.vector_store_idx %arg21[%get3A_573], %broadcast_in_dim3A_79 masked %ge3A_81 {add = true} : memref<10240xf32, #tpu.memory_space<vmem>>[vector<16xi32>], vector<16xf32>, vector<16xi1>
      %add3A_574 = arith.constant 0 : i32
      %add3A_575 = arith.addi %mul3A_453, %add3A_574 : i32
      %dma_wait3A_576 = arith.constant 0 : i32
      %dma_wait3A_577 = tpu.memref_slice %arg7[%add3A_575, %dma_wait3A_576] : memref<100x50xi32, #tpu.memory_space<vmem>> -> memref<1x50xi32, #tpu.memory_space<vmem>>
      %dma_wait3A_578 = tpu.memref_squeeze %dma_wait3A_577 : memref<1x50xi32, #tpu.memory_space<vmem>> -> memref<50xi32, #tpu.memory_space<vmem>>
      %dma_wait3A_579 = arith.constant 0 : i32
      %dma_wait3A_580 = arith.constant 0 : i32
      %dma_wait3A_581 = tpu.memref_slice %arg8[%dma_wait3A_579, %dma_wait3A_580] : memref<10240x128xf32, #tpu.memory_space<vmem_shared>> -> memref<10240x128xf32, #tpu.memory_space<vmem_shared>>
      tpu.wait_indirect_dma semaphore(%arg14 : memref<!tpu.dma_semaphore, #tpu.memory_space<semaphore_mem>>) src(%arg9 : memref<50x128xf32, #tpu.memory_space<vmem>>) dst(%dma_wait3A_581 : memref<10240x128xf32, #tpu.memory_space<vmem_shared>>)
      %add3A_582 = arith.constant 0 : i32
      %add3A_583 = arith.addi %mul3A_453, %add3A_582 : i32
      %add3A_584 = arith.constant 4 : i32
      %add3A_585 = arith.addi %add3A_583, %add3A_584 : i32
      %dma_start3A_586 = arith.constant 0 : i32
      %dma_start3A_587 = tpu.memref_slice %arg6[%add3A_585, %dma_start3A_586] : memref<100x50xi32, #tpu.memory_space<vmem>> -> memref<1x50xi32, #tpu.memory_space<vmem>>
      %dma_start3A_588 = tpu.memref_squeeze %dma_start3A_587 : memref<1x50xi32, #tpu.memory_space<vmem>> -> memref<50xi32, #tpu.memory_space<vmem>>
      %dma_start3A_589 = arith.constant 0 : i32
      %dma_start3A_590 = arith.constant 0 : i32
      %dma_start3A_591 = tpu.memref_slice %arg2[%dma_start3A_589, %dma_start3A_590] : memref<10240x128xf32, #tpu.memory_space<hbm>> -> memref<10240x128xf32, #tpu.memory_space<hbm>>
      tpu.enqueue_indirect_dma source(%dma_start3A_591 : memref<10240x128xf32, #tpu.memory_space<hbm>>) target(%arg9 : memref<50x128xf32, #tpu.memory_space<vmem>>) offsets(%dma_start3A_588 : memref<50xi32, #tpu.memory_space<vmem>>) semaphore(%arg13 : memref<!tpu.dma_semaphore, #tpu.memory_space<semaphore_mem>>)
      %add3A_592 = arith.constant 1 : i32
      %add3A_593 = arith.addi %mul3A_453, %add3A_592 : i32
      %dma_wait3A_594 = arith.constant 0 : i32
      %dma_wait3A_595 = tpu.memref_slice %arg7[%add3A_593, %dma_wait3A_594] : memref<100x50xi32, #tpu.memory_space<vmem>> -> memref<1x50xi32, #tpu.memory_space<vmem>>
      %dma_wait3A_596 = tpu.memref_squeeze %dma_wait3A_595 : memref<1x50xi32, #tpu.memory_space<vmem>> -> memref<50xi32, #tpu.memory_space<vmem>>
      %dma_wait3A_597 = arith.constant 0 : i32
      %dma_wait3A_598 = arith.constant 0 : i32
      %dma_wait3A_599 = tpu.memref_slice %arg8[%dma_wait3A_597, %dma_wait3A_598] : memref<10240x128xf32, #tpu.memory_space<vmem_shared>> -> memref<10240x128xf32, #tpu.memory_space<vmem_shared>>
      tpu.wait_indirect_dma semaphore(%arg16 : memref<!tpu.dma_semaphore, #tpu.memory_space<semaphore_mem>>) src(%arg10 : memref<50x128xf32, #tpu.memory_space<vmem>>) dst(%dma_wait3A_599 : memref<10240x128xf32, #tpu.memory_space<vmem_shared>>)
      %add3A_600 = arith.constant 1 : i32
      %add3A_601 = arith.addi %mul3A_453, %add3A_600 : i32
      %add3A_602 = arith.constant 4 : i32
      %add3A_603 = arith.addi %add3A_601, %add3A_602 : i32
      %dma_start3A_604 = arith.constant 0 : i32
      %dma_start3A_605 = tpu.memref_slice %arg6[%add3A_603, %dma_start3A_604] : memref<100x50xi32, #tpu.memory_space<vmem>> -> memref<1x50xi32, #tpu.memory_space<vmem>>
      %dma_start3A_606 = tpu.memref_squeeze %dma_start3A_605 : memref<1x50xi32, #tpu.memory_space<vmem>> -> memref<50xi32, #tpu.memory_space<vmem>>
      %dma_start3A_607 = arith.constant 0 : i32
      %dma_start3A_608 = arith.constant 0 : i32
      %dma_start3A_609 = tpu.memref_slice %arg2[%dma_start3A_607, %dma_start3A_608] : memref<10240x128xf32, #tpu.memory_space<hbm>> -> memref<10240x128xf32, #tpu.memory_space<hbm>>
      tpu.enqueue_indirect_dma source(%dma_start3A_609 : memref<10240x128xf32, #tpu.memory_space<hbm>>) target(%arg10 : memref<50x128xf32, #tpu.memory_space<vmem>>) offsets(%dma_start3A_606 : memref<50xi32, #tpu.memory_space<vmem>>) semaphore(%arg15 : memref<!tpu.dma_semaphore, #tpu.memory_space<semaphore_mem>>)
      %add3A_610 = arith.constant 2 : i32
      %add3A_611 = arith.addi %mul3A_453, %add3A_610 : i32
      %dma_wait3A_612 = arith.constant 0 : i32
      %dma_wait3A_613 = tpu.memref_slice %arg7[%add3A_611, %dma_wait3A_612] : memref<100x50xi32, #tpu.memory_space<vmem>> -> memref<1x50xi32, #tpu.memory_space<vmem>>
      %dma_wait3A_614 = tpu.memref_squeeze %dma_wait3A_613 : memref<1x50xi32, #tpu.memory_space<vmem>> -> memref<50xi32, #tpu.memory_space<vmem>>
      %dma_wait3A_615 = arith.constant 0 : i32
      %dma_wait3A_616 = arith.constant 0 : i32
      %dma_wait3A_617 = tpu.memref_slice %arg8[%dma_wait3A_615, %dma_wait3A_616] : memref<10240x128xf32, #tpu.memory_space<vmem_shared>> -> memref<10240x128xf32, #tpu.memory_space<vmem_shared>>
      tpu.wait_indirect_dma semaphore(%arg18 : memref<!tpu.dma_semaphore, #tpu.memory_space<semaphore_mem>>) src(%arg11 : memref<50x128xf32, #tpu.memory_space<vmem>>) dst(%dma_wait3A_617 : memref<10240x128xf32, #tpu.memory_space<vmem_shared>>)
      %add3A_618 = arith.constant 2 : i32
      %add3A_619 = arith.addi %mul3A_453, %add3A_618 : i32
      %add3A_620 = arith.constant 4 : i32
      %add3A_621 = arith.addi %add3A_619, %add3A_620 : i32
      %dma_start3A_622 = arith.constant 0 : i32
      %dma_start3A_623 = tpu.memref_slice %arg6[%add3A_621, %dma_start3A_622] : memref<100x50xi32, #tpu.memory_space<vmem>> -> memref<1x50xi32, #tpu.memory_space<vmem>>
      %dma_start3A_624 = tpu.memref_squeeze %dma_start3A_623 : memref<1x50xi32, #tpu.memory_space<vmem>> -> memref<50xi32, #tpu.memory_space<vmem>>
      %dma_start3A_625 = arith.constant 0 : i32
      %dma_start3A_626 = arith.constant 0 : i32
      %dma_start3A_627 = tpu.memref_slice %arg2[%dma_start3A_625, %dma_start3A_626] : memref<10240x128xf32, #tpu.memory_space<hbm>> -> memref<10240x128xf32, #tpu.memory_space<hbm>>
      tpu.enqueue_indirect_dma source(%dma_start3A_627 : memref<10240x128xf32, #tpu.memory_space<hbm>>) target(%arg11 : memref<50x128xf32, #tpu.memory_space<vmem>>) offsets(%dma_start3A_624 : memref<50xi32, #tpu.memory_space<vmem>>) semaphore(%arg17 : memref<!tpu.dma_semaphore, #tpu.memory_space<semaphore_mem>>)
      %add3A_628 = arith.constant 3 : i32
      %add3A_629 = arith.addi %mul3A_453, %add3A_628 : i32
      %dma_wait3A_630 = arith.constant 0 : i32
      %dma_wait3A_631 = tpu.memref_slice %arg7[%add3A_629, %dma_wait3A_630] : memref<100x50xi32, #tpu.memory_space<vmem>> -> memref<1x50xi32, #tpu.memory_space<vmem>>
      %dma_wait3A_632 = tpu.memref_squeeze %dma_wait3A_631 : memref<1x50xi32, #tpu.memory_space<vmem>> -> memref<50xi32, #tpu.memory_space<vmem>>
      %dma_wait3A_633 = arith.constant 0 : i32
      %dma_wait3A_634 = arith.constant 0 : i32
      %dma_wait3A_635 = tpu.memref_slice %arg8[%dma_wait3A_633, %dma_wait3A_634] : memref<10240x128xf32, #tpu.memory_space<vmem_shared>> -> memref<10240x128xf32, #tpu.memory_space<vmem_shared>>
      tpu.wait_indirect_dma semaphore(%arg20 : memref<!tpu.dma_semaphore, #tpu.memory_space<semaphore_mem>>) src(%arg12 : memref<50x128xf32, #tpu.memory_space<vmem>>) dst(%dma_wait3A_635 : memref<10240x128xf32, #tpu.memory_space<vmem_shared>>)
      %add3A_636 = arith.constant 3 : i32
      %add3A_637 = arith.addi %mul3A_453, %add3A_636 : i32
      %add3A_638 = arith.constant 4 : i32
      %add3A_639 = arith.addi %add3A_637, %add3A_638 : i32
      %dma_start3A_640 = arith.constant 0 : i32
      %dma_start3A_641 = tpu.memref_slice %arg6[%add3A_639, %dma_start3A_640] : memref<100x50xi32, #tpu.memory_space<vmem>> -> memref<1x50xi32, #tpu.memory_space<vmem>>
      %dma_start3A_642 = tpu.memref_squeeze %dma_start3A_641 : memref<1x50xi32, #tpu.memory_space<vmem>> -> memref<50xi32, #tpu.memory_space<vmem>>
      %dma_start3A_643 = arith.constant 0 : i32
      %dma_start3A_644 = arith.constant 0 : i32
      %dma_start3A_645 = tpu.memref_slice %arg2[%dma_start3A_643, %dma_start3A_644] : memref<10240x128xf32, #tpu.memory_space<hbm>> -> memref<10240x128xf32, #tpu.memory_space<hbm>>
      tpu.enqueue_indirect_dma source(%dma_start3A_645 : memref<10240x128xf32, #tpu.memory_space<hbm>>) target(%arg12 : memref<50x128xf32, #tpu.memory_space<vmem>>) offsets(%dma_start3A_642 : memref<50xi32, #tpu.memory_space<vmem>>) semaphore(%arg19 : memref<!tpu.dma_semaphore, #tpu.memory_space<semaphore_mem>>)
    }
    %scan3A_114 = arith.constant 24 : i32
    %dma_wait3A = arith.constant 96 : i32
    %dma_wait3A_115 = arith.constant 0 : i32
    %dma_wait3A_116 = tpu.memref_slice %arg6[%dma_wait3A, %dma_wait3A_115] : memref<100x50xi32, #tpu.memory_space<vmem>> -> memref<1x50xi32, #tpu.memory_space<vmem>>
    %dma_wait3A_117 = tpu.memref_squeeze %dma_wait3A_116 : memref<1x50xi32, #tpu.memory_space<vmem>> -> memref<50xi32, #tpu.memory_space<vmem>>
    %dma_wait3A_118 = arith.constant 0 : i32
    %dma_wait3A_119 = arith.constant 0 : i32
    %dma_wait3A_120 = tpu.memref_slice %arg2[%dma_wait3A_118, %dma_wait3A_119] : memref<10240x128xf32, #tpu.memory_space<hbm>> -> memref<10240x128xf32, #tpu.memory_space<hbm>>
    tpu.wait_indirect_dma semaphore(%arg13 : memref<!tpu.dma_semaphore, #tpu.memory_space<semaphore_mem>>) src(%dma_wait3A_120 : memref<10240x128xf32, #tpu.memory_space<hbm>>) dst(%arg9 : memref<50x128xf32, #tpu.memory_space<vmem>>)
    %dma_start3A_121 = arith.constant 96 : i32
    %dma_start3A_122 = arith.constant 0 : i32
    %dma_start3A_123 = tpu.memref_slice %arg7[%dma_start3A_121, %dma_start3A_122] : memref<100x50xi32, #tpu.memory_space<vmem>> -> memref<1x50xi32, #tpu.memory_space<vmem>>
    %dma_start3A_124 = tpu.memref_squeeze %dma_start3A_123 : memref<1x50xi32, #tpu.memory_space<vmem>> -> memref<50xi32, #tpu.memory_space<vmem>>
    %dma_start3A_125 = arith.constant 0 : i32
    %dma_start3A_126 = arith.constant 0 : i32
    %dma_start3A_127 = tpu.memref_slice %arg8[%dma_start3A_125, %dma_start3A_126] : memref<10240x128xf32, #tpu.memory_space<vmem_shared>> -> memref<10240x128xf32, #tpu.memory_space<vmem_shared>>
    tpu.enqueue_indirect_dma source(%arg9 : memref<50x128xf32, #tpu.memory_space<vmem>>) target(%dma_start3A_127 : memref<10240x128xf32, #tpu.memory_space<vmem_shared>>) offsets(%dma_start3A_124 : memref<50xi32, #tpu.memory_space<vmem>>) semaphore(%arg14 : memref<!tpu.dma_semaphore, #tpu.memory_space<semaphore_mem>>) {add = true}
    %get3A = arith.constant 96 : i32
    %get3A_128 = arith.index_cast %get3A : i32 to index
    %get3A_129 = arith.constant 0 : index
    %get3A_130 = tpu.vector_load %arg7[%get3A_128, %get3A_129] {strides = array<i32>} : memref<100x50xi32, #tpu.memory_space<vmem>>, vector<16xi32>,
    tpu.vector_store_idx %arg21[%get3A_130], %broadcast_in_dim3A_79 {add = true} : memref<10240xf32, #tpu.memory_space<vmem>>[vector<16xi32>], vector<16xf32>,
    %get3A_131 = arith.constant 96 : i32
    %get3A_132 = arith.index_cast %get3A_131 : i32 to index
    %get3A_133 = arith.constant 16 : index
    %get3A_134 = tpu.vector_load %arg7[%get3A_132, %get3A_133] {strides = array<i32>} : memref<100x50xi32, #tpu.memory_space<vmem>>, vector<16xi32>,
    tpu.vector_store_idx %arg21[%get3A_134], %broadcast_in_dim3A_79 {add = true} : memref<10240xf32, #tpu.memory_space<vmem>>[vector<16xi32>], vector<16xf32>,
    %get3A_135 = arith.constant 96 : i32
    %get3A_136 = arith.index_cast %get3A_135 : i32 to index
    %get3A_137 = arith.constant 32 : index
    %get3A_138 = tpu.vector_load %arg7[%get3A_136, %get3A_137] {strides = array<i32>} : memref<100x50xi32, #tpu.memory_space<vmem>>, vector<16xi32>,
    tpu.vector_store_idx %arg21[%get3A_138], %broadcast_in_dim3A_79 {add = true} : memref<10240xf32, #tpu.memory_space<vmem>>[vector<16xi32>], vector<16xf32>,
    %get3A_139 = arith.constant 96 : i32
    %get3A_140 = arith.index_cast %get3A_139 : i32 to index
    %get3A_141 = arith.constant 34 : index
    %get3A_142 = tpu.vector_load %arg7[%get3A_140, %get3A_141] {strides = array<i32>} : memref<100x50xi32, #tpu.memory_space<vmem>>, vector<16xi32>,
    tpu.vector_store_idx %arg21[%get3A_142], %broadcast_in_dim3A_79 masked %ge3A_81 {add = true} : memref<10240xf32, #tpu.memory_space<vmem>>[vector<16xi32>], vector<16xf32>, vector<16xi1>
    %dma_wait3A_143 = arith.constant 97 : i32
    %dma_wait3A_144 = arith.constant 0 : i32
    %dma_wait3A_145 = tpu.memref_slice %arg6[%dma_wait3A_143, %dma_wait3A_144] : memref<100x50xi32, #tpu.memory_space<vmem>> -> memref<1x50xi32, #tpu.memory_space<vmem>>
    %dma_wait3A_146 = tpu.memref_squeeze %dma_wait3A_145 : memref<1x50xi32, #tpu.memory_space<vmem>> -> memref<50xi32, #tpu.memory_space<vmem>>
    %dma_wait3A_147 = arith.constant 0 : i32
    %dma_wait3A_148 = arith.constant 0 : i32
    %dma_wait3A_149 = tpu.memref_slice %arg2[%dma_wait3A_147, %dma_wait3A_148] : memref<10240x128xf32, #tpu.memory_space<hbm>> -> memref<10240x128xf32, #tpu.memory_space<hbm>>
    tpu.wait_indirect_dma semaphore(%arg15 : memref<!tpu.dma_semaphore, #tpu.memory_space<semaphore_mem>>) src(%dma_wait3A_149 : memref<10240x128xf32, #tpu.memory_space<hbm>>) dst(%arg10 : memref<50x128xf32, #tpu.memory_space<vmem>>)
    %dma_start3A_150 = arith.constant 97 : i32
    %dma_start3A_151 = arith.constant 0 : i32
    %dma_start3A_152 = tpu.memref_slice %arg7[%dma_start3A_150, %dma_start3A_151] : memref<100x50xi32, #tpu.memory_space<vmem>> -> memref<1x50xi32, #tpu.memory_space<vmem>>
    %dma_start3A_153 = tpu.memref_squeeze %dma_start3A_152 : memref<1x50xi32, #tpu.memory_space<vmem>> -> memref<50xi32, #tpu.memory_space<vmem>>
    %dma_start3A_154 = arith.constant 0 : i32
    %dma_start3A_155 = arith.constant 0 : i32
    %dma_start3A_156 = tpu.memref_slice %arg8[%dma_start3A_154, %dma_start3A_155] : memref<10240x128xf32, #tpu.memory_space<vmem_shared>> -> memref<10240x128xf32, #tpu.memory_space<vmem_shared>>
    tpu.enqueue_indirect_dma source(%arg10 : memref<50x128xf32, #tpu.memory_space<vmem>>) target(%dma_start3A_156 : memref<10240x128xf32, #tpu.memory_space<vmem_shared>>) offsets(%dma_start3A_153 : memref<50xi32, #tpu.memory_space<vmem>>) semaphore(%arg16 : memref<!tpu.dma_semaphore, #tpu.memory_space<semaphore_mem>>) {add = true}
    %get3A_157 = arith.constant 97 : i32
    %get3A_158 = arith.index_cast %get3A_157 : i32 to index
    %get3A_159 = arith.constant 0 : index
    %get3A_160 = tpu.vector_load %arg7[%get3A_158, %get3A_159] {strides = array<i32>} : memref<100x50xi32, #tpu.memory_space<vmem>>, vector<16xi32>,
    tpu.vector_store_idx %arg21[%get3A_160], %broadcast_in_dim3A_79 {add = true} : memref<10240xf32, #tpu.memory_space<vmem>>[vector<16xi32>], vector<16xf32>,
    %get3A_161 = arith.constant 97 : i32
    %get3A_162 = arith.index_cast %get3A_161 : i32 to index
    %get3A_163 = arith.constant 16 : index
    %get3A_164 = tpu.vector_load %arg7[%get3A_162, %get3A_163] {strides = array<i32>} : memref<100x50xi32, #tpu.memory_space<vmem>>, vector<16xi32>,
    tpu.vector_store_idx %arg21[%get3A_164], %broadcast_in_dim3A_79 {add = true} : memref<10240xf32, #tpu.memory_space<vmem>>[vector<16xi32>], vector<16xf32>,
    %get3A_165 = arith.constant 97 : i32
    %get3A_166 = arith.index_cast %get3A_165 : i32 to index
    %get3A_167 = arith.constant 32 : index
    %get3A_168 = tpu.vector_load %arg7[%get3A_166, %get3A_167] {strides = array<i32>} : memref<100x50xi32, #tpu.memory_space<vmem>>, vector<16xi32>,
    tpu.vector_store_idx %arg21[%get3A_168], %broadcast_in_dim3A_79 {add = true} : memref<10240xf32, #tpu.memory_space<vmem>>[vector<16xi32>], vector<16xf32>,
    %get3A_169 = arith.constant 97 : i32
    %get3A_170 = arith.index_cast %get3A_169 : i32 to index
    %get3A_171 = arith.constant 34 : index
    %get3A_172 = tpu.vector_load %arg7[%get3A_170, %get3A_171] {strides = array<i32>} : memref<100x50xi32, #tpu.memory_space<vmem>>, vector<16xi32>,
    tpu.vector_store_idx %arg21[%get3A_172], %broadcast_in_dim3A_79 masked %ge3A_81 {add = true} : memref<10240xf32, #tpu.memory_space<vmem>>[vector<16xi32>], vector<16xf32>, vector<16xi1>
    %dma_wait3A_173 = arith.constant 98 : i32
    %dma_wait3A_174 = arith.constant 0 : i32
    %dma_wait3A_175 = tpu.memref_slice %arg6[%dma_wait3A_173, %dma_wait3A_174] : memref<100x50xi32, #tpu.memory_space<vmem>> -> memref<1x50xi32, #tpu.memory_space<vmem>>
    %dma_wait3A_176 = tpu.memref_squeeze %dma_wait3A_175 : memref<1x50xi32, #tpu.memory_space<vmem>> -> memref<50xi32, #tpu.memory_space<vmem>>
    %dma_wait3A_177 = arith.constant 0 : i32
    %dma_wait3A_178 = arith.constant 0 : i32
    %dma_wait3A_179 = tpu.memref_slice %arg2[%dma_wait3A_177, %dma_wait3A_178] : memref<10240x128xf32, #tpu.memory_space<hbm>> -> memref<10240x128xf32, #tpu.memory_space<hbm>>
    tpu.wait_indirect_dma semaphore(%arg17 : memref<!tpu.dma_semaphore, #tpu.memory_space<semaphore_mem>>) src(%dma_wait3A_179 : memref<10240x128xf32, #tpu.memory_space<hbm>>) dst(%arg11 : memref<50x128xf32, #tpu.memory_space<vmem>>)
    %dma_start3A_180 = arith.constant 98 : i32
    %dma_start3A_181 = arith.constant 0 : i32
    %dma_start3A_182 = tpu.memref_slice %arg7[%dma_start3A_180, %dma_start3A_181] : memref<100x50xi32, #tpu.memory_space<vmem>> -> memref<1x50xi32, #tpu.memory_space<vmem>>
    %dma_start3A_183 = tpu.memref_squeeze %dma_start3A_182 : memref<1x50xi32, #tpu.memory_space<vmem>> -> memref<50xi32, #tpu.memory_space<vmem>>
    %dma_start3A_184 = arith.constant 0 : i32
    %dma_start3A_185 = arith.constant 0 : i32
    %dma_start3A_186 = tpu.memref_slice %arg8[%dma_start3A_184, %dma_start3A_185] : memref<10240x128xf32, #tpu.memory_space<vmem_shared>> -> memref<10240x128xf32, #tpu.memory_space<vmem_shared>>
    tpu.enqueue_indirect_dma source(%arg11 : memref<50x128xf32, #tpu.memory_space<vmem>>) target(%dma_start3A_186 : memref<10240x128xf32, #tpu.memory_space<vmem_shared>>) offsets(%dma_start3A_183 : memref<50xi32, #tpu.memory_space<vmem>>) semaphore(%arg18 : memref<!tpu.dma_semaphore, #tpu.memory_space<semaphore_mem>>) {add = true}
    %get3A_187 = arith.constant 98 : i32
    %get3A_188 = arith.index_cast %get3A_187 : i32 to index
    %get3A_189 = arith.constant 0 : index
    %get3A_190 = tpu.vector_load %arg7[%get3A_188, %get3A_189] {strides = array<i32>} : memref<100x50xi32, #tpu.memory_space<vmem>>, vector<16xi32>,
    tpu.vector_store_idx %arg21[%get3A_190], %broadcast_in_dim3A_79 {add = true} : memref<10240xf32, #tpu.memory_space<vmem>>[vector<16xi32>], vector<16xf32>,
    %get3A_191 = arith.constant 98 : i32
    %get3A_192 = arith.index_cast %get3A_191 : i32 to index
    %get3A_193 = arith.constant 16 : index
    %get3A_194 = tpu.vector_load %arg7[%get3A_192, %get3A_193] {strides = array<i32>} : memref<100x50xi32, #tpu.memory_space<vmem>>, vector<16xi32>,
    tpu.vector_store_idx %arg21[%get3A_194], %broadcast_in_dim3A_79 {add = true} : memref<10240xf32, #tpu.memory_space<vmem>>[vector<16xi32>], vector<16xf32>,
    %get3A_195 = arith.constant 98 : i32
    %get3A_196 = arith.index_cast %get3A_195 : i32 to index
    %get3A_197 = arith.constant 32 : index
    %get3A_198 = tpu.vector_load %arg7[%get3A_196, %get3A_197] {strides = array<i32>} : memref<100x50xi32, #tpu.memory_space<vmem>>, vector<16xi32>,
    tpu.vector_store_idx %arg21[%get3A_198], %broadcast_in_dim3A_79 {add = true} : memref<10240xf32, #tpu.memory_space<vmem>>[vector<16xi32>], vector<16xf32>,
    %get3A_199 = arith.constant 98 : i32
    %get3A_200 = arith.index_cast %get3A_199 : i32 to index
    %get3A_201 = arith.constant 34 : index
    %get3A_202 = tpu.vector_load %arg7[%get3A_200, %get3A_201] {strides = array<i32>} : memref<100x50xi32, #tpu.memory_space<vmem>>, vector<16xi32>,
    tpu.vector_store_idx %arg21[%get3A_202], %broadcast_in_dim3A_79 masked %ge3A_81 {add = true} : memref<10240xf32, #tpu.memory_space<vmem>>[vector<16xi32>], vector<16xf32>, vector<16xi1>
    %dma_wait3A_203 = arith.constant 99 : i32
    %dma_wait3A_204 = arith.constant 0 : i32
    %dma_wait3A_205 = tpu.memref_slice %arg6[%dma_wait3A_203, %dma_wait3A_204] : memref<100x50xi32, #tpu.memory_space<vmem>> -> memref<1x50xi32, #tpu.memory_space<vmem>>
    %dma_wait3A_206 = tpu.memref_squeeze %dma_wait3A_205 : memref<1x50xi32, #tpu.memory_space<vmem>> -> memref<50xi32, #tpu.memory_space<vmem>>
    %dma_wait3A_207 = arith.constant 0 : i32
    %dma_wait3A_208 = arith.constant 0 : i32
    %dma_wait3A_209 = tpu.memref_slice %arg2[%dma_wait3A_207, %dma_wait3A_208] : memref<10240x128xf32, #tpu.memory_space<hbm>> -> memref<10240x128xf32, #tpu.memory_space<hbm>>
    tpu.wait_indirect_dma semaphore(%arg19 : memref<!tpu.dma_semaphore, #tpu.memory_space<semaphore_mem>>) src(%dma_wait3A_209 : memref<10240x128xf32, #tpu.memory_space<hbm>>) dst(%arg12 : memref<50x128xf32, #tpu.memory_space<vmem>>)
    %dma_start3A_210 = arith.constant 99 : i32
    %dma_start3A_211 = arith.constant 0 : i32
    %dma_start3A_212 = tpu.memref_slice %arg7[%dma_start3A_210, %dma_start3A_211] : memref<100x50xi32, #tpu.memory_space<vmem>> -> memref<1x50xi32, #tpu.memory_space<vmem>>
    %dma_start3A_213 = tpu.memref_squeeze %dma_start3A_212 : memref<1x50xi32, #tpu.memory_space<vmem>> -> memref<50xi32, #tpu.memory_space<vmem>>
    %dma_start3A_214 = arith.constant 0 : i32
    %dma_start3A_215 = arith.constant 0 : i32
    %dma_start3A_216 = tpu.memref_slice %arg8[%dma_start3A_214, %dma_start3A_215] : memref<10240x128xf32, #tpu.memory_space<vmem_shared>> -> memref<10240x128xf32, #tpu.memory_space<vmem_shared>>
    tpu.enqueue_indirect_dma source(%arg12 : memref<50x128xf32, #tpu.memory_space<vmem>>) target(%dma_start3A_216 : memref<10240x128xf32, #tpu.memory_space<vmem_shared>>) offsets(%dma_start3A_213 : memref<50xi32, #tpu.memory_space<vmem>>) semaphore(%arg20 : memref<!tpu.dma_semaphore, #tpu.memory_space<semaphore_mem>>) {add = true}
    %get3A_217 = arith.constant 99 : i32
    %get3A_218 = arith.index_cast %get3A_217 : i32 to index
    %get3A_219 = arith.constant 0 : index
    %get3A_220 = tpu.vector_load %arg7[%get3A_218, %get3A_219] {strides = array<i32>} : memref<100x50xi32, #tpu.memory_space<vmem>>, vector<16xi32>,
    tpu.vector_store_idx %arg21[%get3A_220], %broadcast_in_dim3A_79 {add = true} : memref<10240xf32, #tpu.memory_space<vmem>>[vector<16xi32>], vector<16xf32>,
    %get3A_221 = arith.constant 99 : i32
    %get3A_222 = arith.index_cast %get3A_221 : i32 to index
    %get3A_223 = arith.constant 16 : index
    %get3A_224 = tpu.vector_load %arg7[%get3A_222, %get3A_223] {strides = array<i32>} : memref<100x50xi32, #tpu.memory_space<vmem>>, vector<16xi32>,
    tpu.vector_store_idx %arg21[%get3A_224], %broadcast_in_dim3A_79 {add = true} : memref<10240xf32, #tpu.memory_space<vmem>>[vector<16xi32>], vector<16xf32>,
    %get3A_225 = arith.constant 99 : i32
    %get3A_226 = arith.index_cast %get3A_225 : i32 to index
    %get3A_227 = arith.constant 32 : index
    %get3A_228 = tpu.vector_load %arg7[%get3A_226, %get3A_227] {strides = array<i32>} : memref<100x50xi32, #tpu.memory_space<vmem>>, vector<16xi32>,
    tpu.vector_store_idx %arg21[%get3A_228], %broadcast_in_dim3A_79 {add = true} : memref<10240xf32, #tpu.memory_space<vmem>>[vector<16xi32>], vector<16xf32>,
    %get3A_229 = arith.constant 99 : i32
    %get3A_230 = arith.index_cast %get3A_229 : i32 to index
    %get3A_231 = arith.constant 34 : index
    %get3A_232 = tpu.vector_load %arg7[%get3A_230, %get3A_231] {strides = array<i32>} : memref<100x50xi32, #tpu.memory_space<vmem>>, vector<16xi32>,
    tpu.vector_store_idx %arg21[%get3A_232], %broadcast_in_dim3A_79 masked %ge3A_81 {add = true} : memref<10240xf32, #tpu.memory_space<vmem>>[vector<16xi32>], vector<16xf32>, vector<16xi1>
    %dma_wait3A_233 = arith.constant 96 : i32
    %dma_wait3A_234 = arith.constant 0 : i32
    %dma_wait3A_235 = tpu.memref_slice %arg7[%dma_wait3A_233, %dma_wait3A_234] : memref<100x50xi32, #tpu.memory_space<vmem>> -> memref<1x50xi32, #tpu.memory_space<vmem>>
    %dma_wait3A_236 = tpu.memref_squeeze %dma_wait3A_235 : memref<1x50xi32, #tpu.memory_space<vmem>> -> memref<50xi32, #tpu.memory_space<vmem>>
    %dma_wait3A_237 = arith.constant 0 : i32
    %dma_wait3A_238 = arith.constant 0 : i32
    %dma_wait3A_239 = tpu.memref_slice %arg8[%dma_wait3A_237, %dma_wait3A_238] : memref<10240x128xf32, #tpu.memory_space<vmem_shared>> -> memref<10240x128xf32, #tpu.memory_space<vmem_shared>>
    tpu.wait_indirect_dma semaphore(%arg14 : memref<!tpu.dma_semaphore, #tpu.memory_space<semaphore_mem>>) src(%arg9 : memref<50x128xf32, #tpu.memory_space<vmem>>) dst(%dma_wait3A_239 : memref<10240x128xf32, #tpu.memory_space<vmem_shared>>)
    %dma_wait3A_240 = arith.constant 97 : i32
    %dma_wait3A_241 = arith.constant 0 : i32
    %dma_wait3A_242 = tpu.memref_slice %arg7[%dma_wait3A_240, %dma_wait3A_241] : memref<100x50xi32, #tpu.memory_space<vmem>> -> memref<1x50xi32, #tpu.memory_space<vmem>>
    %dma_wait3A_243 = tpu.memref_squeeze %dma_wait3A_242 : memref<1x50xi32, #tpu.memory_space<vmem>> -> memref<50xi32, #tpu.memory_space<vmem>>
    %dma_wait3A_244 = arith.constant 0 : i32
    %dma_wait3A_245 = arith.constant 0 : i32
    %dma_wait3A_246 = tpu.memref_slice %arg8[%dma_wait3A_244, %dma_wait3A_245] : memref<10240x128xf32, #tpu.memory_space<vmem_shared>> -> memref<10240x128xf32, #tpu.memory_space<vmem_shared>>
    tpu.wait_indirect_dma semaphore(%arg16 : memref<!tpu.dma_semaphore, #tpu.memory_space<semaphore_mem>>) src(%arg10 : memref<50x128xf32, #tpu.memory_space<vmem>>) dst(%dma_wait3A_246 : memref<10240x128xf32, #tpu.memory_space<vmem_shared>>)
    %dma_wait3A_247 = arith.constant 98 : i32
    %dma_wait3A_248 = arith.constant 0 : i32
    %dma_wait3A_249 = tpu.memref_slice %arg7[%dma_wait3A_247, %dma_wait3A_248] : memref<100x50xi32, #tpu.memory_space<vmem>> -> memref<1x50xi32, #tpu.memory_space<vmem>>
    %dma_wait3A_250 = tpu.memref_squeeze %dma_wait3A_249 : memref<1x50xi32, #tpu.memory_space<vmem>> -> memref<50xi32, #tpu.memory_space<vmem>>
    %dma_wait3A_251 = arith.constant 0 : i32
    %dma_wait3A_252 = arith.constant 0 : i32
    %dma_wait3A_253 = tpu.memref_slice %arg8[%dma_wait3A_251, %dma_wait3A_252] : memref<10240x128xf32, #tpu.memory_space<vmem_shared>> -> memref<10240x128xf32, #tpu.memory_space<vmem_shared>>
    tpu.wait_indirect_dma semaphore(%arg18 : memref<!tpu.dma_semaphore, #tpu.memory_space<semaphore_mem>>) src(%arg11 : memref<50x128xf32, #tpu.memory_space<vmem>>) dst(%dma_wait3A_253 : memref<10240x128xf32, #tpu.memory_space<vmem_shared>>)
    %dma_wait3A_254 = arith.constant 99 : i32
    %dma_wait3A_255 = arith.constant 0 : i32
    %dma_wait3A_256 = tpu.memref_slice %arg7[%dma_wait3A_254, %dma_wait3A_255] : memref<100x50xi32, #tpu.memory_space<vmem>> -> memref<1x50xi32, #tpu.memory_space<vmem>>
    %dma_wait3A_257 = tpu.memref_squeeze %dma_wait3A_256 : memref<1x50xi32, #tpu.memory_space<vmem>> -> memref<50xi32, #tpu.memory_space<vmem>>
    %dma_wait3A_258 = arith.constant 0 : i32
    %dma_wait3A_259 = arith.constant 0 : i32
    %dma_wait3A_260 = tpu.memref_slice %arg8[%dma_wait3A_258, %dma_wait3A_259] : memref<10240x128xf32, #tpu.memory_space<vmem_shared>> -> memref<10240x128xf32, #tpu.memory_space<vmem_shared>>
    tpu.wait_indirect_dma semaphore(%arg20 : memref<!tpu.dma_semaphore, #tpu.memory_space<semaphore_mem>>) src(%arg12 : memref<50x128xf32, #tpu.memory_space<vmem>>) dst(%dma_wait3A_260 : memref<10240x128xf32, #tpu.memory_space<vmem_shared>>)
    %run_scoped3A_261 = arith.constant 0 : i32
    "tpu.region"() ({
      %run_scoped3A_451 = tpu.sem_alloc : memref<!tpu.dma_semaphore, #tpu.memory_space<semaphore_mem>>
      %dma_start3A_452 = arith.constant 100 : i32
      %dma_start3A_453 = arith.constant 0 : i32
      %dma_start3A_454 = tpu.memref_slice %arg3[%run_scoped3A_261, %add3A, %dma_start3A_452, %dma_start3A_453] : memref<2x32x200x50xi32, #tpu.memory_space<hbm>> -> memref<1x1x100x50xi32, #tpu.memory_space<hbm>>
      %dma_start3A_455 = tpu.memref_squeeze %dma_start3A_454 : memref<1x1x100x50xi32, #tpu.memory_space<hbm>> -> memref<100x50xi32, #tpu.memory_space<hbm>>
      %dma_start3A_456 = arith.constant 100 : i32
      %dma_start3A_457 = arith.constant 0 : i32
      %dma_start3A_458 = tpu.memref_slice %arg3[%run_scoped3A_261, %add3A, %dma_start3A_456, %dma_start3A_457] : memref<2x32x200x50xi32, #tpu.memory_space<hbm>> -> memref<1x1x100x50xi32, #tpu.memory_space<hbm>>
      %dma_start3A_459 = tpu.memref_squeeze %dma_start3A_458 : memref<1x1x100x50xi32, #tpu.memory_space<hbm>> -> memref<100x50xi32, #tpu.memory_space<hbm>>
      tpu.enqueue_dma source(%dma_start3A_459 : memref<100x50xi32, #tpu.memory_space<hbm>>) target(%arg6 : memref<100x50xi32, #tpu.memory_space<vmem>>) target_semaphore(%run_scoped3A_451 : memref<!tpu.dma_semaphore, #tpu.memory_space<semaphore_mem>>)
      %dma_wait3A_460 = arith.constant 100 : i32
      %dma_wait3A_461 = arith.constant 0 : i32
      %dma_wait3A_462 = tpu.memref_slice %arg3[%run_scoped3A_261, %add3A, %dma_wait3A_460, %dma_wait3A_461] : memref<2x32x200x50xi32, #tpu.memory_space<hbm>> -> memref<1x1x100x50xi32, #tpu.memory_space<hbm>>
      %dma_wait3A_463 = tpu.memref_squeeze %dma_wait3A_462 : memref<1x1x100x50xi32, #tpu.memory_space<hbm>> -> memref<100x50xi32, #tpu.memory_space<hbm>>
      %dma_wait3A_464 = arith.constant 100 : i32
      %dma_wait3A_465 = arith.constant 0 : i32
      %dma_wait3A_466 = tpu.memref_slice %arg3[%run_scoped3A_261, %add3A, %dma_wait3A_464, %dma_wait3A_465] : memref<2x32x200x50xi32, #tpu.memory_space<hbm>> -> memref<1x1x100x50xi32, #tpu.memory_space<hbm>>
      %dma_wait3A_467 = tpu.memref_squeeze %dma_wait3A_466 : memref<1x1x100x50xi32, #tpu.memory_space<hbm>> -> memref<100x50xi32, #tpu.memory_space<hbm>>
      tpu.wait_dma2 semaphore(%run_scoped3A_451 : memref<!tpu.dma_semaphore, #tpu.memory_space<semaphore_mem>>) src(%dma_wait3A_467 : memref<100x50xi32, #tpu.memory_space<hbm>>) dst(%arg6 : memref<100x50xi32, #tpu.memory_space<vmem>>)
      tpu.yield
    }) : () -> ()
    %run_scoped3A_262 = arith.constant 1 : i32
    "tpu.region"() ({
      %run_scoped3A_451 = tpu.sem_alloc : memref<!tpu.dma_semaphore, #tpu.memory_space<semaphore_mem>>
      %dma_start3A_452 = arith.constant 100 : i32
      %dma_start3A_453 = arith.constant 0 : i32
      %dma_start3A_454 = tpu.memref_slice %arg3[%run_scoped3A_262, %add3A, %dma_start3A_452, %dma_start3A_453] : memref<2x32x200x50xi32, #tpu.memory_space<hbm>> -> memref<1x1x100x50xi32, #tpu.memory_space<hbm>>
      %dma_start3A_455 = tpu.memref_squeeze %dma_start3A_454 : memref<1x1x100x50xi32, #tpu.memory_space<hbm>> -> memref<100x50xi32, #tpu.memory_space<hbm>>
      %dma_start3A_456 = arith.constant 100 : i32
      %dma_start3A_457 = arith.constant 0 : i32
      %dma_start3A_458 = tpu.memref_slice %arg3[%run_scoped3A_262, %add3A, %dma_start3A_456, %dma_start3A_457] : memref<2x32x200x50xi32, #tpu.memory_space<hbm>> -> memref<1x1x100x50xi32, #tpu.memory_space<hbm>>
      %dma_start3A_459 = tpu.memref_squeeze %dma_start3A_458 : memref<1x1x100x50xi32, #tpu.memory_space<hbm>> -> memref<100x50xi32, #tpu.memory_space<hbm>>
      tpu.enqueue_dma source(%dma_start3A_459 : memref<100x50xi32, #tpu.memory_space<hbm>>) target(%arg7 : memref<100x50xi32, #tpu.memory_space<vmem>>) target_semaphore(%run_scoped3A_451 : memref<!tpu.dma_semaphore, #tpu.memory_space<semaphore_mem>>)
      %dma_wait3A_460 = arith.constant 100 : i32
      %dma_wait3A_461 = arith.constant 0 : i32
      %dma_wait3A_462 = tpu.memref_slice %arg3[%run_scoped3A_262, %add3A, %dma_wait3A_460, %dma_wait3A_461] : memref<2x32x200x50xi32, #tpu.memory_space<hbm>> -> memref<1x1x100x50xi32, #tpu.memory_space<hbm>>
      %dma_wait3A_463 = tpu.memref_squeeze %dma_wait3A_462 : memref<1x1x100x50xi32, #tpu.memory_space<hbm>> -> memref<100x50xi32, #tpu.memory_space<hbm>>
      %dma_wait3A_464 = arith.constant 100 : i32
      %dma_wait3A_465 = arith.constant 0 : i32
      %dma_wait3A_466 = tpu.memref_slice %arg3[%run_scoped3A_262, %add3A, %dma_wait3A_464, %dma_wait3A_465] : memref<2x32x200x50xi32, #tpu.memory_space<hbm>> -> memref<1x1x100x50xi32, #tpu.memory_space<hbm>>
      %dma_wait3A_467 = tpu.memref_squeeze %dma_wait3A_466 : memref<1x1x100x50xi32, #tpu.memory_space<hbm>> -> memref<100x50xi32, #tpu.memory_space<hbm>>
      tpu.wait_dma2 semaphore(%run_scoped3A_451 : memref<!tpu.dma_semaphore, #tpu.memory_space<semaphore_mem>>) src(%dma_wait3A_467 : memref<100x50xi32, #tpu.memory_space<hbm>>) dst(%arg7 : memref<100x50xi32, #tpu.memory_space<vmem>>)
      tpu.yield
    }) : () -> ()
    %dma_start3A_263 = arith.constant 0 : i32
    %dma_start3A_264 = arith.constant 0 : i32
    %dma_start3A_265 = tpu.memref_slice %arg6[%dma_start3A_263, %dma_start3A_264] : memref<100x50xi32, #tpu.memory_space<vmem>> -> memref<1x50xi32, #tpu.memory_space<vmem>>
    %dma_start3A_266 = tpu.memref_squeeze %dma_start3A_265 : memref<1x50xi32, #tpu.memory_space<vmem>> -> memref<50xi32, #tpu.memory_space<vmem>>
    %dma_start3A_267 = arith.constant 0 : i32
    %dma_start3A_268 = arith.constant 0 : i32
    %dma_start3A_269 = tpu.memref_slice %arg2[%dma_start3A_267, %dma_start3A_268] : memref<10240x128xf32, #tpu.memory_space<hbm>> -> memref<10240x128xf32, #tpu.memory_space<hbm>>
    tpu.enqueue_indirect_dma source(%dma_start3A_269 : memref<10240x128xf32, #tpu.memory_space<hbm>>) target(%arg9 : memref<50x128xf32, #tpu.memory_space<vmem>>) offsets(%dma_start3A_266 : memref<50xi32, #tpu.memory_space<vmem>>) semaphore(%arg13 : memref<!tpu.dma_semaphore, #tpu.memory_space<semaphore_mem>>)
    %dma_start3A_270 = arith.constant 1 : i32
    %dma_start3A_271 = arith.constant 0 : i32
    %dma_start3A_272 = tpu.memref_slice %arg6[%dma_start3A_270, %dma_start3A_271] : memref<100x50xi32, #tpu.memory_space<vmem>> -> memref<1x50xi32, #tpu.memory_space<vmem>>
    %dma_start3A_273 = tpu.memref_squeeze %dma_start3A_272 : memref<1x50xi32, #tpu.memory_space<vmem>> -> memref<50xi32, #tpu.memory_space<vmem>>
    %dma_start3A_274 = arith.constant 0 : i32
    %dma_start3A_275 = arith.constant 0 : i32
    %dma_start3A_276 = tpu.memref_slice %arg2[%dma_start3A_274, %dma_start3A_275] : memref<10240x128xf32, #tpu.memory_space<hbm>> -> memref<10240x128xf32, #tpu.memory_space<hbm>>
    tpu.enqueue_indirect_dma source(%dma_start3A_276 : memref<10240x128xf32, #tpu.memory_space<hbm>>) target(%arg10 : memref<50x128xf32, #tpu.memory_space<vmem>>) offsets(%dma_start3A_273 : memref<50xi32, #tpu.memory_space<vmem>>) semaphore(%arg15 : memref<!tpu.dma_semaphore, #tpu.memory_space<semaphore_mem>>)
    %dma_start3A_277 = arith.constant 2 : i32
    %dma_start3A_278 = arith.constant 0 : i32
    %dma_start3A_279 = tpu.memref_slice %arg6[%dma_start3A_277, %dma_start3A_278] : memref<100x50xi32, #tpu.memory_space<vmem>> -> memref<1x50xi32, #tpu.memory_space<vmem>>
    %dma_start3A_280 = tpu.memref_squeeze %dma_start3A_279 : memref<1x50xi32, #tpu.memory_space<vmem>> -> memref<50xi32, #tpu.memory_space<vmem>>
    %dma_start3A_281 = arith.constant 0 : i32
    %dma_start3A_282 = arith.constant 0 : i32
    %dma_start3A_283 = tpu.memref_slice %arg2[%dma_start3A_281, %dma_start3A_282] : memref<10240x128xf32, #tpu.memory_space<hbm>> -> memref<10240x128xf32, #tpu.memory_space<hbm>>
    tpu.enqueue_indirect_dma source(%dma_start3A_283 : memref<10240x128xf32, #tpu.memory_space<hbm>>) target(%arg11 : memref<50x128xf32, #tpu.memory_space<vmem>>) offsets(%dma_start3A_280 : memref<50xi32, #tpu.memory_space<vmem>>) semaphore(%arg17 : memref<!tpu.dma_semaphore, #tpu.memory_space<semaphore_mem>>)
    %dma_start3A_284 = arith.constant 3 : i32
    %dma_start3A_285 = arith.constant 0 : i32
    %dma_start3A_286 = tpu.memref_slice %arg6[%dma_start3A_284, %dma_start3A_285] : memref<100x50xi32, #tpu.memory_space<vmem>> -> memref<1x50xi32, #tpu.memory_space<vmem>>
    %dma_start3A_287 = tpu.memref_squeeze %dma_start3A_286 : memref<1x50xi32, #tpu.memory_space<vmem>> -> memref<50xi32, #tpu.memory_space<vmem>>
    %dma_start3A_288 = arith.constant 0 : i32
    %dma_start3A_289 = arith.constant 0 : i32
    %dma_start3A_290 = tpu.memref_slice %arg2[%dma_start3A_288, %dma_start3A_289] : memref<10240x128xf32, #tpu.memory_space<hbm>> -> memref<10240x128xf32, #tpu.memory_space<hbm>>
    tpu.enqueue_indirect_dma source(%dma_start3A_290 : memref<10240x128xf32, #tpu.memory_space<hbm>>) target(%arg12 : memref<50x128xf32, #tpu.memory_space<vmem>>) offsets(%dma_start3A_287 : memref<50xi32, #tpu.memory_space<vmem>>) semaphore(%arg19 : memref<!tpu.dma_semaphore, #tpu.memory_space<semaphore_mem>>)
    %scan3A_291 = arith.constant 0 : i32
    %scan3A_292 = arith.constant 0 : i32
    %scan3A_293 = arith.constant 24 : i32
    %scan3A_294 = arith.addi %scan3A_292, %scan3A_293 : i32
    %scan3A_295 = arith.constant 1 : i32
    scf.for %scan3A_451 = %scan3A_292 to %scan3A_294 step %scan3A_295  : i32 {
      %mul3A_452 = arith.constant 4 : i32
      %mul3A_453 = arith.muli %mul3A_452, %scan3A_451 : i32
      %add3A_454 = arith.constant 0 : i32
      %add3A_455 = arith.addi %mul3A_453, %add3A_454 : i32
      %dma_wait3A_456 = arith.constant 0 : i32
      %dma_wait3A_457 = tpu.memref_slice %arg6[%add3A_455, %dma_wait3A_456] : memref<100x50xi32, #tpu.memory_space<vmem>> -> memref<1x50xi32, #tpu.memory_space<vmem>>
      %dma_wait3A_458 = tpu.memref_squeeze %dma_wait3A_457 : memref<1x50xi32, #tpu.memory_space<vmem>> -> memref<50xi32, #tpu.memory_space<vmem>>
      %dma_wait3A_459 = arith.constant 0 : i32
      %dma_wait3A_460 = arith.constant 0 : i32
      %dma_wait3A_461 = tpu.memref_slice %arg2[%dma_wait3A_459, %dma_wait3A_460] : memref<10240x128xf32, #tpu.memory_space<hbm>> -> memref<10240x128xf32, #tpu.memory_space<hbm>>
      tpu.wait_indirect_dma semaphore(%arg13 : memref<!tpu.dma_semaphore, #tpu.memory_space<semaphore_mem>>) src(%dma_wait3A_461 : memref<10240x128xf32, #tpu.memory_space<hbm>>) dst(%arg9 : memref<50x128xf32, #tpu.memory_space<vmem>>)
      %add3A_462 = arith.constant 0 : i32
      %add3A_463 = arith.addi %mul3A_453, %add3A_462 : i32
      %dma_start3A_464 = arith.constant 0 : i32
      %dma_start3A_465 = tpu.memref_slice %arg7[%add3A_463, %dma_start3A_464] : memref<100x50xi32, #tpu.memory_space<vmem>> -> memref<1x50xi32, #tpu.memory_space<vmem>>
      %dma_start3A_466 = tpu.memref_squeeze %dma_start3A_465 : memref<1x50xi32, #tpu.memory_space<vmem>> -> memref<50xi32, #tpu.memory_space<vmem>>
      %dma_start3A_467 = arith.constant 0 : i32
      %dma_start3A_468 = arith.constant 0 : i32
      %dma_start3A_469 = tpu.memref_slice %arg8[%dma_start3A_467, %dma_start3A_468] : memref<10240x128xf32, #tpu.memory_space<vmem_shared>> -> memref<10240x128xf32, #tpu.memory_space<vmem_shared>>
      tpu.enqueue_indirect_dma source(%arg9 : memref<50x128xf32, #tpu.memory_space<vmem>>) target(%dma_start3A_469 : memref<10240x128xf32, #tpu.memory_space<vmem_shared>>) offsets(%dma_start3A_466 : memref<50xi32, #tpu.memory_space<vmem>>) semaphore(%arg14 : memref<!tpu.dma_semaphore, #tpu.memory_space<semaphore_mem>>) {add = true}
      %add3A_470 = arith.constant 0 : i32
      %add3A_471 = arith.addi %mul3A_453, %add3A_470 : i32
      %get3A_472 = arith.index_cast %add3A_471 : i32 to index
      %get3A_473 = arith.constant 0 : index
      %get3A_474 = tpu.vector_load %arg7[%get3A_472, %get3A_473] {strides = array<i32>} : memref<100x50xi32, #tpu.memory_space<vmem>>, vector<16xi32>,
      tpu.vector_store_idx %arg21[%get3A_474], %broadcast_in_dim3A_79 {add = true} : memref<10240xf32, #tpu.memory_space<vmem>>[vector<16xi32>], vector<16xf32>,
      %get3A_475 = arith.index_cast %add3A_471 : i32 to index
      %get3A_476 = arith.constant 16 : index
      %get3A_477 = tpu.vector_load %arg7[%get3A_475, %get3A_476] {strides = array<i32>} : memref<100x50xi32, #tpu.memory_space<vmem>>, vector<16xi32>,
      tpu.vector_store_idx %arg21[%get3A_477], %broadcast_in_dim3A_79 {add = true} : memref<10240xf32, #tpu.memory_space<vmem>>[vector<16xi32>], vector<16xf32>,
      %get3A_478 = arith.index_cast %add3A_471 : i32 to index
      %get3A_479 = arith.constant 32 : index
      %get3A_480 = tpu.vector_load %arg7[%get3A_478, %get3A_479] {strides = array<i32>} : memref<100x50xi32, #tpu.memory_space<vmem>>, vector<16xi32>,
      tpu.vector_store_idx %arg21[%get3A_480], %broadcast_in_dim3A_79 {add = true} : memref<10240xf32, #tpu.memory_space<vmem>>[vector<16xi32>], vector<16xf32>,
      %get3A_481 = arith.index_cast %add3A_471 : i32 to index
      %get3A_482 = arith.constant 34 : index
      %get3A_483 = tpu.vector_load %arg7[%get3A_481, %get3A_482] {strides = array<i32>} : memref<100x50xi32, #tpu.memory_space<vmem>>, vector<16xi32>,
      tpu.vector_store_idx %arg21[%get3A_483], %broadcast_in_dim3A_79 masked %ge3A_81 {add = true} : memref<10240xf32, #tpu.memory_space<vmem>>[vector<16xi32>], vector<16xf32>, vector<16xi1>
      %add3A_484 = arith.constant 1 : i32
      %add3A_485 = arith.addi %mul3A_453, %add3A_484 : i32
      %dma_wait3A_486 = arith.constant 0 : i32
      %dma_wait3A_487 = tpu.memref_slice %arg6[%add3A_485, %dma_wait3A_486] : memref<100x50xi32, #tpu.memory_space<vmem>> -> memref<1x50xi32, #tpu.memory_space<vmem>>
      %dma_wait3A_488 = tpu.memref_squeeze %dma_wait3A_487 : memref<1x50xi32, #tpu.memory_space<vmem>> -> memref<50xi32, #tpu.memory_space<vmem>>
      %dma_wait3A_489 = arith.constant 0 : i32
      %dma_wait3A_490 = arith.constant 0 : i32
      %dma_wait3A_491 = tpu.memref_slice %arg2[%dma_wait3A_489, %dma_wait3A_490] : memref<10240x128xf32, #tpu.memory_space<hbm>> -> memref<10240x128xf32, #tpu.memory_space<hbm>>
      tpu.wait_indirect_dma semaphore(%arg15 : memref<!tpu.dma_semaphore, #tpu.memory_space<semaphore_mem>>) src(%dma_wait3A_491 : memref<10240x128xf32, #tpu.memory_space<hbm>>) dst(%arg10 : memref<50x128xf32, #tpu.memory_space<vmem>>)
      %add3A_492 = arith.constant 1 : i32
      %add3A_493 = arith.addi %mul3A_453, %add3A_492 : i32
      %dma_start3A_494 = arith.constant 0 : i32
      %dma_start3A_495 = tpu.memref_slice %arg7[%add3A_493, %dma_start3A_494] : memref<100x50xi32, #tpu.memory_space<vmem>> -> memref<1x50xi32, #tpu.memory_space<vmem>>
      %dma_start3A_496 = tpu.memref_squeeze %dma_start3A_495 : memref<1x50xi32, #tpu.memory_space<vmem>> -> memref<50xi32, #tpu.memory_space<vmem>>
      %dma_start3A_497 = arith.constant 0 : i32
      %dma_start3A_498 = arith.constant 0 : i32
      %dma_start3A_499 = tpu.memref_slice %arg8[%dma_start3A_497, %dma_start3A_498] : memref<10240x128xf32, #tpu.memory_space<vmem_shared>> -> memref<10240x128xf32, #tpu.memory_space<vmem_shared>>
      tpu.enqueue_indirect_dma source(%arg10 : memref<50x128xf32, #tpu.memory_space<vmem>>) target(%dma_start3A_499 : memref<10240x128xf32, #tpu.memory_space<vmem_shared>>) offsets(%dma_start3A_496 : memref<50xi32, #tpu.memory_space<vmem>>) semaphore(%arg16 : memref<!tpu.dma_semaphore, #tpu.memory_space<semaphore_mem>>) {add = true}
      %add3A_500 = arith.constant 1 : i32
      %add3A_501 = arith.addi %mul3A_453, %add3A_500 : i32
      %get3A_502 = arith.index_cast %add3A_501 : i32 to index
      %get3A_503 = arith.constant 0 : index
      %get3A_504 = tpu.vector_load %arg7[%get3A_502, %get3A_503] {strides = array<i32>} : memref<100x50xi32, #tpu.memory_space<vmem>>, vector<16xi32>,
      tpu.vector_store_idx %arg21[%get3A_504], %broadcast_in_dim3A_79 {add = true} : memref<10240xf32, #tpu.memory_space<vmem>>[vector<16xi32>], vector<16xf32>,
      %get3A_505 = arith.index_cast %add3A_501 : i32 to index
      %get3A_506 = arith.constant 16 : index
      %get3A_507 = tpu.vector_load %arg7[%get3A_505, %get3A_506] {strides = array<i32>} : memref<100x50xi32, #tpu.memory_space<vmem>>, vector<16xi32>,
      tpu.vector_store_idx %arg21[%get3A_507], %broadcast_in_dim3A_79 {add = true} : memref<10240xf32, #tpu.memory_space<vmem>>[vector<16xi32>], vector<16xf32>,
      %get3A_508 = arith.index_cast %add3A_501 : i32 to index
      %get3A_509 = arith.constant 32 : index
      %get3A_510 = tpu.vector_load %arg7[%get3A_508, %get3A_509] {strides = array<i32>} : memref<100x50xi32, #tpu.memory_space<vmem>>, vector<16xi32>,
      tpu.vector_store_idx %arg21[%get3A_510], %broadcast_in_dim3A_79 {add = true} : memref<10240xf32, #tpu.memory_space<vmem>>[vector<16xi32>], vector<16xf32>,
      %get3A_511 = arith.index_cast %add3A_501 : i32 to index
      %get3A_512 = arith.constant 34 : index
      %get3A_513 = tpu.vector_load %arg7[%get3A_511, %get3A_512] {strides = array<i32>} : memref<100x50xi32, #tpu.memory_space<vmem>>, vector<16xi32>,
      tpu.vector_store_idx %arg21[%get3A_513], %broadcast_in_dim3A_79 masked %ge3A_81 {add = true} : memref<10240xf32, #tpu.memory_space<vmem>>[vector<16xi32>], vector<16xf32>, vector<16xi1>
      %add3A_514 = arith.constant 2 : i32
      %add3A_515 = arith.addi %mul3A_453, %add3A_514 : i32
      %dma_wait3A_516 = arith.constant 0 : i32
      %dma_wait3A_517 = tpu.memref_slice %arg6[%add3A_515, %dma_wait3A_516] : memref<100x50xi32, #tpu.memory_space<vmem>> -> memref<1x50xi32, #tpu.memory_space<vmem>>
      %dma_wait3A_518 = tpu.memref_squeeze %dma_wait3A_517 : memref<1x50xi32, #tpu.memory_space<vmem>> -> memref<50xi32, #tpu.memory_space<vmem>>
      %dma_wait3A_519 = arith.constant 0 : i32
      %dma_wait3A_520 = arith.constant 0 : i32
      %dma_wait3A_521 = tpu.memref_slice %arg2[%dma_wait3A_519, %dma_wait3A_520] : memref<10240x128xf32, #tpu.memory_space<hbm>> -> memref<10240x128xf32, #tpu.memory_space<hbm>>
      tpu.wait_indirect_dma semaphore(%arg17 : memref<!tpu.dma_semaphore, #tpu.memory_space<semaphore_mem>>) src(%dma_wait3A_521 : memref<10240x128xf32, #tpu.memory_space<hbm>>) dst(%arg11 : memref<50x128xf32, #tpu.memory_space<vmem>>)
      %add3A_522 = arith.constant 2 : i32
      %add3A_523 = arith.addi %mul3A_453, %add3A_522 : i32
      %dma_start3A_524 = arith.constant 0 : i32
      %dma_start3A_525 = tpu.memref_slice %arg7[%add3A_523, %dma_start3A_524] : memref<100x50xi32, #tpu.memory_space<vmem>> -> memref<1x50xi32, #tpu.memory_space<vmem>>
      %dma_start3A_526 = tpu.memref_squeeze %dma_start3A_525 : memref<1x50xi32, #tpu.memory_space<vmem>> -> memref<50xi32, #tpu.memory_space<vmem>>
      %dma_start3A_527 = arith.constant 0 : i32
      %dma_start3A_528 = arith.constant 0 : i32
      %dma_start3A_529 = tpu.memref_slice %arg8[%dma_start3A_527, %dma_start3A_528] : memref<10240x128xf32, #tpu.memory_space<vmem_shared>> -> memref<10240x128xf32, #tpu.memory_space<vmem_shared>>
      tpu.enqueue_indirect_dma source(%arg11 : memref<50x128xf32, #tpu.memory_space<vmem>>) target(%dma_start3A_529 : memref<10240x128xf32, #tpu.memory_space<vmem_shared>>) offsets(%dma_start3A_526 : memref<50xi32, #tpu.memory_space<vmem>>) semaphore(%arg18 : memref<!tpu.dma_semaphore, #tpu.memory_space<semaphore_mem>>) {add = true}
      %add3A_530 = arith.constant 2 : i32
      %add3A_531 = arith.addi %mul3A_453, %add3A_530 : i32
      %get3A_532 = arith.index_cast %add3A_531 : i32 to index
      %get3A_533 = arith.constant 0 : index
      %get3A_534 = tpu.vector_load %arg7[%get3A_532, %get3A_533] {strides = array<i32>} : memref<100x50xi32, #tpu.memory_space<vmem>>, vector<16xi32>,
      tpu.vector_store_idx %arg21[%get3A_534], %broadcast_in_dim3A_79 {add = true} : memref<10240xf32, #tpu.memory_space<vmem>>[vector<16xi32>], vector<16xf32>,
      %get3A_535 = arith.index_cast %add3A_531 : i32 to index
      %get3A_536 = arith.constant 16 : index
      %get3A_537 = tpu.vector_load %arg7[%get3A_535, %get3A_536] {strides = array<i32>} : memref<100x50xi32, #tpu.memory_space<vmem>>, vector<16xi32>,
      tpu.vector_store_idx %arg21[%get3A_537], %broadcast_in_dim3A_79 {add = true} : memref<10240xf32, #tpu.memory_space<vmem>>[vector<16xi32>], vector<16xf32>,
      %get3A_538 = arith.index_cast %add3A_531 : i32 to index
      %get3A_539 = arith.constant 32 : index
      %get3A_540 = tpu.vector_load %arg7[%get3A_538, %get3A_539] {strides = array<i32>} : memref<100x50xi32, #tpu.memory_space<vmem>>, vector<16xi32>,
      tpu.vector_store_idx %arg21[%get3A_540], %broadcast_in_dim3A_79 {add = true} : memref<10240xf32, #tpu.memory_space<vmem>>[vector<16xi32>], vector<16xf32>,
      %get3A_541 = arith.index_cast %add3A_531 : i32 to index
      %get3A_542 = arith.constant 34 : index
      %get3A_543 = tpu.vector_load %arg7[%get3A_541, %get3A_542] {strides = array<i32>} : memref<100x50xi32, #tpu.memory_space<vmem>>, vector<16xi32>,
      tpu.vector_store_idx %arg21[%get3A_543], %broadcast_in_dim3A_79 masked %ge3A_81 {add = true} : memref<10240xf32, #tpu.memory_space<vmem>>[vector<16xi32>], vector<16xf32>, vector<16xi1>
      %add3A_544 = arith.constant 3 : i32
      %add3A_545 = arith.addi %mul3A_453, %add3A_544 : i32
      %dma_wait3A_546 = arith.constant 0 : i32
      %dma_wait3A_547 = tpu.memref_slice %arg6[%add3A_545, %dma_wait3A_546] : memref<100x50xi32, #tpu.memory_space<vmem>> -> memref<1x50xi32, #tpu.memory_space<vmem>>
      %dma_wait3A_548 = tpu.memref_squeeze %dma_wait3A_547 : memref<1x50xi32, #tpu.memory_space<vmem>> -> memref<50xi32, #tpu.memory_space<vmem>>
      %dma_wait3A_549 = arith.constant 0 : i32
      %dma_wait3A_550 = arith.constant 0 : i32
      %dma_wait3A_551 = tpu.memref_slice %arg2[%dma_wait3A_549, %dma_wait3A_550] : memref<10240x128xf32, #tpu.memory_space<hbm>> -> memref<10240x128xf32, #tpu.memory_space<hbm>>
      tpu.wait_indirect_dma semaphore(%arg19 : memref<!tpu.dma_semaphore, #tpu.memory_space<semaphore_mem>>) src(%dma_wait3A_551 : memref<10240x128xf32, #tpu.memory_space<hbm>>) dst(%arg12 : memref<50x128xf32, #tpu.memory_space<vmem>>)
      %add3A_552 = arith.constant 3 : i32
      %add3A_553 = arith.addi %mul3A_453, %add3A_552 : i32
      %dma_start3A_554 = arith.constant 0 : i32
      %dma_start3A_555 = tpu.memref_slice %arg7[%add3A_553, %dma_start3A_554] : memref<100x50xi32, #tpu.memory_space<vmem>> -> memref<1x50xi32, #tpu.memory_space<vmem>>
      %dma_start3A_556 = tpu.memref_squeeze %dma_start3A_555 : memref<1x50xi32, #tpu.memory_space<vmem>> -> memref<50xi32, #tpu.memory_space<vmem>>
      %dma_start3A_557 = arith.constant 0 : i32
      %dma_start3A_558 = arith.constant 0 : i32
      %dma_start3A_559 = tpu.memref_slice %arg8[%dma_start3A_557, %dma_start3A_558] : memref<10240x128xf32, #tpu.memory_space<vmem_shared>> -> memref<10240x128xf32, #tpu.memory_space<vmem_shared>>
      tpu.enqueue_indirect_dma source(%arg12 : memref<50x128xf32, #tpu.memory_space<vmem>>) target(%dma_start3A_559 : memref<10240x128xf32, #tpu.memory_space<vmem_shared>>) offsets(%dma_start3A_556 : memref<50xi32, #tpu.memory_space<vmem>>) semaphore(%arg20 : memref<!tpu.dma_semaphore, #tpu.memory_space<semaphore_mem>>) {add = true}
      %add3A_560 = arith.constant 3 : i32
      %add3A_561 = arith.addi %mul3A_453, %add3A_560 : i32
      %get3A_562 = arith.index_cast %add3A_561 : i32 to index
      %get3A_563 = arith.constant 0 : index
      %get3A_564 = tpu.vector_load %arg7[%get3A_562, %get3A_563] {strides = array<i32>} : memref<100x50xi32, #tpu.memory_space<vmem>>, vector<16xi32>,
      tpu.vector_store_idx %arg21[%get3A_564], %broadcast_in_dim3A_79 {add = true} : memref<10240xf32, #tpu.memory_space<vmem>>[vector<16xi32>], vector<16xf32>,
      %get3A_565 = arith.index_cast %add3A_561 : i32 to index
      %get3A_566 = arith.constant 16 : index
      %get3A_567 = tpu.vector_load %arg7[%get3A_565, %get3A_566] {strides = array<i32>} : memref<100x50xi32, #tpu.memory_space<vmem>>, vector<16xi32>,
      tpu.vector_store_idx %arg21[%get3A_567], %broadcast_in_dim3A_79 {add = true} : memref<10240xf32, #tpu.memory_space<vmem>>[vector<16xi32>], vector<16xf32>,
      %get3A_568 = arith.index_cast %add3A_561 : i32 to index
      %get3A_569 = arith.constant 32 : index
      %get3A_570 = tpu.vector_load %arg7[%get3A_568, %get3A_569] {strides = array<i32>} : memref<100x50xi32, #tpu.memory_space<vmem>>, vector<16xi32>,
      tpu.vector_store_idx %arg21[%get3A_570], %broadcast_in_dim3A_79 {add = true} : memref<10240xf32, #tpu.memory_space<vmem>>[vector<16xi32>], vector<16xf32>,
      %get3A_571 = arith.index_cast %add3A_561 : i32 to index
      %get3A_572 = arith.constant 34 : index
      %get3A_573 = tpu.vector_load %arg7[%get3A_571, %get3A_572] {strides = array<i32>} : memref<100x50xi32, #tpu.memory_space<vmem>>, vector<16xi32>,
      tpu.vector_store_idx %arg21[%get3A_573], %broadcast_in_dim3A_79 masked %ge3A_81 {add = true} : memref<10240xf32, #tpu.memory_space<vmem>>[vector<16xi32>], vector<16xf32>, vector<16xi1>
      %add3A_574 = arith.constant 0 : i32
      %add3A_575 = arith.addi %mul3A_453, %add3A_574 : i32
      %dma_wait3A_576 = arith.constant 0 : i32
      %dma_wait3A_577 = tpu.memref_slice %arg7[%add3A_575, %dma_wait3A_576] : memref<100x50xi32, #tpu.memory_space<vmem>> -> memref<1x50xi32, #tpu.memory_space<vmem>>
      %dma_wait3A_578 = tpu.memref_squeeze %dma_wait3A_577 : memref<1x50xi32, #tpu.memory_space<vmem>> -> memref<50xi32, #tpu.memory_space<vmem>>
      %dma_wait3A_579 = arith.constant 0 : i32
      %dma_wait3A_580 = arith.constant 0 : i32
      %dma_wait3A_581 = tpu.memref_slice %arg8[%dma_wait3A_579, %dma_wait3A_580] : memref<10240x128xf32, #tpu.memory_space<vmem_shared>> -> memref<10240x128xf32, #tpu.memory_space<vmem_shared>>
      tpu.wait_indirect_dma semaphore(%arg14 : memref<!tpu.dma_semaphore, #tpu.memory_space<semaphore_mem>>) src(%arg9 : memref<50x128xf32, #tpu.memory_space<vmem>>) dst(%dma_wait3A_581 : memref<10240x128xf32, #tpu.memory_space<vmem_shared>>)
      %add3A_582 = arith.constant 0 : i32
      %add3A_583 = arith.addi %mul3A_453, %add3A_582 : i32
      %add3A_584 = arith.constant 4 : i32
      %add3A_585 = arith.addi %add3A_583, %add3A_584 : i32
      %dma_start3A_586 = arith.constant 0 : i32
      %dma_start3A_587 = tpu.memref_slice %arg6[%add3A_585, %dma_start3A_586] : memref<100x50xi32, #tpu.memory_space<vmem>> -> memref<1x50xi32, #tpu.memory_space<vmem>>
      %dma_start3A_588 = tpu.memref_squeeze %dma_start3A_587 : memref<1x50xi32, #tpu.memory_space<vmem>> -> memref<50xi32, #tpu.memory_space<vmem>>
      %dma_start3A_589 = arith.constant 0 : i32
      %dma_start3A_590 = arith.constant 0 : i32
      %dma_start3A_591 = tpu.memref_slice %arg2[%dma_start3A_589, %dma_start3A_590] : memref<10240x128xf32, #tpu.memory_space<hbm>> -> memref<10240x128xf32, #tpu.memory_space<hbm>>
      tpu.enqueue_indirect_dma source(%dma_start3A_591 : memref<10240x128xf32, #tpu.memory_space<hbm>>) target(%arg9 : memref<50x128xf32, #tpu.memory_space<vmem>>) offsets(%dma_start3A_588 : memref<50xi32, #tpu.memory_space<vmem>>) semaphore(%arg13 : memref<!tpu.dma_semaphore, #tpu.memory_space<semaphore_mem>>)
      %add3A_592 = arith.constant 1 : i32
      %add3A_593 = arith.addi %mul3A_453, %add3A_592 : i32
      %dma_wait3A_594 = arith.constant 0 : i32
      %dma_wait3A_595 = tpu.memref_slice %arg7[%add3A_593, %dma_wait3A_594] : memref<100x50xi32, #tpu.memory_space<vmem>> -> memref<1x50xi32, #tpu.memory_space<vmem>>
      %dma_wait3A_596 = tpu.memref_squeeze %dma_wait3A_595 : memref<1x50xi32, #tpu.memory_space<vmem>> -> memref<50xi32, #tpu.memory_space<vmem>>
      %dma_wait3A_597 = arith.constant 0 : i32
      %dma_wait3A_598 = arith.constant 0 : i32
      %dma_wait3A_599 = tpu.memref_slice %arg8[%dma_wait3A_597, %dma_wait3A_598] : memref<10240x128xf32, #tpu.memory_space<vmem_shared>> -> memref<10240x128xf32, #tpu.memory_space<vmem_shared>>
      tpu.wait_indirect_dma semaphore(%arg16 : memref<!tpu.dma_semaphore, #tpu.memory_space<semaphore_mem>>) src(%arg10 : memref<50x128xf32, #tpu.memory_space<vmem>>) dst(%dma_wait3A_599 : memref<10240x128xf32, #tpu.memory_space<vmem_shared>>)
      %add3A_600 = arith.constant 1 : i32
      %add3A_601 = arith.addi %mul3A_453, %add3A_600 : i32
      %add3A_602 = arith.constant 4 : i32
      %add3A_603 = arith.addi %add3A_601, %add3A_602 : i32
      %dma_start3A_604 = arith.constant 0 : i32
      %dma_start3A_605 = tpu.memref_slice %arg6[%add3A_603, %dma_start3A_604] : memref<100x50xi32, #tpu.memory_space<vmem>> -> memref<1x50xi32, #tpu.memory_space<vmem>>
      %dma_start3A_606 = tpu.memref_squeeze %dma_start3A_605 : memref<1x50xi32, #tpu.memory_space<vmem>> -> memref<50xi32, #tpu.memory_space<vmem>>
      %dma_start3A_607 = arith.constant 0 : i32
      %dma_start3A_608 = arith.constant 0 : i32
      %dma_start3A_609 = tpu.memref_slice %arg2[%dma_start3A_607, %dma_start3A_608] : memref<10240x128xf32, #tpu.memory_space<hbm>> -> memref<10240x128xf32, #tpu.memory_space<hbm>>
      tpu.enqueue_indirect_dma source(%dma_start3A_609 : memref<10240x128xf32, #tpu.memory_space<hbm>>) target(%arg10 : memref<50x128xf32, #tpu.memory_space<vmem>>) offsets(%dma_start3A_606 : memref<50xi32, #tpu.memory_space<vmem>>) semaphore(%arg15 : memref<!tpu.dma_semaphore, #tpu.memory_space<semaphore_mem>>)
      %add3A_610 = arith.constant 2 : i32
      %add3A_611 = arith.addi %mul3A_453, %add3A_610 : i32
      %dma_wait3A_612 = arith.constant 0 : i32
      %dma_wait3A_613 = tpu.memref_slice %arg7[%add3A_611, %dma_wait3A_612] : memref<100x50xi32, #tpu.memory_space<vmem>> -> memref<1x50xi32, #tpu.memory_space<vmem>>
      %dma_wait3A_614 = tpu.memref_squeeze %dma_wait3A_613 : memref<1x50xi32, #tpu.memory_space<vmem>> -> memref<50xi32, #tpu.memory_space<vmem>>
      %dma_wait3A_615 = arith.constant 0 : i32
      %dma_wait3A_616 = arith.constant 0 : i32
      %dma_wait3A_617 = tpu.memref_slice %arg8[%dma_wait3A_615, %dma_wait3A_616] : memref<10240x128xf32, #tpu.memory_space<vmem_shared>> -> memref<10240x128xf32, #tpu.memory_space<vmem_shared>>
      tpu.wait_indirect_dma semaphore(%arg18 : memref<!tpu.dma_semaphore, #tpu.memory_space<semaphore_mem>>) src(%arg11 : memref<50x128xf32, #tpu.memory_space<vmem>>) dst(%dma_wait3A_617 : memref<10240x128xf32, #tpu.memory_space<vmem_shared>>)
      %add3A_618 = arith.constant 2 : i32
      %add3A_619 = arith.addi %mul3A_453, %add3A_618 : i32
      %add3A_620 = arith.constant 4 : i32
      %add3A_621 = arith.addi %add3A_619, %add3A_620 : i32
      %dma_start3A_622 = arith.constant 0 : i32
      %dma_start3A_623 = tpu.memref_slice %arg6[%add3A_621, %dma_start3A_622] : memref<100x50xi32, #tpu.memory_space<vmem>> -> memref<1x50xi32, #tpu.memory_space<vmem>>
      %dma_start3A_624 = tpu.memref_squeeze %dma_start3A_623 : memref<1x50xi32, #tpu.memory_space<vmem>> -> memref<50xi32, #tpu.memory_space<vmem>>
      %dma_start3A_625 = arith.constant 0 : i32
      %dma_start3A_626 = arith.constant 0 : i32
      %dma_start3A_627 = tpu.memref_slice %arg2[%dma_start3A_625, %dma_start3A_626] : memref<10240x128xf32, #tpu.memory_space<hbm>> -> memref<10240x128xf32, #tpu.memory_space<hbm>>
      tpu.enqueue_indirect_dma source(%dma_start3A_627 : memref<10240x128xf32, #tpu.memory_space<hbm>>) target(%arg11 : memref<50x128xf32, #tpu.memory_space<vmem>>) offsets(%dma_start3A_624 : memref<50xi32, #tpu.memory_space<vmem>>) semaphore(%arg17 : memref<!tpu.dma_semaphore, #tpu.memory_space<semaphore_mem>>)
      %add3A_628 = arith.constant 3 : i32
      %add3A_629 = arith.addi %mul3A_453, %add3A_628 : i32
      %dma_wait3A_630 = arith.constant 0 : i32
      %dma_wait3A_631 = tpu.memref_slice %arg7[%add3A_629, %dma_wait3A_630] : memref<100x50xi32, #tpu.memory_space<vmem>> -> memref<1x50xi32, #tpu.memory_space<vmem>>
      %dma_wait3A_632 = tpu.memref_squeeze %dma_wait3A_631 : memref<1x50xi32, #tpu.memory_space<vmem>> -> memref<50xi32, #tpu.memory_space<vmem>>
      %dma_wait3A_633 = arith.constant 0 : i32
      %dma_wait3A_634 = arith.constant 0 : i32
      %dma_wait3A_635 = tpu.memref_slice %arg8[%dma_wait3A_633, %dma_wait3A_634] : memref<10240x128xf32, #tpu.memory_space<vmem_shared>> -> memref<10240x128xf32, #tpu.memory_space<vmem_shared>>
      tpu.wait_indirect_dma semaphore(%arg20 : memref<!tpu.dma_semaphore, #tpu.memory_space<semaphore_mem>>) src(%arg12 : memref<50x128xf32, #tpu.memory_space<vmem>>) dst(%dma_wait3A_635 : memref<10240x128xf32, #tpu.memory_space<vmem_shared>>)
      %add3A_636 = arith.constant 3 : i32
      %add3A_637 = arith.addi %mul3A_453, %add3A_636 : i32
      %add3A_638 = arith.constant 4 : i32
      %add3A_639 = arith.addi %add3A_637, %add3A_638 : i32
      %dma_start3A_640 = arith.constant 0 : i32
      %dma_start3A_641 = tpu.memref_slice %arg6[%add3A_639, %dma_start3A_640] : memref<100x50xi32, #tpu.memory_space<vmem>> -> memref<1x50xi32, #tpu.memory_space<vmem>>
      %dma_start3A_642 = tpu.memref_squeeze %dma_start3A_641 : memref<1x50xi32, #tpu.memory_space<vmem>> -> memref<50xi32, #tpu.memory_space<vmem>>
      %dma_start3A_643 = arith.constant 0 : i32
      %dma_start3A_644 = arith.constant 0 : i32
      %dma_start3A_645 = tpu.memref_slice %arg2[%dma_start3A_643, %dma_start3A_644] : memref<10240x128xf32, #tpu.memory_space<hbm>> -> memref<10240x128xf32, #tpu.memory_space<hbm>>
      tpu.enqueue_indirect_dma source(%dma_start3A_645 : memref<10240x128xf32, #tpu.memory_space<hbm>>) target(%arg12 : memref<50x128xf32, #tpu.memory_space<vmem>>) offsets(%dma_start3A_642 : memref<50xi32, #tpu.memory_space<vmem>>) semaphore(%arg19 : memref<!tpu.dma_semaphore, #tpu.memory_space<semaphore_mem>>)
    }
    %scan3A_296 = arith.constant 24 : i32
    %dma_wait3A_297 = arith.constant 96 : i32
    %dma_wait3A_298 = arith.constant 0 : i32
    %dma_wait3A_299 = tpu.memref_slice %arg6[%dma_wait3A_297, %dma_wait3A_298] : memref<100x50xi32, #tpu.memory_space<vmem>> -> memref<1x50xi32, #tpu.memory_space<vmem>>
    %dma_wait3A_300 = tpu.memref_squeeze %dma_wait3A_299 : memref<1x50xi32, #tpu.memory_space<vmem>> -> memref<50xi32, #tpu.memory_space<vmem>>
    %dma_wait3A_301 = arith.constant 0 : i32
    %dma_wait3A_302 = arith.constant 0 : i32
    %dma_wait3A_303 = tpu.memref_slice %arg2[%dma_wait3A_301, %dma_wait3A_302] : memref<10240x128xf32, #tpu.memory_space<hbm>> -> memref<10240x128xf32, #tpu.memory_space<hbm>>
    tpu.wait_indirect_dma semaphore(%arg13 : memref<!tpu.dma_semaphore, #tpu.memory_space<semaphore_mem>>) src(%dma_wait3A_303 : memref<10240x128xf32, #tpu.memory_space<hbm>>) dst(%arg9 : memref<50x128xf32, #tpu.memory_space<vmem>>)
    %dma_start3A_304 = arith.constant 96 : i32
    %dma_start3A_305 = arith.constant 0 : i32
    %dma_start3A_306 = tpu.memref_slice %arg7[%dma_start3A_304, %dma_start3A_305] : memref<100x50xi32, #tpu.memory_space<vmem>> -> memref<1x50xi32, #tpu.memory_space<vmem>>
    %dma_start3A_307 = tpu.memref_squeeze %dma_start3A_306 : memref<1x50xi32, #tpu.memory_space<vmem>> -> memref<50xi32, #tpu.memory_space<vmem>>
    %dma_start3A_308 = arith.constant 0 : i32
    %dma_start3A_309 = arith.constant 0 : i32
    %dma_start3A_310 = tpu.memref_slice %arg8[%dma_start3A_308, %dma_start3A_309] : memref<10240x128xf32, #tpu.memory_space<vmem_shared>> -> memref<10240x128xf32, #tpu.memory_space<vmem_shared>>
    tpu.enqueue_indirect_dma source(%arg9 : memref<50x128xf32, #tpu.memory_space<vmem>>) target(%dma_start3A_310 : memref<10240x128xf32, #tpu.memory_space<vmem_shared>>) offsets(%dma_start3A_307 : memref<50xi32, #tpu.memory_space<vmem>>) semaphore(%arg14 : memref<!tpu.dma_semaphore, #tpu.memory_space<semaphore_mem>>) {add = true}
    %get3A_311 = arith.constant 96 : i32
    %get3A_312 = arith.index_cast %get3A_311 : i32 to index
    %get3A_313 = arith.constant 0 : index
    %get3A_314 = tpu.vector_load %arg7[%get3A_312, %get3A_313] {strides = array<i32>} : memref<100x50xi32, #tpu.memory_space<vmem>>, vector<16xi32>,
    tpu.vector_store_idx %arg21[%get3A_314], %broadcast_in_dim3A_79 {add = true} : memref<10240xf32, #tpu.memory_space<vmem>>[vector<16xi32>], vector<16xf32>,
    %get3A_315 = arith.constant 96 : i32
    %get3A_316 = arith.index_cast %get3A_315 : i32 to index
    %get3A_317 = arith.constant 16 : index
    %get3A_318 = tpu.vector_load %arg7[%get3A_316, %get3A_317] {strides = array<i32>} : memref<100x50xi32, #tpu.memory_space<vmem>>, vector<16xi32>,
    tpu.vector_store_idx %arg21[%get3A_318], %broadcast_in_dim3A_79 {add = true} : memref<10240xf32, #tpu.memory_space<vmem>>[vector<16xi32>], vector<16xf32>,
    %get3A_319 = arith.constant 96 : i32
    %get3A_320 = arith.index_cast %get3A_319 : i32 to index
    %get3A_321 = arith.constant 32 : index
    %get3A_322 = tpu.vector_load %arg7[%get3A_320, %get3A_321] {strides = array<i32>} : memref<100x50xi32, #tpu.memory_space<vmem>>, vector<16xi32>,
    tpu.vector_store_idx %arg21[%get3A_322], %broadcast_in_dim3A_79 {add = true} : memref<10240xf32, #tpu.memory_space<vmem>>[vector<16xi32>], vector<16xf32>,
    %get3A_323 = arith.constant 96 : i32
    %get3A_324 = arith.index_cast %get3A_323 : i32 to index
    %get3A_325 = arith.constant 34 : index
    %get3A_326 = tpu.vector_load %arg7[%get3A_324, %get3A_325] {strides = array<i32>} : memref<100x50xi32, #tpu.memory_space<vmem>>, vector<16xi32>,
    tpu.vector_store_idx %arg21[%get3A_326], %broadcast_in_dim3A_79 masked %ge3A_81 {add = true} : memref<10240xf32, #tpu.memory_space<vmem>>[vector<16xi32>], vector<16xf32>, vector<16xi1>
    %dma_wait3A_327 = arith.constant 97 : i32
    %dma_wait3A_328 = arith.constant 0 : i32
    %dma_wait3A_329 = tpu.memref_slice %arg6[%dma_wait3A_327, %dma_wait3A_328] : memref<100x50xi32, #tpu.memory_space<vmem>> -> memref<1x50xi32, #tpu.memory_space<vmem>>
    %dma_wait3A_330 = tpu.memref_squeeze %dma_wait3A_329 : memref<1x50xi32, #tpu.memory_space<vmem>> -> memref<50xi32, #tpu.memory_space<vmem>>
    %dma_wait3A_331 = arith.constant 0 : i32
    %dma_wait3A_332 = arith.constant 0 : i32
    %dma_wait3A_333 = tpu.memref_slice %arg2[%dma_wait3A_331, %dma_wait3A_332] : memref<10240x128xf32, #tpu.memory_space<hbm>> -> memref<10240x128xf32, #tpu.memory_space<hbm>>
    tpu.wait_indirect_dma semaphore(%arg15 : memref<!tpu.dma_semaphore, #tpu.memory_space<semaphore_mem>>) src(%dma_wait3A_333 : memref<10240x128xf32, #tpu.memory_space<hbm>>) dst(%arg10 : memref<50x128xf32, #tpu.memory_space<vmem>>)
    %dma_start3A_334 = arith.constant 97 : i32
    %dma_start3A_335 = arith.constant 0 : i32
    %dma_start3A_336 = tpu.memref_slice %arg7[%dma_start3A_334, %dma_start3A_335] : memref<100x50xi32, #tpu.memory_space<vmem>> -> memref<1x50xi32, #tpu.memory_space<vmem>>
    %dma_start3A_337 = tpu.memref_squeeze %dma_start3A_336 : memref<1x50xi32, #tpu.memory_space<vmem>> -> memref<50xi32, #tpu.memory_space<vmem>>
    %dma_start3A_338 = arith.constant 0 : i32
    %dma_start3A_339 = arith.constant 0 : i32
    %dma_start3A_340 = tpu.memref_slice %arg8[%dma_start3A_338, %dma_start3A_339] : memref<10240x128xf32, #tpu.memory_space<vmem_shared>> -> memref<10240x128xf32, #tpu.memory_space<vmem_shared>>
    tpu.enqueue_indirect_dma source(%arg10 : memref<50x128xf32, #tpu.memory_space<vmem>>) target(%dma_start3A_340 : memref<10240x128xf32, #tpu.memory_space<vmem_shared>>) offsets(%dma_start3A_337 : memref<50xi32, #tpu.memory_space<vmem>>) semaphore(%arg16 : memref<!tpu.dma_semaphore, #tpu.memory_space<semaphore_mem>>) {add = true}
    %get3A_341 = arith.constant 97 : i32
    %get3A_342 = arith.index_cast %get3A_341 : i32 to index
    %get3A_343 = arith.constant 0 : index
    %get3A_344 = tpu.vector_load %arg7[%get3A_342, %get3A_343] {strides = array<i32>} : memref<100x50xi32, #tpu.memory_space<vmem>>, vector<16xi32>,
    tpu.vector_store_idx %arg21[%get3A_344], %broadcast_in_dim3A_79 {add = true} : memref<10240xf32, #tpu.memory_space<vmem>>[vector<16xi32>], vector<16xf32>,
    %get3A_345 = arith.constant 97 : i32
    %get3A_346 = arith.index_cast %get3A_345 : i32 to index
    %get3A_347 = arith.constant 16 : index
    %get3A_348 = tpu.vector_load %arg7[%get3A_346, %get3A_347] {strides = array<i32>} : memref<100x50xi32, #tpu.memory_space<vmem>>, vector<16xi32>,
    tpu.vector_store_idx %arg21[%get3A_348], %broadcast_in_dim3A_79 {add = true} : memref<10240xf32, #tpu.memory_space<vmem>>[vector<16xi32>], vector<16xf32>,
    %get3A_349 = arith.constant 97 : i32
    %get3A_350 = arith.index_cast %get3A_349 : i32 to index
    %get3A_351 = arith.constant 32 : index
    %get3A_352 = tpu.vector_load %arg7[%get3A_350, %get3A_351] {strides = array<i32>} : memref<100x50xi32, #tpu.memory_space<vmem>>, vector<16xi32>,
    tpu.vector_store_idx %arg21[%get3A_352], %broadcast_in_dim3A_79 {add = true} : memref<10240xf32, #tpu.memory_space<vmem>>[vector<16xi32>], vector<16xf32>,
    %get3A_353 = arith.constant 97 : i32
    %get3A_354 = arith.index_cast %get3A_353 : i32 to index
    %get3A_355 = arith.constant 34 : index
    %get3A_356 = tpu.vector_load %arg7[%get3A_354, %get3A_355] {strides = array<i32>} : memref<100x50xi32, #tpu.memory_space<vmem>>, vector<16xi32>,
    tpu.vector_store_idx %arg21[%get3A_356], %broadcast_in_dim3A_79 masked %ge3A_81 {add = true} : memref<10240xf32, #tpu.memory_space<vmem>>[vector<16xi32>], vector<16xf32>, vector<16xi1>
    %dma_wait3A_357 = arith.constant 98 : i32
    %dma_wait3A_358 = arith.constant 0 : i32
    %dma_wait3A_359 = tpu.memref_slice %arg6[%dma_wait3A_357, %dma_wait3A_358] : memref<100x50xi32, #tpu.memory_space<vmem>> -> memref<1x50xi32, #tpu.memory_space<vmem>>
    %dma_wait3A_360 = tpu.memref_squeeze %dma_wait3A_359 : memref<1x50xi32, #tpu.memory_space<vmem>> -> memref<50xi32, #tpu.memory_space<vmem>>
    %dma_wait3A_361 = arith.constant 0 : i32
    %dma_wait3A_362 = arith.constant 0 : i32
    %dma_wait3A_363 = tpu.memref_slice %arg2[%dma_wait3A_361, %dma_wait3A_362] : memref<10240x128xf32, #tpu.memory_space<hbm>> -> memref<10240x128xf32, #tpu.memory_space<hbm>>
    tpu.wait_indirect_dma semaphore(%arg17 : memref<!tpu.dma_semaphore, #tpu.memory_space<semaphore_mem>>) src(%dma_wait3A_363 : memref<10240x128xf32, #tpu.memory_space<hbm>>) dst(%arg11 : memref<50x128xf32, #tpu.memory_space<vmem>>)
    %dma_start3A_364 = arith.constant 98 : i32
    %dma_start3A_365 = arith.constant 0 : i32
    %dma_start3A_366 = tpu.memref_slice %arg7[%dma_start3A_364, %dma_start3A_365] : memref<100x50xi32, #tpu.memory_space<vmem>> -> memref<1x50xi32, #tpu.memory_space<vmem>>
    %dma_start3A_367 = tpu.memref_squeeze %dma_start3A_366 : memref<1x50xi32, #tpu.memory_space<vmem>> -> memref<50xi32, #tpu.memory_space<vmem>>
    %dma_start3A_368 = arith.constant 0 : i32
    %dma_start3A_369 = arith.constant 0 : i32
    %dma_start3A_370 = tpu.memref_slice %arg8[%dma_start3A_368, %dma_start3A_369] : memref<10240x128xf32, #tpu.memory_space<vmem_shared>> -> memref<10240x128xf32, #tpu.memory_space<vmem_shared>>
    tpu.enqueue_indirect_dma source(%arg11 : memref<50x128xf32, #tpu.memory_space<vmem>>) target(%dma_start3A_370 : memref<10240x128xf32, #tpu.memory_space<vmem_shared>>) offsets(%dma_start3A_367 : memref<50xi32, #tpu.memory_space<vmem>>) semaphore(%arg18 : memref<!tpu.dma_semaphore, #tpu.memory_space<semaphore_mem>>) {add = true}
    %get3A_371 = arith.constant 98 : i32
    %get3A_372 = arith.index_cast %get3A_371 : i32 to index
    %get3A_373 = arith.constant 0 : index
    %get3A_374 = tpu.vector_load %arg7[%get3A_372, %get3A_373] {strides = array<i32>} : memref<100x50xi32, #tpu.memory_space<vmem>>, vector<16xi32>,
    tpu.vector_store_idx %arg21[%get3A_374], %broadcast_in_dim3A_79 {add = true} : memref<10240xf32, #tpu.memory_space<vmem>>[vector<16xi32>], vector<16xf32>,
    %get3A_375 = arith.constant 98 : i32
    %get3A_376 = arith.index_cast %get3A_375 : i32 to index
    %get3A_377 = arith.constant 16 : index
    %get3A_378 = tpu.vector_load %arg7[%get3A_376, %get3A_377] {strides = array<i32>} : memref<100x50xi32, #tpu.memory_space<vmem>>, vector<16xi32>,
    tpu.vector_store_idx %arg21[%get3A_378], %broadcast_in_dim3A_79 {add = true} : memref<10240xf32, #tpu.memory_space<vmem>>[vector<16xi32>], vector<16xf32>,
    %get3A_379 = arith.constant 98 : i32
    %get3A_380 = arith.index_cast %get3A_379 : i32 to index
    %get3A_381 = arith.constant 32 : index
    %get3A_382 = tpu.vector_load %arg7[%get3A_380, %get3A_381] {strides = array<i32>} : memref<100x50xi32, #tpu.memory_space<vmem>>, vector<16xi32>,
    tpu.vector_store_idx %arg21[%get3A_382], %broadcast_in_dim3A_79 {add = true} : memref<10240xf32, #tpu.memory_space<vmem>>[vector<16xi32>], vector<16xf32>,
    %get3A_383 = arith.constant 98 : i32
    %get3A_384 = arith.index_cast %get3A_383 : i32 to index
    %get3A_385 = arith.constant 34 : index
    %get3A_386 = tpu.vector_load %arg7[%get3A_384, %get3A_385] {strides = array<i32>} : memref<100x50xi32, #tpu.memory_space<vmem>>, vector<16xi32>,
    tpu.vector_store_idx %arg21[%get3A_386], %broadcast_in_dim3A_79 masked %ge3A_81 {add = true} : memref<10240xf32, #tpu.memory_space<vmem>>[vector<16xi32>], vector<16xf32>, vector<16xi1>
    %dma_wait3A_387 = arith.constant 99 : i32
    %dma_wait3A_388 = arith.constant 0 : i32
    %dma_wait3A_389 = tpu.memref_slice %arg6[%dma_wait3A_387, %dma_wait3A_388] : memref<100x50xi32, #tpu.memory_space<vmem>> -> memref<1x50xi32, #tpu.memory_space<vmem>>
    %dma_wait3A_390 = tpu.memref_squeeze %dma_wait3A_389 : memref<1x50xi32, #tpu.memory_space<vmem>> -> memref<50xi32, #tpu.memory_space<vmem>>
    %dma_wait3A_391 = arith.constant 0 : i32
    %dma_wait3A_392 = arith.constant 0 : i32
    %dma_wait3A_393 = tpu.memref_slice %arg2[%dma_wait3A_391, %dma_wait3A_392] : memref<10240x128xf32, #tpu.memory_space<hbm>> -> memref<10240x128xf32, #tpu.memory_space<hbm>>
    tpu.wait_indirect_dma semaphore(%arg19 : memref<!tpu.dma_semaphore, #tpu.memory_space<semaphore_mem>>) src(%dma_wait3A_393 : memref<10240x128xf32, #tpu.memory_space<hbm>>) dst(%arg12 : memref<50x128xf32, #tpu.memory_space<vmem>>)
    %dma_start3A_394 = arith.constant 99 : i32
    %dma_start3A_395 = arith.constant 0 : i32
    %dma_start3A_396 = tpu.memref_slice %arg7[%dma_start3A_394, %dma_start3A_395] : memref<100x50xi32, #tpu.memory_space<vmem>> -> memref<1x50xi32, #tpu.memory_space<vmem>>
    %dma_start3A_397 = tpu.memref_squeeze %dma_start3A_396 : memref<1x50xi32, #tpu.memory_space<vmem>> -> memref<50xi32, #tpu.memory_space<vmem>>
    %dma_start3A_398 = arith.constant 0 : i32
    %dma_start3A_399 = arith.constant 0 : i32
    %dma_start3A_400 = tpu.memref_slice %arg8[%dma_start3A_398, %dma_start3A_399] : memref<10240x128xf32, #tpu.memory_space<vmem_shared>> -> memref<10240x128xf32, #tpu.memory_space<vmem_shared>>
    tpu.enqueue_indirect_dma source(%arg12 : memref<50x128xf32, #tpu.memory_space<vmem>>) target(%dma_start3A_400 : memref<10240x128xf32, #tpu.memory_space<vmem_shared>>) offsets(%dma_start3A_397 : memref<50xi32, #tpu.memory_space<vmem>>) semaphore(%arg20 : memref<!tpu.dma_semaphore, #tpu.memory_space<semaphore_mem>>) {add = true}
    %get3A_401 = arith.constant 99 : i32
    %get3A_402 = arith.index_cast %get3A_401 : i32 to index
    %get3A_403 = arith.constant 0 : index
    %get3A_404 = tpu.vector_load %arg7[%get3A_402, %get3A_403] {strides = array<i32>} : memref<100x50xi32, #tpu.memory_space<vmem>>, vector<16xi32>,
    tpu.vector_store_idx %arg21[%get3A_404], %broadcast_in_dim3A_79 {add = true} : memref<10240xf32, #tpu.memory_space<vmem>>[vector<16xi32>], vector<16xf32>,
    %get3A_405 = arith.constant 99 : i32
    %get3A_406 = arith.index_cast %get3A_405 : i32 to index
    %get3A_407 = arith.constant 16 : index
    %get3A_408 = tpu.vector_load %arg7[%get3A_406, %get3A_407] {strides = array<i32>} : memref<100x50xi32, #tpu.memory_space<vmem>>, vector<16xi32>,
    tpu.vector_store_idx %arg21[%get3A_408], %broadcast_in_dim3A_79 {add = true} : memref<10240xf32, #tpu.memory_space<vmem>>[vector<16xi32>], vector<16xf32>,
    %get3A_409 = arith.constant 99 : i32
    %get3A_410 = arith.index_cast %get3A_409 : i32 to index
    %get3A_411 = arith.constant 32 : index
    %get3A_412 = tpu.vector_load %arg7[%get3A_410, %get3A_411] {strides = array<i32>} : memref<100x50xi32, #tpu.memory_space<vmem>>, vector<16xi32>,
    tpu.vector_store_idx %arg21[%get3A_412], %broadcast_in_dim3A_79 {add = true} : memref<10240xf32, #tpu.memory_space<vmem>>[vector<16xi32>], vector<16xf32>,
    %get3A_413 = arith.constant 99 : i32
    %get3A_414 = arith.index_cast %get3A_413 : i32 to index
    %get3A_415 = arith.constant 34 : index
    %get3A_416 = tpu.vector_load %arg7[%get3A_414, %get3A_415] {strides = array<i32>} : memref<100x50xi32, #tpu.memory_space<vmem>>, vector<16xi32>,
    tpu.vector_store_idx %arg21[%get3A_416], %broadcast_in_dim3A_79 masked %ge3A_81 {add = true} : memref<10240xf32, #tpu.memory_space<vmem>>[vector<16xi32>], vector<16xf32>, vector<16xi1>
    %dma_wait3A_417 = arith.constant 96 : i32
    %dma_wait3A_418 = arith.constant 0 : i32
    %dma_wait3A_419 = tpu.memref_slice %arg7[%dma_wait3A_417, %dma_wait3A_418] : memref<100x50xi32, #tpu.memory_space<vmem>> -> memref<1x50xi32, #tpu.memory_space<vmem>>
    %dma_wait3A_420 = tpu.memref_squeeze %dma_wait3A_419 : memref<1x50xi32, #tpu.memory_space<vmem>> -> memref<50xi32, #tpu.memory_space<vmem>>
    %dma_wait3A_421 = arith.constant 0 : i32
    %dma_wait3A_422 = arith.constant 0 : i32
    %dma_wait3A_423 = tpu.memref_slice %arg8[%dma_wait3A_421, %dma_wait3A_422] : memref<10240x128xf32, #tpu.memory_space<vmem_shared>> -> memref<10240x128xf32, #tpu.memory_space<vmem_shared>>
    tpu.wait_indirect_dma semaphore(%arg14 : memref<!tpu.dma_semaphore, #tpu.memory_space<semaphore_mem>>) src(%arg9 : memref<50x128xf32, #tpu.memory_space<vmem>>) dst(%dma_wait3A_423 : memref<10240x128xf32, #tpu.memory_space<vmem_shared>>)
    %dma_wait3A_424 = arith.constant 97 : i32
    %dma_wait3A_425 = arith.constant 0 : i32
    %dma_wait3A_426 = tpu.memref_slice %arg7[%dma_wait3A_424, %dma_wait3A_425] : memref<100x50xi32, #tpu.memory_space<vmem>> -> memref<1x50xi32, #tpu.memory_space<vmem>>
    %dma_wait3A_427 = tpu.memref_squeeze %dma_wait3A_426 : memref<1x50xi32, #tpu.memory_space<vmem>> -> memref<50xi32, #tpu.memory_space<vmem>>
    %dma_wait3A_428 = arith.constant 0 : i32
    %dma_wait3A_429 = arith.constant 0 : i32
    %dma_wait3A_430 = tpu.memref_slice %arg8[%dma_wait3A_428, %dma_wait3A_429] : memref<10240x128xf32, #tpu.memory_space<vmem_shared>> -> memref<10240x128xf32, #tpu.memory_space<vmem_shared>>
    tpu.wait_indirect_dma semaphore(%arg16 : memref<!tpu.dma_semaphore, #tpu.memory_space<semaphore_mem>>) src(%arg10 : memref<50x128xf32, #tpu.memory_space<vmem>>) dst(%dma_wait3A_430 : memref<10240x128xf32, #tpu.memory_space<vmem_shared>>)
    %dma_wait3A_431 = arith.constant 98 : i32
    %dma_wait3A_432 = arith.constant 0 : i32
    %dma_wait3A_433 = tpu.memref_slice %arg7[%dma_wait3A_431, %dma_wait3A_432] : memref<100x50xi32, #tpu.memory_space<vmem>> -> memref<1x50xi32, #tpu.memory_space<vmem>>
    %dma_wait3A_434 = tpu.memref_squeeze %dma_wait3A_433 : memref<1x50xi32, #tpu.memory_space<vmem>> -> memref<50xi32, #tpu.memory_space<vmem>>
    %dma_wait3A_435 = arith.constant 0 : i32
    %dma_wait3A_436 = arith.constant 0 : i32
    %dma_wait3A_437 = tpu.memref_slice %arg8[%dma_wait3A_435, %dma_wait3A_436] : memref<10240x128xf32, #tpu.memory_space<vmem_shared>> -> memref<10240x128xf32, #tpu.memory_space<vmem_shared>>
    tpu.wait_indirect_dma semaphore(%arg18 : memref<!tpu.dma_semaphore, #tpu.memory_space<semaphore_mem>>) src(%arg11 : memref<50x128xf32, #tpu.memory_space<vmem>>) dst(%dma_wait3A_437 : memref<10240x128xf32, #tpu.memory_space<vmem_shared>>)
    %dma_wait3A_438 = arith.constant 99 : i32
    %dma_wait3A_439 = arith.constant 0 : i32
    %dma_wait3A_440 = tpu.memref_slice %arg7[%dma_wait3A_438, %dma_wait3A_439] : memref<100x50xi32, #tpu.memory_space<vmem>> -> memref<1x50xi32, #tpu.memory_space<vmem>>
    %dma_wait3A_441 = tpu.memref_squeeze %dma_wait3A_440 : memref<1x50xi32, #tpu.memory_space<vmem>> -> memref<50xi32, #tpu.memory_space<vmem>>
    %dma_wait3A_442 = arith.constant 0 : i32
    %dma_wait3A_443 = arith.constant 0 : i32
    %dma_wait3A_444 = tpu.memref_slice %arg8[%dma_wait3A_442, %dma_wait3A_443] : memref<10240x128xf32, #tpu.memory_space<vmem_shared>> -> memref<10240x128xf32, #tpu.memory_space<vmem_shared>>
    tpu.wait_indirect_dma semaphore(%arg20 : memref<!tpu.dma_semaphore, #tpu.memory_space<semaphore_mem>>) src(%arg12 : memref<50x128xf32, #tpu.memory_space<vmem>>) dst(%dma_wait3A_444 : memref<10240x128xf32, #tpu.memory_space<vmem_shared>>)
    "tpu.region"() ({
      %run_scoped3A_451 = tpu.sem_alloc : memref<!tpu.dma_semaphore, #tpu.memory_space<semaphore_mem>>
      %dma_start3A_452 = arith.constant 0 : i32
      %dma_start3A_453 = tpu.memref_slice %arg5[%add3A, %dma_start3A_452] : memref<32x10240xf32, #tpu.memory_space<hbm>> -> memref<1x10240xf32, #tpu.memory_space<hbm>>
      %dma_start3A_454 = tpu.memref_squeeze %dma_start3A_453 : memref<1x10240xf32, #tpu.memory_space<hbm>> -> memref<10240xf32, #tpu.memory_space<hbm>>
      %dma_start3A_455 = arith.constant 0 : i32
      %dma_start3A_456 = tpu.memref_slice %arg5[%add3A, %dma_start3A_455] : memref<32x10240xf32, #tpu.memory_space<hbm>> -> memref<1x10240xf32, #tpu.memory_space<hbm>>
      %dma_start3A_457 = tpu.memref_squeeze %dma_start3A_456 : memref<1x10240xf32, #tpu.memory_space<hbm>> -> memref<10240xf32, #tpu.memory_space<hbm>>
      tpu.enqueue_dma source(%arg21 : memref<10240xf32, #tpu.memory_space<vmem>>) target(%dma_start3A_457 : memref<10240xf32, #tpu.memory_space<hbm>>) target_semaphore(%run_scoped3A_451 : memref<!tpu.dma_semaphore, #tpu.memory_space<semaphore_mem>>)
      %dma_wait3A_458 = arith.constant 0 : i32
      %dma_wait3A_459 = tpu.memref_slice %arg5[%add3A, %dma_wait3A_458] : memref<32x10240xf32, #tpu.memory_space<hbm>> -> memref<1x10240xf32, #tpu.memory_space<hbm>>
      %dma_wait3A_460 = tpu.memref_squeeze %dma_wait3A_459 : memref<1x10240xf32, #tpu.memory_space<hbm>> -> memref<10240xf32, #tpu.memory_space<hbm>>
      %dma_wait3A_461 = arith.constant 0 : i32
      %dma_wait3A_462 = tpu.memref_slice %arg5[%add3A, %dma_wait3A_461] : memref<32x10240xf32, #tpu.memory_space<hbm>> -> memref<1x10240xf32, #tpu.memory_space<hbm>>
      %dma_wait3A_463 = tpu.memref_squeeze %dma_wait3A_462 : memref<1x10240xf32, #tpu.memory_space<hbm>> -> memref<10240xf32, #tpu.memory_space<hbm>>
      tpu.wait_dma2 semaphore(%run_scoped3A_451 : memref<!tpu.dma_semaphore, #tpu.memory_space<semaphore_mem>>) src(%arg21 : memref<10240xf32, #tpu.memory_space<vmem>>) dst(%dma_wait3A_463 : memref<10240xf32, #tpu.memory_space<hbm>>)
      tpu.yield
    }) : () -> ()
    %barrier3A_445 = arith.constant 0 : index
    tpu.barrier barrier_id(%barrier3A_445)
    %mul3A_446 = arith.constant 640 : i32
    %mul3A_447 = arith.muli %arg1, %mul3A_446 : i32
    %mul3A_448 = arith.constant 10240 : i32
    %mul3A_449 = arith.muli %arg0, %mul3A_448 : i32
    %add3A_450 = arith.addi %mul3A_449, %mul3A_447 : i32
    "tpu.region"() ({
      %run_scoped3A_451 = tpu.sem_alloc : memref<!tpu.dma_semaphore, #tpu.memory_space<semaphore_mem>>
      %dma_start3A_452 = arith.constant 0 : i32
      %dma_start3A_453 = tpu.memref_slice %arg4[%add3A_450, %dma_start3A_452] : memref<20480x128xf32, #tpu.memory_space<hbm>> -> memref<640x128xf32, #tpu.memory_space<hbm>>
      %dma_start3A_454 = arith.constant 0 : i32
      %dma_start3A_455 = tpu.memref_slice %arg8[%mul3A_447, %dma_start3A_454] : memref<10240x128xf32, #tpu.memory_space<vmem_shared>> -> memref<640x128xf32, #tpu.memory_space<vmem_shared>>
      tpu.enqueue_dma source(%dma_start3A_455 : memref<640x128xf32, #tpu.memory_space<vmem_shared>>) target(%dma_start3A_453 : memref<640x128xf32, #tpu.memory_space<hbm>>) target_semaphore(%run_scoped3A_451 : memref<!tpu.dma_semaphore, #tpu.memory_space<semaphore_mem>>)
      %dma_wait3A_456 = arith.constant 0 : i32
      %dma_wait3A_457 = tpu.memref_slice %arg4[%add3A_450, %dma_wait3A_456] : memref<20480x128xf32, #tpu.memory_space<hbm>> -> memref<640x128xf32, #tpu.memory_space<hbm>>
      %dma_wait3A_458 = arith.constant 0 : i32
      %dma_wait3A_459 = tpu.memref_slice %arg8[%mul3A_447, %dma_wait3A_458] : memref<10240x128xf32, #tpu.memory_space<vmem_shared>> -> memref<640x128xf32, #tpu.memory_space<vmem_shared>>
      tpu.wait_dma2 semaphore(%run_scoped3A_451 : memref<!tpu.dma_semaphore, #tpu.memory_space<semaphore_mem>>) src(%dma_wait3A_459 : memref<640x128xf32, #tpu.memory_space<vmem_shared>>) dst(%dma_wait3A_457 : memref<640x128xf32, #tpu.memory_space<hbm>>)
      tpu.yield
    }) : () -> ()
    return
  }
}

#map = affine_map<(d0, d1) -> (0, 0)>
#map1 = affine_map<(d0, d1) -> (0, 0, 0, 0)>
module attributes {stable_mosaic.version = 14 : i64} {
  func.func @segsum(%arg0: i32, %arg1: i32, %arg2: memref<10240x128xf32, #tpu.memory_space<hbm>>, %arg3: memref<2x32x200x50xi32, #tpu.memory_space<hbm>>, %arg4: memref<20480x128xf32, #tpu.memory_space<hbm>>, %arg5: memref<100x50xi32, #tpu.memory_space<vmem>>, %arg6: memref<100x50xi32, #tpu.memory_space<vmem>>, %arg7: memref<10240x128xf32, #tpu.memory_space<vmem_shared>>, %arg8: memref<50x128xf32, #tpu.memory_space<vmem>>, %arg9: memref<50x128xf32, #tpu.memory_space<vmem>>, %arg10: memref<50x128xf32, #tpu.memory_space<vmem>>, %arg11: memref<50x128xf32, #tpu.memory_space<vmem>>, %arg12: memref<!tpu.dma_semaphore, #tpu.memory_space<semaphore_mem>>, %arg13: memref<!tpu.dma_semaphore, #tpu.memory_space<semaphore_mem>>, %arg14: memref<!tpu.dma_semaphore, #tpu.memory_space<semaphore_mem>>, %arg15: memref<!tpu.dma_semaphore, #tpu.memory_space<semaphore_mem>>, %arg16: memref<!tpu.dma_semaphore, #tpu.memory_space<semaphore_mem>>, %arg17: memref<!tpu.dma_semaphore, #tpu.memory_space<semaphore_mem>>, %arg18: memref<!tpu.dma_semaphore, #tpu.memory_space<semaphore_mem>>, %arg19: memref<!tpu.dma_semaphore, #tpu.memory_space<semaphore_mem>>) attributes {dimension_semantics = [#tpu.dimension_semantics<core_parallel>, #tpu.dimension_semantics<subcore_parallel>], iteration_bounds = array<i64: 2, 16>, scalar_prefetch = 0 : i64, scratch_operands = 15 : i64, tpu.core_type = #tpu.core_type<sc_vector_subcore>, window_params = [{transform_indices = #map}, {transform_indices = #map1}, {transform_indices = #map}]} {
    %mul3A = arith.constant 16 : i32
    %mul3A_0 = arith.muli %arg0, %mul3A : i32
    %add3A = arith.addi %mul3A_0, %arg1 : i32
    %broadcast_in_dim3A = arith.constant 0.000000e+00 : f32
    %broadcast_in_dim3A_1 = vector.broadcast %broadcast_in_dim3A : f32 to vector<16xf32>
    %scan3A = arith.constant 0 : i32
    %scan3A_2 = arith.constant 0 : i32
    %scan3A_3 = arith.constant 40 : i32
    %scan3A_4 = arith.addi %scan3A_2, %scan3A_3 : i32
    %scan3A_5 = arith.constant 1 : i32
    scf.for %scan3A_314 = %scan3A_2 to %scan3A_4 step %scan3A_5  : i32 {
      %scan3A_315 = arith.constant 0 : i32
      %scan3A_316 = arith.constant 8 : i32
      %scan3A_317 = arith.addi %scan3A_315, %scan3A_316 : i32
      %scan3A_318 = arith.constant 1 : i32
      scf.for %scan3A_320 = %scan3A_315 to %scan3A_317 step %scan3A_318  : i32 {
        %mul3A_321 = arith.constant 16 : i32
        %mul3A_322 = arith.muli %scan3A_320, %mul3A_321 : i32
        %swap3A = arith.index_cast %scan3A_314 : i32 to index
        %swap3A_323 = arith.index_cast %mul3A_322 : i32 to index
        %swap3A_324 = tpu.vector_load %arg8[%swap3A, %swap3A_323] {strides = array<i32>} : memref<50x128xf32, #tpu.memory_space<vmem>>, vector<16xf32>,
        tpu.vector_store %arg8[%swap3A, %swap3A_323], %broadcast_in_dim3A_1 {strides = array<i32>} : memref<50x128xf32, #tpu.memory_space<vmem>>, vector<16xf32>,
      }
      %scan3A_319 = arith.constant 8 : i32
    }
    %scan3A_6 = arith.constant 40 : i32
    %mul3A_7 = arith.constant 640 : i32
    %mul3A_8 = arith.muli %arg1, %mul3A_7 : i32
    %add3A_9 = arith.constant 0 : i32
    %add3A_10 = arith.addi %mul3A_8, %add3A_9 : i32
    "tpu.region"() ({
      %run_scoped3A_314 = tpu.sem_alloc : memref<!tpu.dma_semaphore, #tpu.memory_space<semaphore_mem>>
      %dma_start3A_315 = arith.constant 0 : i32
      %dma_start3A_316 = arith.constant 0 : i32
      %dma_start3A_317 = tpu.memref_slice %arg8[%dma_start3A_315, %dma_start3A_316] : memref<50x128xf32, #tpu.memory_space<vmem>> -> memref<40x128xf32, #tpu.memory_space<vmem>>
      %dma_start3A_318 = arith.constant 0 : i32
      %dma_start3A_319 = tpu.memref_slice %arg7[%add3A_10, %dma_start3A_318] : memref<10240x128xf32, #tpu.memory_space<vmem_shared>> -> memref<40x128xf32, #tpu.memory_space<vmem_shared>>
      %dma_start3A_320 = arith.constant 0 : i32
      %dma_start3A_321 = tpu.memref_slice %arg7[%add3A_10, %dma_start3A_320] : memref<10240x128xf32, #tpu.memory_space<vmem_shared>> -> memref<40x128xf32, #tpu.memory_space<vmem_shared>>
      %dma_start3A_322 = arith.constant 0 : i32
      %dma_start3A_323 = arith.constant 0 : i32
      %dma_start3A_324 = tpu.memref_slice %arg8[%dma_start3A_322, %dma_start3A_323] : memref<50x128xf32, #tpu.memory_space<vmem>> -> memref<40x128xf32, #tpu.memory_space<vmem>>
      tpu.enqueue_dma source(%dma_start3A_324 : memref<40x128xf32, #tpu.memory_space<vmem>>) target(%dma_start3A_321 : memref<40x128xf32, #tpu.memory_space<vmem_shared>>) target_semaphore(%run_scoped3A_314 : memref<!tpu.dma_semaphore, #tpu.memory_space<semaphore_mem>>)
      %dma_wait3A_325 = arith.constant 0 : i32
      %dma_wait3A_326 = arith.constant 0 : i32
      %dma_wait3A_327 = tpu.memref_slice %arg8[%dma_wait3A_325, %dma_wait3A_326] : memref<50x128xf32, #tpu.memory_space<vmem>> -> memref<40x128xf32, #tpu.memory_space<vmem>>
      %dma_wait3A_328 = arith.constant 0 : i32
      %dma_wait3A_329 = tpu.memref_slice %arg7[%add3A_10, %dma_wait3A_328] : memref<10240x128xf32, #tpu.memory_space<vmem_shared>> -> memref<40x128xf32, #tpu.memory_space<vmem_shared>>
      %dma_wait3A_330 = arith.constant 0 : i32
      %dma_wait3A_331 = tpu.memref_slice %arg7[%add3A_10, %dma_wait3A_330] : memref<10240x128xf32, #tpu.memory_space<vmem_shared>> -> memref<40x128xf32, #tpu.memory_space<vmem_shared>>
      %dma_wait3A_332 = arith.constant 0 : i32
      %dma_wait3A_333 = arith.constant 0 : i32
      %dma_wait3A_334 = tpu.memref_slice %arg8[%dma_wait3A_332, %dma_wait3A_333] : memref<50x128xf32, #tpu.memory_space<vmem>> -> memref<40x128xf32, #tpu.memory_space<vmem>>
      tpu.wait_dma2 semaphore(%run_scoped3A_314 : memref<!tpu.dma_semaphore, #tpu.memory_space<semaphore_mem>>) src(%dma_wait3A_334 : memref<40x128xf32, #tpu.memory_space<vmem>>) dst(%dma_wait3A_331 : memref<40x128xf32, #tpu.memory_space<vmem_shared>>)
      tpu.yield
    }) : () -> ()
    %mul3A_11 = arith.constant 640 : i32
    %mul3A_12 = arith.muli %arg1, %mul3A_11 : i32
    %add3A_13 = arith.constant 40 : i32
    %add3A_14 = arith.addi %mul3A_12, %add3A_13 : i32
    "tpu.region"() ({
      %run_scoped3A_314 = tpu.sem_alloc : memref<!tpu.dma_semaphore, #tpu.memory_space<semaphore_mem>>
      %dma_start3A_315 = arith.constant 0 : i32
      %dma_start3A_316 = arith.constant 0 : i32
      %dma_start3A_317 = tpu.memref_slice %arg8[%dma_start3A_315, %dma_start3A_316] : memref<50x128xf32, #tpu.memory_space<vmem>> -> memref<40x128xf32, #tpu.memory_space<vmem>>
      %dma_start3A_318 = arith.constant 0 : i32
      %dma_start3A_319 = tpu.memref_slice %arg7[%add3A_14, %dma_start3A_318] : memref<10240x128xf32, #tpu.memory_space<vmem_shared>> -> memref<40x128xf32, #tpu.memory_space<vmem_shared>>
      %dma_start3A_320 = arith.constant 0 : i32
      %dma_start3A_321 = tpu.memref_slice %arg7[%add3A_14, %dma_start3A_320] : memref<10240x128xf32, #tpu.memory_space<vmem_shared>> -> memref<40x128xf32, #tpu.memory_space<vmem_shared>>
      %dma_start3A_322 = arith.constant 0 : i32
      %dma_start3A_323 = arith.constant 0 : i32
      %dma_start3A_324 = tpu.memref_slice %arg8[%dma_start3A_322, %dma_start3A_323] : memref<50x128xf32, #tpu.memory_space<vmem>> -> memref<40x128xf32, #tpu.memory_space<vmem>>
      tpu.enqueue_dma source(%dma_start3A_324 : memref<40x128xf32, #tpu.memory_space<vmem>>) target(%dma_start3A_321 : memref<40x128xf32, #tpu.memory_space<vmem_shared>>) target_semaphore(%run_scoped3A_314 : memref<!tpu.dma_semaphore, #tpu.memory_space<semaphore_mem>>)
      %dma_wait3A_325 = arith.constant 0 : i32
      %dma_wait3A_326 = arith.constant 0 : i32
      %dma_wait3A_327 = tpu.memref_slice %arg8[%dma_wait3A_325, %dma_wait3A_326] : memref<50x128xf32, #tpu.memory_space<vmem>> -> memref<40x128xf32, #tpu.memory_space<vmem>>
      %dma_wait3A_328 = arith.constant 0 : i32
      %dma_wait3A_329 = tpu.memref_slice %arg7[%add3A_14, %dma_wait3A_328] : memref<10240x128xf32, #tpu.memory_space<vmem_shared>> -> memref<40x128xf32, #tpu.memory_space<vmem_shared>>
      %dma_wait3A_330 = arith.constant 0 : i32
      %dma_wait3A_331 = tpu.memref_slice %arg7[%add3A_14, %dma_wait3A_330] : memref<10240x128xf32, #tpu.memory_space<vmem_shared>> -> memref<40x128xf32, #tpu.memory_space<vmem_shared>>
      %dma_wait3A_332 = arith.constant 0 : i32
      %dma_wait3A_333 = arith.constant 0 : i32
      %dma_wait3A_334 = tpu.memref_slice %arg8[%dma_wait3A_332, %dma_wait3A_333] : memref<50x128xf32, #tpu.memory_space<vmem>> -> memref<40x128xf32, #tpu.memory_space<vmem>>
      tpu.wait_dma2 semaphore(%run_scoped3A_314 : memref<!tpu.dma_semaphore, #tpu.memory_space<semaphore_mem>>) src(%dma_wait3A_334 : memref<40x128xf32, #tpu.memory_space<vmem>>) dst(%dma_wait3A_331 : memref<40x128xf32, #tpu.memory_space<vmem_shared>>)
      tpu.yield
    }) : () -> ()
    %mul3A_15 = arith.constant 640 : i32
    %mul3A_16 = arith.muli %arg1, %mul3A_15 : i32
    %add3A_17 = arith.constant 80 : i32
    %add3A_18 = arith.addi %mul3A_16, %add3A_17 : i32
    "tpu.region"() ({
      %run_scoped3A_314 = tpu.sem_alloc : memref<!tpu.dma_semaphore, #tpu.memory_space<semaphore_mem>>
      %dma_start3A_315 = arith.constant 0 : i32
      %dma_start3A_316 = arith.constant 0 : i32
      %dma_start3A_317 = tpu.memref_slice %arg8[%dma_start3A_315, %dma_start3A_316] : memref<50x128xf32, #tpu.memory_space<vmem>> -> memref<40x128xf32, #tpu.memory_space<vmem>>
      %dma_start3A_318 = arith.constant 0 : i32
      %dma_start3A_319 = tpu.memref_slice %arg7[%add3A_18, %dma_start3A_318] : memref<10240x128xf32, #tpu.memory_space<vmem_shared>> -> memref<40x128xf32, #tpu.memory_space<vmem_shared>>
      %dma_start3A_320 = arith.constant 0 : i32
      %dma_start3A_321 = tpu.memref_slice %arg7[%add3A_18, %dma_start3A_320] : memref<10240x128xf32, #tpu.memory_space<vmem_shared>> -> memref<40x128xf32, #tpu.memory_space<vmem_shared>>
      %dma_start3A_322 = arith.constant 0 : i32
      %dma_start3A_323 = arith.constant 0 : i32
      %dma_start3A_324 = tpu.memref_slice %arg8[%dma_start3A_322, %dma_start3A_323] : memref<50x128xf32, #tpu.memory_space<vmem>> -> memref<40x128xf32, #tpu.memory_space<vmem>>
      tpu.enqueue_dma source(%dma_start3A_324 : memref<40x128xf32, #tpu.memory_space<vmem>>) target(%dma_start3A_321 : memref<40x128xf32, #tpu.memory_space<vmem_shared>>) target_semaphore(%run_scoped3A_314 : memref<!tpu.dma_semaphore, #tpu.memory_space<semaphore_mem>>)
      %dma_wait3A_325 = arith.constant 0 : i32
      %dma_wait3A_326 = arith.constant 0 : i32
      %dma_wait3A_327 = tpu.memref_slice %arg8[%dma_wait3A_325, %dma_wait3A_326] : memref<50x128xf32, #tpu.memory_space<vmem>> -> memref<40x128xf32, #tpu.memory_space<vmem>>
      %dma_wait3A_328 = arith.constant 0 : i32
      %dma_wait3A_329 = tpu.memref_slice %arg7[%add3A_18, %dma_wait3A_328] : memref<10240x128xf32, #tpu.memory_space<vmem_shared>> -> memref<40x128xf32, #tpu.memory_space<vmem_shared>>
      %dma_wait3A_330 = arith.constant 0 : i32
      %dma_wait3A_331 = tpu.memref_slice %arg7[%add3A_18, %dma_wait3A_330] : memref<10240x128xf32, #tpu.memory_space<vmem_shared>> -> memref<40x128xf32, #tpu.memory_space<vmem_shared>>
      %dma_wait3A_332 = arith.constant 0 : i32
      %dma_wait3A_333 = arith.constant 0 : i32
      %dma_wait3A_334 = tpu.memref_slice %arg8[%dma_wait3A_332, %dma_wait3A_333] : memref<50x128xf32, #tpu.memory_space<vmem>> -> memref<40x128xf32, #tpu.memory_space<vmem>>
      tpu.wait_dma2 semaphore(%run_scoped3A_314 : memref<!tpu.dma_semaphore, #tpu.memory_space<semaphore_mem>>) src(%dma_wait3A_334 : memref<40x128xf32, #tpu.memory_space<vmem>>) dst(%dma_wait3A_331 : memref<40x128xf32, #tpu.memory_space<vmem_shared>>)
      tpu.yield
    }) : () -> ()
    %mul3A_19 = arith.constant 640 : i32
    %mul3A_20 = arith.muli %arg1, %mul3A_19 : i32
    %add3A_21 = arith.constant 120 : i32
    %add3A_22 = arith.addi %mul3A_20, %add3A_21 : i32
    "tpu.region"() ({
      %run_scoped3A_314 = tpu.sem_alloc : memref<!tpu.dma_semaphore, #tpu.memory_space<semaphore_mem>>
      %dma_start3A_315 = arith.constant 0 : i32
      %dma_start3A_316 = arith.constant 0 : i32
      %dma_start3A_317 = tpu.memref_slice %arg8[%dma_start3A_315, %dma_start3A_316] : memref<50x128xf32, #tpu.memory_space<vmem>> -> memref<40x128xf32, #tpu.memory_space<vmem>>
      %dma_start3A_318 = arith.constant 0 : i32
      %dma_start3A_319 = tpu.memref_slice %arg7[%add3A_22, %dma_start3A_318] : memref<10240x128xf32, #tpu.memory_space<vmem_shared>> -> memref<40x128xf32, #tpu.memory_space<vmem_shared>>
      %dma_start3A_320 = arith.constant 0 : i32
      %dma_start3A_321 = tpu.memref_slice %arg7[%add3A_22, %dma_start3A_320] : memref<10240x128xf32, #tpu.memory_space<vmem_shared>> -> memref<40x128xf32, #tpu.memory_space<vmem_shared>>
      %dma_start3A_322 = arith.constant 0 : i32
      %dma_start3A_323 = arith.constant 0 : i32
      %dma_start3A_324 = tpu.memref_slice %arg8[%dma_start3A_322, %dma_start3A_323] : memref<50x128xf32, #tpu.memory_space<vmem>> -> memref<40x128xf32, #tpu.memory_space<vmem>>
      tpu.enqueue_dma source(%dma_start3A_324 : memref<40x128xf32, #tpu.memory_space<vmem>>) target(%dma_start3A_321 : memref<40x128xf32, #tpu.memory_space<vmem_shared>>) target_semaphore(%run_scoped3A_314 : memref<!tpu.dma_semaphore, #tpu.memory_space<semaphore_mem>>)
      %dma_wait3A_325 = arith.constant 0 : i32
      %dma_wait3A_326 = arith.constant 0 : i32
      %dma_wait3A_327 = tpu.memref_slice %arg8[%dma_wait3A_325, %dma_wait3A_326] : memref<50x128xf32, #tpu.memory_space<vmem>> -> memref<40x128xf32, #tpu.memory_space<vmem>>
      %dma_wait3A_328 = arith.constant 0 : i32
      %dma_wait3A_329 = tpu.memref_slice %arg7[%add3A_22, %dma_wait3A_328] : memref<10240x128xf32, #tpu.memory_space<vmem_shared>> -> memref<40x128xf32, #tpu.memory_space<vmem_shared>>
      %dma_wait3A_330 = arith.constant 0 : i32
      %dma_wait3A_331 = tpu.memref_slice %arg7[%add3A_22, %dma_wait3A_330] : memref<10240x128xf32, #tpu.memory_space<vmem_shared>> -> memref<40x128xf32, #tpu.memory_space<vmem_shared>>
      %dma_wait3A_332 = arith.constant 0 : i32
      %dma_wait3A_333 = arith.constant 0 : i32
      %dma_wait3A_334 = tpu.memref_slice %arg8[%dma_wait3A_332, %dma_wait3A_333] : memref<50x128xf32, #tpu.memory_space<vmem>> -> memref<40x128xf32, #tpu.memory_space<vmem>>
      tpu.wait_dma2 semaphore(%run_scoped3A_314 : memref<!tpu.dma_semaphore, #tpu.memory_space<semaphore_mem>>) src(%dma_wait3A_334 : memref<40x128xf32, #tpu.memory_space<vmem>>) dst(%dma_wait3A_331 : memref<40x128xf32, #tpu.memory_space<vmem_shared>>)
      tpu.yield
    }) : () -> ()
    %mul3A_23 = arith.constant 640 : i32
    %mul3A_24 = arith.muli %arg1, %mul3A_23 : i32
    %add3A_25 = arith.constant 160 : i32
    %add3A_26 = arith.addi %mul3A_24, %add3A_25 : i32
    "tpu.region"() ({
      %run_scoped3A_314 = tpu.sem_alloc : memref<!tpu.dma_semaphore, #tpu.memory_space<semaphore_mem>>
      %dma_start3A_315 = arith.constant 0 : i32
      %dma_start3A_316 = arith.constant 0 : i32
      %dma_start3A_317 = tpu.memref_slice %arg8[%dma_start3A_315, %dma_start3A_316] : memref<50x128xf32, #tpu.memory_space<vmem>> -> memref<40x128xf32, #tpu.memory_space<vmem>>
      %dma_start3A_318 = arith.constant 0 : i32
      %dma_start3A_319 = tpu.memref_slice %arg7[%add3A_26, %dma_start3A_318] : memref<10240x128xf32, #tpu.memory_space<vmem_shared>> -> memref<40x128xf32, #tpu.memory_space<vmem_shared>>
      %dma_start3A_320 = arith.constant 0 : i32
      %dma_start3A_321 = tpu.memref_slice %arg7[%add3A_26, %dma_start3A_320] : memref<10240x128xf32, #tpu.memory_space<vmem_shared>> -> memref<40x128xf32, #tpu.memory_space<vmem_shared>>
      %dma_start3A_322 = arith.constant 0 : i32
      %dma_start3A_323 = arith.constant 0 : i32
      %dma_start3A_324 = tpu.memref_slice %arg8[%dma_start3A_322, %dma_start3A_323] : memref<50x128xf32, #tpu.memory_space<vmem>> -> memref<40x128xf32, #tpu.memory_space<vmem>>
      tpu.enqueue_dma source(%dma_start3A_324 : memref<40x128xf32, #tpu.memory_space<vmem>>) target(%dma_start3A_321 : memref<40x128xf32, #tpu.memory_space<vmem_shared>>) target_semaphore(%run_scoped3A_314 : memref<!tpu.dma_semaphore, #tpu.memory_space<semaphore_mem>>)
      %dma_wait3A_325 = arith.constant 0 : i32
      %dma_wait3A_326 = arith.constant 0 : i32
      %dma_wait3A_327 = tpu.memref_slice %arg8[%dma_wait3A_325, %dma_wait3A_326] : memref<50x128xf32, #tpu.memory_space<vmem>> -> memref<40x128xf32, #tpu.memory_space<vmem>>
      %dma_wait3A_328 = arith.constant 0 : i32
      %dma_wait3A_329 = tpu.memref_slice %arg7[%add3A_26, %dma_wait3A_328] : memref<10240x128xf32, #tpu.memory_space<vmem_shared>> -> memref<40x128xf32, #tpu.memory_space<vmem_shared>>
      %dma_wait3A_330 = arith.constant 0 : i32
      %dma_wait3A_331 = tpu.memref_slice %arg7[%add3A_26, %dma_wait3A_330] : memref<10240x128xf32, #tpu.memory_space<vmem_shared>> -> memref<40x128xf32, #tpu.memory_space<vmem_shared>>
      %dma_wait3A_332 = arith.constant 0 : i32
      %dma_wait3A_333 = arith.constant 0 : i32
      %dma_wait3A_334 = tpu.memref_slice %arg8[%dma_wait3A_332, %dma_wait3A_333] : memref<50x128xf32, #tpu.memory_space<vmem>> -> memref<40x128xf32, #tpu.memory_space<vmem>>
      tpu.wait_dma2 semaphore(%run_scoped3A_314 : memref<!tpu.dma_semaphore, #tpu.memory_space<semaphore_mem>>) src(%dma_wait3A_334 : memref<40x128xf32, #tpu.memory_space<vmem>>) dst(%dma_wait3A_331 : memref<40x128xf32, #tpu.memory_space<vmem_shared>>)
      tpu.yield
    }) : () -> ()
    %mul3A_27 = arith.constant 640 : i32
    %mul3A_28 = arith.muli %arg1, %mul3A_27 : i32
    %add3A_29 = arith.constant 200 : i32
    %add3A_30 = arith.addi %mul3A_28, %add3A_29 : i32
    "tpu.region"() ({
      %run_scoped3A_314 = tpu.sem_alloc : memref<!tpu.dma_semaphore, #tpu.memory_space<semaphore_mem>>
      %dma_start3A_315 = arith.constant 0 : i32
      %dma_start3A_316 = arith.constant 0 : i32
      %dma_start3A_317 = tpu.memref_slice %arg8[%dma_start3A_315, %dma_start3A_316] : memref<50x128xf32, #tpu.memory_space<vmem>> -> memref<40x128xf32, #tpu.memory_space<vmem>>
      %dma_start3A_318 = arith.constant 0 : i32
      %dma_start3A_319 = tpu.memref_slice %arg7[%add3A_30, %dma_start3A_318] : memref<10240x128xf32, #tpu.memory_space<vmem_shared>> -> memref<40x128xf32, #tpu.memory_space<vmem_shared>>
      %dma_start3A_320 = arith.constant 0 : i32
      %dma_start3A_321 = tpu.memref_slice %arg7[%add3A_30, %dma_start3A_320] : memref<10240x128xf32, #tpu.memory_space<vmem_shared>> -> memref<40x128xf32, #tpu.memory_space<vmem_shared>>
      %dma_start3A_322 = arith.constant 0 : i32
      %dma_start3A_323 = arith.constant 0 : i32
      %dma_start3A_324 = tpu.memref_slice %arg8[%dma_start3A_322, %dma_start3A_323] : memref<50x128xf32, #tpu.memory_space<vmem>> -> memref<40x128xf32, #tpu.memory_space<vmem>>
      tpu.enqueue_dma source(%dma_start3A_324 : memref<40x128xf32, #tpu.memory_space<vmem>>) target(%dma_start3A_321 : memref<40x128xf32, #tpu.memory_space<vmem_shared>>) target_semaphore(%run_scoped3A_314 : memref<!tpu.dma_semaphore, #tpu.memory_space<semaphore_mem>>)
      %dma_wait3A_325 = arith.constant 0 : i32
      %dma_wait3A_326 = arith.constant 0 : i32
      %dma_wait3A_327 = tpu.memref_slice %arg8[%dma_wait3A_325, %dma_wait3A_326] : memref<50x128xf32, #tpu.memory_space<vmem>> -> memref<40x128xf32, #tpu.memory_space<vmem>>
      %dma_wait3A_328 = arith.constant 0 : i32
      %dma_wait3A_329 = tpu.memref_slice %arg7[%add3A_30, %dma_wait3A_328] : memref<10240x128xf32, #tpu.memory_space<vmem_shared>> -> memref<40x128xf32, #tpu.memory_space<vmem_shared>>
      %dma_wait3A_330 = arith.constant 0 : i32
      %dma_wait3A_331 = tpu.memref_slice %arg7[%add3A_30, %dma_wait3A_330] : memref<10240x128xf32, #tpu.memory_space<vmem_shared>> -> memref<40x128xf32, #tpu.memory_space<vmem_shared>>
      %dma_wait3A_332 = arith.constant 0 : i32
      %dma_wait3A_333 = arith.constant 0 : i32
      %dma_wait3A_334 = tpu.memref_slice %arg8[%dma_wait3A_332, %dma_wait3A_333] : memref<50x128xf32, #tpu.memory_space<vmem>> -> memref<40x128xf32, #tpu.memory_space<vmem>>
      tpu.wait_dma2 semaphore(%run_scoped3A_314 : memref<!tpu.dma_semaphore, #tpu.memory_space<semaphore_mem>>) src(%dma_wait3A_334 : memref<40x128xf32, #tpu.memory_space<vmem>>) dst(%dma_wait3A_331 : memref<40x128xf32, #tpu.memory_space<vmem_shared>>)
      tpu.yield
    }) : () -> ()
    %mul3A_31 = arith.constant 640 : i32
    %mul3A_32 = arith.muli %arg1, %mul3A_31 : i32
    %add3A_33 = arith.constant 240 : i32
    %add3A_34 = arith.addi %mul3A_32, %add3A_33 : i32
    "tpu.region"() ({
      %run_scoped3A_314 = tpu.sem_alloc : memref<!tpu.dma_semaphore, #tpu.memory_space<semaphore_mem>>
      %dma_start3A_315 = arith.constant 0 : i32
      %dma_start3A_316 = arith.constant 0 : i32
      %dma_start3A_317 = tpu.memref_slice %arg8[%dma_start3A_315, %dma_start3A_316] : memref<50x128xf32, #tpu.memory_space<vmem>> -> memref<40x128xf32, #tpu.memory_space<vmem>>
      %dma_start3A_318 = arith.constant 0 : i32
      %dma_start3A_319 = tpu.memref_slice %arg7[%add3A_34, %dma_start3A_318] : memref<10240x128xf32, #tpu.memory_space<vmem_shared>> -> memref<40x128xf32, #tpu.memory_space<vmem_shared>>
      %dma_start3A_320 = arith.constant 0 : i32
      %dma_start3A_321 = tpu.memref_slice %arg7[%add3A_34, %dma_start3A_320] : memref<10240x128xf32, #tpu.memory_space<vmem_shared>> -> memref<40x128xf32, #tpu.memory_space<vmem_shared>>
      %dma_start3A_322 = arith.constant 0 : i32
      %dma_start3A_323 = arith.constant 0 : i32
      %dma_start3A_324 = tpu.memref_slice %arg8[%dma_start3A_322, %dma_start3A_323] : memref<50x128xf32, #tpu.memory_space<vmem>> -> memref<40x128xf32, #tpu.memory_space<vmem>>
      tpu.enqueue_dma source(%dma_start3A_324 : memref<40x128xf32, #tpu.memory_space<vmem>>) target(%dma_start3A_321 : memref<40x128xf32, #tpu.memory_space<vmem_shared>>) target_semaphore(%run_scoped3A_314 : memref<!tpu.dma_semaphore, #tpu.memory_space<semaphore_mem>>)
      %dma_wait3A_325 = arith.constant 0 : i32
      %dma_wait3A_326 = arith.constant 0 : i32
      %dma_wait3A_327 = tpu.memref_slice %arg8[%dma_wait3A_325, %dma_wait3A_326] : memref<50x128xf32, #tpu.memory_space<vmem>> -> memref<40x128xf32, #tpu.memory_space<vmem>>
      %dma_wait3A_328 = arith.constant 0 : i32
      %dma_wait3A_329 = tpu.memref_slice %arg7[%add3A_34, %dma_wait3A_328] : memref<10240x128xf32, #tpu.memory_space<vmem_shared>> -> memref<40x128xf32, #tpu.memory_space<vmem_shared>>
      %dma_wait3A_330 = arith.constant 0 : i32
      %dma_wait3A_331 = tpu.memref_slice %arg7[%add3A_34, %dma_wait3A_330] : memref<10240x128xf32, #tpu.memory_space<vmem_shared>> -> memref<40x128xf32, #tpu.memory_space<vmem_shared>>
      %dma_wait3A_332 = arith.constant 0 : i32
      %dma_wait3A_333 = arith.constant 0 : i32
      %dma_wait3A_334 = tpu.memref_slice %arg8[%dma_wait3A_332, %dma_wait3A_333] : memref<50x128xf32, #tpu.memory_space<vmem>> -> memref<40x128xf32, #tpu.memory_space<vmem>>
      tpu.wait_dma2 semaphore(%run_scoped3A_314 : memref<!tpu.dma_semaphore, #tpu.memory_space<semaphore_mem>>) src(%dma_wait3A_334 : memref<40x128xf32, #tpu.memory_space<vmem>>) dst(%dma_wait3A_331 : memref<40x128xf32, #tpu.memory_space<vmem_shared>>)
      tpu.yield
    }) : () -> ()
    %mul3A_35 = arith.constant 640 : i32
    %mul3A_36 = arith.muli %arg1, %mul3A_35 : i32
    %add3A_37 = arith.constant 280 : i32
    %add3A_38 = arith.addi %mul3A_36, %add3A_37 : i32
    "tpu.region"() ({
      %run_scoped3A_314 = tpu.sem_alloc : memref<!tpu.dma_semaphore, #tpu.memory_space<semaphore_mem>>
      %dma_start3A_315 = arith.constant 0 : i32
      %dma_start3A_316 = arith.constant 0 : i32
      %dma_start3A_317 = tpu.memref_slice %arg8[%dma_start3A_315, %dma_start3A_316] : memref<50x128xf32, #tpu.memory_space<vmem>> -> memref<40x128xf32, #tpu.memory_space<vmem>>
      %dma_start3A_318 = arith.constant 0 : i32
      %dma_start3A_319 = tpu.memref_slice %arg7[%add3A_38, %dma_start3A_318] : memref<10240x128xf32, #tpu.memory_space<vmem_shared>> -> memref<40x128xf32, #tpu.memory_space<vmem_shared>>
      %dma_start3A_320 = arith.constant 0 : i32
      %dma_start3A_321 = tpu.memref_slice %arg7[%add3A_38, %dma_start3A_320] : memref<10240x128xf32, #tpu.memory_space<vmem_shared>> -> memref<40x128xf32, #tpu.memory_space<vmem_shared>>
      %dma_start3A_322 = arith.constant 0 : i32
      %dma_start3A_323 = arith.constant 0 : i32
      %dma_start3A_324 = tpu.memref_slice %arg8[%dma_start3A_322, %dma_start3A_323] : memref<50x128xf32, #tpu.memory_space<vmem>> -> memref<40x128xf32, #tpu.memory_space<vmem>>
      tpu.enqueue_dma source(%dma_start3A_324 : memref<40x128xf32, #tpu.memory_space<vmem>>) target(%dma_start3A_321 : memref<40x128xf32, #tpu.memory_space<vmem_shared>>) target_semaphore(%run_scoped3A_314 : memref<!tpu.dma_semaphore, #tpu.memory_space<semaphore_mem>>)
      %dma_wait3A_325 = arith.constant 0 : i32
      %dma_wait3A_326 = arith.constant 0 : i32
      %dma_wait3A_327 = tpu.memref_slice %arg8[%dma_wait3A_325, %dma_wait3A_326] : memref<50x128xf32, #tpu.memory_space<vmem>> -> memref<40x128xf32, #tpu.memory_space<vmem>>
      %dma_wait3A_328 = arith.constant 0 : i32
      %dma_wait3A_329 = tpu.memref_slice %arg7[%add3A_38, %dma_wait3A_328] : memref<10240x128xf32, #tpu.memory_space<vmem_shared>> -> memref<40x128xf32, #tpu.memory_space<vmem_shared>>
      %dma_wait3A_330 = arith.constant 0 : i32
      %dma_wait3A_331 = tpu.memref_slice %arg7[%add3A_38, %dma_wait3A_330] : memref<10240x128xf32, #tpu.memory_space<vmem_shared>> -> memref<40x128xf32, #tpu.memory_space<vmem_shared>>
      %dma_wait3A_332 = arith.constant 0 : i32
      %dma_wait3A_333 = arith.constant 0 : i32
      %dma_wait3A_334 = tpu.memref_slice %arg8[%dma_wait3A_332, %dma_wait3A_333] : memref<50x128xf32, #tpu.memory_space<vmem>> -> memref<40x128xf32, #tpu.memory_space<vmem>>
      tpu.wait_dma2 semaphore(%run_scoped3A_314 : memref<!tpu.dma_semaphore, #tpu.memory_space<semaphore_mem>>) src(%dma_wait3A_334 : memref<40x128xf32, #tpu.memory_space<vmem>>) dst(%dma_wait3A_331 : memref<40x128xf32, #tpu.memory_space<vmem_shared>>)
      tpu.yield
    }) : () -> ()
    %mul3A_39 = arith.constant 640 : i32
    %mul3A_40 = arith.muli %arg1, %mul3A_39 : i32
    %add3A_41 = arith.constant 320 : i32
    %add3A_42 = arith.addi %mul3A_40, %add3A_41 : i32
    "tpu.region"() ({
      %run_scoped3A_314 = tpu.sem_alloc : memref<!tpu.dma_semaphore, #tpu.memory_space<semaphore_mem>>
      %dma_start3A_315 = arith.constant 0 : i32
      %dma_start3A_316 = arith.constant 0 : i32
      %dma_start3A_317 = tpu.memref_slice %arg8[%dma_start3A_315, %dma_start3A_316] : memref<50x128xf32, #tpu.memory_space<vmem>> -> memref<40x128xf32, #tpu.memory_space<vmem>>
      %dma_start3A_318 = arith.constant 0 : i32
      %dma_start3A_319 = tpu.memref_slice %arg7[%add3A_42, %dma_start3A_318] : memref<10240x128xf32, #tpu.memory_space<vmem_shared>> -> memref<40x128xf32, #tpu.memory_space<vmem_shared>>
      %dma_start3A_320 = arith.constant 0 : i32
      %dma_start3A_321 = tpu.memref_slice %arg7[%add3A_42, %dma_start3A_320] : memref<10240x128xf32, #tpu.memory_space<vmem_shared>> -> memref<40x128xf32, #tpu.memory_space<vmem_shared>>
      %dma_start3A_322 = arith.constant 0 : i32
      %dma_start3A_323 = arith.constant 0 : i32
      %dma_start3A_324 = tpu.memref_slice %arg8[%dma_start3A_322, %dma_start3A_323] : memref<50x128xf32, #tpu.memory_space<vmem>> -> memref<40x128xf32, #tpu.memory_space<vmem>>
      tpu.enqueue_dma source(%dma_start3A_324 : memref<40x128xf32, #tpu.memory_space<vmem>>) target(%dma_start3A_321 : memref<40x128xf32, #tpu.memory_space<vmem_shared>>) target_semaphore(%run_scoped3A_314 : memref<!tpu.dma_semaphore, #tpu.memory_space<semaphore_mem>>)
      %dma_wait3A_325 = arith.constant 0 : i32
      %dma_wait3A_326 = arith.constant 0 : i32
      %dma_wait3A_327 = tpu.memref_slice %arg8[%dma_wait3A_325, %dma_wait3A_326] : memref<50x128xf32, #tpu.memory_space<vmem>> -> memref<40x128xf32, #tpu.memory_space<vmem>>
      %dma_wait3A_328 = arith.constant 0 : i32
      %dma_wait3A_329 = tpu.memref_slice %arg7[%add3A_42, %dma_wait3A_328] : memref<10240x128xf32, #tpu.memory_space<vmem_shared>> -> memref<40x128xf32, #tpu.memory_space<vmem_shared>>
      %dma_wait3A_330 = arith.constant 0 : i32
      %dma_wait3A_331 = tpu.memref_slice %arg7[%add3A_42, %dma_wait3A_330] : memref<10240x128xf32, #tpu.memory_space<vmem_shared>> -> memref<40x128xf32, #tpu.memory_space<vmem_shared>>
      %dma_wait3A_332 = arith.constant 0 : i32
      %dma_wait3A_333 = arith.constant 0 : i32
      %dma_wait3A_334 = tpu.memref_slice %arg8[%dma_wait3A_332, %dma_wait3A_333] : memref<50x128xf32, #tpu.memory_space<vmem>> -> memref<40x128xf32, #tpu.memory_space<vmem>>
      tpu.wait_dma2 semaphore(%run_scoped3A_314 : memref<!tpu.dma_semaphore, #tpu.memory_space<semaphore_mem>>) src(%dma_wait3A_334 : memref<40x128xf32, #tpu.memory_space<vmem>>) dst(%dma_wait3A_331 : memref<40x128xf32, #tpu.memory_space<vmem_shared>>)
      tpu.yield
    }) : () -> ()
    %mul3A_43 = arith.constant 640 : i32
    %mul3A_44 = arith.muli %arg1, %mul3A_43 : i32
    %add3A_45 = arith.constant 360 : i32
    %add3A_46 = arith.addi %mul3A_44, %add3A_45 : i32
    "tpu.region"() ({
      %run_scoped3A_314 = tpu.sem_alloc : memref<!tpu.dma_semaphore, #tpu.memory_space<semaphore_mem>>
      %dma_start3A_315 = arith.constant 0 : i32
      %dma_start3A_316 = arith.constant 0 : i32
      %dma_start3A_317 = tpu.memref_slice %arg8[%dma_start3A_315, %dma_start3A_316] : memref<50x128xf32, #tpu.memory_space<vmem>> -> memref<40x128xf32, #tpu.memory_space<vmem>>
      %dma_start3A_318 = arith.constant 0 : i32
      %dma_start3A_319 = tpu.memref_slice %arg7[%add3A_46, %dma_start3A_318] : memref<10240x128xf32, #tpu.memory_space<vmem_shared>> -> memref<40x128xf32, #tpu.memory_space<vmem_shared>>
      %dma_start3A_320 = arith.constant 0 : i32
      %dma_start3A_321 = tpu.memref_slice %arg7[%add3A_46, %dma_start3A_320] : memref<10240x128xf32, #tpu.memory_space<vmem_shared>> -> memref<40x128xf32, #tpu.memory_space<vmem_shared>>
      %dma_start3A_322 = arith.constant 0 : i32
      %dma_start3A_323 = arith.constant 0 : i32
      %dma_start3A_324 = tpu.memref_slice %arg8[%dma_start3A_322, %dma_start3A_323] : memref<50x128xf32, #tpu.memory_space<vmem>> -> memref<40x128xf32, #tpu.memory_space<vmem>>
      tpu.enqueue_dma source(%dma_start3A_324 : memref<40x128xf32, #tpu.memory_space<vmem>>) target(%dma_start3A_321 : memref<40x128xf32, #tpu.memory_space<vmem_shared>>) target_semaphore(%run_scoped3A_314 : memref<!tpu.dma_semaphore, #tpu.memory_space<semaphore_mem>>)
      %dma_wait3A_325 = arith.constant 0 : i32
      %dma_wait3A_326 = arith.constant 0 : i32
      %dma_wait3A_327 = tpu.memref_slice %arg8[%dma_wait3A_325, %dma_wait3A_326] : memref<50x128xf32, #tpu.memory_space<vmem>> -> memref<40x128xf32, #tpu.memory_space<vmem>>
      %dma_wait3A_328 = arith.constant 0 : i32
      %dma_wait3A_329 = tpu.memref_slice %arg7[%add3A_46, %dma_wait3A_328] : memref<10240x128xf32, #tpu.memory_space<vmem_shared>> -> memref<40x128xf32, #tpu.memory_space<vmem_shared>>
      %dma_wait3A_330 = arith.constant 0 : i32
      %dma_wait3A_331 = tpu.memref_slice %arg7[%add3A_46, %dma_wait3A_330] : memref<10240x128xf32, #tpu.memory_space<vmem_shared>> -> memref<40x128xf32, #tpu.memory_space<vmem_shared>>
      %dma_wait3A_332 = arith.constant 0 : i32
      %dma_wait3A_333 = arith.constant 0 : i32
      %dma_wait3A_334 = tpu.memref_slice %arg8[%dma_wait3A_332, %dma_wait3A_333] : memref<50x128xf32, #tpu.memory_space<vmem>> -> memref<40x128xf32, #tpu.memory_space<vmem>>
      tpu.wait_dma2 semaphore(%run_scoped3A_314 : memref<!tpu.dma_semaphore, #tpu.memory_space<semaphore_mem>>) src(%dma_wait3A_334 : memref<40x128xf32, #tpu.memory_space<vmem>>) dst(%dma_wait3A_331 : memref<40x128xf32, #tpu.memory_space<vmem_shared>>)
      tpu.yield
    }) : () -> ()
    %mul3A_47 = arith.constant 640 : i32
    %mul3A_48 = arith.muli %arg1, %mul3A_47 : i32
    %add3A_49 = arith.constant 400 : i32
    %add3A_50 = arith.addi %mul3A_48, %add3A_49 : i32
    "tpu.region"() ({
      %run_scoped3A_314 = tpu.sem_alloc : memref<!tpu.dma_semaphore, #tpu.memory_space<semaphore_mem>>
      %dma_start3A_315 = arith.constant 0 : i32
      %dma_start3A_316 = arith.constant 0 : i32
      %dma_start3A_317 = tpu.memref_slice %arg8[%dma_start3A_315, %dma_start3A_316] : memref<50x128xf32, #tpu.memory_space<vmem>> -> memref<40x128xf32, #tpu.memory_space<vmem>>
      %dma_start3A_318 = arith.constant 0 : i32
      %dma_start3A_319 = tpu.memref_slice %arg7[%add3A_50, %dma_start3A_318] : memref<10240x128xf32, #tpu.memory_space<vmem_shared>> -> memref<40x128xf32, #tpu.memory_space<vmem_shared>>
      %dma_start3A_320 = arith.constant 0 : i32
      %dma_start3A_321 = tpu.memref_slice %arg7[%add3A_50, %dma_start3A_320] : memref<10240x128xf32, #tpu.memory_space<vmem_shared>> -> memref<40x128xf32, #tpu.memory_space<vmem_shared>>
      %dma_start3A_322 = arith.constant 0 : i32
      %dma_start3A_323 = arith.constant 0 : i32
      %dma_start3A_324 = tpu.memref_slice %arg8[%dma_start3A_322, %dma_start3A_323] : memref<50x128xf32, #tpu.memory_space<vmem>> -> memref<40x128xf32, #tpu.memory_space<vmem>>
      tpu.enqueue_dma source(%dma_start3A_324 : memref<40x128xf32, #tpu.memory_space<vmem>>) target(%dma_start3A_321 : memref<40x128xf32, #tpu.memory_space<vmem_shared>>) target_semaphore(%run_scoped3A_314 : memref<!tpu.dma_semaphore, #tpu.memory_space<semaphore_mem>>)
      %dma_wait3A_325 = arith.constant 0 : i32
      %dma_wait3A_326 = arith.constant 0 : i32
      %dma_wait3A_327 = tpu.memref_slice %arg8[%dma_wait3A_325, %dma_wait3A_326] : memref<50x128xf32, #tpu.memory_space<vmem>> -> memref<40x128xf32, #tpu.memory_space<vmem>>
      %dma_wait3A_328 = arith.constant 0 : i32
      %dma_wait3A_329 = tpu.memref_slice %arg7[%add3A_50, %dma_wait3A_328] : memref<10240x128xf32, #tpu.memory_space<vmem_shared>> -> memref<40x128xf32, #tpu.memory_space<vmem_shared>>
      %dma_wait3A_330 = arith.constant 0 : i32
      %dma_wait3A_331 = tpu.memref_slice %arg7[%add3A_50, %dma_wait3A_330] : memref<10240x128xf32, #tpu.memory_space<vmem_shared>> -> memref<40x128xf32, #tpu.memory_space<vmem_shared>>
      %dma_wait3A_332 = arith.constant 0 : i32
      %dma_wait3A_333 = arith.constant 0 : i32
      %dma_wait3A_334 = tpu.memref_slice %arg8[%dma_wait3A_332, %dma_wait3A_333] : memref<50x128xf32, #tpu.memory_space<vmem>> -> memref<40x128xf32, #tpu.memory_space<vmem>>
      tpu.wait_dma2 semaphore(%run_scoped3A_314 : memref<!tpu.dma_semaphore, #tpu.memory_space<semaphore_mem>>) src(%dma_wait3A_334 : memref<40x128xf32, #tpu.memory_space<vmem>>) dst(%dma_wait3A_331 : memref<40x128xf32, #tpu.memory_space<vmem_shared>>)
      tpu.yield
    }) : () -> ()
    %mul3A_51 = arith.constant 640 : i32
    %mul3A_52 = arith.muli %arg1, %mul3A_51 : i32
    %add3A_53 = arith.constant 440 : i32
    %add3A_54 = arith.addi %mul3A_52, %add3A_53 : i32
    "tpu.region"() ({
      %run_scoped3A_314 = tpu.sem_alloc : memref<!tpu.dma_semaphore, #tpu.memory_space<semaphore_mem>>
      %dma_start3A_315 = arith.constant 0 : i32
      %dma_start3A_316 = arith.constant 0 : i32
      %dma_start3A_317 = tpu.memref_slice %arg8[%dma_start3A_315, %dma_start3A_316] : memref<50x128xf32, #tpu.memory_space<vmem>> -> memref<40x128xf32, #tpu.memory_space<vmem>>
      %dma_start3A_318 = arith.constant 0 : i32
      %dma_start3A_319 = tpu.memref_slice %arg7[%add3A_54, %dma_start3A_318] : memref<10240x128xf32, #tpu.memory_space<vmem_shared>> -> memref<40x128xf32, #tpu.memory_space<vmem_shared>>
      %dma_start3A_320 = arith.constant 0 : i32
      %dma_start3A_321 = tpu.memref_slice %arg7[%add3A_54, %dma_start3A_320] : memref<10240x128xf32, #tpu.memory_space<vmem_shared>> -> memref<40x128xf32, #tpu.memory_space<vmem_shared>>
      %dma_start3A_322 = arith.constant 0 : i32
      %dma_start3A_323 = arith.constant 0 : i32
      %dma_start3A_324 = tpu.memref_slice %arg8[%dma_start3A_322, %dma_start3A_323] : memref<50x128xf32, #tpu.memory_space<vmem>> -> memref<40x128xf32, #tpu.memory_space<vmem>>
      tpu.enqueue_dma source(%dma_start3A_324 : memref<40x128xf32, #tpu.memory_space<vmem>>) target(%dma_start3A_321 : memref<40x128xf32, #tpu.memory_space<vmem_shared>>) target_semaphore(%run_scoped3A_314 : memref<!tpu.dma_semaphore, #tpu.memory_space<semaphore_mem>>)
      %dma_wait3A_325 = arith.constant 0 : i32
      %dma_wait3A_326 = arith.constant 0 : i32
      %dma_wait3A_327 = tpu.memref_slice %arg8[%dma_wait3A_325, %dma_wait3A_326] : memref<50x128xf32, #tpu.memory_space<vmem>> -> memref<40x128xf32, #tpu.memory_space<vmem>>
      %dma_wait3A_328 = arith.constant 0 : i32
      %dma_wait3A_329 = tpu.memref_slice %arg7[%add3A_54, %dma_wait3A_328] : memref<10240x128xf32, #tpu.memory_space<vmem_shared>> -> memref<40x128xf32, #tpu.memory_space<vmem_shared>>
      %dma_wait3A_330 = arith.constant 0 : i32
      %dma_wait3A_331 = tpu.memref_slice %arg7[%add3A_54, %dma_wait3A_330] : memref<10240x128xf32, #tpu.memory_space<vmem_shared>> -> memref<40x128xf32, #tpu.memory_space<vmem_shared>>
      %dma_wait3A_332 = arith.constant 0 : i32
      %dma_wait3A_333 = arith.constant 0 : i32
      %dma_wait3A_334 = tpu.memref_slice %arg8[%dma_wait3A_332, %dma_wait3A_333] : memref<50x128xf32, #tpu.memory_space<vmem>> -> memref<40x128xf32, #tpu.memory_space<vmem>>
      tpu.wait_dma2 semaphore(%run_scoped3A_314 : memref<!tpu.dma_semaphore, #tpu.memory_space<semaphore_mem>>) src(%dma_wait3A_334 : memref<40x128xf32, #tpu.memory_space<vmem>>) dst(%dma_wait3A_331 : memref<40x128xf32, #tpu.memory_space<vmem_shared>>)
      tpu.yield
    }) : () -> ()
    %mul3A_55 = arith.constant 640 : i32
    %mul3A_56 = arith.muli %arg1, %mul3A_55 : i32
    %add3A_57 = arith.constant 480 : i32
    %add3A_58 = arith.addi %mul3A_56, %add3A_57 : i32
    "tpu.region"() ({
      %run_scoped3A_314 = tpu.sem_alloc : memref<!tpu.dma_semaphore, #tpu.memory_space<semaphore_mem>>
      %dma_start3A_315 = arith.constant 0 : i32
      %dma_start3A_316 = arith.constant 0 : i32
      %dma_start3A_317 = tpu.memref_slice %arg8[%dma_start3A_315, %dma_start3A_316] : memref<50x128xf32, #tpu.memory_space<vmem>> -> memref<40x128xf32, #tpu.memory_space<vmem>>
      %dma_start3A_318 = arith.constant 0 : i32
      %dma_start3A_319 = tpu.memref_slice %arg7[%add3A_58, %dma_start3A_318] : memref<10240x128xf32, #tpu.memory_space<vmem_shared>> -> memref<40x128xf32, #tpu.memory_space<vmem_shared>>
      %dma_start3A_320 = arith.constant 0 : i32
      %dma_start3A_321 = tpu.memref_slice %arg7[%add3A_58, %dma_start3A_320] : memref<10240x128xf32, #tpu.memory_space<vmem_shared>> -> memref<40x128xf32, #tpu.memory_space<vmem_shared>>
      %dma_start3A_322 = arith.constant 0 : i32
      %dma_start3A_323 = arith.constant 0 : i32
      %dma_start3A_324 = tpu.memref_slice %arg8[%dma_start3A_322, %dma_start3A_323] : memref<50x128xf32, #tpu.memory_space<vmem>> -> memref<40x128xf32, #tpu.memory_space<vmem>>
      tpu.enqueue_dma source(%dma_start3A_324 : memref<40x128xf32, #tpu.memory_space<vmem>>) target(%dma_start3A_321 : memref<40x128xf32, #tpu.memory_space<vmem_shared>>) target_semaphore(%run_scoped3A_314 : memref<!tpu.dma_semaphore, #tpu.memory_space<semaphore_mem>>)
      %dma_wait3A_325 = arith.constant 0 : i32
      %dma_wait3A_326 = arith.constant 0 : i32
      %dma_wait3A_327 = tpu.memref_slice %arg8[%dma_wait3A_325, %dma_wait3A_326] : memref<50x128xf32, #tpu.memory_space<vmem>> -> memref<40x128xf32, #tpu.memory_space<vmem>>
      %dma_wait3A_328 = arith.constant 0 : i32
      %dma_wait3A_329 = tpu.memref_slice %arg7[%add3A_58, %dma_wait3A_328] : memref<10240x128xf32, #tpu.memory_space<vmem_shared>> -> memref<40x128xf32, #tpu.memory_space<vmem_shared>>
      %dma_wait3A_330 = arith.constant 0 : i32
      %dma_wait3A_331 = tpu.memref_slice %arg7[%add3A_58, %dma_wait3A_330] : memref<10240x128xf32, #tpu.memory_space<vmem_shared>> -> memref<40x128xf32, #tpu.memory_space<vmem_shared>>
      %dma_wait3A_332 = arith.constant 0 : i32
      %dma_wait3A_333 = arith.constant 0 : i32
      %dma_wait3A_334 = tpu.memref_slice %arg8[%dma_wait3A_332, %dma_wait3A_333] : memref<50x128xf32, #tpu.memory_space<vmem>> -> memref<40x128xf32, #tpu.memory_space<vmem>>
      tpu.wait_dma2 semaphore(%run_scoped3A_314 : memref<!tpu.dma_semaphore, #tpu.memory_space<semaphore_mem>>) src(%dma_wait3A_334 : memref<40x128xf32, #tpu.memory_space<vmem>>) dst(%dma_wait3A_331 : memref<40x128xf32, #tpu.memory_space<vmem_shared>>)
      tpu.yield
    }) : () -> ()
    %mul3A_59 = arith.constant 640 : i32
    %mul3A_60 = arith.muli %arg1, %mul3A_59 : i32
    %add3A_61 = arith.constant 520 : i32
    %add3A_62 = arith.addi %mul3A_60, %add3A_61 : i32
    "tpu.region"() ({
      %run_scoped3A_314 = tpu.sem_alloc : memref<!tpu.dma_semaphore, #tpu.memory_space<semaphore_mem>>
      %dma_start3A_315 = arith.constant 0 : i32
      %dma_start3A_316 = arith.constant 0 : i32
      %dma_start3A_317 = tpu.memref_slice %arg8[%dma_start3A_315, %dma_start3A_316] : memref<50x128xf32, #tpu.memory_space<vmem>> -> memref<40x128xf32, #tpu.memory_space<vmem>>
      %dma_start3A_318 = arith.constant 0 : i32
      %dma_start3A_319 = tpu.memref_slice %arg7[%add3A_62, %dma_start3A_318] : memref<10240x128xf32, #tpu.memory_space<vmem_shared>> -> memref<40x128xf32, #tpu.memory_space<vmem_shared>>
      %dma_start3A_320 = arith.constant 0 : i32
      %dma_start3A_321 = tpu.memref_slice %arg7[%add3A_62, %dma_start3A_320] : memref<10240x128xf32, #tpu.memory_space<vmem_shared>> -> memref<40x128xf32, #tpu.memory_space<vmem_shared>>
      %dma_start3A_322 = arith.constant 0 : i32
      %dma_start3A_323 = arith.constant 0 : i32
      %dma_start3A_324 = tpu.memref_slice %arg8[%dma_start3A_322, %dma_start3A_323] : memref<50x128xf32, #tpu.memory_space<vmem>> -> memref<40x128xf32, #tpu.memory_space<vmem>>
      tpu.enqueue_dma source(%dma_start3A_324 : memref<40x128xf32, #tpu.memory_space<vmem>>) target(%dma_start3A_321 : memref<40x128xf32, #tpu.memory_space<vmem_shared>>) target_semaphore(%run_scoped3A_314 : memref<!tpu.dma_semaphore, #tpu.memory_space<semaphore_mem>>)
      %dma_wait3A_325 = arith.constant 0 : i32
      %dma_wait3A_326 = arith.constant 0 : i32
      %dma_wait3A_327 = tpu.memref_slice %arg8[%dma_wait3A_325, %dma_wait3A_326] : memref<50x128xf32, #tpu.memory_space<vmem>> -> memref<40x128xf32, #tpu.memory_space<vmem>>
      %dma_wait3A_328 = arith.constant 0 : i32
      %dma_wait3A_329 = tpu.memref_slice %arg7[%add3A_62, %dma_wait3A_328] : memref<10240x128xf32, #tpu.memory_space<vmem_shared>> -> memref<40x128xf32, #tpu.memory_space<vmem_shared>>
      %dma_wait3A_330 = arith.constant 0 : i32
      %dma_wait3A_331 = tpu.memref_slice %arg7[%add3A_62, %dma_wait3A_330] : memref<10240x128xf32, #tpu.memory_space<vmem_shared>> -> memref<40x128xf32, #tpu.memory_space<vmem_shared>>
      %dma_wait3A_332 = arith.constant 0 : i32
      %dma_wait3A_333 = arith.constant 0 : i32
      %dma_wait3A_334 = tpu.memref_slice %arg8[%dma_wait3A_332, %dma_wait3A_333] : memref<50x128xf32, #tpu.memory_space<vmem>> -> memref<40x128xf32, #tpu.memory_space<vmem>>
      tpu.wait_dma2 semaphore(%run_scoped3A_314 : memref<!tpu.dma_semaphore, #tpu.memory_space<semaphore_mem>>) src(%dma_wait3A_334 : memref<40x128xf32, #tpu.memory_space<vmem>>) dst(%dma_wait3A_331 : memref<40x128xf32, #tpu.memory_space<vmem_shared>>)
      tpu.yield
    }) : () -> ()
    %mul3A_63 = arith.constant 640 : i32
    %mul3A_64 = arith.muli %arg1, %mul3A_63 : i32
    %add3A_65 = arith.constant 560 : i32
    %add3A_66 = arith.addi %mul3A_64, %add3A_65 : i32
    "tpu.region"() ({
      %run_scoped3A_314 = tpu.sem_alloc : memref<!tpu.dma_semaphore, #tpu.memory_space<semaphore_mem>>
      %dma_start3A_315 = arith.constant 0 : i32
      %dma_start3A_316 = arith.constant 0 : i32
      %dma_start3A_317 = tpu.memref_slice %arg8[%dma_start3A_315, %dma_start3A_316] : memref<50x128xf32, #tpu.memory_space<vmem>> -> memref<40x128xf32, #tpu.memory_space<vmem>>
      %dma_start3A_318 = arith.constant 0 : i32
      %dma_start3A_319 = tpu.memref_slice %arg7[%add3A_66, %dma_start3A_318] : memref<10240x128xf32, #tpu.memory_space<vmem_shared>> -> memref<40x128xf32, #tpu.memory_space<vmem_shared>>
      %dma_start3A_320 = arith.constant 0 : i32
      %dma_start3A_321 = tpu.memref_slice %arg7[%add3A_66, %dma_start3A_320] : memref<10240x128xf32, #tpu.memory_space<vmem_shared>> -> memref<40x128xf32, #tpu.memory_space<vmem_shared>>
      %dma_start3A_322 = arith.constant 0 : i32
      %dma_start3A_323 = arith.constant 0 : i32
      %dma_start3A_324 = tpu.memref_slice %arg8[%dma_start3A_322, %dma_start3A_323] : memref<50x128xf32, #tpu.memory_space<vmem>> -> memref<40x128xf32, #tpu.memory_space<vmem>>
      tpu.enqueue_dma source(%dma_start3A_324 : memref<40x128xf32, #tpu.memory_space<vmem>>) target(%dma_start3A_321 : memref<40x128xf32, #tpu.memory_space<vmem_shared>>) target_semaphore(%run_scoped3A_314 : memref<!tpu.dma_semaphore, #tpu.memory_space<semaphore_mem>>)
      %dma_wait3A_325 = arith.constant 0 : i32
      %dma_wait3A_326 = arith.constant 0 : i32
      %dma_wait3A_327 = tpu.memref_slice %arg8[%dma_wait3A_325, %dma_wait3A_326] : memref<50x128xf32, #tpu.memory_space<vmem>> -> memref<40x128xf32, #tpu.memory_space<vmem>>
      %dma_wait3A_328 = arith.constant 0 : i32
      %dma_wait3A_329 = tpu.memref_slice %arg7[%add3A_66, %dma_wait3A_328] : memref<10240x128xf32, #tpu.memory_space<vmem_shared>> -> memref<40x128xf32, #tpu.memory_space<vmem_shared>>
      %dma_wait3A_330 = arith.constant 0 : i32
      %dma_wait3A_331 = tpu.memref_slice %arg7[%add3A_66, %dma_wait3A_330] : memref<10240x128xf32, #tpu.memory_space<vmem_shared>> -> memref<40x128xf32, #tpu.memory_space<vmem_shared>>
      %dma_wait3A_332 = arith.constant 0 : i32
      %dma_wait3A_333 = arith.constant 0 : i32
      %dma_wait3A_334 = tpu.memref_slice %arg8[%dma_wait3A_332, %dma_wait3A_333] : memref<50x128xf32, #tpu.memory_space<vmem>> -> memref<40x128xf32, #tpu.memory_space<vmem>>
      tpu.wait_dma2 semaphore(%run_scoped3A_314 : memref<!tpu.dma_semaphore, #tpu.memory_space<semaphore_mem>>) src(%dma_wait3A_334 : memref<40x128xf32, #tpu.memory_space<vmem>>) dst(%dma_wait3A_331 : memref<40x128xf32, #tpu.memory_space<vmem_shared>>)
      tpu.yield
    }) : () -> ()
    %mul3A_67 = arith.constant 640 : i32
    %mul3A_68 = arith.muli %arg1, %mul3A_67 : i32
    %add3A_69 = arith.constant 600 : i32
    %add3A_70 = arith.addi %mul3A_68, %add3A_69 : i32
    "tpu.region"() ({
      %run_scoped3A_314 = tpu.sem_alloc : memref<!tpu.dma_semaphore, #tpu.memory_space<semaphore_mem>>
      %dma_start3A_315 = arith.constant 0 : i32
      %dma_start3A_316 = arith.constant 0 : i32
      %dma_start3A_317 = tpu.memref_slice %arg8[%dma_start3A_315, %dma_start3A_316] : memref<50x128xf32, #tpu.memory_space<vmem>> -> memref<40x128xf32, #tpu.memory_space<vmem>>
      %dma_start3A_318 = arith.constant 0 : i32
      %dma_start3A_319 = tpu.memref_slice %arg7[%add3A_70, %dma_start3A_318] : memref<10240x128xf32, #tpu.memory_space<vmem_shared>> -> memref<40x128xf32, #tpu.memory_space<vmem_shared>>
      %dma_start3A_320 = arith.constant 0 : i32
      %dma_start3A_321 = tpu.memref_slice %arg7[%add3A_70, %dma_start3A_320] : memref<10240x128xf32, #tpu.memory_space<vmem_shared>> -> memref<40x128xf32, #tpu.memory_space<vmem_shared>>
      %dma_start3A_322 = arith.constant 0 : i32
      %dma_start3A_323 = arith.constant 0 : i32
      %dma_start3A_324 = tpu.memref_slice %arg8[%dma_start3A_322, %dma_start3A_323] : memref<50x128xf32, #tpu.memory_space<vmem>> -> memref<40x128xf32, #tpu.memory_space<vmem>>
      tpu.enqueue_dma source(%dma_start3A_324 : memref<40x128xf32, #tpu.memory_space<vmem>>) target(%dma_start3A_321 : memref<40x128xf32, #tpu.memory_space<vmem_shared>>) target_semaphore(%run_scoped3A_314 : memref<!tpu.dma_semaphore, #tpu.memory_space<semaphore_mem>>)
      %dma_wait3A_325 = arith.constant 0 : i32
      %dma_wait3A_326 = arith.constant 0 : i32
      %dma_wait3A_327 = tpu.memref_slice %arg8[%dma_wait3A_325, %dma_wait3A_326] : memref<50x128xf32, #tpu.memory_space<vmem>> -> memref<40x128xf32, #tpu.memory_space<vmem>>
      %dma_wait3A_328 = arith.constant 0 : i32
      %dma_wait3A_329 = tpu.memref_slice %arg7[%add3A_70, %dma_wait3A_328] : memref<10240x128xf32, #tpu.memory_space<vmem_shared>> -> memref<40x128xf32, #tpu.memory_space<vmem_shared>>
      %dma_wait3A_330 = arith.constant 0 : i32
      %dma_wait3A_331 = tpu.memref_slice %arg7[%add3A_70, %dma_wait3A_330] : memref<10240x128xf32, #tpu.memory_space<vmem_shared>> -> memref<40x128xf32, #tpu.memory_space<vmem_shared>>
      %dma_wait3A_332 = arith.constant 0 : i32
      %dma_wait3A_333 = arith.constant 0 : i32
      %dma_wait3A_334 = tpu.memref_slice %arg8[%dma_wait3A_332, %dma_wait3A_333] : memref<50x128xf32, #tpu.memory_space<vmem>> -> memref<40x128xf32, #tpu.memory_space<vmem>>
      tpu.wait_dma2 semaphore(%run_scoped3A_314 : memref<!tpu.dma_semaphore, #tpu.memory_space<semaphore_mem>>) src(%dma_wait3A_334 : memref<40x128xf32, #tpu.memory_space<vmem>>) dst(%dma_wait3A_331 : memref<40x128xf32, #tpu.memory_space<vmem_shared>>)
      tpu.yield
    }) : () -> ()
    %run_scoped3A = arith.constant 0 : i32
    "tpu.region"() ({
      %run_scoped3A_314 = tpu.sem_alloc : memref<!tpu.dma_semaphore, #tpu.memory_space<semaphore_mem>>
      %dma_start3A_315 = arith.constant 0 : i32
      %dma_start3A_316 = arith.constant 0 : i32
      %dma_start3A_317 = tpu.memref_slice %arg3[%run_scoped3A, %add3A, %dma_start3A_315, %dma_start3A_316] : memref<2x32x200x50xi32, #tpu.memory_space<hbm>> -> memref<1x1x100x50xi32, #tpu.memory_space<hbm>>
      %dma_start3A_318 = tpu.memref_squeeze %dma_start3A_317 : memref<1x1x100x50xi32, #tpu.memory_space<hbm>> -> memref<100x50xi32, #tpu.memory_space<hbm>>
      %dma_start3A_319 = arith.constant 0 : i32
      %dma_start3A_320 = arith.constant 0 : i32
      %dma_start3A_321 = tpu.memref_slice %arg3[%run_scoped3A, %add3A, %dma_start3A_319, %dma_start3A_320] : memref<2x32x200x50xi32, #tpu.memory_space<hbm>> -> memref<1x1x100x50xi32, #tpu.memory_space<hbm>>
      %dma_start3A_322 = tpu.memref_squeeze %dma_start3A_321 : memref<1x1x100x50xi32, #tpu.memory_space<hbm>> -> memref<100x50xi32, #tpu.memory_space<hbm>>
      tpu.enqueue_dma source(%dma_start3A_322 : memref<100x50xi32, #tpu.memory_space<hbm>>) target(%arg5 : memref<100x50xi32, #tpu.memory_space<vmem>>) target_semaphore(%run_scoped3A_314 : memref<!tpu.dma_semaphore, #tpu.memory_space<semaphore_mem>>)
      %dma_wait3A_323 = arith.constant 0 : i32
      %dma_wait3A_324 = arith.constant 0 : i32
      %dma_wait3A_325 = tpu.memref_slice %arg3[%run_scoped3A, %add3A, %dma_wait3A_323, %dma_wait3A_324] : memref<2x32x200x50xi32, #tpu.memory_space<hbm>> -> memref<1x1x100x50xi32, #tpu.memory_space<hbm>>
      %dma_wait3A_326 = tpu.memref_squeeze %dma_wait3A_325 : memref<1x1x100x50xi32, #tpu.memory_space<hbm>> -> memref<100x50xi32, #tpu.memory_space<hbm>>
      %dma_wait3A_327 = arith.constant 0 : i32
      %dma_wait3A_328 = arith.constant 0 : i32
      %dma_wait3A_329 = tpu.memref_slice %arg3[%run_scoped3A, %add3A, %dma_wait3A_327, %dma_wait3A_328] : memref<2x32x200x50xi32, #tpu.memory_space<hbm>> -> memref<1x1x100x50xi32, #tpu.memory_space<hbm>>
      %dma_wait3A_330 = tpu.memref_squeeze %dma_wait3A_329 : memref<1x1x100x50xi32, #tpu.memory_space<hbm>> -> memref<100x50xi32, #tpu.memory_space<hbm>>
      tpu.wait_dma2 semaphore(%run_scoped3A_314 : memref<!tpu.dma_semaphore, #tpu.memory_space<semaphore_mem>>) src(%dma_wait3A_330 : memref<100x50xi32, #tpu.memory_space<hbm>>) dst(%arg5 : memref<100x50xi32, #tpu.memory_space<vmem>>)
      tpu.yield
    }) : () -> ()
    %run_scoped3A_71 = arith.constant 1 : i32
    "tpu.region"() ({
      %run_scoped3A_314 = tpu.sem_alloc : memref<!tpu.dma_semaphore, #tpu.memory_space<semaphore_mem>>
      %dma_start3A_315 = arith.constant 0 : i32
      %dma_start3A_316 = arith.constant 0 : i32
      %dma_start3A_317 = tpu.memref_slice %arg3[%run_scoped3A_71, %add3A, %dma_start3A_315, %dma_start3A_316] : memref<2x32x200x50xi32, #tpu.memory_space<hbm>> -> memref<1x1x100x50xi32, #tpu.memory_space<hbm>>
      %dma_start3A_318 = tpu.memref_squeeze %dma_start3A_317 : memref<1x1x100x50xi32, #tpu.memory_space<hbm>> -> memref<100x50xi32, #tpu.memory_space<hbm>>
      %dma_start3A_319 = arith.constant 0 : i32
      %dma_start3A_320 = arith.constant 0 : i32
      %dma_start3A_321 = tpu.memref_slice %arg3[%run_scoped3A_71, %add3A, %dma_start3A_319, %dma_start3A_320] : memref<2x32x200x50xi32, #tpu.memory_space<hbm>> -> memref<1x1x100x50xi32, #tpu.memory_space<hbm>>
      %dma_start3A_322 = tpu.memref_squeeze %dma_start3A_321 : memref<1x1x100x50xi32, #tpu.memory_space<hbm>> -> memref<100x50xi32, #tpu.memory_space<hbm>>
      tpu.enqueue_dma source(%dma_start3A_322 : memref<100x50xi32, #tpu.memory_space<hbm>>) target(%arg6 : memref<100x50xi32, #tpu.memory_space<vmem>>) target_semaphore(%run_scoped3A_314 : memref<!tpu.dma_semaphore, #tpu.memory_space<semaphore_mem>>)
      %dma_wait3A_323 = arith.constant 0 : i32
      %dma_wait3A_324 = arith.constant 0 : i32
      %dma_wait3A_325 = tpu.memref_slice %arg3[%run_scoped3A_71, %add3A, %dma_wait3A_323, %dma_wait3A_324] : memref<2x32x200x50xi32, #tpu.memory_space<hbm>> -> memref<1x1x100x50xi32, #tpu.memory_space<hbm>>
      %dma_wait3A_326 = tpu.memref_squeeze %dma_wait3A_325 : memref<1x1x100x50xi32, #tpu.memory_space<hbm>> -> memref<100x50xi32, #tpu.memory_space<hbm>>
      %dma_wait3A_327 = arith.constant 0 : i32
      %dma_wait3A_328 = arith.constant 0 : i32
      %dma_wait3A_329 = tpu.memref_slice %arg3[%run_scoped3A_71, %add3A, %dma_wait3A_327, %dma_wait3A_328] : memref<2x32x200x50xi32, #tpu.memory_space<hbm>> -> memref<1x1x100x50xi32, #tpu.memory_space<hbm>>
      %dma_wait3A_330 = tpu.memref_squeeze %dma_wait3A_329 : memref<1x1x100x50xi32, #tpu.memory_space<hbm>> -> memref<100x50xi32, #tpu.memory_space<hbm>>
      tpu.wait_dma2 semaphore(%run_scoped3A_314 : memref<!tpu.dma_semaphore, #tpu.memory_space<semaphore_mem>>) src(%dma_wait3A_330 : memref<100x50xi32, #tpu.memory_space<hbm>>) dst(%arg6 : memref<100x50xi32, #tpu.memory_space<vmem>>)
      tpu.yield
    }) : () -> ()
    %barrier3A = arith.constant 0 : index
    tpu.barrier barrier_id(%barrier3A)
    %dma_start3A = arith.constant 0 : i32
    %dma_start3A_72 = arith.constant 0 : i32
    %dma_start3A_73 = tpu.memref_slice %arg5[%dma_start3A, %dma_start3A_72] : memref<100x50xi32, #tpu.memory_space<vmem>> -> memref<1x50xi32, #tpu.memory_space<vmem>>
    %dma_start3A_74 = tpu.memref_squeeze %dma_start3A_73 : memref<1x50xi32, #tpu.memory_space<vmem>> -> memref<50xi32, #tpu.memory_space<vmem>>
    %dma_start3A_75 = arith.constant 0 : i32
    %dma_start3A_76 = arith.constant 0 : i32
    %dma_start3A_77 = tpu.memref_slice %arg2[%dma_start3A_75, %dma_start3A_76] : memref<10240x128xf32, #tpu.memory_space<hbm>> -> memref<10240x128xf32, #tpu.memory_space<hbm>>
    tpu.enqueue_indirect_dma source(%dma_start3A_77 : memref<10240x128xf32, #tpu.memory_space<hbm>>) target(%arg8 : memref<50x128xf32, #tpu.memory_space<vmem>>) offsets(%dma_start3A_74 : memref<50xi32, #tpu.memory_space<vmem>>) semaphore(%arg12 : memref<!tpu.dma_semaphore, #tpu.memory_space<semaphore_mem>>)
    %dma_start3A_78 = arith.constant 1 : i32
    %dma_start3A_79 = arith.constant 0 : i32
    %dma_start3A_80 = tpu.memref_slice %arg5[%dma_start3A_78, %dma_start3A_79] : memref<100x50xi32, #tpu.memory_space<vmem>> -> memref<1x50xi32, #tpu.memory_space<vmem>>
    %dma_start3A_81 = tpu.memref_squeeze %dma_start3A_80 : memref<1x50xi32, #tpu.memory_space<vmem>> -> memref<50xi32, #tpu.memory_space<vmem>>
    %dma_start3A_82 = arith.constant 0 : i32
    %dma_start3A_83 = arith.constant 0 : i32
    %dma_start3A_84 = tpu.memref_slice %arg2[%dma_start3A_82, %dma_start3A_83] : memref<10240x128xf32, #tpu.memory_space<hbm>> -> memref<10240x128xf32, #tpu.memory_space<hbm>>
    tpu.enqueue_indirect_dma source(%dma_start3A_84 : memref<10240x128xf32, #tpu.memory_space<hbm>>) target(%arg9 : memref<50x128xf32, #tpu.memory_space<vmem>>) offsets(%dma_start3A_81 : memref<50xi32, #tpu.memory_space<vmem>>) semaphore(%arg14 : memref<!tpu.dma_semaphore, #tpu.memory_space<semaphore_mem>>)
    %dma_start3A_85 = arith.constant 2 : i32
    %dma_start3A_86 = arith.constant 0 : i32
    %dma_start3A_87 = tpu.memref_slice %arg5[%dma_start3A_85, %dma_start3A_86] : memref<100x50xi32, #tpu.memory_space<vmem>> -> memref<1x50xi32, #tpu.memory_space<vmem>>
    %dma_start3A_88 = tpu.memref_squeeze %dma_start3A_87 : memref<1x50xi32, #tpu.memory_space<vmem>> -> memref<50xi32, #tpu.memory_space<vmem>>
    %dma_start3A_89 = arith.constant 0 : i32
    %dma_start3A_90 = arith.constant 0 : i32
    %dma_start3A_91 = tpu.memref_slice %arg2[%dma_start3A_89, %dma_start3A_90] : memref<10240x128xf32, #tpu.memory_space<hbm>> -> memref<10240x128xf32, #tpu.memory_space<hbm>>
    tpu.enqueue_indirect_dma source(%dma_start3A_91 : memref<10240x128xf32, #tpu.memory_space<hbm>>) target(%arg10 : memref<50x128xf32, #tpu.memory_space<vmem>>) offsets(%dma_start3A_88 : memref<50xi32, #tpu.memory_space<vmem>>) semaphore(%arg16 : memref<!tpu.dma_semaphore, #tpu.memory_space<semaphore_mem>>)
    %dma_start3A_92 = arith.constant 3 : i32
    %dma_start3A_93 = arith.constant 0 : i32
    %dma_start3A_94 = tpu.memref_slice %arg5[%dma_start3A_92, %dma_start3A_93] : memref<100x50xi32, #tpu.memory_space<vmem>> -> memref<1x50xi32, #tpu.memory_space<vmem>>
    %dma_start3A_95 = tpu.memref_squeeze %dma_start3A_94 : memref<1x50xi32, #tpu.memory_space<vmem>> -> memref<50xi32, #tpu.memory_space<vmem>>
    %dma_start3A_96 = arith.constant 0 : i32
    %dma_start3A_97 = arith.constant 0 : i32
    %dma_start3A_98 = tpu.memref_slice %arg2[%dma_start3A_96, %dma_start3A_97] : memref<10240x128xf32, #tpu.memory_space<hbm>> -> memref<10240x128xf32, #tpu.memory_space<hbm>>
    tpu.enqueue_indirect_dma source(%dma_start3A_98 : memref<10240x128xf32, #tpu.memory_space<hbm>>) target(%arg11 : memref<50x128xf32, #tpu.memory_space<vmem>>) offsets(%dma_start3A_95 : memref<50xi32, #tpu.memory_space<vmem>>) semaphore(%arg18 : memref<!tpu.dma_semaphore, #tpu.memory_space<semaphore_mem>>)
    %scan3A_99 = arith.constant 0 : i32
    %scan3A_100 = arith.constant 0 : i32
    %scan3A_101 = arith.constant 24 : i32
    %scan3A_102 = arith.addi %scan3A_100, %scan3A_101 : i32
    %scan3A_103 = arith.constant 1 : i32
    scf.for %scan3A_314 = %scan3A_100 to %scan3A_102 step %scan3A_103  : i32 {
      %mul3A_315 = arith.constant 4 : i32
      %mul3A_316 = arith.muli %mul3A_315, %scan3A_314 : i32
      %add3A_317 = arith.constant 0 : i32
      %add3A_318 = arith.addi %mul3A_316, %add3A_317 : i32
      %dma_wait3A_319 = arith.constant 0 : i32
      %dma_wait3A_320 = tpu.memref_slice %arg5[%add3A_318, %dma_wait3A_319] : memref<100x50xi32, #tpu.memory_space<vmem>> -> memref<1x50xi32, #tpu.memory_space<vmem>>
      %dma_wait3A_321 = tpu.memref_squeeze %dma_wait3A_320 : memref<1x50xi32, #tpu.memory_space<vmem>> -> memref<50xi32, #tpu.memory_space<vmem>>
      %dma_wait3A_322 = arith.constant 0 : i32
      %dma_wait3A_323 = arith.constant 0 : i32
      %dma_wait3A_324 = tpu.memref_slice %arg2[%dma_wait3A_322, %dma_wait3A_323] : memref<10240x128xf32, #tpu.memory_space<hbm>> -> memref<10240x128xf32, #tpu.memory_space<hbm>>
      tpu.wait_indirect_dma semaphore(%arg12 : memref<!tpu.dma_semaphore, #tpu.memory_space<semaphore_mem>>) src(%dma_wait3A_324 : memref<10240x128xf32, #tpu.memory_space<hbm>>) dst(%arg8 : memref<50x128xf32, #tpu.memory_space<vmem>>)
      %add3A_325 = arith.constant 0 : i32
      %add3A_326 = arith.addi %mul3A_316, %add3A_325 : i32
      %dma_start3A_327 = arith.constant 0 : i32
      %dma_start3A_328 = tpu.memref_slice %arg6[%add3A_326, %dma_start3A_327] : memref<100x50xi32, #tpu.memory_space<vmem>> -> memref<1x50xi32, #tpu.memory_space<vmem>>
      %dma_start3A_329 = tpu.memref_squeeze %dma_start3A_328 : memref<1x50xi32, #tpu.memory_space<vmem>> -> memref<50xi32, #tpu.memory_space<vmem>>
      %dma_start3A_330 = arith.constant 0 : i32
      %dma_start3A_331 = arith.constant 0 : i32
      %dma_start3A_332 = tpu.memref_slice %arg7[%dma_start3A_330, %dma_start3A_331] : memref<10240x128xf32, #tpu.memory_space<vmem_shared>> -> memref<10240x128xf32, #tpu.memory_space<vmem_shared>>
      tpu.enqueue_indirect_dma source(%arg8 : memref<50x128xf32, #tpu.memory_space<vmem>>) target(%dma_start3A_332 : memref<10240x128xf32, #tpu.memory_space<vmem_shared>>) offsets(%dma_start3A_329 : memref<50xi32, #tpu.memory_space<vmem>>) semaphore(%arg13 : memref<!tpu.dma_semaphore, #tpu.memory_space<semaphore_mem>>) {add = true}
      %add3A_333 = arith.constant 0 : i32
      %add3A_334 = arith.addi %mul3A_316, %add3A_333 : i32
      %add3A_335 = arith.constant 1 : i32
      %add3A_336 = arith.addi %mul3A_316, %add3A_335 : i32
      %dma_wait3A_337 = arith.constant 0 : i32
      %dma_wait3A_338 = tpu.memref_slice %arg5[%add3A_336, %dma_wait3A_337] : memref<100x50xi32, #tpu.memory_space<vmem>> -> memref<1x50xi32, #tpu.memory_space<vmem>>
      %dma_wait3A_339 = tpu.memref_squeeze %dma_wait3A_338 : memref<1x50xi32, #tpu.memory_space<vmem>> -> memref<50xi32, #tpu.memory_space<vmem>>
      %dma_wait3A_340 = arith.constant 0 : i32
      %dma_wait3A_341 = arith.constant 0 : i32
      %dma_wait3A_342 = tpu.memref_slice %arg2[%dma_wait3A_340, %dma_wait3A_341] : memref<10240x128xf32, #tpu.memory_space<hbm>> -> memref<10240x128xf32, #tpu.memory_space<hbm>>
      tpu.wait_indirect_dma semaphore(%arg14 : memref<!tpu.dma_semaphore, #tpu.memory_space<semaphore_mem>>) src(%dma_wait3A_342 : memref<10240x128xf32, #tpu.memory_space<hbm>>) dst(%arg9 : memref<50x128xf32, #tpu.memory_space<vmem>>)
      %add3A_343 = arith.constant 1 : i32
      %add3A_344 = arith.addi %mul3A_316, %add3A_343 : i32
      %dma_start3A_345 = arith.constant 0 : i32
      %dma_start3A_346 = tpu.memref_slice %arg6[%add3A_344, %dma_start3A_345] : memref<100x50xi32, #tpu.memory_space<vmem>> -> memref<1x50xi32, #tpu.memory_space<vmem>>
      %dma_start3A_347 = tpu.memref_squeeze %dma_start3A_346 : memref<1x50xi32, #tpu.memory_space<vmem>> -> memref<50xi32, #tpu.memory_space<vmem>>
      %dma_start3A_348 = arith.constant 0 : i32
      %dma_start3A_349 = arith.constant 0 : i32
      %dma_start3A_350 = tpu.memref_slice %arg7[%dma_start3A_348, %dma_start3A_349] : memref<10240x128xf32, #tpu.memory_space<vmem_shared>> -> memref<10240x128xf32, #tpu.memory_space<vmem_shared>>
      tpu.enqueue_indirect_dma source(%arg9 : memref<50x128xf32, #tpu.memory_space<vmem>>) target(%dma_start3A_350 : memref<10240x128xf32, #tpu.memory_space<vmem_shared>>) offsets(%dma_start3A_347 : memref<50xi32, #tpu.memory_space<vmem>>) semaphore(%arg15 : memref<!tpu.dma_semaphore, #tpu.memory_space<semaphore_mem>>) {add = true}
      %add3A_351 = arith.constant 1 : i32
      %add3A_352 = arith.addi %mul3A_316, %add3A_351 : i32
      %add3A_353 = arith.constant 2 : i32
      %add3A_354 = arith.addi %mul3A_316, %add3A_353 : i32
      %dma_wait3A_355 = arith.constant 0 : i32
      %dma_wait3A_356 = tpu.memref_slice %arg5[%add3A_354, %dma_wait3A_355] : memref<100x50xi32, #tpu.memory_space<vmem>> -> memref<1x50xi32, #tpu.memory_space<vmem>>
      %dma_wait3A_357 = tpu.memref_squeeze %dma_wait3A_356 : memref<1x50xi32, #tpu.memory_space<vmem>> -> memref<50xi32, #tpu.memory_space<vmem>>
      %dma_wait3A_358 = arith.constant 0 : i32
      %dma_wait3A_359 = arith.constant 0 : i32
      %dma_wait3A_360 = tpu.memref_slice %arg2[%dma_wait3A_358, %dma_wait3A_359] : memref<10240x128xf32, #tpu.memory_space<hbm>> -> memref<10240x128xf32, #tpu.memory_space<hbm>>
      tpu.wait_indirect_dma semaphore(%arg16 : memref<!tpu.dma_semaphore, #tpu.memory_space<semaphore_mem>>) src(%dma_wait3A_360 : memref<10240x128xf32, #tpu.memory_space<hbm>>) dst(%arg10 : memref<50x128xf32, #tpu.memory_space<vmem>>)
      %add3A_361 = arith.constant 2 : i32
      %add3A_362 = arith.addi %mul3A_316, %add3A_361 : i32
      %dma_start3A_363 = arith.constant 0 : i32
      %dma_start3A_364 = tpu.memref_slice %arg6[%add3A_362, %dma_start3A_363] : memref<100x50xi32, #tpu.memory_space<vmem>> -> memref<1x50xi32, #tpu.memory_space<vmem>>
      %dma_start3A_365 = tpu.memref_squeeze %dma_start3A_364 : memref<1x50xi32, #tpu.memory_space<vmem>> -> memref<50xi32, #tpu.memory_space<vmem>>
      %dma_start3A_366 = arith.constant 0 : i32
      %dma_start3A_367 = arith.constant 0 : i32
      %dma_start3A_368 = tpu.memref_slice %arg7[%dma_start3A_366, %dma_start3A_367] : memref<10240x128xf32, #tpu.memory_space<vmem_shared>> -> memref<10240x128xf32, #tpu.memory_space<vmem_shared>>
      tpu.enqueue_indirect_dma source(%arg10 : memref<50x128xf32, #tpu.memory_space<vmem>>) target(%dma_start3A_368 : memref<10240x128xf32, #tpu.memory_space<vmem_shared>>) offsets(%dma_start3A_365 : memref<50xi32, #tpu.memory_space<vmem>>) semaphore(%arg17 : memref<!tpu.dma_semaphore, #tpu.memory_space<semaphore_mem>>) {add = true}
      %add3A_369 = arith.constant 2 : i32
      %add3A_370 = arith.addi %mul3A_316, %add3A_369 : i32
      %add3A_371 = arith.constant 3 : i32
      %add3A_372 = arith.addi %mul3A_316, %add3A_371 : i32
      %dma_wait3A_373 = arith.constant 0 : i32
      %dma_wait3A_374 = tpu.memref_slice %arg5[%add3A_372, %dma_wait3A_373] : memref<100x50xi32, #tpu.memory_space<vmem>> -> memref<1x50xi32, #tpu.memory_space<vmem>>
      %dma_wait3A_375 = tpu.memref_squeeze %dma_wait3A_374 : memref<1x50xi32, #tpu.memory_space<vmem>> -> memref<50xi32, #tpu.memory_space<vmem>>
      %dma_wait3A_376 = arith.constant 0 : i32
      %dma_wait3A_377 = arith.constant 0 : i32
      %dma_wait3A_378 = tpu.memref_slice %arg2[%dma_wait3A_376, %dma_wait3A_377] : memref<10240x128xf32, #tpu.memory_space<hbm>> -> memref<10240x128xf32, #tpu.memory_space<hbm>>
      tpu.wait_indirect_dma semaphore(%arg18 : memref<!tpu.dma_semaphore, #tpu.memory_space<semaphore_mem>>) src(%dma_wait3A_378 : memref<10240x128xf32, #tpu.memory_space<hbm>>) dst(%arg11 : memref<50x128xf32, #tpu.memory_space<vmem>>)
      %add3A_379 = arith.constant 3 : i32
      %add3A_380 = arith.addi %mul3A_316, %add3A_379 : i32
      %dma_start3A_381 = arith.constant 0 : i32
      %dma_start3A_382 = tpu.memref_slice %arg6[%add3A_380, %dma_start3A_381] : memref<100x50xi32, #tpu.memory_space<vmem>> -> memref<1x50xi32, #tpu.memory_space<vmem>>
      %dma_start3A_383 = tpu.memref_squeeze %dma_start3A_382 : memref<1x50xi32, #tpu.memory_space<vmem>> -> memref<50xi32, #tpu.memory_space<vmem>>
      %dma_start3A_384 = arith.constant 0 : i32
      %dma_start3A_385 = arith.constant 0 : i32
      %dma_start3A_386 = tpu.memref_slice %arg7[%dma_start3A_384, %dma_start3A_385] : memref<10240x128xf32, #tpu.memory_space<vmem_shared>> -> memref<10240x128xf32, #tpu.memory_space<vmem_shared>>
      tpu.enqueue_indirect_dma source(%arg11 : memref<50x128xf32, #tpu.memory_space<vmem>>) target(%dma_start3A_386 : memref<10240x128xf32, #tpu.memory_space<vmem_shared>>) offsets(%dma_start3A_383 : memref<50xi32, #tpu.memory_space<vmem>>) semaphore(%arg19 : memref<!tpu.dma_semaphore, #tpu.memory_space<semaphore_mem>>) {add = true}
      %add3A_387 = arith.constant 3 : i32
      %add3A_388 = arith.addi %mul3A_316, %add3A_387 : i32
      %add3A_389 = arith.constant 0 : i32
      %add3A_390 = arith.addi %mul3A_316, %add3A_389 : i32
      %dma_wait3A_391 = arith.constant 0 : i32
      %dma_wait3A_392 = tpu.memref_slice %arg6[%add3A_390, %dma_wait3A_391] : memref<100x50xi32, #tpu.memory_space<vmem>> -> memref<1x50xi32, #tpu.memory_space<vmem>>
      %dma_wait3A_393 = tpu.memref_squeeze %dma_wait3A_392 : memref<1x50xi32, #tpu.memory_space<vmem>> -> memref<50xi32, #tpu.memory_space<vmem>>
      %dma_wait3A_394 = arith.constant 0 : i32
      %dma_wait3A_395 = arith.constant 0 : i32
      %dma_wait3A_396 = tpu.memref_slice %arg7[%dma_wait3A_394, %dma_wait3A_395] : memref<10240x128xf32, #tpu.memory_space<vmem_shared>> -> memref<10240x128xf32, #tpu.memory_space<vmem_shared>>
      tpu.wait_indirect_dma semaphore(%arg13 : memref<!tpu.dma_semaphore, #tpu.memory_space<semaphore_mem>>) src(%arg8 : memref<50x128xf32, #tpu.memory_space<vmem>>) dst(%dma_wait3A_396 : memref<10240x128xf32, #tpu.memory_space<vmem_shared>>)
      %add3A_397 = arith.constant 0 : i32
      %add3A_398 = arith.addi %mul3A_316, %add3A_397 : i32
      %add3A_399 = arith.constant 4 : i32
      %add3A_400 = arith.addi %add3A_398, %add3A_399 : i32
      %dma_start3A_401 = arith.constant 0 : i32
      %dma_start3A_402 = tpu.memref_slice %arg5[%add3A_400, %dma_start3A_401] : memref<100x50xi32, #tpu.memory_space<vmem>> -> memref<1x50xi32, #tpu.memory_space<vmem>>
      %dma_start3A_403 = tpu.memref_squeeze %dma_start3A_402 : memref<1x50xi32, #tpu.memory_space<vmem>> -> memref<50xi32, #tpu.memory_space<vmem>>
      %dma_start3A_404 = arith.constant 0 : i32
      %dma_start3A_405 = arith.constant 0 : i32
      %dma_start3A_406 = tpu.memref_slice %arg2[%dma_start3A_404, %dma_start3A_405] : memref<10240x128xf32, #tpu.memory_space<hbm>> -> memref<10240x128xf32, #tpu.memory_space<hbm>>
      tpu.enqueue_indirect_dma source(%dma_start3A_406 : memref<10240x128xf32, #tpu.memory_space<hbm>>) target(%arg8 : memref<50x128xf32, #tpu.memory_space<vmem>>) offsets(%dma_start3A_403 : memref<50xi32, #tpu.memory_space<vmem>>) semaphore(%arg12 : memref<!tpu.dma_semaphore, #tpu.memory_space<semaphore_mem>>)
      %add3A_407 = arith.constant 1 : i32
      %add3A_408 = arith.addi %mul3A_316, %add3A_407 : i32
      %dma_wait3A_409 = arith.constant 0 : i32
      %dma_wait3A_410 = tpu.memref_slice %arg6[%add3A_408, %dma_wait3A_409] : memref<100x50xi32, #tpu.memory_space<vmem>> -> memref<1x50xi32, #tpu.memory_space<vmem>>
      %dma_wait3A_411 = tpu.memref_squeeze %dma_wait3A_410 : memref<1x50xi32, #tpu.memory_space<vmem>> -> memref<50xi32, #tpu.memory_space<vmem>>
      %dma_wait3A_412 = arith.constant 0 : i32
      %dma_wait3A_413 = arith.constant 0 : i32
      %dma_wait3A_414 = tpu.memref_slice %arg7[%dma_wait3A_412, %dma_wait3A_413] : memref<10240x128xf32, #tpu.memory_space<vmem_shared>> -> memref<10240x128xf32, #tpu.memory_space<vmem_shared>>
      tpu.wait_indirect_dma semaphore(%arg15 : memref<!tpu.dma_semaphore, #tpu.memory_space<semaphore_mem>>) src(%arg9 : memref<50x128xf32, #tpu.memory_space<vmem>>) dst(%dma_wait3A_414 : memref<10240x128xf32, #tpu.memory_space<vmem_shared>>)
      %add3A_415 = arith.constant 1 : i32
      %add3A_416 = arith.addi %mul3A_316, %add3A_415 : i32
      %add3A_417 = arith.constant 4 : i32
      %add3A_418 = arith.addi %add3A_416, %add3A_417 : i32
      %dma_start3A_419 = arith.constant 0 : i32
      %dma_start3A_420 = tpu.memref_slice %arg5[%add3A_418, %dma_start3A_419] : memref<100x50xi32, #tpu.memory_space<vmem>> -> memref<1x50xi32, #tpu.memory_space<vmem>>
      %dma_start3A_421 = tpu.memref_squeeze %dma_start3A_420 : memref<1x50xi32, #tpu.memory_space<vmem>> -> memref<50xi32, #tpu.memory_space<vmem>>
      %dma_start3A_422 = arith.constant 0 : i32
      %dma_start3A_423 = arith.constant 0 : i32
      %dma_start3A_424 = tpu.memref_slice %arg2[%dma_start3A_422, %dma_start3A_423] : memref<10240x128xf32, #tpu.memory_space<hbm>> -> memref<10240x128xf32, #tpu.memory_space<hbm>>
      tpu.enqueue_indirect_dma source(%dma_start3A_424 : memref<10240x128xf32, #tpu.memory_space<hbm>>) target(%arg9 : memref<50x128xf32, #tpu.memory_space<vmem>>) offsets(%dma_start3A_421 : memref<50xi32, #tpu.memory_space<vmem>>) semaphore(%arg14 : memref<!tpu.dma_semaphore, #tpu.memory_space<semaphore_mem>>)
      %add3A_425 = arith.constant 2 : i32
      %add3A_426 = arith.addi %mul3A_316, %add3A_425 : i32
      %dma_wait3A_427 = arith.constant 0 : i32
      %dma_wait3A_428 = tpu.memref_slice %arg6[%add3A_426, %dma_wait3A_427] : memref<100x50xi32, #tpu.memory_space<vmem>> -> memref<1x50xi32, #tpu.memory_space<vmem>>
      %dma_wait3A_429 = tpu.memref_squeeze %dma_wait3A_428 : memref<1x50xi32, #tpu.memory_space<vmem>> -> memref<50xi32, #tpu.memory_space<vmem>>
      %dma_wait3A_430 = arith.constant 0 : i32
      %dma_wait3A_431 = arith.constant 0 : i32
      %dma_wait3A_432 = tpu.memref_slice %arg7[%dma_wait3A_430, %dma_wait3A_431] : memref<10240x128xf32, #tpu.memory_space<vmem_shared>> -> memref<10240x128xf32, #tpu.memory_space<vmem_shared>>
      tpu.wait_indirect_dma semaphore(%arg17 : memref<!tpu.dma_semaphore, #tpu.memory_space<semaphore_mem>>) src(%arg10 : memref<50x128xf32, #tpu.memory_space<vmem>>) dst(%dma_wait3A_432 : memref<10240x128xf32, #tpu.memory_space<vmem_shared>>)
      %add3A_433 = arith.constant 2 : i32
      %add3A_434 = arith.addi %mul3A_316, %add3A_433 : i32
      %add3A_435 = arith.constant 4 : i32
      %add3A_436 = arith.addi %add3A_434, %add3A_435 : i32
      %dma_start3A_437 = arith.constant 0 : i32
      %dma_start3A_438 = tpu.memref_slice %arg5[%add3A_436, %dma_start3A_437] : memref<100x50xi32, #tpu.memory_space<vmem>> -> memref<1x50xi32, #tpu.memory_space<vmem>>
      %dma_start3A_439 = tpu.memref_squeeze %dma_start3A_438 : memref<1x50xi32, #tpu.memory_space<vmem>> -> memref<50xi32, #tpu.memory_space<vmem>>
      %dma_start3A_440 = arith.constant 0 : i32
      %dma_start3A_441 = arith.constant 0 : i32
      %dma_start3A_442 = tpu.memref_slice %arg2[%dma_start3A_440, %dma_start3A_441] : memref<10240x128xf32, #tpu.memory_space<hbm>> -> memref<10240x128xf32, #tpu.memory_space<hbm>>
      tpu.enqueue_indirect_dma source(%dma_start3A_442 : memref<10240x128xf32, #tpu.memory_space<hbm>>) target(%arg10 : memref<50x128xf32, #tpu.memory_space<vmem>>) offsets(%dma_start3A_439 : memref<50xi32, #tpu.memory_space<vmem>>) semaphore(%arg16 : memref<!tpu.dma_semaphore, #tpu.memory_space<semaphore_mem>>)
      %add3A_443 = arith.constant 3 : i32
      %add3A_444 = arith.addi %mul3A_316, %add3A_443 : i32
      %dma_wait3A_445 = arith.constant 0 : i32
      %dma_wait3A_446 = tpu.memref_slice %arg6[%add3A_444, %dma_wait3A_445] : memref<100x50xi32, #tpu.memory_space<vmem>> -> memref<1x50xi32, #tpu.memory_space<vmem>>
      %dma_wait3A_447 = tpu.memref_squeeze %dma_wait3A_446 : memref<1x50xi32, #tpu.memory_space<vmem>> -> memref<50xi32, #tpu.memory_space<vmem>>
      %dma_wait3A_448 = arith.constant 0 : i32
      %dma_wait3A_449 = arith.constant 0 : i32
      %dma_wait3A_450 = tpu.memref_slice %arg7[%dma_wait3A_448, %dma_wait3A_449] : memref<10240x128xf32, #tpu.memory_space<vmem_shared>> -> memref<10240x128xf32, #tpu.memory_space<vmem_shared>>
      tpu.wait_indirect_dma semaphore(%arg19 : memref<!tpu.dma_semaphore, #tpu.memory_space<semaphore_mem>>) src(%arg11 : memref<50x128xf32, #tpu.memory_space<vmem>>) dst(%dma_wait3A_450 : memref<10240x128xf32, #tpu.memory_space<vmem_shared>>)
      %add3A_451 = arith.constant 3 : i32
      %add3A_452 = arith.addi %mul3A_316, %add3A_451 : i32
      %add3A_453 = arith.constant 4 : i32
      %add3A_454 = arith.addi %add3A_452, %add3A_453 : i32
      %dma_start3A_455 = arith.constant 0 : i32
      %dma_start3A_456 = tpu.memref_slice %arg5[%add3A_454, %dma_start3A_455] : memref<100x50xi32, #tpu.memory_space<vmem>> -> memref<1x50xi32, #tpu.memory_space<vmem>>
      %dma_start3A_457 = tpu.memref_squeeze %dma_start3A_456 : memref<1x50xi32, #tpu.memory_space<vmem>> -> memref<50xi32, #tpu.memory_space<vmem>>
      %dma_start3A_458 = arith.constant 0 : i32
      %dma_start3A_459 = arith.constant 0 : i32
      %dma_start3A_460 = tpu.memref_slice %arg2[%dma_start3A_458, %dma_start3A_459] : memref<10240x128xf32, #tpu.memory_space<hbm>> -> memref<10240x128xf32, #tpu.memory_space<hbm>>
      tpu.enqueue_indirect_dma source(%dma_start3A_460 : memref<10240x128xf32, #tpu.memory_space<hbm>>) target(%arg11 : memref<50x128xf32, #tpu.memory_space<vmem>>) offsets(%dma_start3A_457 : memref<50xi32, #tpu.memory_space<vmem>>) semaphore(%arg18 : memref<!tpu.dma_semaphore, #tpu.memory_space<semaphore_mem>>)
    }
    %scan3A_104 = arith.constant 24 : i32
    %dma_wait3A = arith.constant 96 : i32
    %dma_wait3A_105 = arith.constant 0 : i32
    %dma_wait3A_106 = tpu.memref_slice %arg5[%dma_wait3A, %dma_wait3A_105] : memref<100x50xi32, #tpu.memory_space<vmem>> -> memref<1x50xi32, #tpu.memory_space<vmem>>
    %dma_wait3A_107 = tpu.memref_squeeze %dma_wait3A_106 : memref<1x50xi32, #tpu.memory_space<vmem>> -> memref<50xi32, #tpu.memory_space<vmem>>
    %dma_wait3A_108 = arith.constant 0 : i32
    %dma_wait3A_109 = arith.constant 0 : i32
    %dma_wait3A_110 = tpu.memref_slice %arg2[%dma_wait3A_108, %dma_wait3A_109] : memref<10240x128xf32, #tpu.memory_space<hbm>> -> memref<10240x128xf32, #tpu.memory_space<hbm>>
    tpu.wait_indirect_dma semaphore(%arg12 : memref<!tpu.dma_semaphore, #tpu.memory_space<semaphore_mem>>) src(%dma_wait3A_110 : memref<10240x128xf32, #tpu.memory_space<hbm>>) dst(%arg8 : memref<50x128xf32, #tpu.memory_space<vmem>>)
    %dma_start3A_111 = arith.constant 96 : i32
    %dma_start3A_112 = arith.constant 0 : i32
    %dma_start3A_113 = tpu.memref_slice %arg6[%dma_start3A_111, %dma_start3A_112] : memref<100x50xi32, #tpu.memory_space<vmem>> -> memref<1x50xi32, #tpu.memory_space<vmem>>
    %dma_start3A_114 = tpu.memref_squeeze %dma_start3A_113 : memref<1x50xi32, #tpu.memory_space<vmem>> -> memref<50xi32, #tpu.memory_space<vmem>>
    %dma_start3A_115 = arith.constant 0 : i32
    %dma_start3A_116 = arith.constant 0 : i32
    %dma_start3A_117 = tpu.memref_slice %arg7[%dma_start3A_115, %dma_start3A_116] : memref<10240x128xf32, #tpu.memory_space<vmem_shared>> -> memref<10240x128xf32, #tpu.memory_space<vmem_shared>>
    tpu.enqueue_indirect_dma source(%arg8 : memref<50x128xf32, #tpu.memory_space<vmem>>) target(%dma_start3A_117 : memref<10240x128xf32, #tpu.memory_space<vmem_shared>>) offsets(%dma_start3A_114 : memref<50xi32, #tpu.memory_space<vmem>>) semaphore(%arg13 : memref<!tpu.dma_semaphore, #tpu.memory_space<semaphore_mem>>) {add = true}
    %dma_wait3A_118 = arith.constant 97 : i32
    %dma_wait3A_119 = arith.constant 0 : i32
    %dma_wait3A_120 = tpu.memref_slice %arg5[%dma_wait3A_118, %dma_wait3A_119] : memref<100x50xi32, #tpu.memory_space<vmem>> -> memref<1x50xi32, #tpu.memory_space<vmem>>
    %dma_wait3A_121 = tpu.memref_squeeze %dma_wait3A_120 : memref<1x50xi32, #tpu.memory_space<vmem>> -> memref<50xi32, #tpu.memory_space<vmem>>
    %dma_wait3A_122 = arith.constant 0 : i32
    %dma_wait3A_123 = arith.constant 0 : i32
    %dma_wait3A_124 = tpu.memref_slice %arg2[%dma_wait3A_122, %dma_wait3A_123] : memref<10240x128xf32, #tpu.memory_space<hbm>> -> memref<10240x128xf32, #tpu.memory_space<hbm>>
    tpu.wait_indirect_dma semaphore(%arg14 : memref<!tpu.dma_semaphore, #tpu.memory_space<semaphore_mem>>) src(%dma_wait3A_124 : memref<10240x128xf32, #tpu.memory_space<hbm>>) dst(%arg9 : memref<50x128xf32, #tpu.memory_space<vmem>>)
    %dma_start3A_125 = arith.constant 97 : i32
    %dma_start3A_126 = arith.constant 0 : i32
    %dma_start3A_127 = tpu.memref_slice %arg6[%dma_start3A_125, %dma_start3A_126] : memref<100x50xi32, #tpu.memory_space<vmem>> -> memref<1x50xi32, #tpu.memory_space<vmem>>
    %dma_start3A_128 = tpu.memref_squeeze %dma_start3A_127 : memref<1x50xi32, #tpu.memory_space<vmem>> -> memref<50xi32, #tpu.memory_space<vmem>>
    %dma_start3A_129 = arith.constant 0 : i32
    %dma_start3A_130 = arith.constant 0 : i32
    %dma_start3A_131 = tpu.memref_slice %arg7[%dma_start3A_129, %dma_start3A_130] : memref<10240x128xf32, #tpu.memory_space<vmem_shared>> -> memref<10240x128xf32, #tpu.memory_space<vmem_shared>>
    tpu.enqueue_indirect_dma source(%arg9 : memref<50x128xf32, #tpu.memory_space<vmem>>) target(%dma_start3A_131 : memref<10240x128xf32, #tpu.memory_space<vmem_shared>>) offsets(%dma_start3A_128 : memref<50xi32, #tpu.memory_space<vmem>>) semaphore(%arg15 : memref<!tpu.dma_semaphore, #tpu.memory_space<semaphore_mem>>) {add = true}
    %dma_wait3A_132 = arith.constant 98 : i32
    %dma_wait3A_133 = arith.constant 0 : i32
    %dma_wait3A_134 = tpu.memref_slice %arg5[%dma_wait3A_132, %dma_wait3A_133] : memref<100x50xi32, #tpu.memory_space<vmem>> -> memref<1x50xi32, #tpu.memory_space<vmem>>
    %dma_wait3A_135 = tpu.memref_squeeze %dma_wait3A_134 : memref<1x50xi32, #tpu.memory_space<vmem>> -> memref<50xi32, #tpu.memory_space<vmem>>
    %dma_wait3A_136 = arith.constant 0 : i32
    %dma_wait3A_137 = arith.constant 0 : i32
    %dma_wait3A_138 = tpu.memref_slice %arg2[%dma_wait3A_136, %dma_wait3A_137] : memref<10240x128xf32, #tpu.memory_space<hbm>> -> memref<10240x128xf32, #tpu.memory_space<hbm>>
    tpu.wait_indirect_dma semaphore(%arg16 : memref<!tpu.dma_semaphore, #tpu.memory_space<semaphore_mem>>) src(%dma_wait3A_138 : memref<10240x128xf32, #tpu.memory_space<hbm>>) dst(%arg10 : memref<50x128xf32, #tpu.memory_space<vmem>>)
    %dma_start3A_139 = arith.constant 98 : i32
    %dma_start3A_140 = arith.constant 0 : i32
    %dma_start3A_141 = tpu.memref_slice %arg6[%dma_start3A_139, %dma_start3A_140] : memref<100x50xi32, #tpu.memory_space<vmem>> -> memref<1x50xi32, #tpu.memory_space<vmem>>
    %dma_start3A_142 = tpu.memref_squeeze %dma_start3A_141 : memref<1x50xi32, #tpu.memory_space<vmem>> -> memref<50xi32, #tpu.memory_space<vmem>>
    %dma_start3A_143 = arith.constant 0 : i32
    %dma_start3A_144 = arith.constant 0 : i32
    %dma_start3A_145 = tpu.memref_slice %arg7[%dma_start3A_143, %dma_start3A_144] : memref<10240x128xf32, #tpu.memory_space<vmem_shared>> -> memref<10240x128xf32, #tpu.memory_space<vmem_shared>>
    tpu.enqueue_indirect_dma source(%arg10 : memref<50x128xf32, #tpu.memory_space<vmem>>) target(%dma_start3A_145 : memref<10240x128xf32, #tpu.memory_space<vmem_shared>>) offsets(%dma_start3A_142 : memref<50xi32, #tpu.memory_space<vmem>>) semaphore(%arg17 : memref<!tpu.dma_semaphore, #tpu.memory_space<semaphore_mem>>) {add = true}
    %dma_wait3A_146 = arith.constant 99 : i32
    %dma_wait3A_147 = arith.constant 0 : i32
    %dma_wait3A_148 = tpu.memref_slice %arg5[%dma_wait3A_146, %dma_wait3A_147] : memref<100x50xi32, #tpu.memory_space<vmem>> -> memref<1x50xi32, #tpu.memory_space<vmem>>
    %dma_wait3A_149 = tpu.memref_squeeze %dma_wait3A_148 : memref<1x50xi32, #tpu.memory_space<vmem>> -> memref<50xi32, #tpu.memory_space<vmem>>
    %dma_wait3A_150 = arith.constant 0 : i32
    %dma_wait3A_151 = arith.constant 0 : i32
    %dma_wait3A_152 = tpu.memref_slice %arg2[%dma_wait3A_150, %dma_wait3A_151] : memref<10240x128xf32, #tpu.memory_space<hbm>> -> memref<10240x128xf32, #tpu.memory_space<hbm>>
    tpu.wait_indirect_dma semaphore(%arg18 : memref<!tpu.dma_semaphore, #tpu.memory_space<semaphore_mem>>) src(%dma_wait3A_152 : memref<10240x128xf32, #tpu.memory_space<hbm>>) dst(%arg11 : memref<50x128xf32, #tpu.memory_space<vmem>>)
    %dma_start3A_153 = arith.constant 99 : i32
    %dma_start3A_154 = arith.constant 0 : i32
    %dma_start3A_155 = tpu.memref_slice %arg6[%dma_start3A_153, %dma_start3A_154] : memref<100x50xi32, #tpu.memory_space<vmem>> -> memref<1x50xi32, #tpu.memory_space<vmem>>
    %dma_start3A_156 = tpu.memref_squeeze %dma_start3A_155 : memref<1x50xi32, #tpu.memory_space<vmem>> -> memref<50xi32, #tpu.memory_space<vmem>>
    %dma_start3A_157 = arith.constant 0 : i32
    %dma_start3A_158 = arith.constant 0 : i32
    %dma_start3A_159 = tpu.memref_slice %arg7[%dma_start3A_157, %dma_start3A_158] : memref<10240x128xf32, #tpu.memory_space<vmem_shared>> -> memref<10240x128xf32, #tpu.memory_space<vmem_shared>>
    tpu.enqueue_indirect_dma source(%arg11 : memref<50x128xf32, #tpu.memory_space<vmem>>) target(%dma_start3A_159 : memref<10240x128xf32, #tpu.memory_space<vmem_shared>>) offsets(%dma_start3A_156 : memref<50xi32, #tpu.memory_space<vmem>>) semaphore(%arg19 : memref<!tpu.dma_semaphore, #tpu.memory_space<semaphore_mem>>) {add = true}
    %dma_wait3A_160 = arith.constant 96 : i32
    %dma_wait3A_161 = arith.constant 0 : i32
    %dma_wait3A_162 = tpu.memref_slice %arg6[%dma_wait3A_160, %dma_wait3A_161] : memref<100x50xi32, #tpu.memory_space<vmem>> -> memref<1x50xi32, #tpu.memory_space<vmem>>
    %dma_wait3A_163 = tpu.memref_squeeze %dma_wait3A_162 : memref<1x50xi32, #tpu.memory_space<vmem>> -> memref<50xi32, #tpu.memory_space<vmem>>
    %dma_wait3A_164 = arith.constant 0 : i32
    %dma_wait3A_165 = arith.constant 0 : i32
    %dma_wait3A_166 = tpu.memref_slice %arg7[%dma_wait3A_164, %dma_wait3A_165] : memref<10240x128xf32, #tpu.memory_space<vmem_shared>> -> memref<10240x128xf32, #tpu.memory_space<vmem_shared>>
    tpu.wait_indirect_dma semaphore(%arg13 : memref<!tpu.dma_semaphore, #tpu.memory_space<semaphore_mem>>) src(%arg8 : memref<50x128xf32, #tpu.memory_space<vmem>>) dst(%dma_wait3A_166 : memref<10240x128xf32, #tpu.memory_space<vmem_shared>>)
    %dma_wait3A_167 = arith.constant 97 : i32
    %dma_wait3A_168 = arith.constant 0 : i32
    %dma_wait3A_169 = tpu.memref_slice %arg6[%dma_wait3A_167, %dma_wait3A_168] : memref<100x50xi32, #tpu.memory_space<vmem>> -> memref<1x50xi32, #tpu.memory_space<vmem>>
    %dma_wait3A_170 = tpu.memref_squeeze %dma_wait3A_169 : memref<1x50xi32, #tpu.memory_space<vmem>> -> memref<50xi32, #tpu.memory_space<vmem>>
    %dma_wait3A_171 = arith.constant 0 : i32
    %dma_wait3A_172 = arith.constant 0 : i32
    %dma_wait3A_173 = tpu.memref_slice %arg7[%dma_wait3A_171, %dma_wait3A_172] : memref<10240x128xf32, #tpu.memory_space<vmem_shared>> -> memref<10240x128xf32, #tpu.memory_space<vmem_shared>>
    tpu.wait_indirect_dma semaphore(%arg15 : memref<!tpu.dma_semaphore, #tpu.memory_space<semaphore_mem>>) src(%arg9 : memref<50x128xf32, #tpu.memory_space<vmem>>) dst(%dma_wait3A_173 : memref<10240x128xf32, #tpu.memory_space<vmem_shared>>)
    %dma_wait3A_174 = arith.constant 98 : i32
    %dma_wait3A_175 = arith.constant 0 : i32
    %dma_wait3A_176 = tpu.memref_slice %arg6[%dma_wait3A_174, %dma_wait3A_175] : memref<100x50xi32, #tpu.memory_space<vmem>> -> memref<1x50xi32, #tpu.memory_space<vmem>>
    %dma_wait3A_177 = tpu.memref_squeeze %dma_wait3A_176 : memref<1x50xi32, #tpu.memory_space<vmem>> -> memref<50xi32, #tpu.memory_space<vmem>>
    %dma_wait3A_178 = arith.constant 0 : i32
    %dma_wait3A_179 = arith.constant 0 : i32
    %dma_wait3A_180 = tpu.memref_slice %arg7[%dma_wait3A_178, %dma_wait3A_179] : memref<10240x128xf32, #tpu.memory_space<vmem_shared>> -> memref<10240x128xf32, #tpu.memory_space<vmem_shared>>
    tpu.wait_indirect_dma semaphore(%arg17 : memref<!tpu.dma_semaphore, #tpu.memory_space<semaphore_mem>>) src(%arg10 : memref<50x128xf32, #tpu.memory_space<vmem>>) dst(%dma_wait3A_180 : memref<10240x128xf32, #tpu.memory_space<vmem_shared>>)
    %dma_wait3A_181 = arith.constant 99 : i32
    %dma_wait3A_182 = arith.constant 0 : i32
    %dma_wait3A_183 = tpu.memref_slice %arg6[%dma_wait3A_181, %dma_wait3A_182] : memref<100x50xi32, #tpu.memory_space<vmem>> -> memref<1x50xi32, #tpu.memory_space<vmem>>
    %dma_wait3A_184 = tpu.memref_squeeze %dma_wait3A_183 : memref<1x50xi32, #tpu.memory_space<vmem>> -> memref<50xi32, #tpu.memory_space<vmem>>
    %dma_wait3A_185 = arith.constant 0 : i32
    %dma_wait3A_186 = arith.constant 0 : i32
    %dma_wait3A_187 = tpu.memref_slice %arg7[%dma_wait3A_185, %dma_wait3A_186] : memref<10240x128xf32, #tpu.memory_space<vmem_shared>> -> memref<10240x128xf32, #tpu.memory_space<vmem_shared>>
    tpu.wait_indirect_dma semaphore(%arg19 : memref<!tpu.dma_semaphore, #tpu.memory_space<semaphore_mem>>) src(%arg11 : memref<50x128xf32, #tpu.memory_space<vmem>>) dst(%dma_wait3A_187 : memref<10240x128xf32, #tpu.memory_space<vmem_shared>>)
    %run_scoped3A_188 = arith.constant 0 : i32
    "tpu.region"() ({
      %run_scoped3A_314 = tpu.sem_alloc : memref<!tpu.dma_semaphore, #tpu.memory_space<semaphore_mem>>
      %dma_start3A_315 = arith.constant 100 : i32
      %dma_start3A_316 = arith.constant 0 : i32
      %dma_start3A_317 = tpu.memref_slice %arg3[%run_scoped3A_188, %add3A, %dma_start3A_315, %dma_start3A_316] : memref<2x32x200x50xi32, #tpu.memory_space<hbm>> -> memref<1x1x100x50xi32, #tpu.memory_space<hbm>>
      %dma_start3A_318 = tpu.memref_squeeze %dma_start3A_317 : memref<1x1x100x50xi32, #tpu.memory_space<hbm>> -> memref<100x50xi32, #tpu.memory_space<hbm>>
      %dma_start3A_319 = arith.constant 100 : i32
      %dma_start3A_320 = arith.constant 0 : i32
      %dma_start3A_321 = tpu.memref_slice %arg3[%run_scoped3A_188, %add3A, %dma_start3A_319, %dma_start3A_320] : memref<2x32x200x50xi32, #tpu.memory_space<hbm>> -> memref<1x1x100x50xi32, #tpu.memory_space<hbm>>
      %dma_start3A_322 = tpu.memref_squeeze %dma_start3A_321 : memref<1x1x100x50xi32, #tpu.memory_space<hbm>> -> memref<100x50xi32, #tpu.memory_space<hbm>>
      tpu.enqueue_dma source(%dma_start3A_322 : memref<100x50xi32, #tpu.memory_space<hbm>>) target(%arg5 : memref<100x50xi32, #tpu.memory_space<vmem>>) target_semaphore(%run_scoped3A_314 : memref<!tpu.dma_semaphore, #tpu.memory_space<semaphore_mem>>)
      %dma_wait3A_323 = arith.constant 100 : i32
      %dma_wait3A_324 = arith.constant 0 : i32
      %dma_wait3A_325 = tpu.memref_slice %arg3[%run_scoped3A_188, %add3A, %dma_wait3A_323, %dma_wait3A_324] : memref<2x32x200x50xi32, #tpu.memory_space<hbm>> -> memref<1x1x100x50xi32, #tpu.memory_space<hbm>>
      %dma_wait3A_326 = tpu.memref_squeeze %dma_wait3A_325 : memref<1x1x100x50xi32, #tpu.memory_space<hbm>> -> memref<100x50xi32, #tpu.memory_space<hbm>>
      %dma_wait3A_327 = arith.constant 100 : i32
      %dma_wait3A_328 = arith.constant 0 : i32
      %dma_wait3A_329 = tpu.memref_slice %arg3[%run_scoped3A_188, %add3A, %dma_wait3A_327, %dma_wait3A_328] : memref<2x32x200x50xi32, #tpu.memory_space<hbm>> -> memref<1x1x100x50xi32, #tpu.memory_space<hbm>>
      %dma_wait3A_330 = tpu.memref_squeeze %dma_wait3A_329 : memref<1x1x100x50xi32, #tpu.memory_space<hbm>> -> memref<100x50xi32, #tpu.memory_space<hbm>>
      tpu.wait_dma2 semaphore(%run_scoped3A_314 : memref<!tpu.dma_semaphore, #tpu.memory_space<semaphore_mem>>) src(%dma_wait3A_330 : memref<100x50xi32, #tpu.memory_space<hbm>>) dst(%arg5 : memref<100x50xi32, #tpu.memory_space<vmem>>)
      tpu.yield
    }) : () -> ()
    %run_scoped3A_189 = arith.constant 1 : i32
    "tpu.region"() ({
      %run_scoped3A_314 = tpu.sem_alloc : memref<!tpu.dma_semaphore, #tpu.memory_space<semaphore_mem>>
      %dma_start3A_315 = arith.constant 100 : i32
      %dma_start3A_316 = arith.constant 0 : i32
      %dma_start3A_317 = tpu.memref_slice %arg3[%run_scoped3A_189, %add3A, %dma_start3A_315, %dma_start3A_316] : memref<2x32x200x50xi32, #tpu.memory_space<hbm>> -> memref<1x1x100x50xi32, #tpu.memory_space<hbm>>
      %dma_start3A_318 = tpu.memref_squeeze %dma_start3A_317 : memref<1x1x100x50xi32, #tpu.memory_space<hbm>> -> memref<100x50xi32, #tpu.memory_space<hbm>>
      %dma_start3A_319 = arith.constant 100 : i32
      %dma_start3A_320 = arith.constant 0 : i32
      %dma_start3A_321 = tpu.memref_slice %arg3[%run_scoped3A_189, %add3A, %dma_start3A_319, %dma_start3A_320] : memref<2x32x200x50xi32, #tpu.memory_space<hbm>> -> memref<1x1x100x50xi32, #tpu.memory_space<hbm>>
      %dma_start3A_322 = tpu.memref_squeeze %dma_start3A_321 : memref<1x1x100x50xi32, #tpu.memory_space<hbm>> -> memref<100x50xi32, #tpu.memory_space<hbm>>
      tpu.enqueue_dma source(%dma_start3A_322 : memref<100x50xi32, #tpu.memory_space<hbm>>) target(%arg6 : memref<100x50xi32, #tpu.memory_space<vmem>>) target_semaphore(%run_scoped3A_314 : memref<!tpu.dma_semaphore, #tpu.memory_space<semaphore_mem>>)
      %dma_wait3A_323 = arith.constant 100 : i32
      %dma_wait3A_324 = arith.constant 0 : i32
      %dma_wait3A_325 = tpu.memref_slice %arg3[%run_scoped3A_189, %add3A, %dma_wait3A_323, %dma_wait3A_324] : memref<2x32x200x50xi32, #tpu.memory_space<hbm>> -> memref<1x1x100x50xi32, #tpu.memory_space<hbm>>
      %dma_wait3A_326 = tpu.memref_squeeze %dma_wait3A_325 : memref<1x1x100x50xi32, #tpu.memory_space<hbm>> -> memref<100x50xi32, #tpu.memory_space<hbm>>
      %dma_wait3A_327 = arith.constant 100 : i32
      %dma_wait3A_328 = arith.constant 0 : i32
      %dma_wait3A_329 = tpu.memref_slice %arg3[%run_scoped3A_189, %add3A, %dma_wait3A_327, %dma_wait3A_328] : memref<2x32x200x50xi32, #tpu.memory_space<hbm>> -> memref<1x1x100x50xi32, #tpu.memory_space<hbm>>
      %dma_wait3A_330 = tpu.memref_squeeze %dma_wait3A_329 : memref<1x1x100x50xi32, #tpu.memory_space<hbm>> -> memref<100x50xi32, #tpu.memory_space<hbm>>
      tpu.wait_dma2 semaphore(%run_scoped3A_314 : memref<!tpu.dma_semaphore, #tpu.memory_space<semaphore_mem>>) src(%dma_wait3A_330 : memref<100x50xi32, #tpu.memory_space<hbm>>) dst(%arg6 : memref<100x50xi32, #tpu.memory_space<vmem>>)
      tpu.yield
    }) : () -> ()
    %dma_start3A_190 = arith.constant 0 : i32
    %dma_start3A_191 = arith.constant 0 : i32
    %dma_start3A_192 = tpu.memref_slice %arg5[%dma_start3A_190, %dma_start3A_191] : memref<100x50xi32, #tpu.memory_space<vmem>> -> memref<1x50xi32, #tpu.memory_space<vmem>>
    %dma_start3A_193 = tpu.memref_squeeze %dma_start3A_192 : memref<1x50xi32, #tpu.memory_space<vmem>> -> memref<50xi32, #tpu.memory_space<vmem>>
    %dma_start3A_194 = arith.constant 0 : i32
    %dma_start3A_195 = arith.constant 0 : i32
    %dma_start3A_196 = tpu.memref_slice %arg2[%dma_start3A_194, %dma_start3A_195] : memref<10240x128xf32, #tpu.memory_space<hbm>> -> memref<10240x128xf32, #tpu.memory_space<hbm>>
    tpu.enqueue_indirect_dma source(%dma_start3A_196 : memref<10240x128xf32, #tpu.memory_space<hbm>>) target(%arg8 : memref<50x128xf32, #tpu.memory_space<vmem>>) offsets(%dma_start3A_193 : memref<50xi32, #tpu.memory_space<vmem>>) semaphore(%arg12 : memref<!tpu.dma_semaphore, #tpu.memory_space<semaphore_mem>>)
    %dma_start3A_197 = arith.constant 1 : i32
    %dma_start3A_198 = arith.constant 0 : i32
    %dma_start3A_199 = tpu.memref_slice %arg5[%dma_start3A_197, %dma_start3A_198] : memref<100x50xi32, #tpu.memory_space<vmem>> -> memref<1x50xi32, #tpu.memory_space<vmem>>
    %dma_start3A_200 = tpu.memref_squeeze %dma_start3A_199 : memref<1x50xi32, #tpu.memory_space<vmem>> -> memref<50xi32, #tpu.memory_space<vmem>>
    %dma_start3A_201 = arith.constant 0 : i32
    %dma_start3A_202 = arith.constant 0 : i32
    %dma_start3A_203 = tpu.memref_slice %arg2[%dma_start3A_201, %dma_start3A_202] : memref<10240x128xf32, #tpu.memory_space<hbm>> -> memref<10240x128xf32, #tpu.memory_space<hbm>>
    tpu.enqueue_indirect_dma source(%dma_start3A_203 : memref<10240x128xf32, #tpu.memory_space<hbm>>) target(%arg9 : memref<50x128xf32, #tpu.memory_space<vmem>>) offsets(%dma_start3A_200 : memref<50xi32, #tpu.memory_space<vmem>>) semaphore(%arg14 : memref<!tpu.dma_semaphore, #tpu.memory_space<semaphore_mem>>)
    %dma_start3A_204 = arith.constant 2 : i32
    %dma_start3A_205 = arith.constant 0 : i32
    %dma_start3A_206 = tpu.memref_slice %arg5[%dma_start3A_204, %dma_start3A_205] : memref<100x50xi32, #tpu.memory_space<vmem>> -> memref<1x50xi32, #tpu.memory_space<vmem>>
    %dma_start3A_207 = tpu.memref_squeeze %dma_start3A_206 : memref<1x50xi32, #tpu.memory_space<vmem>> -> memref<50xi32, #tpu.memory_space<vmem>>
    %dma_start3A_208 = arith.constant 0 : i32
    %dma_start3A_209 = arith.constant 0 : i32
    %dma_start3A_210 = tpu.memref_slice %arg2[%dma_start3A_208, %dma_start3A_209] : memref<10240x128xf32, #tpu.memory_space<hbm>> -> memref<10240x128xf32, #tpu.memory_space<hbm>>
    tpu.enqueue_indirect_dma source(%dma_start3A_210 : memref<10240x128xf32, #tpu.memory_space<hbm>>) target(%arg10 : memref<50x128xf32, #tpu.memory_space<vmem>>) offsets(%dma_start3A_207 : memref<50xi32, #tpu.memory_space<vmem>>) semaphore(%arg16 : memref<!tpu.dma_semaphore, #tpu.memory_space<semaphore_mem>>)
    %dma_start3A_211 = arith.constant 3 : i32
    %dma_start3A_212 = arith.constant 0 : i32
    %dma_start3A_213 = tpu.memref_slice %arg5[%dma_start3A_211, %dma_start3A_212] : memref<100x50xi32, #tpu.memory_space<vmem>> -> memref<1x50xi32, #tpu.memory_space<vmem>>
    %dma_start3A_214 = tpu.memref_squeeze %dma_start3A_213 : memref<1x50xi32, #tpu.memory_space<vmem>> -> memref<50xi32, #tpu.memory_space<vmem>>
    %dma_start3A_215 = arith.constant 0 : i32
    %dma_start3A_216 = arith.constant 0 : i32
    %dma_start3A_217 = tpu.memref_slice %arg2[%dma_start3A_215, %dma_start3A_216] : memref<10240x128xf32, #tpu.memory_space<hbm>> -> memref<10240x128xf32, #tpu.memory_space<hbm>>
    tpu.enqueue_indirect_dma source(%dma_start3A_217 : memref<10240x128xf32, #tpu.memory_space<hbm>>) target(%arg11 : memref<50x128xf32, #tpu.memory_space<vmem>>) offsets(%dma_start3A_214 : memref<50xi32, #tpu.memory_space<vmem>>) semaphore(%arg18 : memref<!tpu.dma_semaphore, #tpu.memory_space<semaphore_mem>>)
    %scan3A_218 = arith.constant 0 : i32
    %scan3A_219 = arith.constant 0 : i32
    %scan3A_220 = arith.constant 24 : i32
    %scan3A_221 = arith.addi %scan3A_219, %scan3A_220 : i32
    %scan3A_222 = arith.constant 1 : i32
    scf.for %scan3A_314 = %scan3A_219 to %scan3A_221 step %scan3A_222  : i32 {
      %mul3A_315 = arith.constant 4 : i32
      %mul3A_316 = arith.muli %mul3A_315, %scan3A_314 : i32
      %add3A_317 = arith.constant 0 : i32
      %add3A_318 = arith.addi %mul3A_316, %add3A_317 : i32
      %dma_wait3A_319 = arith.constant 0 : i32
      %dma_wait3A_320 = tpu.memref_slice %arg5[%add3A_318, %dma_wait3A_319] : memref<100x50xi32, #tpu.memory_space<vmem>> -> memref<1x50xi32, #tpu.memory_space<vmem>>
      %dma_wait3A_321 = tpu.memref_squeeze %dma_wait3A_320 : memref<1x50xi32, #tpu.memory_space<vmem>> -> memref<50xi32, #tpu.memory_space<vmem>>
      %dma_wait3A_322 = arith.constant 0 : i32
      %dma_wait3A_323 = arith.constant 0 : i32
      %dma_wait3A_324 = tpu.memref_slice %arg2[%dma_wait3A_322, %dma_wait3A_323] : memref<10240x128xf32, #tpu.memory_space<hbm>> -> memref<10240x128xf32, #tpu.memory_space<hbm>>
      tpu.wait_indirect_dma semaphore(%arg12 : memref<!tpu.dma_semaphore, #tpu.memory_space<semaphore_mem>>) src(%dma_wait3A_324 : memref<10240x128xf32, #tpu.memory_space<hbm>>) dst(%arg8 : memref<50x128xf32, #tpu.memory_space<vmem>>)
      %add3A_325 = arith.constant 0 : i32
      %add3A_326 = arith.addi %mul3A_316, %add3A_325 : i32
      %dma_start3A_327 = arith.constant 0 : i32
      %dma_start3A_328 = tpu.memref_slice %arg6[%add3A_326, %dma_start3A_327] : memref<100x50xi32, #tpu.memory_space<vmem>> -> memref<1x50xi32, #tpu.memory_space<vmem>>
      %dma_start3A_329 = tpu.memref_squeeze %dma_start3A_328 : memref<1x50xi32, #tpu.memory_space<vmem>> -> memref<50xi32, #tpu.memory_space<vmem>>
      %dma_start3A_330 = arith.constant 0 : i32
      %dma_start3A_331 = arith.constant 0 : i32
      %dma_start3A_332 = tpu.memref_slice %arg7[%dma_start3A_330, %dma_start3A_331] : memref<10240x128xf32, #tpu.memory_space<vmem_shared>> -> memref<10240x128xf32, #tpu.memory_space<vmem_shared>>
      tpu.enqueue_indirect_dma source(%arg8 : memref<50x128xf32, #tpu.memory_space<vmem>>) target(%dma_start3A_332 : memref<10240x128xf32, #tpu.memory_space<vmem_shared>>) offsets(%dma_start3A_329 : memref<50xi32, #tpu.memory_space<vmem>>) semaphore(%arg13 : memref<!tpu.dma_semaphore, #tpu.memory_space<semaphore_mem>>) {add = true}
      %add3A_333 = arith.constant 0 : i32
      %add3A_334 = arith.addi %mul3A_316, %add3A_333 : i32
      %add3A_335 = arith.constant 1 : i32
      %add3A_336 = arith.addi %mul3A_316, %add3A_335 : i32
      %dma_wait3A_337 = arith.constant 0 : i32
      %dma_wait3A_338 = tpu.memref_slice %arg5[%add3A_336, %dma_wait3A_337] : memref<100x50xi32, #tpu.memory_space<vmem>> -> memref<1x50xi32, #tpu.memory_space<vmem>>
      %dma_wait3A_339 = tpu.memref_squeeze %dma_wait3A_338 : memref<1x50xi32, #tpu.memory_space<vmem>> -> memref<50xi32, #tpu.memory_space<vmem>>
      %dma_wait3A_340 = arith.constant 0 : i32
      %dma_wait3A_341 = arith.constant 0 : i32
      %dma_wait3A_342 = tpu.memref_slice %arg2[%dma_wait3A_340, %dma_wait3A_341] : memref<10240x128xf32, #tpu.memory_space<hbm>> -> memref<10240x128xf32, #tpu.memory_space<hbm>>
      tpu.wait_indirect_dma semaphore(%arg14 : memref<!tpu.dma_semaphore, #tpu.memory_space<semaphore_mem>>) src(%dma_wait3A_342 : memref<10240x128xf32, #tpu.memory_space<hbm>>) dst(%arg9 : memref<50x128xf32, #tpu.memory_space<vmem>>)
      %add3A_343 = arith.constant 1 : i32
      %add3A_344 = arith.addi %mul3A_316, %add3A_343 : i32
      %dma_start3A_345 = arith.constant 0 : i32
      %dma_start3A_346 = tpu.memref_slice %arg6[%add3A_344, %dma_start3A_345] : memref<100x50xi32, #tpu.memory_space<vmem>> -> memref<1x50xi32, #tpu.memory_space<vmem>>
      %dma_start3A_347 = tpu.memref_squeeze %dma_start3A_346 : memref<1x50xi32, #tpu.memory_space<vmem>> -> memref<50xi32, #tpu.memory_space<vmem>>
      %dma_start3A_348 = arith.constant 0 : i32
      %dma_start3A_349 = arith.constant 0 : i32
      %dma_start3A_350 = tpu.memref_slice %arg7[%dma_start3A_348, %dma_start3A_349] : memref<10240x128xf32, #tpu.memory_space<vmem_shared>> -> memref<10240x128xf32, #tpu.memory_space<vmem_shared>>
      tpu.enqueue_indirect_dma source(%arg9 : memref<50x128xf32, #tpu.memory_space<vmem>>) target(%dma_start3A_350 : memref<10240x128xf32, #tpu.memory_space<vmem_shared>>) offsets(%dma_start3A_347 : memref<50xi32, #tpu.memory_space<vmem>>) semaphore(%arg15 : memref<!tpu.dma_semaphore, #tpu.memory_space<semaphore_mem>>) {add = true}
      %add3A_351 = arith.constant 1 : i32
      %add3A_352 = arith.addi %mul3A_316, %add3A_351 : i32
      %add3A_353 = arith.constant 2 : i32
      %add3A_354 = arith.addi %mul3A_316, %add3A_353 : i32
      %dma_wait3A_355 = arith.constant 0 : i32
      %dma_wait3A_356 = tpu.memref_slice %arg5[%add3A_354, %dma_wait3A_355] : memref<100x50xi32, #tpu.memory_space<vmem>> -> memref<1x50xi32, #tpu.memory_space<vmem>>
      %dma_wait3A_357 = tpu.memref_squeeze %dma_wait3A_356 : memref<1x50xi32, #tpu.memory_space<vmem>> -> memref<50xi32, #tpu.memory_space<vmem>>
      %dma_wait3A_358 = arith.constant 0 : i32
      %dma_wait3A_359 = arith.constant 0 : i32
      %dma_wait3A_360 = tpu.memref_slice %arg2[%dma_wait3A_358, %dma_wait3A_359] : memref<10240x128xf32, #tpu.memory_space<hbm>> -> memref<10240x128xf32, #tpu.memory_space<hbm>>
      tpu.wait_indirect_dma semaphore(%arg16 : memref<!tpu.dma_semaphore, #tpu.memory_space<semaphore_mem>>) src(%dma_wait3A_360 : memref<10240x128xf32, #tpu.memory_space<hbm>>) dst(%arg10 : memref<50x128xf32, #tpu.memory_space<vmem>>)
      %add3A_361 = arith.constant 2 : i32
      %add3A_362 = arith.addi %mul3A_316, %add3A_361 : i32
      %dma_start3A_363 = arith.constant 0 : i32
      %dma_start3A_364 = tpu.memref_slice %arg6[%add3A_362, %dma_start3A_363] : memref<100x50xi32, #tpu.memory_space<vmem>> -> memref<1x50xi32, #tpu.memory_space<vmem>>
      %dma_start3A_365 = tpu.memref_squeeze %dma_start3A_364 : memref<1x50xi32, #tpu.memory_space<vmem>> -> memref<50xi32, #tpu.memory_space<vmem>>
      %dma_start3A_366 = arith.constant 0 : i32
      %dma_start3A_367 = arith.constant 0 : i32
      %dma_start3A_368 = tpu.memref_slice %arg7[%dma_start3A_366, %dma_start3A_367] : memref<10240x128xf32, #tpu.memory_space<vmem_shared>> -> memref<10240x128xf32, #tpu.memory_space<vmem_shared>>
      tpu.enqueue_indirect_dma source(%arg10 : memref<50x128xf32, #tpu.memory_space<vmem>>) target(%dma_start3A_368 : memref<10240x128xf32, #tpu.memory_space<vmem_shared>>) offsets(%dma_start3A_365 : memref<50xi32, #tpu.memory_space<vmem>>) semaphore(%arg17 : memref<!tpu.dma_semaphore, #tpu.memory_space<semaphore_mem>>) {add = true}
      %add3A_369 = arith.constant 2 : i32
      %add3A_370 = arith.addi %mul3A_316, %add3A_369 : i32
      %add3A_371 = arith.constant 3 : i32
      %add3A_372 = arith.addi %mul3A_316, %add3A_371 : i32
      %dma_wait3A_373 = arith.constant 0 : i32
      %dma_wait3A_374 = tpu.memref_slice %arg5[%add3A_372, %dma_wait3A_373] : memref<100x50xi32, #tpu.memory_space<vmem>> -> memref<1x50xi32, #tpu.memory_space<vmem>>
      %dma_wait3A_375 = tpu.memref_squeeze %dma_wait3A_374 : memref<1x50xi32, #tpu.memory_space<vmem>> -> memref<50xi32, #tpu.memory_space<vmem>>
      %dma_wait3A_376 = arith.constant 0 : i32
      %dma_wait3A_377 = arith.constant 0 : i32
      %dma_wait3A_378 = tpu.memref_slice %arg2[%dma_wait3A_376, %dma_wait3A_377] : memref<10240x128xf32, #tpu.memory_space<hbm>> -> memref<10240x128xf32, #tpu.memory_space<hbm>>
      tpu.wait_indirect_dma semaphore(%arg18 : memref<!tpu.dma_semaphore, #tpu.memory_space<semaphore_mem>>) src(%dma_wait3A_378 : memref<10240x128xf32, #tpu.memory_space<hbm>>) dst(%arg11 : memref<50x128xf32, #tpu.memory_space<vmem>>)
      %add3A_379 = arith.constant 3 : i32
      %add3A_380 = arith.addi %mul3A_316, %add3A_379 : i32
      %dma_start3A_381 = arith.constant 0 : i32
      %dma_start3A_382 = tpu.memref_slice %arg6[%add3A_380, %dma_start3A_381] : memref<100x50xi32, #tpu.memory_space<vmem>> -> memref<1x50xi32, #tpu.memory_space<vmem>>
      %dma_start3A_383 = tpu.memref_squeeze %dma_start3A_382 : memref<1x50xi32, #tpu.memory_space<vmem>> -> memref<50xi32, #tpu.memory_space<vmem>>
      %dma_start3A_384 = arith.constant 0 : i32
      %dma_start3A_385 = arith.constant 0 : i32
      %dma_start3A_386 = tpu.memref_slice %arg7[%dma_start3A_384, %dma_start3A_385] : memref<10240x128xf32, #tpu.memory_space<vmem_shared>> -> memref<10240x128xf32, #tpu.memory_space<vmem_shared>>
      tpu.enqueue_indirect_dma source(%arg11 : memref<50x128xf32, #tpu.memory_space<vmem>>) target(%dma_start3A_386 : memref<10240x128xf32, #tpu.memory_space<vmem_shared>>) offsets(%dma_start3A_383 : memref<50xi32, #tpu.memory_space<vmem>>) semaphore(%arg19 : memref<!tpu.dma_semaphore, #tpu.memory_space<semaphore_mem>>) {add = true}
      %add3A_387 = arith.constant 3 : i32
      %add3A_388 = arith.addi %mul3A_316, %add3A_387 : i32
      %add3A_389 = arith.constant 0 : i32
      %add3A_390 = arith.addi %mul3A_316, %add3A_389 : i32
      %dma_wait3A_391 = arith.constant 0 : i32
      %dma_wait3A_392 = tpu.memref_slice %arg6[%add3A_390, %dma_wait3A_391] : memref<100x50xi32, #tpu.memory_space<vmem>> -> memref<1x50xi32, #tpu.memory_space<vmem>>
      %dma_wait3A_393 = tpu.memref_squeeze %dma_wait3A_392 : memref<1x50xi32, #tpu.memory_space<vmem>> -> memref<50xi32, #tpu.memory_space<vmem>>
      %dma_wait3A_394 = arith.constant 0 : i32
      %dma_wait3A_395 = arith.constant 0 : i32
      %dma_wait3A_396 = tpu.memref_slice %arg7[%dma_wait3A_394, %dma_wait3A_395] : memref<10240x128xf32, #tpu.memory_space<vmem_shared>> -> memref<10240x128xf32, #tpu.memory_space<vmem_shared>>
      tpu.wait_indirect_dma semaphore(%arg13 : memref<!tpu.dma_semaphore, #tpu.memory_space<semaphore_mem>>) src(%arg8 : memref<50x128xf32, #tpu.memory_space<vmem>>) dst(%dma_wait3A_396 : memref<10240x128xf32, #tpu.memory_space<vmem_shared>>)
      %add3A_397 = arith.constant 0 : i32
      %add3A_398 = arith.addi %mul3A_316, %add3A_397 : i32
      %add3A_399 = arith.constant 4 : i32
      %add3A_400 = arith.addi %add3A_398, %add3A_399 : i32
      %dma_start3A_401 = arith.constant 0 : i32
      %dma_start3A_402 = tpu.memref_slice %arg5[%add3A_400, %dma_start3A_401] : memref<100x50xi32, #tpu.memory_space<vmem>> -> memref<1x50xi32, #tpu.memory_space<vmem>>
      %dma_start3A_403 = tpu.memref_squeeze %dma_start3A_402 : memref<1x50xi32, #tpu.memory_space<vmem>> -> memref<50xi32, #tpu.memory_space<vmem>>
      %dma_start3A_404 = arith.constant 0 : i32
      %dma_start3A_405 = arith.constant 0 : i32
      %dma_start3A_406 = tpu.memref_slice %arg2[%dma_start3A_404, %dma_start3A_405] : memref<10240x128xf32, #tpu.memory_space<hbm>> -> memref<10240x128xf32, #tpu.memory_space<hbm>>
      tpu.enqueue_indirect_dma source(%dma_start3A_406 : memref<10240x128xf32, #tpu.memory_space<hbm>>) target(%arg8 : memref<50x128xf32, #tpu.memory_space<vmem>>) offsets(%dma_start3A_403 : memref<50xi32, #tpu.memory_space<vmem>>) semaphore(%arg12 : memref<!tpu.dma_semaphore, #tpu.memory_space<semaphore_mem>>)
      %add3A_407 = arith.constant 1 : i32
      %add3A_408 = arith.addi %mul3A_316, %add3A_407 : i32
      %dma_wait3A_409 = arith.constant 0 : i32
      %dma_wait3A_410 = tpu.memref_slice %arg6[%add3A_408, %dma_wait3A_409] : memref<100x50xi32, #tpu.memory_space<vmem>> -> memref<1x50xi32, #tpu.memory_space<vmem>>
      %dma_wait3A_411 = tpu.memref_squeeze %dma_wait3A_410 : memref<1x50xi32, #tpu.memory_space<vmem>> -> memref<50xi32, #tpu.memory_space<vmem>>
      %dma_wait3A_412 = arith.constant 0 : i32
      %dma_wait3A_413 = arith.constant 0 : i32
      %dma_wait3A_414 = tpu.memref_slice %arg7[%dma_wait3A_412, %dma_wait3A_413] : memref<10240x128xf32, #tpu.memory_space<vmem_shared>> -> memref<10240x128xf32, #tpu.memory_space<vmem_shared>>
      tpu.wait_indirect_dma semaphore(%arg15 : memref<!tpu.dma_semaphore, #tpu.memory_space<semaphore_mem>>) src(%arg9 : memref<50x128xf32, #tpu.memory_space<vmem>>) dst(%dma_wait3A_414 : memref<10240x128xf32, #tpu.memory_space<vmem_shared>>)
      %add3A_415 = arith.constant 1 : i32
      %add3A_416 = arith.addi %mul3A_316, %add3A_415 : i32
      %add3A_417 = arith.constant 4 : i32
      %add3A_418 = arith.addi %add3A_416, %add3A_417 : i32
      %dma_start3A_419 = arith.constant 0 : i32
      %dma_start3A_420 = tpu.memref_slice %arg5[%add3A_418, %dma_start3A_419] : memref<100x50xi32, #tpu.memory_space<vmem>> -> memref<1x50xi32, #tpu.memory_space<vmem>>
      %dma_start3A_421 = tpu.memref_squeeze %dma_start3A_420 : memref<1x50xi32, #tpu.memory_space<vmem>> -> memref<50xi32, #tpu.memory_space<vmem>>
      %dma_start3A_422 = arith.constant 0 : i32
      %dma_start3A_423 = arith.constant 0 : i32
      %dma_start3A_424 = tpu.memref_slice %arg2[%dma_start3A_422, %dma_start3A_423] : memref<10240x128xf32, #tpu.memory_space<hbm>> -> memref<10240x128xf32, #tpu.memory_space<hbm>>
      tpu.enqueue_indirect_dma source(%dma_start3A_424 : memref<10240x128xf32, #tpu.memory_space<hbm>>) target(%arg9 : memref<50x128xf32, #tpu.memory_space<vmem>>) offsets(%dma_start3A_421 : memref<50xi32, #tpu.memory_space<vmem>>) semaphore(%arg14 : memref<!tpu.dma_semaphore, #tpu.memory_space<semaphore_mem>>)
      %add3A_425 = arith.constant 2 : i32
      %add3A_426 = arith.addi %mul3A_316, %add3A_425 : i32
      %dma_wait3A_427 = arith.constant 0 : i32
      %dma_wait3A_428 = tpu.memref_slice %arg6[%add3A_426, %dma_wait3A_427] : memref<100x50xi32, #tpu.memory_space<vmem>> -> memref<1x50xi32, #tpu.memory_space<vmem>>
      %dma_wait3A_429 = tpu.memref_squeeze %dma_wait3A_428 : memref<1x50xi32, #tpu.memory_space<vmem>> -> memref<50xi32, #tpu.memory_space<vmem>>
      %dma_wait3A_430 = arith.constant 0 : i32
      %dma_wait3A_431 = arith.constant 0 : i32
      %dma_wait3A_432 = tpu.memref_slice %arg7[%dma_wait3A_430, %dma_wait3A_431] : memref<10240x128xf32, #tpu.memory_space<vmem_shared>> -> memref<10240x128xf32, #tpu.memory_space<vmem_shared>>
      tpu.wait_indirect_dma semaphore(%arg17 : memref<!tpu.dma_semaphore, #tpu.memory_space<semaphore_mem>>) src(%arg10 : memref<50x128xf32, #tpu.memory_space<vmem>>) dst(%dma_wait3A_432 : memref<10240x128xf32, #tpu.memory_space<vmem_shared>>)
      %add3A_433 = arith.constant 2 : i32
      %add3A_434 = arith.addi %mul3A_316, %add3A_433 : i32
      %add3A_435 = arith.constant 4 : i32
      %add3A_436 = arith.addi %add3A_434, %add3A_435 : i32
      %dma_start3A_437 = arith.constant 0 : i32
      %dma_start3A_438 = tpu.memref_slice %arg5[%add3A_436, %dma_start3A_437] : memref<100x50xi32, #tpu.memory_space<vmem>> -> memref<1x50xi32, #tpu.memory_space<vmem>>
      %dma_start3A_439 = tpu.memref_squeeze %dma_start3A_438 : memref<1x50xi32, #tpu.memory_space<vmem>> -> memref<50xi32, #tpu.memory_space<vmem>>
      %dma_start3A_440 = arith.constant 0 : i32
      %dma_start3A_441 = arith.constant 0 : i32
      %dma_start3A_442 = tpu.memref_slice %arg2[%dma_start3A_440, %dma_start3A_441] : memref<10240x128xf32, #tpu.memory_space<hbm>> -> memref<10240x128xf32, #tpu.memory_space<hbm>>
      tpu.enqueue_indirect_dma source(%dma_start3A_442 : memref<10240x128xf32, #tpu.memory_space<hbm>>) target(%arg10 : memref<50x128xf32, #tpu.memory_space<vmem>>) offsets(%dma_start3A_439 : memref<50xi32, #tpu.memory_space<vmem>>) semaphore(%arg16 : memref<!tpu.dma_semaphore, #tpu.memory_space<semaphore_mem>>)
      %add3A_443 = arith.constant 3 : i32
      %add3A_444 = arith.addi %mul3A_316, %add3A_443 : i32
      %dma_wait3A_445 = arith.constant 0 : i32
      %dma_wait3A_446 = tpu.memref_slice %arg6[%add3A_444, %dma_wait3A_445] : memref<100x50xi32, #tpu.memory_space<vmem>> -> memref<1x50xi32, #tpu.memory_space<vmem>>
      %dma_wait3A_447 = tpu.memref_squeeze %dma_wait3A_446 : memref<1x50xi32, #tpu.memory_space<vmem>> -> memref<50xi32, #tpu.memory_space<vmem>>
      %dma_wait3A_448 = arith.constant 0 : i32
      %dma_wait3A_449 = arith.constant 0 : i32
      %dma_wait3A_450 = tpu.memref_slice %arg7[%dma_wait3A_448, %dma_wait3A_449] : memref<10240x128xf32, #tpu.memory_space<vmem_shared>> -> memref<10240x128xf32, #tpu.memory_space<vmem_shared>>
      tpu.wait_indirect_dma semaphore(%arg19 : memref<!tpu.dma_semaphore, #tpu.memory_space<semaphore_mem>>) src(%arg11 : memref<50x128xf32, #tpu.memory_space<vmem>>) dst(%dma_wait3A_450 : memref<10240x128xf32, #tpu.memory_space<vmem_shared>>)
      %add3A_451 = arith.constant 3 : i32
      %add3A_452 = arith.addi %mul3A_316, %add3A_451 : i32
      %add3A_453 = arith.constant 4 : i32
      %add3A_454 = arith.addi %add3A_452, %add3A_453 : i32
      %dma_start3A_455 = arith.constant 0 : i32
      %dma_start3A_456 = tpu.memref_slice %arg5[%add3A_454, %dma_start3A_455] : memref<100x50xi32, #tpu.memory_space<vmem>> -> memref<1x50xi32, #tpu.memory_space<vmem>>
      %dma_start3A_457 = tpu.memref_squeeze %dma_start3A_456 : memref<1x50xi32, #tpu.memory_space<vmem>> -> memref<50xi32, #tpu.memory_space<vmem>>
      %dma_start3A_458 = arith.constant 0 : i32
      %dma_start3A_459 = arith.constant 0 : i32
      %dma_start3A_460 = tpu.memref_slice %arg2[%dma_start3A_458, %dma_start3A_459] : memref<10240x128xf32, #tpu.memory_space<hbm>> -> memref<10240x128xf32, #tpu.memory_space<hbm>>
      tpu.enqueue_indirect_dma source(%dma_start3A_460 : memref<10240x128xf32, #tpu.memory_space<hbm>>) target(%arg11 : memref<50x128xf32, #tpu.memory_space<vmem>>) offsets(%dma_start3A_457 : memref<50xi32, #tpu.memory_space<vmem>>) semaphore(%arg18 : memref<!tpu.dma_semaphore, #tpu.memory_space<semaphore_mem>>)
    }
    %scan3A_223 = arith.constant 24 : i32
    %dma_wait3A_224 = arith.constant 96 : i32
    %dma_wait3A_225 = arith.constant 0 : i32
    %dma_wait3A_226 = tpu.memref_slice %arg5[%dma_wait3A_224, %dma_wait3A_225] : memref<100x50xi32, #tpu.memory_space<vmem>> -> memref<1x50xi32, #tpu.memory_space<vmem>>
    %dma_wait3A_227 = tpu.memref_squeeze %dma_wait3A_226 : memref<1x50xi32, #tpu.memory_space<vmem>> -> memref<50xi32, #tpu.memory_space<vmem>>
    %dma_wait3A_228 = arith.constant 0 : i32
    %dma_wait3A_229 = arith.constant 0 : i32
    %dma_wait3A_230 = tpu.memref_slice %arg2[%dma_wait3A_228, %dma_wait3A_229] : memref<10240x128xf32, #tpu.memory_space<hbm>> -> memref<10240x128xf32, #tpu.memory_space<hbm>>
    tpu.wait_indirect_dma semaphore(%arg12 : memref<!tpu.dma_semaphore, #tpu.memory_space<semaphore_mem>>) src(%dma_wait3A_230 : memref<10240x128xf32, #tpu.memory_space<hbm>>) dst(%arg8 : memref<50x128xf32, #tpu.memory_space<vmem>>)
    %dma_start3A_231 = arith.constant 96 : i32
    %dma_start3A_232 = arith.constant 0 : i32
    %dma_start3A_233 = tpu.memref_slice %arg6[%dma_start3A_231, %dma_start3A_232] : memref<100x50xi32, #tpu.memory_space<vmem>> -> memref<1x50xi32, #tpu.memory_space<vmem>>
    %dma_start3A_234 = tpu.memref_squeeze %dma_start3A_233 : memref<1x50xi32, #tpu.memory_space<vmem>> -> memref<50xi32, #tpu.memory_space<vmem>>
    %dma_start3A_235 = arith.constant 0 : i32
    %dma_start3A_236 = arith.constant 0 : i32
    %dma_start3A_237 = tpu.memref_slice %arg7[%dma_start3A_235, %dma_start3A_236] : memref<10240x128xf32, #tpu.memory_space<vmem_shared>> -> memref<10240x128xf32, #tpu.memory_space<vmem_shared>>
    tpu.enqueue_indirect_dma source(%arg8 : memref<50x128xf32, #tpu.memory_space<vmem>>) target(%dma_start3A_237 : memref<10240x128xf32, #tpu.memory_space<vmem_shared>>) offsets(%dma_start3A_234 : memref<50xi32, #tpu.memory_space<vmem>>) semaphore(%arg13 : memref<!tpu.dma_semaphore, #tpu.memory_space<semaphore_mem>>) {add = true}
    %dma_wait3A_238 = arith.constant 97 : i32
    %dma_wait3A_239 = arith.constant 0 : i32
    %dma_wait3A_240 = tpu.memref_slice %arg5[%dma_wait3A_238, %dma_wait3A_239] : memref<100x50xi32, #tpu.memory_space<vmem>> -> memref<1x50xi32, #tpu.memory_space<vmem>>
    %dma_wait3A_241 = tpu.memref_squeeze %dma_wait3A_240 : memref<1x50xi32, #tpu.memory_space<vmem>> -> memref<50xi32, #tpu.memory_space<vmem>>
    %dma_wait3A_242 = arith.constant 0 : i32
    %dma_wait3A_243 = arith.constant 0 : i32
    %dma_wait3A_244 = tpu.memref_slice %arg2[%dma_wait3A_242, %dma_wait3A_243] : memref<10240x128xf32, #tpu.memory_space<hbm>> -> memref<10240x128xf32, #tpu.memory_space<hbm>>
    tpu.wait_indirect_dma semaphore(%arg14 : memref<!tpu.dma_semaphore, #tpu.memory_space<semaphore_mem>>) src(%dma_wait3A_244 : memref<10240x128xf32, #tpu.memory_space<hbm>>) dst(%arg9 : memref<50x128xf32, #tpu.memory_space<vmem>>)
    %dma_start3A_245 = arith.constant 97 : i32
    %dma_start3A_246 = arith.constant 0 : i32
    %dma_start3A_247 = tpu.memref_slice %arg6[%dma_start3A_245, %dma_start3A_246] : memref<100x50xi32, #tpu.memory_space<vmem>> -> memref<1x50xi32, #tpu.memory_space<vmem>>
    %dma_start3A_248 = tpu.memref_squeeze %dma_start3A_247 : memref<1x50xi32, #tpu.memory_space<vmem>> -> memref<50xi32, #tpu.memory_space<vmem>>
    %dma_start3A_249 = arith.constant 0 : i32
    %dma_start3A_250 = arith.constant 0 : i32
    %dma_start3A_251 = tpu.memref_slice %arg7[%dma_start3A_249, %dma_start3A_250] : memref<10240x128xf32, #tpu.memory_space<vmem_shared>> -> memref<10240x128xf32, #tpu.memory_space<vmem_shared>>
    tpu.enqueue_indirect_dma source(%arg9 : memref<50x128xf32, #tpu.memory_space<vmem>>) target(%dma_start3A_251 : memref<10240x128xf32, #tpu.memory_space<vmem_shared>>) offsets(%dma_start3A_248 : memref<50xi32, #tpu.memory_space<vmem>>) semaphore(%arg15 : memref<!tpu.dma_semaphore, #tpu.memory_space<semaphore_mem>>) {add = true}
    %dma_wait3A_252 = arith.constant 98 : i32
    %dma_wait3A_253 = arith.constant 0 : i32
    %dma_wait3A_254 = tpu.memref_slice %arg5[%dma_wait3A_252, %dma_wait3A_253] : memref<100x50xi32, #tpu.memory_space<vmem>> -> memref<1x50xi32, #tpu.memory_space<vmem>>
    %dma_wait3A_255 = tpu.memref_squeeze %dma_wait3A_254 : memref<1x50xi32, #tpu.memory_space<vmem>> -> memref<50xi32, #tpu.memory_space<vmem>>
    %dma_wait3A_256 = arith.constant 0 : i32
    %dma_wait3A_257 = arith.constant 0 : i32
    %dma_wait3A_258 = tpu.memref_slice %arg2[%dma_wait3A_256, %dma_wait3A_257] : memref<10240x128xf32, #tpu.memory_space<hbm>> -> memref<10240x128xf32, #tpu.memory_space<hbm>>
    tpu.wait_indirect_dma semaphore(%arg16 : memref<!tpu.dma_semaphore, #tpu.memory_space<semaphore_mem>>) src(%dma_wait3A_258 : memref<10240x128xf32, #tpu.memory_space<hbm>>) dst(%arg10 : memref<50x128xf32, #tpu.memory_space<vmem>>)
    %dma_start3A_259 = arith.constant 98 : i32
    %dma_start3A_260 = arith.constant 0 : i32
    %dma_start3A_261 = tpu.memref_slice %arg6[%dma_start3A_259, %dma_start3A_260] : memref<100x50xi32, #tpu.memory_space<vmem>> -> memref<1x50xi32, #tpu.memory_space<vmem>>
    %dma_start3A_262 = tpu.memref_squeeze %dma_start3A_261 : memref<1x50xi32, #tpu.memory_space<vmem>> -> memref<50xi32, #tpu.memory_space<vmem>>
    %dma_start3A_263 = arith.constant 0 : i32
    %dma_start3A_264 = arith.constant 0 : i32
    %dma_start3A_265 = tpu.memref_slice %arg7[%dma_start3A_263, %dma_start3A_264] : memref<10240x128xf32, #tpu.memory_space<vmem_shared>> -> memref<10240x128xf32, #tpu.memory_space<vmem_shared>>
    tpu.enqueue_indirect_dma source(%arg10 : memref<50x128xf32, #tpu.memory_space<vmem>>) target(%dma_start3A_265 : memref<10240x128xf32, #tpu.memory_space<vmem_shared>>) offsets(%dma_start3A_262 : memref<50xi32, #tpu.memory_space<vmem>>) semaphore(%arg17 : memref<!tpu.dma_semaphore, #tpu.memory_space<semaphore_mem>>) {add = true}
    %dma_wait3A_266 = arith.constant 99 : i32
    %dma_wait3A_267 = arith.constant 0 : i32
    %dma_wait3A_268 = tpu.memref_slice %arg5[%dma_wait3A_266, %dma_wait3A_267] : memref<100x50xi32, #tpu.memory_space<vmem>> -> memref<1x50xi32, #tpu.memory_space<vmem>>
    %dma_wait3A_269 = tpu.memref_squeeze %dma_wait3A_268 : memref<1x50xi32, #tpu.memory_space<vmem>> -> memref<50xi32, #tpu.memory_space<vmem>>
    %dma_wait3A_270 = arith.constant 0 : i32
    %dma_wait3A_271 = arith.constant 0 : i32
    %dma_wait3A_272 = tpu.memref_slice %arg2[%dma_wait3A_270, %dma_wait3A_271] : memref<10240x128xf32, #tpu.memory_space<hbm>> -> memref<10240x128xf32, #tpu.memory_space<hbm>>
    tpu.wait_indirect_dma semaphore(%arg18 : memref<!tpu.dma_semaphore, #tpu.memory_space<semaphore_mem>>) src(%dma_wait3A_272 : memref<10240x128xf32, #tpu.memory_space<hbm>>) dst(%arg11 : memref<50x128xf32, #tpu.memory_space<vmem>>)
    %dma_start3A_273 = arith.constant 99 : i32
    %dma_start3A_274 = arith.constant 0 : i32
    %dma_start3A_275 = tpu.memref_slice %arg6[%dma_start3A_273, %dma_start3A_274] : memref<100x50xi32, #tpu.memory_space<vmem>> -> memref<1x50xi32, #tpu.memory_space<vmem>>
    %dma_start3A_276 = tpu.memref_squeeze %dma_start3A_275 : memref<1x50xi32, #tpu.memory_space<vmem>> -> memref<50xi32, #tpu.memory_space<vmem>>
    %dma_start3A_277 = arith.constant 0 : i32
    %dma_start3A_278 = arith.constant 0 : i32
    %dma_start3A_279 = tpu.memref_slice %arg7[%dma_start3A_277, %dma_start3A_278] : memref<10240x128xf32, #tpu.memory_space<vmem_shared>> -> memref<10240x128xf32, #tpu.memory_space<vmem_shared>>
    tpu.enqueue_indirect_dma source(%arg11 : memref<50x128xf32, #tpu.memory_space<vmem>>) target(%dma_start3A_279 : memref<10240x128xf32, #tpu.memory_space<vmem_shared>>) offsets(%dma_start3A_276 : memref<50xi32, #tpu.memory_space<vmem>>) semaphore(%arg19 : memref<!tpu.dma_semaphore, #tpu.memory_space<semaphore_mem>>) {add = true}
    %dma_wait3A_280 = arith.constant 96 : i32
    %dma_wait3A_281 = arith.constant 0 : i32
    %dma_wait3A_282 = tpu.memref_slice %arg6[%dma_wait3A_280, %dma_wait3A_281] : memref<100x50xi32, #tpu.memory_space<vmem>> -> memref<1x50xi32, #tpu.memory_space<vmem>>
    %dma_wait3A_283 = tpu.memref_squeeze %dma_wait3A_282 : memref<1x50xi32, #tpu.memory_space<vmem>> -> memref<50xi32, #tpu.memory_space<vmem>>
    %dma_wait3A_284 = arith.constant 0 : i32
    %dma_wait3A_285 = arith.constant 0 : i32
    %dma_wait3A_286 = tpu.memref_slice %arg7[%dma_wait3A_284, %dma_wait3A_285] : memref<10240x128xf32, #tpu.memory_space<vmem_shared>> -> memref<10240x128xf32, #tpu.memory_space<vmem_shared>>
    tpu.wait_indirect_dma semaphore(%arg13 : memref<!tpu.dma_semaphore, #tpu.memory_space<semaphore_mem>>) src(%arg8 : memref<50x128xf32, #tpu.memory_space<vmem>>) dst(%dma_wait3A_286 : memref<10240x128xf32, #tpu.memory_space<vmem_shared>>)
    %dma_wait3A_287 = arith.constant 97 : i32
    %dma_wait3A_288 = arith.constant 0 : i32
    %dma_wait3A_289 = tpu.memref_slice %arg6[%dma_wait3A_287, %dma_wait3A_288] : memref<100x50xi32, #tpu.memory_space<vmem>> -> memref<1x50xi32, #tpu.memory_space<vmem>>
    %dma_wait3A_290 = tpu.memref_squeeze %dma_wait3A_289 : memref<1x50xi32, #tpu.memory_space<vmem>> -> memref<50xi32, #tpu.memory_space<vmem>>
    %dma_wait3A_291 = arith.constant 0 : i32
    %dma_wait3A_292 = arith.constant 0 : i32
    %dma_wait3A_293 = tpu.memref_slice %arg7[%dma_wait3A_291, %dma_wait3A_292] : memref<10240x128xf32, #tpu.memory_space<vmem_shared>> -> memref<10240x128xf32, #tpu.memory_space<vmem_shared>>
    tpu.wait_indirect_dma semaphore(%arg15 : memref<!tpu.dma_semaphore, #tpu.memory_space<semaphore_mem>>) src(%arg9 : memref<50x128xf32, #tpu.memory_space<vmem>>) dst(%dma_wait3A_293 : memref<10240x128xf32, #tpu.memory_space<vmem_shared>>)
    %dma_wait3A_294 = arith.constant 98 : i32
    %dma_wait3A_295 = arith.constant 0 : i32
    %dma_wait3A_296 = tpu.memref_slice %arg6[%dma_wait3A_294, %dma_wait3A_295] : memref<100x50xi32, #tpu.memory_space<vmem>> -> memref<1x50xi32, #tpu.memory_space<vmem>>
    %dma_wait3A_297 = tpu.memref_squeeze %dma_wait3A_296 : memref<1x50xi32, #tpu.memory_space<vmem>> -> memref<50xi32, #tpu.memory_space<vmem>>
    %dma_wait3A_298 = arith.constant 0 : i32
    %dma_wait3A_299 = arith.constant 0 : i32
    %dma_wait3A_300 = tpu.memref_slice %arg7[%dma_wait3A_298, %dma_wait3A_299] : memref<10240x128xf32, #tpu.memory_space<vmem_shared>> -> memref<10240x128xf32, #tpu.memory_space<vmem_shared>>
    tpu.wait_indirect_dma semaphore(%arg17 : memref<!tpu.dma_semaphore, #tpu.memory_space<semaphore_mem>>) src(%arg10 : memref<50x128xf32, #tpu.memory_space<vmem>>) dst(%dma_wait3A_300 : memref<10240x128xf32, #tpu.memory_space<vmem_shared>>)
    %dma_wait3A_301 = arith.constant 99 : i32
    %dma_wait3A_302 = arith.constant 0 : i32
    %dma_wait3A_303 = tpu.memref_slice %arg6[%dma_wait3A_301, %dma_wait3A_302] : memref<100x50xi32, #tpu.memory_space<vmem>> -> memref<1x50xi32, #tpu.memory_space<vmem>>
    %dma_wait3A_304 = tpu.memref_squeeze %dma_wait3A_303 : memref<1x50xi32, #tpu.memory_space<vmem>> -> memref<50xi32, #tpu.memory_space<vmem>>
    %dma_wait3A_305 = arith.constant 0 : i32
    %dma_wait3A_306 = arith.constant 0 : i32
    %dma_wait3A_307 = tpu.memref_slice %arg7[%dma_wait3A_305, %dma_wait3A_306] : memref<10240x128xf32, #tpu.memory_space<vmem_shared>> -> memref<10240x128xf32, #tpu.memory_space<vmem_shared>>
    tpu.wait_indirect_dma semaphore(%arg19 : memref<!tpu.dma_semaphore, #tpu.memory_space<semaphore_mem>>) src(%arg11 : memref<50x128xf32, #tpu.memory_space<vmem>>) dst(%dma_wait3A_307 : memref<10240x128xf32, #tpu.memory_space<vmem_shared>>)
    %barrier3A_308 = arith.constant 0 : index
    tpu.barrier barrier_id(%barrier3A_308)
    %mul3A_309 = arith.constant 640 : i32
    %mul3A_310 = arith.muli %arg1, %mul3A_309 : i32
    %mul3A_311 = arith.constant 10240 : i32
    %mul3A_312 = arith.muli %arg0, %mul3A_311 : i32
    %add3A_313 = arith.addi %mul3A_312, %mul3A_310 : i32
    "tpu.region"() ({
      %run_scoped3A_314 = tpu.sem_alloc : memref<!tpu.dma_semaphore, #tpu.memory_space<semaphore_mem>>
      %dma_start3A_315 = arith.constant 0 : i32
      %dma_start3A_316 = tpu.memref_slice %arg4[%add3A_313, %dma_start3A_315] : memref<20480x128xf32, #tpu.memory_space<hbm>> -> memref<640x128xf32, #tpu.memory_space<hbm>>
      %dma_start3A_317 = arith.constant 0 : i32
      %dma_start3A_318 = tpu.memref_slice %arg7[%mul3A_310, %dma_start3A_317] : memref<10240x128xf32, #tpu.memory_space<vmem_shared>> -> memref<640x128xf32, #tpu.memory_space<vmem_shared>>
      tpu.enqueue_dma source(%dma_start3A_318 : memref<640x128xf32, #tpu.memory_space<vmem_shared>>) target(%dma_start3A_316 : memref<640x128xf32, #tpu.memory_space<hbm>>) target_semaphore(%run_scoped3A_314 : memref<!tpu.dma_semaphore, #tpu.memory_space<semaphore_mem>>)
      %dma_wait3A_319 = arith.constant 0 : i32
      %dma_wait3A_320 = tpu.memref_slice %arg4[%add3A_313, %dma_wait3A_319] : memref<20480x128xf32, #tpu.memory_space<hbm>> -> memref<640x128xf32, #tpu.memory_space<hbm>>
      %dma_wait3A_321 = arith.constant 0 : i32
      %dma_wait3A_322 = tpu.memref_slice %arg7[%mul3A_310, %dma_wait3A_321] : memref<10240x128xf32, #tpu.memory_space<vmem_shared>> -> memref<640x128xf32, #tpu.memory_space<vmem_shared>>
      tpu.wait_dma2 semaphore(%run_scoped3A_314 : memref<!tpu.dma_semaphore, #tpu.memory_space<semaphore_mem>>) src(%dma_wait3A_322 : memref<640x128xf32, #tpu.memory_space<vmem_shared>>) dst(%dma_wait3A_320 : memref<640x128xf32, #tpu.memory_space<hbm>>)
      tpu.yield
    }) : () -> ()
    return
  }
}

module attributes {stable_mosaic.version = 14 : i64} {
  func.func @_dense_body(%arg0: i32, %arg1: memref<2x2048x128xf32, #tpu.memory_space<vmem>>, %arg2: memref<2048x32xf32, #tpu.memory_space<vmem>>, %arg3: memref<2048x128xf32, #tpu.memory_space<vmem>>, %arg4: memref<128x128xf32, #tpu.memory_space<vmem>>, %arg5: memref<128x128xf32, #tpu.memory_space<vmem>>, %arg6: memref<1x128xf32, #tpu.memory_space<vmem>>, %arg7: memref<2048x128xf32, #tpu.memory_space<vmem>>) attributes {dimension_semantics = [#tpu.dimension_semantics<arbitrary>], iteration_bounds = array<i64: 5>, scalar_prefetch = 0 : i64, scratch_operands = 0 : i64, tpu.core_type = #tpu.core_type<tc>, window_params = [{transform_indices = @transform_0, window_bounds = array<i64: 2, 2048, 128>}, {transform_indices = @transform_1, window_bounds = array<i64: 2048, 32>}, {transform_indices = @transform_2, window_bounds = array<i64: 2048, 128>}, {pipeline_mode = #tpu.pipeline_mode<synchronous>, transform_indices = @transform_3, window_bounds = array<i64: 128, 128>}, {pipeline_mode = #tpu.pipeline_mode<synchronous>, transform_indices = @transform_4, window_bounds = array<i64: 128, 128>}, {pipeline_mode = #tpu.pipeline_mode<synchronous>, transform_indices = @transform_5, window_bounds = array<i64: 1, 128>}, {transform_indices = @transform_6, window_bounds = array<i64: 2048, 128>}]} {
    %get3A = arith.constant 0 : index
    %get3A_0 = arith.constant 0 : index
    %get3A_1 = arith.constant 0 : index
    %get3A_2 = vector.load %arg1[%get3A, %get3A_0, %get3A_1] : memref<2x2048x128xf32, #tpu.memory_space<vmem>>, vector<1x2048x128xf32>
    %get3A_3 = vector.shape_cast %get3A_2 : vector<1x2048x128xf32> to vector<2048x128xf32>
    %get3A_4 = arith.constant 1 : index
    %get3A_5 = arith.constant 0 : index
    %get3A_6 = arith.constant 0 : index
    %get3A_7 = vector.load %arg1[%get3A_4, %get3A_5, %get3A_6] : memref<2x2048x128xf32, #tpu.memory_space<vmem>>, vector<1x2048x128xf32>
    %get3A_8 = vector.shape_cast %get3A_7 : vector<1x2048x128xf32> to vector<2048x128xf32>
    %add3A = arith.addf %get3A_3, %get3A_8 : vector<2048x128xf32>
    %get3A_9 = arith.constant 0 : index
    %get3A_10 = arith.constant 0 : index
    %get3A_11 = vector.load %arg2[%get3A_9, %get3A_10] : memref<2048x32xf32, #tpu.memory_space<vmem>>, vector<2048x32xf32>
    %reduce_sum3A = arith.constant dense<0.000000e+00> : vector<2048xf32>
    %reduce_sum3A_12 = vector.multi_reduction <add>, %get3A_11, %reduce_sum3A [1] : vector<2048x32xf32> to vector<2048xf32>
    %broadcast_in_dim3A = vector.shape_cast %reduce_sum3A_12 : vector<2048xf32> to vector<2048x1xf32>
    %max3A = arith.constant 1.000000e+00 : f32
    %max3A_13 = vector.broadcast %max3A : f32 to vector<2048x1xf32>
    %max3A_14 = arith.maximumf %broadcast_in_dim3A, %max3A_13 : vector<2048x1xf32>
    %div3A = arith.constant 1.000000e+00 : f32
    %div3A_15 = vector.broadcast %div3A : f32 to vector<2048x1xf32>
    %div3A_16 = arith.divf %div3A_15, %max3A_14 : vector<2048x1xf32>
    %mul3A = vector.broadcast %div3A_16 : vector<2048x1xf32> to vector<2048x128xf32>
    %mul3A_17 = arith.mulf %add3A, %mul3A : vector<2048x128xf32>
    %get3A_18 = arith.constant 0 : index
    %get3A_19 = arith.constant 0 : index
    %get3A_20 = vector.load %arg4[%get3A_18, %get3A_19] : memref<128x128xf32, #tpu.memory_space<vmem>>, vector<128x128xf32>
    %dot_general3A = arith.constant dense<0.000000e+00> : vector<2048x128xf32>
    %dot_general3A_21 = tpu.matmul %mul3A_17, %get3A_20, %dot_general3A {dimension_numbers = #tpu.dot_dimension_numbers<[1], [0], [0], [1], [0, 0, 1, 1], [], []>, transpose_lhs_hint = false} : vector<2048x128xf32>, vector<128x128xf32>, vector<2048x128xf32> -> vector<2048x128xf32>
    %get3A_22 = arith.constant 0 : index
    %get3A_23 = arith.constant 0 : index
    %get3A_24 = vector.load %arg3[%get3A_22, %get3A_23] : memref<2048x128xf32, #tpu.memory_space<vmem>>, vector<2048x128xf32>
    %get3A_25 = arith.constant 0 : index
    %get3A_26 = arith.constant 0 : index
    %get3A_27 = vector.load %arg5[%get3A_25, %get3A_26] : memref<128x128xf32, #tpu.memory_space<vmem>>, vector<128x128xf32>
    %dot_general3A_28 = arith.constant dense<0.000000e+00> : vector<2048x128xf32>
    %dot_general3A_29 = tpu.matmul %get3A_24, %get3A_27, %dot_general3A_28 {dimension_numbers = #tpu.dot_dimension_numbers<[1], [0], [0], [1], [0, 0, 1, 1], [], []>, transpose_lhs_hint = false} : vector<2048x128xf32>, vector<128x128xf32>, vector<2048x128xf32> -> vector<2048x128xf32>
    %add3A_30 = arith.addf %dot_general3A_21, %dot_general3A_29 : vector<2048x128xf32>
    %get3A_31 = arith.constant 0 : index
    %get3A_32 = arith.constant 0 : index
    %get3A_33 = vector.load %arg6[%get3A_31, %get3A_32] : memref<1x128xf32, #tpu.memory_space<vmem>>, vector<1x128xf32>
    %add3A_34 = vector.broadcast %get3A_33 : vector<1x128xf32> to vector<2048x128xf32>
    %add3A_35 = arith.addf %add3A_30, %add3A_34 : vector<2048x128xf32>
    %max3A_36 = arith.constant 0.000000e+00 : f32
    %max3A_37 = vector.broadcast %max3A_36 : f32 to vector<2048x128xf32>
    %max3A_38 = arith.maximumf %add3A_35, %max3A_37 : vector<2048x128xf32>
    %swap3A = arith.constant 0 : index
    %swap3A_39 = arith.constant 0 : index
    %swap3A_40 = vector.load %arg7[%swap3A, %swap3A_39] : memref<2048x128xf32, #tpu.memory_space<vmem>>, vector<2048x128xf32>
    tpu.vector_store %arg7[%swap3A, %swap3A_39], %max3A_38 {strides = array<i32>} : memref<2048x128xf32, #tpu.memory_space<vmem>>, vector<2048x128xf32>,
    return
  }
  func.func @transform_0(%arg0: i32) -> (i32, i32, i32) {
    %c0_i32 = arith.constant 0 : i32
    %c0_i32_0 = arith.constant 0 : i32
    %c0_i32_1 = arith.constant 0 : i32
    return %c0_i32, %arg0, %c0_i32_0 : i32, i32, i32
  }
  func.func @transform_1(%arg0: i32) -> (i32, i32) {
    %c0_i32 = arith.constant 0 : i32
    %c0_i32_0 = arith.constant 0 : i32
    return %arg0, %c0_i32 : i32, i32
  }
  func.func @transform_2(%arg0: i32) -> (i32, i32) {
    %c0_i32 = arith.constant 0 : i32
    %c0_i32_0 = arith.constant 0 : i32
    return %arg0, %c0_i32 : i32, i32
  }
  func.func @transform_3(%arg0: i32) -> (i32, i32) {
    %c0_i32 = arith.constant 0 : i32
    %c0_i32_0 = arith.constant 0 : i32
    %c0_i32_1 = arith.constant 0 : i32
    return %c0_i32, %c0_i32_0 : i32, i32
  }
  func.func @transform_4(%arg0: i32) -> (i32, i32) {
    %c0_i32 = arith.constant 0 : i32
    %c0_i32_0 = arith.constant 0 : i32
    %c0_i32_1 = arith.constant 0 : i32
    return %c0_i32, %c0_i32_0 : i32, i32
  }
  func.func @transform_5(%arg0: i32) -> (i32, i32) {
    %c0_i32 = arith.constant 0 : i32
    %c0_i32_0 = arith.constant 0 : i32
    %c0_i32_1 = arith.constant 0 : i32
    return %c0_i32, %c0_i32_0 : i32, i32
  }
  func.func @transform_6(%arg0: i32) -> (i32, i32) {
    %c0_i32 = arith.constant 0 : i32
    %c0_i32_0 = arith.constant 0 : i32
    return %arg0, %c0_i32 : i32, i32
  }
}

module attributes {stable_mosaic.version = 14 : i64} {
  func.func @_dense2_head_body(%arg0: i32, %arg1: memref<2x2048x128xf32, #tpu.memory_space<vmem>>, %arg2: memref<2048x32xf32, #tpu.memory_space<vmem>>, %arg3: memref<2048x128xf32, #tpu.memory_space<vmem>>, %arg4: memref<128x128xf32, #tpu.memory_space<vmem>>, %arg5: memref<128x128xf32, #tpu.memory_space<vmem>>, %arg6: memref<1x128xf32, #tpu.memory_space<vmem>>, %arg7: memref<128x64xf32, #tpu.memory_space<vmem>>, %arg8: memref<1x64xf32, #tpu.memory_space<vmem>>, %arg9: memref<64x128xf32, #tpu.memory_space<vmem>>, %arg10: memref<1x128xf32, #tpu.memory_space<vmem>>, %arg11: memref<1x128xf32, #tpu.memory_space<vmem>>, %arg12: memref<1x128xf32, #tpu.memory_space<vmem>>) attributes {dimension_semantics = [#tpu.dimension_semantics<arbitrary>], iteration_bounds = array<i64: 5>, scalar_prefetch = 0 : i64, scratch_operands = 1 : i64, tpu.core_type = #tpu.core_type<tc>, window_params = [{transform_indices = @transform_0, window_bounds = array<i64: 2, 2048, 128>}, {transform_indices = @transform_1, window_bounds = array<i64: 2048, 32>}, {transform_indices = @transform_2, window_bounds = array<i64: 2048, 128>}, {pipeline_mode = #tpu.pipeline_mode<synchronous>, transform_indices = @transform_3, window_bounds = array<i64: 128, 128>}, {pipeline_mode = #tpu.pipeline_mode<synchronous>, transform_indices = @transform_4, window_bounds = array<i64: 128, 128>}, {pipeline_mode = #tpu.pipeline_mode<synchronous>, transform_indices = @transform_5, window_bounds = array<i64: 1, 128>}, {pipeline_mode = #tpu.pipeline_mode<synchronous>, transform_indices = @transform_6, window_bounds = array<i64: 128, 64>}, {pipeline_mode = #tpu.pipeline_mode<synchronous>, transform_indices = @transform_7, window_bounds = array<i64: 1, 64>}, {pipeline_mode = #tpu.pipeline_mode<synchronous>, transform_indices = @transform_8, window_bounds = array<i64: 64, 128>}, {pipeline_mode = #tpu.pipeline_mode<synchronous>, transform_indices = @transform_9, window_bounds = array<i64: 1, 128>}, {pipeline_mode = #tpu.pipeline_mode<synchronous>, transform_indices = @transform_10, window_bounds = array<i64: 1, 128>}]} {
    %get3A = arith.constant 0 : index
    %get3A_0 = arith.constant 0 : index
    %get3A_1 = arith.constant 0 : index
    %get3A_2 = vector.load %arg1[%get3A, %get3A_0, %get3A_1] : memref<2x2048x128xf32, #tpu.memory_space<vmem>>, vector<1x2048x128xf32>
    %get3A_3 = vector.shape_cast %get3A_2 : vector<1x2048x128xf32> to vector<2048x128xf32>
    %get3A_4 = arith.constant 1 : index
    %get3A_5 = arith.constant 0 : index
    %get3A_6 = arith.constant 0 : index
    %get3A_7 = vector.load %arg1[%get3A_4, %get3A_5, %get3A_6] : memref<2x2048x128xf32, #tpu.memory_space<vmem>>, vector<1x2048x128xf32>
    %get3A_8 = vector.shape_cast %get3A_7 : vector<1x2048x128xf32> to vector<2048x128xf32>
    %add3A = arith.addf %get3A_3, %get3A_8 : vector<2048x128xf32>
    %get3A_9 = arith.constant 0 : index
    %get3A_10 = arith.constant 0 : index
    %get3A_11 = vector.load %arg2[%get3A_9, %get3A_10] : memref<2048x32xf32, #tpu.memory_space<vmem>>, vector<2048x32xf32>
    %reduce_sum3A = arith.constant dense<0.000000e+00> : vector<2048xf32>
    %reduce_sum3A_12 = vector.multi_reduction <add>, %get3A_11, %reduce_sum3A [1] : vector<2048x32xf32> to vector<2048xf32>
    %broadcast_in_dim3A = vector.shape_cast %reduce_sum3A_12 : vector<2048xf32> to vector<2048x1xf32>
    %max3A = arith.constant 1.000000e+00 : f32
    %max3A_13 = vector.broadcast %max3A : f32 to vector<2048x1xf32>
    %max3A_14 = arith.maximumf %broadcast_in_dim3A, %max3A_13 : vector<2048x1xf32>
    %div3A = arith.constant 1.000000e+00 : f32
    %div3A_15 = vector.broadcast %div3A : f32 to vector<2048x1xf32>
    %div3A_16 = arith.divf %div3A_15, %max3A_14 : vector<2048x1xf32>
    %mul3A = vector.broadcast %div3A_16 : vector<2048x1xf32> to vector<2048x128xf32>
    %mul3A_17 = arith.mulf %add3A, %mul3A : vector<2048x128xf32>
    %get3A_18 = arith.constant 0 : index
    %get3A_19 = arith.constant 0 : index
    %get3A_20 = vector.load %arg4[%get3A_18, %get3A_19] : memref<128x128xf32, #tpu.memory_space<vmem>>, vector<128x128xf32>
    %dot_general3A = arith.constant dense<0.000000e+00> : vector<2048x128xf32>
    %dot_general3A_21 = tpu.matmul %mul3A_17, %get3A_20, %dot_general3A {dimension_numbers = #tpu.dot_dimension_numbers<[1], [0], [0], [1], [0, 0, 1, 1], [], []>, transpose_lhs_hint = false} : vector<2048x128xf32>, vector<128x128xf32>, vector<2048x128xf32> -> vector<2048x128xf32>
    %get3A_22 = arith.constant 0 : index
    %get3A_23 = arith.constant 0 : index
    %get3A_24 = vector.load %arg3[%get3A_22, %get3A_23] : memref<2048x128xf32, #tpu.memory_space<vmem>>, vector<2048x128xf32>
    %get3A_25 = arith.constant 0 : index
    %get3A_26 = arith.constant 0 : index
    %get3A_27 = vector.load %arg5[%get3A_25, %get3A_26] : memref<128x128xf32, #tpu.memory_space<vmem>>, vector<128x128xf32>
    %dot_general3A_28 = arith.constant dense<0.000000e+00> : vector<2048x128xf32>
    %dot_general3A_29 = tpu.matmul %get3A_24, %get3A_27, %dot_general3A_28 {dimension_numbers = #tpu.dot_dimension_numbers<[1], [0], [0], [1], [0, 0, 1, 1], [], []>, transpose_lhs_hint = false} : vector<2048x128xf32>, vector<128x128xf32>, vector<2048x128xf32> -> vector<2048x128xf32>
    %add3A_30 = arith.addf %dot_general3A_21, %dot_general3A_29 : vector<2048x128xf32>
    %get3A_31 = arith.constant 0 : index
    %get3A_32 = arith.constant 0 : index
    %get3A_33 = vector.load %arg6[%get3A_31, %get3A_32] : memref<1x128xf32, #tpu.memory_space<vmem>>, vector<1x128xf32>
    %add3A_34 = vector.broadcast %get3A_33 : vector<1x128xf32> to vector<2048x128xf32>
    %add3A_35 = arith.addf %add3A_30, %add3A_34 : vector<2048x128xf32>
    %max3A_36 = arith.constant 0.000000e+00 : f32
    %max3A_37 = vector.broadcast %max3A_36 : f32 to vector<2048x128xf32>
    %max3A_38 = arith.maximumf %add3A_35, %max3A_37 : vector<2048x128xf32>
    %mul3A_39 = arith.constant 2048 : i32
    %mul3A_40 = arith.muli %arg0, %mul3A_39 : i32
    %iota3A = tpu.iota {dimensions = array<i32: 0>} : vector<2048x1xi32>
    %add3A_41 = vector.broadcast %mul3A_40 : i32 to vector<2048x1xi32>
    %add3A_42 = arith.addi %add3A_41, %iota3A : vector<2048x1xi32>
    %lt3A = arith.constant 10000 : i32
    %lt3A_43 = vector.broadcast %lt3A : i32 to vector<2048x1xi32>
    %lt3A_44 = arith.cmpi slt, %add3A_42, %lt3A_43 : vector<2048x1xi32>
    %jit3A = arith.constant 0xFF800000 : f32
    %broadcast_in_dim3A_45 = vector.shape_cast %lt3A_44 : vector<2048x1xi1> to vector<2048x1xi1>
    %broadcast_in_dim3A_46 = vector.broadcast %broadcast_in_dim3A_45 : vector<2048x1xi1> to vector<2048x128xi1>
    %broadcast_in_dim3A_47 = vector.broadcast %jit3A : f32 to vector<2048x128xf32>
    %select_n3A = arith.select %broadcast_in_dim3A_46, %max3A_38, %broadcast_in_dim3A_47 : vector<2048x128xi1>, vector<2048x128xf32>
    %reduce_max3A = arith.constant dense<0xFF800000> : vector<128xf32>
    %reduce_max3A_48 = vector.multi_reduction <maximumf>, %select_n3A, %reduce_max3A [0] : vector<2048x128xf32> to vector<128xf32>
    %broadcast_in_dim3A_49 = vector.shape_cast %reduce_max3A_48 : vector<128xf32> to vector<1x128xf32>
    %eq3A = arith.constant 0 : i32
    %eq3A_50 = arith.cmpi eq, %arg0, %eq3A : i32
    %convert_element_type3A = arith.extui %eq3A_50 : i1 to i32
    %cond3A = arith.constant 0 : i32
    %cond3A_51 = arith.cmpi ne, %convert_element_type3A, %cond3A : i32
    scf.if %cond3A_51 {
      %swap3A = arith.constant 0 : index
      %swap3A_61 = arith.constant 0 : index
      %swap3A_62 = vector.load %arg12[%swap3A, %swap3A_61] : memref<1x128xf32, #tpu.memory_space<vmem>>, vector<1x128xf32>
      tpu.vector_store %arg12[%swap3A, %swap3A_61], %broadcast_in_dim3A_49 {strides = array<i32>} : memref<1x128xf32, #tpu.memory_space<vmem>>, vector<1x128xf32>,
    } else {
    }
    %gt3A = arith.constant 0 : i32
    %gt3A_52 = arith.cmpi sgt, %arg0, %gt3A : i32
    %convert_element_type3A_53 = arith.extui %gt3A_52 : i1 to i32
    %cond3A_54 = arith.constant 0 : i32
    %cond3A_55 = arith.cmpi ne, %convert_element_type3A_53, %cond3A_54 : i32
    scf.if %cond3A_55 {
      %get3A_61 = arith.constant 0 : index
      %get3A_62 = arith.constant 0 : index
      %get3A_63 = vector.load %arg12[%get3A_61, %get3A_62] : memref<1x128xf32, #tpu.memory_space<vmem>>, vector<1x128xf32>
      %max3A_64 = arith.maximumf %get3A_63, %broadcast_in_dim3A_49 : vector<1x128xf32>
      %swap3A = arith.constant 0 : index
      %swap3A_65 = arith.constant 0 : index
      %swap3A_66 = vector.load %arg12[%swap3A, %swap3A_65] : memref<1x128xf32, #tpu.memory_space<vmem>>, vector<1x128xf32>
      tpu.vector_store %arg12[%swap3A, %swap3A_65], %max3A_64 {strides = array<i32>} : memref<1x128xf32, #tpu.memory_space<vmem>>, vector<1x128xf32>,
    } else {
    }
    %eq3A_56 = arith.constant 4 : i32
    %eq3A_57 = arith.cmpi eq, %arg0, %eq3A_56 : i32
    %convert_element_type3A_58 = arith.extui %eq3A_57 : i1 to i32
    %cond3A_59 = arith.constant 0 : i32
    %cond3A_60 = arith.cmpi ne, %convert_element_type3A_58, %cond3A_59 : i32
    scf.if %cond3A_60 {
      %get3A_61 = arith.constant 0 : index
      %get3A_62 = arith.constant 0 : index
      %get3A_63 = vector.load %arg12[%get3A_61, %get3A_62] : memref<1x128xf32, #tpu.memory_space<vmem>>, vector<1x128xf32>
      %get3A_64 = arith.constant 0 : index
      %get3A_65 = arith.constant 0 : index
      %get3A_66 = vector.load %arg7[%get3A_64, %get3A_65] : memref<128x64xf32, #tpu.memory_space<vmem>>, vector<128x64xf32>
      %dot_general3A_67 = arith.constant dense<0.000000e+00> : vector<1x64xf32>
      %dot_general3A_68 = tpu.matmul %get3A_63, %get3A_66, %dot_general3A_67 {dimension_numbers = #tpu.dot_dimension_numbers<[1], [0], [0], [1], [0, 0, 1, 1], [], []>, transpose_lhs_hint = false} : vector<1x128xf32>, vector<128x64xf32>, vector<1x64xf32> -> vector<1x64xf32>
      %get3A_69 = arith.constant 0 : index
      %get3A_70 = arith.constant 0 : index
      %get3A_71 = vector.load %arg8[%get3A_69, %get3A_70] : memref<1x64xf32, #tpu.memory_space<vmem>>, vector<1x64xf32>
      %add3A_72 = arith.addf %dot_general3A_68, %get3A_71 : vector<1x64xf32>
      %max3A_73 = arith.constant 0.000000e+00 : f32
      %max3A_74 = vector.broadcast %max3A_73 : f32 to vector<1x64xf32>
      %max3A_75 = arith.maximumf %add3A_72, %max3A_74 : vector<1x64xf32>
      %get3A_76 = arith.constant 0 : index
      %get3A_77 = arith.constant 0 : index
      %get3A_78 = vector.load %arg9[%get3A_76, %get3A_77] : memref<64x128xf32, #tpu.memory_space<vmem>>, vector<64x128xf32>
      %dot_general3A_79 = arith.constant dense<0.000000e+00> : vector<1x128xf32>
      %dot_general3A_80 = tpu.matmul %max3A_75, %get3A_78, %dot_general3A_79 {dimension_numbers = #tpu.dot_dimension_numbers<[1], [0], [0], [1], [0, 0, 1, 1], [], []>, transpose_lhs_hint = false} : vector<1x64xf32>, vector<64x128xf32>, vector<1x128xf32> -> vector<1x128xf32>
      %get3A_81 = arith.constant 0 : index
      %get3A_82 = arith.constant 0 : index
      %get3A_83 = vector.load %arg10[%get3A_81, %get3A_82] : memref<1x128xf32, #tpu.memory_space<vmem>>, vector<1x128xf32>
      %add3A_84 = arith.addf %dot_general3A_80, %get3A_83 : vector<1x128xf32>
      %swap3A = arith.constant 0 : index
      %swap3A_85 = arith.constant 0 : index
      %swap3A_86 = vector.load %arg11[%swap3A, %swap3A_85] : memref<1x128xf32, #tpu.memory_space<vmem>>, vector<1x128xf32>
      tpu.vector_store %arg11[%swap3A, %swap3A_85], %add3A_84 {strides = array<i32>} : memref<1x128xf32, #tpu.memory_space<vmem>>, vector<1x128xf32>,
    } else {
    }
    return
  }
  func.func @transform_0(%arg0: i32) -> (i32, i32, i32) {
    %c0_i32 = arith.constant 0 : i32
    %c0_i32_0 = arith.constant 0 : i32
    %c0_i32_1 = arith.constant 0 : i32
    return %c0_i32, %arg0, %c0_i32_0 : i32, i32, i32
  }
  func.func @transform_1(%arg0: i32) -> (i32, i32) {
    %c0_i32 = arith.constant 0 : i32
    %c0_i32_0 = arith.constant 0 : i32
    return %arg0, %c0_i32 : i32, i32
  }
  func.func @transform_2(%arg0: i32) -> (i32, i32) {
    %c0_i32 = arith.constant 0 : i32
    %c0_i32_0 = arith.constant 0 : i32
    return %arg0, %c0_i32 : i32, i32
  }
  func.func @transform_3(%arg0: i32) -> (i32, i32) {
    %c0_i32 = arith.constant 0 : i32
    %c0_i32_0 = arith.constant 0 : i32
    %c0_i32_1 = arith.constant 0 : i32
    return %c0_i32, %c0_i32_0 : i32, i32
  }
  func.func @transform_4(%arg0: i32) -> (i32, i32) {
    %c0_i32 = arith.constant 0 : i32
    %c0_i32_0 = arith.constant 0 : i32
    %c0_i32_1 = arith.constant 0 : i32
    return %c0_i32, %c0_i32_0 : i32, i32
  }
  func.func @transform_5(%arg0: i32) -> (i32, i32) {
    %c0_i32 = arith.constant 0 : i32
    %c0_i32_0 = arith.constant 0 : i32
    %c0_i32_1 = arith.constant 0 : i32
    return %c0_i32, %c0_i32_0 : i32, i32
  }
  func.func @transform_6(%arg0: i32) -> (i32, i32) {
    %c0_i32 = arith.constant 0 : i32
    %c0_i32_0 = arith.constant 0 : i32
    %c0_i32_1 = arith.constant 0 : i32
    return %c0_i32, %c0_i32_0 : i32, i32
  }
  func.func @transform_7(%arg0: i32) -> (i32, i32) {
    %c0_i32 = arith.constant 0 : i32
    %c0_i32_0 = arith.constant 0 : i32
    %c0_i32_1 = arith.constant 0 : i32
    return %c0_i32, %c0_i32_0 : i32, i32
  }
  func.func @transform_8(%arg0: i32) -> (i32, i32) {
    %c0_i32 = arith.constant 0 : i32
    %c0_i32_0 = arith.constant 0 : i32
    %c0_i32_1 = arith.constant 0 : i32
    return %c0_i32, %c0_i32_0 : i32, i32
  }
  func.func @transform_9(%arg0: i32) -> (i32, i32) {
    %c0_i32 = arith.constant 0 : i32
    %c0_i32_0 = arith.constant 0 : i32
    %c0_i32_1 = arith.constant 0 : i32
    return %c0_i32, %c0_i32_0 : i32, i32
  }
  func.func @transform_10(%arg0: i32) -> (i32, i32) {
    %c0_i32 = arith.constant 0 : i32
    %c0_i32_0 = arith.constant 0 : i32
    %c0_i32_1 = arith.constant 0 : i32
    return %c0_i32, %c0_i32_0 : i32, i32
  }
}

</mosaic_0001>

<sc_bundles>
// kernel: kernel.6.cloned.1.call-start
scs
__scs_entry_jumppad:
0x0: {  	(pc) =	sbr.rel $0x88, $3  }
0x1: {  	(tag) =	ssettag $0x0;
	lr =	simm.s32 $0x1  }
0x2: {  	[smem:$0x3F95] =	sst lr;
	_ =	strace $0xD0000000  }
0x3: {  	_ = 	snop  }
0x4: {  	_ = 	snop  }
0x5: {  	_ = 	snop  }
0x6: {  	_ = 	snop  }
0x7: {  	_ = 	snop  }
__scs_overlays_trampoline_lowered:
0x8: {  	[smem:$0x3FA4] =	sst s0  }
0x9: {  	[smem:$0x3FA5] =	sst s1  }
0xa: {  	[smem:$0x3FA6] =	sst s2  }
0xb: {  	[smem:$0x3FA7] =	sst s3  }
0xc: {  	[smem:$0x3FA8] =	sst s4  }
0xd: {  	[smem:$0x3FA9] =	sst s5  }
0xe: {  	[smem:$0x3FAA] =	sst s6  }
0xf: {  	[smem:$0x3FAB] =	sst s7  }
0x10: {  	[smem:$0x3FAC] =	sst s8  }
0x11: {  	[smem:$0x3FAD] =	sst s9;
	s0 =	simm.s32 @!p0 $0x0  }
0x12: {  	s1 =	sld [smem:$0x3F93];
	s0 =	simm.s32 @p0 $0x1  }
0x13: {  	[smem:$0x3FAE] =	sst s0;
	s0 =	simm.s32 @!p1 $0x0  }
0x14: {  	s2 =	sld [smem:$0x3F92];
	s0 =	simm.s32 @p1 $0x1  }
0x15: {  	[smem:$0x3FAF] =	sst s0;
	s0 =	simm.s32 @!p2 $0x0  }
0x16: {  	s3 =	sld [smem:$0x3FDB];
	s0 =	simm.s32 @p2 $0x1  }
0x17: {  	s4 =	simm.s32 $0x1BF5;
	[smem:$0x3FB1] =	sst s0  }
0x18: {  	s0 =	sld [smem:$0x3F94];
	_ =	swait.ge [sflag:s4], $0x0  }
0x19: {  	s7 =	sld [smem:$0x3F95]  }
0x1a: {  	s8 =	sadd.s32 $0xFFFFE003, lr  }
0x1b: {  	s9 =	sadd.s32 $0xFFFFFEF7, lr;
	s5 =	simm.s32 $0xFFFFFFFF;
	p2 =	slt.u32 s8, $0xFFFFF086  }
0x1c: {  	p1 =	slt.u32 s9, $0xF7A;
	s5 =	simm.s32 @!p2 $0x0  }
0x1d: {  	s5 =	simm.s32 @p1 $0x1;
	p0 =	seq.s32 s7, s2  }
0x1e: {  	s7 =	smul.u32 @!p0 $0xF7A, s2;
	p2 =	seq.s32 @!p0 s5, $0x0  }
0x1f: {  	s9 =	smul.u32 $0xF7A, s1;
	s8 =	simm.s32 @!p0 $0x1BF5;
	p2 =	por !p2, p0  }
0x20: {  	[sflag:s8] =	ssyncset.s32 @!p0 $0xFFFFF086;
	s6 =	sadd.s32 @!p0 s3, s7;
	s7 =	simm.s32 @!p0 $0x108  }
0x21: {  	s3 =	sadd.s32 s3, s9;
	s6 =	sadd.s32 @!p0 $0x88, s6;
	s7 =	simm.s32 @p2 $0x1082  }
0x22: {  	[simem:s7], [sflag:s8] =	dma.local @!p0 [hbm:s6], $0xF7A  }
0x23: {  	s9 =	sor.u32 $0xD0000000, s2;
	s6 =	simm.s32 $0x108;
	_ =	swait.ge @!p0 [sflag:s8], $0x0  }
0x24: {  	s3 =	sadd.s32 $0x88, s3;
	s6 =	simm.s32 @!p1 $0x1082;
	[sflag:s4] =	ssyncset.s32 $0xFFFFF086  }
0x25: {  	[simem:s6], [sflag:s4] =	dma.local [hbm:s3], $0xF7A  }
0x26: {  	[smem:$0x3F95] =	sst s1;
	(tag) =	ssettag s2;
	_ =	strace s9  }
0x27: {  	s1 =	sld [smem:$0x3FA5]  }
0x28: {  	s2 =	sld [smem:$0x3FA6]  }
0x29: {  	s4 =	sld [smem:$0x3FA8]  }
0x2a: {  	p0 =	seq.s32 s5, $0x0;
	s5 =	sld [smem:$0x3FA9]  }
0x2b: {  	s6 =	sld [smem:$0x3FAA]  }
0x2c: {  	s7 =	sld [smem:$0x3FAB]  }
0x2d: {  	s3 =	simm.s32 $0x108;
	s8 =	sld [smem:$0x3FAC]  }
0x2e: {  	s3 =	simm.s32 @!p0 $0x1082;
	s9 =	sld [smem:$0x3FAD]  }
0x2f: {  	lr =	sadd.s32 s0, s3;
	s0 =	sld [smem:$0x3FA4]  }
0x30: {  	s3 =	sld [smem:$0x3FA7]  }
0x31: {  	[smem:$0x3FB0] =	sst s10  }
0x32: {  	s10 =	sld [smem:$0x3FAE];
	_ =	sdelay $0x3  }
0x33: {  	p0 =	seq.s32 s10, $0x1;
	s10 =	sld [smem:$0x3FB0];
	_ =	sdelay $0x3  }
0x34: {  	[smem:$0x3FB0] =	sst s10  }
0x35: {  	s10 =	sld [smem:$0x3FAF];
	_ =	sdelay $0x3  }
0x36: {  	p1 =	seq.s32 s10, $0x1;
	s10 =	sld [smem:$0x3FB0];
	_ =	sdelay $0x3  }
0x37: {  	[smem:$0x3FB0] =	sst s10  }
0x38: {  	s10 =	sld [smem:$0x3FB1]  }
0x39: {  	_ = 	snop;
	(pc) =	sbr.ind lr, $3  }
0x3a: {  	_ = 	snop  }
0x3b: {  	_ = 	snop  }
0x3c: {  	p2 =	seq.s32 s10, $0x1;
	s10 =	sld [smem:$0x3FB0]  }
0x3d: {  	_ =	shalt  }
0x3e: {  	_ =	shalt  }
0x3f: {  	_ =	shalt  }
0x40: {  	_ =	shalt  }
0x41: {  	_ =	shalt  }
0x42: {  	_ =	shalt  }
0x43: {  	_ =	shalt  }
0x44: {  	_ =	shalt  }
0x45: {  	_ =	shalt  }
0x46: {  	_ =	shalt  }
0x47: {  	_ =	shalt  }
0x48: {  	_ =	shalt  }
0x49: {  	_ =	shalt  }
0x4a: {  	_ =	shalt  }
0x4b: {  	_ =	shalt  }
0x4c: {  	_ =	shalt  }
0x4d: {  	_ =	shalt  }
0x4e: {  	_ =	shalt  }
0x4f: {  	_ =	shalt  }
0x50: {  	_ =	shalt  }
0x51: {  	_ =	shalt  }
0x52: {  	_ =	shalt  }
0x53: {  	_ =	shalt  }
0x54: {  	_ =	shalt  }
0x55: {  	_ =	shalt  }
0x56: {  	_ =	shalt  }
0x57: {  	_ =	shalt  }
0x58: {  	_ =	shalt  }
0x59: {  	_ =	shalt  }
0x5a: {  	_ =	shalt  }
0x5b: {  	_ =	shalt  }
0x5c: {  	_ =	shalt  }
0x5d: {  	_ =	shalt  }
0x5e: {  	_ =	shalt  }
0x5f: {  	_ =	shalt  }
0x60: {  	_ =	shalt  }
0x61: {  	_ =	shalt  }
0x62: {  	_ =	shalt  }
0x63: {  	_ =	shalt  }
0x64: {  	_ =	shalt  }
0x65: {  	_ =	shalt  }
0x66: {  	_ =	shalt  }
0x67: {  	_ =	shalt  }
0x68: {  	_ =	shalt  }
0x69: {  	_ =	shalt  }
0x6a: {  	_ =	shalt  }
0x6b: {  	_ =	shalt  }
0x6c: {  	_ =	shalt  }
0x6d: {  	_ =	shalt  }
0x6e: {  	_ =	shalt  }
0x6f: {  	_ =	shalt  }
0x70: {  	_ =	shalt  }
0x71: {  	_ =	shalt  }
0x72: {  	_ =	shalt  }
0x73: {  	_ =	shalt  }
0x74: {  	_ =	shalt  }
0x75: {  	_ =	shalt  }
0x76: {  	_ =	shalt  }
0x77: {  	_ =	shalt  }
0x78: {  	_ =	shalt  }
0x79: {  	_ =	shalt  }
0x7a: {  	_ =	shalt  }
0x7b: {  	_ =	shalt  }
0x7c: {  	_ =	shalt  }
0x7d: {  	_ =	shalt  }
0x7e: {  	_ =	shalt  }
0x7f: {  	_ =	shalt  }
0x80: {  	_ =	shalt  }
0x81: {  	_ =	shalt  }
0x82: {  	_ =	shalt  }
0x83: {  	_ =	shalt  }
0x84: {  	_ =	shalt  }
0x85: {  	_ =	shalt  }
0x86: {  	_ =	shalt  }
0x87: {  	_ =	shalt  }
.Lfunc_end0:
.L_simem_size_0:
called_computation_lowered:
.L_overlay_start_0:
0x88: {  	s2 =	sld [smem:$0x3FD9]  }
0x89: {  	s3 =	sld [smem:$0x3FFE];
	_ =	sdelay $0x1  }
0x8a: {  	s1 =	srdreg.scid  }
0x8b: {  	s0 =	sand.u32 $0x1, s1  }
0x8c: {  	s16 =	sshll.u32 s0, $0xA;
	s2 =	sadd.s32 s3, s2  }
0x8d: {  	s2 =	sadd.s32 s2, s16  }
0x8e: {  	[smem:$0x3FBC] =	sst s2  }
0x8f: {  	_ = 	snop  }
0x90: {  	(tm) =	ssettm $0x1  }
0x91: {  	s17 =	sld [smem:$0x3FFB];
	_ =	sdelay $0x3  }
0x92: {  	_ =	strace s17  }
0x93: {  	s2 =	sld [smem:$0x3FFC];
	_ =	sdelay $0x3  }
0x94: {  	_ =	strace s2  }
0x95: {  	s2 =	sld [smem:$0x3FFD];
	_ =	sdelay $0x3  }
0x96: {  	_ =	strace s2  }
0x97: {  	_ =	strace $0x8FFFFFFF  }
0x98: {  	s18 =	sld [smem:$0x3FDB];
	_ =	sdelay $0x1  }
0x99: {  	s19 =	simm.s32 $_scs_section_size  }
0x9a: {  	s4 =	simm.s32 $_size__tile_overlayer_lowered;
	s5 =	simm.s32 $_tile_overlayer_lowered  }
0x9b: {  	s22 =	simm.s32 $0x1BFF;
	s21 =	sshll.u32 s5, $0x1;
	s2 =	sadd.s32 s19, s18  }
0x9c: {  	s6 =	simm.s32 $0x0;
	s20 =	sshll.u32 s4, $0x1;
	s4 =	sadd.s32 s21, s2  }
0x9d: {  	[timem:s6], [sflag:s22] =	dma.local [hbm:s4], s20  }
0x9e: {  	_ =	swait.ge [sflag:s22], s20  }
0x9f: {  	s3 =	ssub.s32 $0x0, s20;
	[sflag:s22] =	ssyncset.done $0x0  }
0xa0: {  	[sflag:s22] =	ssyncadd.s32 s3;
	_ =	sdelay $0x1  }
0xa1: {  	s23 =	simm.s32 $0x1B8B  }
0xa2: {  	_ =	swait.ge [sflag:s23], $0x1  }
0xa3: {  	[sflag:s23] =	ssyncset.done $0x0  }
0xa4: {  	s25 =	simm.s32 $0x1B8E;
	s24 =	sld [smem:$0x3FFE];
	[sflag:s23] =	ssyncadd.s32 $0xFFFFFFFF  }
0xa5: {  	s26 =	simm.s32 $execute0_lowered;
	[smem:$0x3FD2] =	sst s25  }
0xa6: {  	s4 =	sshll.u32 s26, $0x1;
	_ =	strace $0x80000046;
	[dreg:$0x1] =	wrdreg $0xFFFFFFFF  }
0xa7: {  	s28 =	simm.s32 $_size_execute0_lowered;
	s2 =	sadd.s32 s2, s4;
	[dreg:$0x0] =	wrdreg $0x0  }
0xa8: {  	s4 =	sshll.u32 s28, $0x1;
	[dreg:$0x2] =	wrdreg s2  }
0xa9: {  	[dreg:$0x3] =	wrdreg s4  }
0xaa: {  	[dreg:$0x4] =	wrdreg $0xC0  }
0xab: {  	_ =	task [dreg:s6], $0x5FFFF  }
0xac: {  	[dreg:$0x1] =	wrdreg $0xFFFFFFFF  }
0xad: {  	[dreg:$0x0] =	wrdreg $0x60  }
0xae: {  	[dreg:$0x2] =	wrdreg s24  }
0xaf: {  	[dreg:$0x3] =	wrdreg $0x2BC00  }
0xb0: {  	[dreg:$0x4] =	wrdreg $0x9  }
0xb1: {  	_ =	task.clear_ibuf [dreg:s6], $0x5FFFF;
	_ =	strace $0x90000046  }
0xb2: {  	s29 =	simm.s32 $0x9;
	_ =	strace $0x80000048  }
0xb3: {  	_ =	swait.ge [sflag:s29], $0x1  }
0xb4: {  	[sflag:s29] =	ssyncadd.s32 $0xFFFFFFFF  }
0xb5: {  	_ =	strace $0x90000048  }
0xb6: {  	_ =	sfence  }
0xb7: {  	s30 =	sld [smem:$0x0];
	_ =	sdelay $0x2  }
0xb8: {  	s31 =	sshll.u32 s1, $0xD;
	s1 =	sshrl.u32 s1, $0x2  }
0xb9: {  	s3 =	sand.u32 $0x4000, s31;
	s1 =	sadd.s32 s1, s30  }
0xba: {  	s0 =	sor.u32 s3, s0;
	s1 =	sshll.u32 s1, $0x11  }
0xbb: {  	s0 =	sor.u32 s1, s0  }
0xbc: {  	s0 =	sadd.s32 $0x8F2B, s0  }
0xbd: {  	[sflag:s0] =	ssyncadd.remote.s32 $0x1  }
0xbe: {  	_ =	sfence.sel $0xFFFF  }
0xbf: {  	[dreg:$0x0] =	wrdreg $0xFFFFFFFF;
	(pc) =	sbr.abs _section_cstart, $3  }
0xc0: {  	[dreg:$0x1] =	wrdreg $0xFFFFFFFF  }
0xc1: {  	_ =	task.clear_ibuf [dreg:s6], $0x2FFFF;
	_ =	strace $0x9FFFFFFF  }
0xc2: {  	(tm) =	ssettm $0x7FFFFFFF  }
0xc3: {  	_ =	shalt  }
tec
execute0_lowered:
.L_overlay_start_1:
0x0: {  	(tag) =	ssettag $0x1  }
0x1: {  	s0 =	srdreg.scid;
	s8 =	stileid.u32  }
0x2: {  	s3 =	rddreg [dreg:$0x0];
	s0 =	sand.u32 $0x1, s0;
	s5 =	smul.u32 $0x2800, s8  }
0x3: {  	s6 =	simm.s32 $0x0;
	s1 =	sshll.u32 s0, $0x4;
	s24 =	smul.u32 $0x28000, s0  }
0x4: {  	[smem:$0x7FF] =	sst s6;
	s1 =	sor.u32 s8, s1;
	s8 =	smul.u32 $0x50000, s8  }
0x5: {  	s2 =	rddreg [dreg:$0x1];
	_ =	strace $0x80000047;
	s5 =	sadd.s32 s5, s24  }
0x6: {  	s0 =	ssub.s32 $0x2, s0;
	s25 =	sshrl.u32 s8, $0x2;
	s26 =	sadd.s32 s5, s3  }
0x7: {  	s9 =	sshrl.u32 s0, $0x1;
	s5 =	sadd.s32 s25, s2;
	s26 =	sadd.s32 $0x4B400, s26  }
0x8: {  	s0 =	ssub.s32 s0, s9;
	s9 =	sadd.s32 $0x1400, s5;
	[dreg:$0x15] =	wrdreg s26  }
0x9: {  	s29 =	simm.s32 $0x16BC0;
	s10 =	sadd.s32 $0x2800, s5;
	[dreg:$0x3] =	wrdreg s9  }
0xa: {  	s30 =	simm.s32 $0x9;
	s11 =	sadd.s32 $0x3C00, s5;
	[dreg:$0x4] =	wrdreg s10  }
0xb: {  	s31 =	simm.s32 $0x0;
	s12 =	sadd.s32 $0x5000, s5;
	[dreg:$0x5] =	wrdreg s11  }
0xc: {  	s6 =	simm.s32 $0x70;
	s13 =	sadd.s32 $0x6400, s5;
	[dreg:$0x6] =	wrdreg s12  }
0xd: {  	s4 =	smul.u32 $0x2BC0, s1;
	s14 =	sadd.s32 $0x7800, s5;
	[dreg:$0x7] =	wrdreg s13  }
0xe: {  	s1 =	smul.u32 $0x500, s1;
	s15 =	sadd.s32 $0x8C00, s5;
	[dreg:$0x8] =	wrdreg s14  }
0xf: {  	s8 =	simm.s32 $0xA8;
	s16 =	sadd.s32 $0xA000, s5;
	[dreg:$0x9] =	wrdreg s15  }
0x10: {  	s7 =	sshrl.u32 s4, $0x3;
	s17 =	sadd.s32 $0xB400, s5;
	[dreg:$0xa] =	wrdreg s16  }
0x11: {  	s4 =	sadd.s32 $0x19400, s3;
	s18 =	sadd.s32 $0xC800, s5;
	[dreg:$0xb] =	wrdreg s17  }
0x12: {  	s1 =	sadd.s32 s1, s3;
	s19 =	sadd.s32 $0xDC00, s5;
	[dreg:$0xc] =	wrdreg s18  }
0x13: {  	s7 =	sadd.s32 s7, s3;
	s20 =	sadd.s32 $0xF000, s5;
	[dreg:$0xd] =	wrdreg s19  }
0x14: {  	s21 =	sadd.s32 $0x10400, s5;
	s1 =	sadd.s32 $0x41400, s1;
	[dreg:$0xe] =	wrdreg s20  }
0x15: {  	s26 =	sadd.s32 $0x11800, s5;
	s28 =	sadd.s32 $0x12C00, s5;
	[dreg:$0xf] =	wrdreg s21  }
0x16: {  	s22 =	sadd.s32 $0x3600, s7;
	s23 =	sadd.s32 $0xE500, s7;
	s24 =	sadd.s32 $0x38BC, s7  }
0x17: {  	s25 =	sadd.s32 $0xE7BC, s7;
	[dreg:$0x14] =	wrdreg s1;
	s1 =	simm.s32 $0x32  }
0x18: {  	s7 =	simm.s32 $0x19DC0;
	s9 =	simm.s32 $0x1B6C0;
	s10 =	simm.s32 $0x1  }
0x19: {  	s11 =	simm.s32 $0x1CFC0;
	s12 =	simm.s32 $0x3;
	s13 =	simm.s32 $0x5  }
0x1a: {  	s14 =	simm.s32 $0x7;
	s15 =	simm.s32 $0x2;
	[dreg:$0x10] =	wrdreg s22  }
0x1b: {  	s16 =	simm.s32 $0x4;
	s17 =	simm.s32 $0x6;
	[dreg:$0x11] =	wrdreg s23  }
0x1c: {  	s18 =	simm.s32 $0x8;
	s19 =	simm.s32 $0x2AE0;
	[dreg:$0x12] =	wrdreg s24  }
0x1d: {  	s20 =	simm.s32 $0x2B18;
	s21 =	simm.s32 $0x2B50;
	[dreg:$0x13] =	wrdreg s25  }
0x1e: {  	v0 =	vimm.f32 $0.0e+00;
	v1 =	vimm.f32 $1.000000000e+00;
	vm0 =	vcmask $0x3F38;
	s25 =	smax.u32 s0, $0x1;
	s0 =	simm.s32 $0x184C0;
	s22 =	simm.s32 $0x2B88  }
.LBB2_1:
0x1f: {  	s23 =	simm.s32 $0x70;
	s24 =	simm.s32 $0x3C0  }
.LBB2_2:
0x20: {  	p0 =	sne.s32 s24, $0x4FC0;
	[tilespmem:s23+$0x16BC0] =	vst v0  }
0x21: {  	[tilespmem:s23+$0x16B50] =	vst v0  }
0x22: {  	[tilespmem:s23+$0x16B60] =	vst v0  }
.Ltmp0:
0x23: {  	[tilespmem:s23+$0x16B70] =	vst v0;
	(pc) =	sbr.rel @p0 .LBB2_2-.Ltmp0, $4  }
0x24: {  	[tilespmem:s23+$0x16B80] =	vst v0  }
0x25: {  	[tilespmem:s23+$0x16B90] =	vst v0  }
0x26: {  	[tilespmem:s23+$0x16BA0] =	vst v0  }
0x27: {  	[tilespmem:s23+$0x16BB0] =	vst v0;
	s23 =	sshra.s32 s24, $0x2;
	s24 =	sadd.s32 $0x200, s24  }
0x28: {  	[tilespmem:s23+$0x16BC0] =	vst v0  }
0x29: {  	[tilespmem:s23+$0x16B50] =	vst v0  }
0x2a: {  	[tilespmem:s23+$0x16B60] =	vst v0  }
0x2b: {  	[tilespmem:s23+$0x16B70] =	vst v0  }
0x2c: {  	[tilespmem:s23+$0x16B80] =	vst v0  }
0x2d: {  	[tilespmem:s23+$0x16B90] =	vst v0  }
0x2e: {  	[tilespmem:s23+$0x16BA0] =	vst v0  }
0x2f: {  	[tilespmem:s23+$0x16BB0] =	vst v0  }
0x30: {  	[spmem:s5] =	stream.linear.scatter [tilespmem:s29], [sflag:$0x9], $0x1400, $0x38;
	[tilespmem:$0x1F7C0] =	vst v63  }
0x31: {  	_ =	swait.ge [sflag:s30], $0x1400  }
0x32: {  	[sflag:s30] =	ssyncset.done $0x0  }
0x33: {  	s3 =	rddreg [dreg:$0x3];
	[sflag:s30] =	ssyncadd.s32 $0xFFFFEC00  }
0x34: {  	[spmem:s3] =	stream.linear.scatter [tilespmem:s29], [sflag:$0x9], $0x1400, $0x38;
	[tilespmem:$0x1F7C0] =	vst v63  }
0x35: {  	_ =	swait.ge [sflag:s30], $0x1400  }
0x36: {  	[sflag:s30] =	ssyncset.done $0x0  }
0x37: {  	s23 =	rddreg [dreg:$0x4];
	[sflag:s30] =	ssyncadd.s32 $0xFFFFEC00  }
0x38: {  	[spmem:s23] =	stream.linear.scatter [tilespmem:s29], [sflag:$0x9], $0x1400, $0x38;
	[tilespmem:$0x1F7C0] =	vst v63  }
0x39: {  	_ =	swait.ge [sflag:s30], $0x1400  }
0x3a: {  	[sflag:s30] =	ssyncset.done $0x0  }
0x3b: {  	s24 =	rddreg [dreg:$0x5];
	[sflag:s30] =	ssyncadd.s32 $0xFFFFEC00  }
0x3c: {  	[spmem:s24] =	stream.linear.scatter [tilespmem:s29], [sflag:$0x9], $0x1400, $0x38;
	[tilespmem:$0x1F7C0] =	vst v63  }
0x3d: {  	_ =	swait.ge [sflag:s30], $0x1400  }
0x3e: {  	[sflag:s30] =	ssyncset.done $0x0  }
0x3f: {  	s23 =	rddreg [dreg:$0x6];
	[sflag:s30] =	ssyncadd.s32 $0xFFFFEC00  }
0x40: {  	[spmem:s23] =	stream.linear.scatter [tilespmem:s29], [sflag:$0x9], $0x1400, $0x38;
	[tilespmem:$0x1F7C0] =	vst v63  }
0x41: {  	_ =	swait.ge [sflag:s30], $0x1400  }
0x42: {  	[sflag:s30] =	ssyncset.done $0x0  }
0x43: {  	s24 =	rddreg [dreg:$0x7];
	[sflag:s30] =	ssyncadd.s32 $0xFFFFEC00  }
0x44: {  	[spmem:s24] =	stream.linear.scatter [tilespmem:s29], [sflag:$0x9], $0x1400, $0x38;
	[tilespmem:$0x1F7C0] =	vst v63  }
0x45: {  	_ =	swait.ge [sflag:s30], $0x1400  }
0x46: {  	[sflag:s30] =	ssyncset.done $0x0  }
0x47: {  	s23 =	rddreg [dreg:$0x8];
	[sflag:s30] =	ssyncadd.s32 $0xFFFFEC00  }
0x48: {  	[spmem:s23] =	stream.linear.scatter [tilespmem:s29], [sflag:$0x9], $0x1400, $0x38;
	[tilespmem:$0x1F7C0] =	vst v63  }
0x49: {  	_ =	swait.ge [sflag:s30], $0x1400  }
0x4a: {  	[sflag:s30] =	ssyncset.done $0x0  }
0x4b: {  	s24 =	rddreg [dreg:$0x9];
	[sflag:s30] =	ssyncadd.s32 $0xFFFFEC00  }
0x4c: {  	[spmem:s24] =	stream.linear.scatter [tilespmem:s29], [sflag:$0x9], $0x1400, $0x38;
	[tilespmem:$0x1F7C0] =	vst v63  }
0x4d: {  	_ =	swait.ge [sflag:s30], $0x1400  }
0x4e: {  	[sflag:s30] =	ssyncset.done $0x0  }
0x4f: {  	s23 =	rddreg [dreg:$0xa];
	[sflag:s30] =	ssyncadd.s32 $0xFFFFEC00  }
0x50: {  	[spmem:s23] =	stream.linear.scatter [tilespmem:s29], [sflag:$0x9], $0x1400, $0x38;
	[tilespmem:$0x1F7C0] =	vst v63  }
0x51: {  	_ =	swait.ge [sflag:s30], $0x1400  }
0x52: {  	[sflag:s30] =	ssyncset.done $0x0  }
0x53: {  	s24 =	rddreg [dreg:$0xb];
	[sflag:s30] =	ssyncadd.s32 $0xFFFFEC00  }
0x54: {  	[spmem:s24] =	stream.linear.scatter [tilespmem:s29], [sflag:$0x9], $0x1400, $0x38;
	[tilespmem:$0x1F7C0] =	vst v63  }
0x55: {  	_ =	swait.ge [sflag:s30], $0x1400  }
0x56: {  	[sflag:s30] =	ssyncset.done $0x0  }
0x57: {  	s23 =	rddreg [dreg:$0xc];
	[sflag:s30] =	ssyncadd.s32 $0xFFFFEC00  }
0x58: {  	[spmem:s23] =	stream.linear.scatter [tilespmem:s29], [sflag:$0x9], $0x1400, $0x38;
	[tilespmem:$0x1F7C0] =	vst v63  }
0x59: {  	_ =	swait.ge [sflag:s30], $0x1400  }
0x5a: {  	[sflag:s30] =	ssyncset.done $0x0  }
0x5b: {  	s24 =	rddreg [dreg:$0xd];
	[sflag:s30] =	ssyncadd.s32 $0xFFFFEC00  }
0x5c: {  	[spmem:s24] =	stream.linear.scatter [tilespmem:s29], [sflag:$0x9], $0x1400, $0x38;
	[tilespmem:$0x1F7C0] =	vst v63  }
0x5d: {  	_ =	swait.ge [sflag:s30], $0x1400  }
0x5e: {  	[sflag:s30] =	ssyncset.done $0x0  }
0x5f: {  	s23 =	rddreg [dreg:$0xe];
	[sflag:s30] =	ssyncadd.s32 $0xFFFFEC00  }
0x60: {  	[spmem:s23] =	stream.linear.scatter [tilespmem:s29], [sflag:$0x9], $0x1400, $0x38;
	[tilespmem:$0x1F7C0] =	vst v63  }
0x61: {  	_ =	swait.ge [sflag:s30], $0x1400  }
0x62: {  	[sflag:s30] =	ssyncset.done $0x0  }
0x63: {  	s24 =	rddreg [dreg:$0xf];
	[sflag:s30] =	ssyncadd.s32 $0xFFFFEC00  }
0x64: {  	[spmem:s24] =	stream.linear.scatter [tilespmem:s29], [sflag:$0x9], $0x1400, $0x38;
	[tilespmem:$0x1F7C0] =	vst v63  }
0x65: {  	_ =	swait.ge [sflag:s30], $0x1400  }
0x66: {  	[sflag:s30] =	ssyncset.done $0x0  }
0x67: {  	[sflag:s30] =	ssyncadd.s32 $0xFFFFEC00  }
0x68: {  	[spmem:s26] =	stream.linear.scatter [tilespmem:s29], [sflag:$0x9], $0x1400, $0x38;
	[tilespmem:$0x1F7C0] =	vst v63  }
0x69: {  	_ =	swait.ge [sflag:s30], $0x1400  }
0x6a: {  	[sflag:s30] =	ssyncset.done $0x0  }
0x6b: {  	[sflag:s30] =	ssyncadd.s32 $0xFFFFEC00  }
0x6c: {  	[spmem:s28] =	stream.linear.scatter [tilespmem:s29], [sflag:$0x9], $0x1400, $0x38;
	[tilespmem:$0x1F7C0] =	vst v63  }
0x6d: {  	_ =	swait.ge [sflag:s30], $0x1400  }
0x6e: {  	[sflag:s30] =	ssyncset.done $0x0  }
0x6f: {  	s23 =	simm.s32 $0x40;
	s24 =	simm.s32 $0x0;
	[sflag:s30] =	ssyncadd.s32 $0xFFFFEC00  }
.LBB2_4:
0x70: {  	p0 =	sne.s32 s23, $0x9FC0;
	[tilespmem:s24+$0x1CFC0] =	vst v0;
	s24 =	smov.u32 s23;
	s23 =	sadd.s32 $0x40, s23  }
.Ltmp1:
0x71: {  	(pc) =	sbr.rel @p0 .LBB2_4-.Ltmp1, $2  }
0x72: {  	_ =	sdelay $0x2  }
0x73: {  	s24 =	sshra.s32 s24, $0x2  }
0x74: {  	[tilespmem:s24+$0x1CFC0] =	vst v0;
	s23 =	simm.s32 $0x0;
	s3 =	rddreg [dreg:$0x10]  }
0x75: {  	[tilespmem:s23], [sflag:$0x9] =	stream.linear.gather [hbm4b:s3+s23], $0x15E0, $0x38;
	[tilespmem:$0x1F7C0] =	vst v63  }
0x76: {  	_ =	swait.ge [sflag:s30], $0x15E0  }
0x77: {  	[sflag:s30] =	ssyncset.done $0x0  }
0x78: {  	s24 =	simm.s32 $0x15E0;
	s3 =	rddreg [dreg:$0x11];
	[sflag:s30] =	ssyncadd.s32 $0xFFFFEA20  }
0x79: {  	[tilespmem:s24], [sflag:$0x9] =	stream.linear.gather [hbm4b:s3+s23], $0x15E0, $0x38;
	[tilespmem:$0x1F7C0] =	vst v63  }
0x7a: {  	_ =	swait.ge [sflag:s30], $0x15E0  }
0x7b: {  	[sflag:s30] =	ssyncset.done $0x0  }
0x7c: {  	[sflag:s30] =	ssyncadd.s32 $0xFFFFEA20  }
0x7d: {  	[bflag:$0x0] =	sbarrier.arrive $0xFFFF  }
0x7e: {  	[tilespmem:s29], [sflag:$0x1] =	stream.indirect.gather [hbm4b:s4+s1], $0x80, s23, s1, $0xb8;
	[tilespmem:$0x1F7C0] =	vst v63  }
0x7f: {  	s24 =	simm.s32 $0x38  }
0x80: {  	[tilespmem:s0], [sflag:$0x3] =	stream.indirect.gather [hbm4b:s4+s1], $0x80, s24, s1, $0xb8;
	[tilespmem:$0x1F7C0] =	vst v63  }
0x81: {  	_ = 	snop  }
0x82: {  	[tilespmem:s7], [sflag:$0x5] =	stream.indirect.gather [hbm4b:s4+s1], $0x80, s6, s1, $0xb8;
	[tilespmem:$0x1F7C0] =	vst v63  }
0x83: {  	_ = 	snop  }
0x84: {  	[tilespmem:s9], [sflag:$0x7] =	stream.indirect.gather [hbm4b:s4+s1], $0x80, s8, s1, $0xb8;
	[tilespmem:$0x1F7C0] =	vst v63  }
.LBB2_6:
0x85: {  	_ =	swait.ge [sflag:s10], $0x1900  }
0x86: {  	s24 =	sshra.s32 s23, $0x2;
	[sflag:s10] =	ssyncset.done $0x0  }
0x87: {  	s3 =	sadd.s32 $0x15E0, s24;
	[sflag:s10] =	ssyncadd.s32 $0xFFFFE700  }
0x88: {  	[spmem:s2] =	stream.indirect.scatter.add.f32 [tilespmem:s29], [sflag:$0x2], $0x80, s3, s1, $0xb8;
	[tilespmem:$0x1F7C0] =	vst v63  }
0x89: {  	v2 =	vld [tilespmem:s24+$0x15E0];
	_ =	sdelay $0x7  }
0x8a: {  	[tilespmem:v2+s11+$0x0] =	vst.idx.add.f32.msk $0xffff, v1  }
0x8b: {  	v2 =	vld [tilespmem:s24+$0x15F0];
	_ =	sdelay $0x7  }
0x8c: {  	[tilespmem:v2+s11+$0x0] =	vst.idx.add.f32.msk $0xffff, v1  }
0x8d: {  	v2 =	vld [tilespmem:s24+$0x1600];
	_ =	sdelay $0x7  }
0x8e: {  	[tilespmem:v2+s11+$0x0] =	vst.idx.add.f32.msk $0xffff, v1  }
0x8f: {  	v2 =	vld [tilespmem:s24+$0x1602];
	_ =	sdelay $0x7  }
0x90: {  	[tilespmem:v2+s11+$0x0] =	vst.idx.add.f32.msk vm0, v1  }
0x91: {  	_ =	swait.ge [sflag:s12], $0x1900  }
0x92: {  	[sflag:s12] =	ssyncset.done $0x0  }
0x93: {  	s3 =	sadd.s32 $0x1618, s24;
	[sflag:s12] =	ssyncadd.s32 $0xFFFFE700  }
0x94: {  	[spmem:s2] =	stream.indirect.scatter.add.f32 [tilespmem:s0], [sflag:$0x4], $0x80, s3, s1, $0xb8;
	[tilespmem:$0x1F7C0] =	vst v63  }
0x95: {  	v2 =	vld [tilespmem:s24+$0x1618];
	_ =	sdelay $0x7  }
0x96: {  	[tilespmem:v2+s11+$0x0] =	vst.idx.add.f32.msk $0xffff, v1  }
0x97: {  	v2 =	vld [tilespmem:s24+$0x1628];
	_ =	sdelay $0x7  }
0x98: {  	[tilespmem:v2+s11+$0x0] =	vst.idx.add.f32.msk $0xffff, v1  }
0x99: {  	v2 =	vld [tilespmem:s24+$0x1638];
	_ =	sdelay $0x7  }
0x9a: {  	[tilespmem:v2+s11+$0x0] =	vst.idx.add.f32.msk $0xffff, v1  }
0x9b: {  	v2 =	vld [tilespmem:s24+$0x163A];
	_ =	sdelay $0x7  }
0x9c: {  	[tilespmem:v2+s11+$0x0] =	vst.idx.add.f32.msk vm0, v1  }
0x9d: {  	_ =	swait.ge [sflag:s13], $0x1900  }
0x9e: {  	[sflag:s13] =	ssyncset.done $0x0  }
0x9f: {  	s3 =	sadd.s32 $0x1650, s24;
	[sflag:s13] =	ssyncadd.s32 $0xFFFFE700  }
0xa0: {  	[spmem:s2] =	stream.indirect.scatter.add.f32 [tilespmem:s7], [sflag:$0x6], $0x80, s3, s1, $0xb8;
	[tilespmem:$0x1F7C0] =	vst v63  }
0xa1: {  	v2 =	vld [tilespmem:s24+$0x1650];
	_ =	sdelay $0x7  }
0xa2: {  	[tilespmem:v2+s11+$0x0] =	vst.idx.add.f32.msk $0xffff, v1  }
0xa3: {  	v2 =	vld [tilespmem:s24+$0x1660];
	_ =	sdelay $0x7  }
0xa4: {  	[tilespmem:v2+s11+$0x0] =	vst.idx.add.f32.msk $0xffff, v1  }
0xa5: {  	v2 =	vld [tilespmem:s24+$0x1670];
	_ =	sdelay $0x7  }
0xa6: {  	[tilespmem:v2+s11+$0x0] =	vst.idx.add.f32.msk $0xffff, v1  }
0xa7: {  	v2 =	vld [tilespmem:s24+$0x1672];
	_ =	sdelay $0x7  }
0xa8: {  	[tilespmem:v2+s11+$0x0] =	vst.idx.add.f32.msk vm0, v1  }
0xa9: {  	_ =	swait.ge [sflag:s14], $0x1900  }
0xaa: {  	[sflag:s14] =	ssyncset.done $0x0  }
0xab: {  	s3 =	sadd.s32 $0x1688, s24;
	[sflag:s14] =	ssyncadd.s32 $0xFFFFE700  }
0xac: {  	[spmem:s2] =	stream.indirect.scatter.add.f32 [tilespmem:s9], [sflag:$0x8], $0x80, s3, s1, $0xb8;
	[tilespmem:$0x1F7C0] =	vst v63  }
0xad: {  	v2 =	vld [tilespmem:s24+$0x1688];
	_ =	sdelay $0x7  }
0xae: {  	[tilespmem:v2+s11+$0x0] =	vst.idx.add.f32.msk $0xffff, v1  }
0xaf: {  	v2 =	vld [tilespmem:s24+$0x1698];
	_ =	sdelay $0x7  }
0xb0: {  	[tilespmem:v2+s11+$0x0] =	vst.idx.add.f32.msk $0xffff, v1  }
0xb1: {  	v2 =	vld [tilespmem:s24+$0x16A8];
	_ =	sdelay $0x7  }
0xb2: {  	[tilespmem:v2+s11+$0x0] =	vst.idx.add.f32.msk $0xffff, v1  }
0xb3: {  	v2 =	vld [tilespmem:s24+$0x16AA];
	_ =	sdelay $0x7  }
0xb4: {  	[tilespmem:v2+s11+$0x0] =	vst.idx.add.f32.msk vm0, v1  }
0xb5: {  	_ =	swait.ge [sflag:s15], $0x1900  }
0xb6: {  	[sflag:s15] =	ssyncset.done $0x0  }
0xb7: {  	s3 =	sadd.s32 $0xE0, s24;
	[sflag:s15] =	ssyncadd.s32 $0xFFFFE700  }
0xb8: {  	[tilespmem:s29], [sflag:$0x1] =	stream.indirect.gather [hbm4b:s4+s1], $0x80, s3, s1, $0xb8;
	[tilespmem:$0x1F7C0] =	vst v63  }
0xb9: {  	_ =	swait.ge [sflag:s16], $0x1900  }
0xba: {  	[sflag:s16] =	ssyncset.done $0x0  }
0xbb: {  	s3 =	sadd.s32 $0x118, s24;
	[sflag:s16] =	ssyncadd.s32 $0xFFFFE700  }
0xbc: {  	[tilespmem:s0], [sflag:$0x3] =	stream.indirect.gather [hbm4b:s4+s1], $0x80, s3, s1, $0xb8;
	[tilespmem:$0x1F7C0] =	vst v63  }
0xbd: {  	_ =	swait.ge [sflag:s17], $0x1900  }
0xbe: {  	[sflag:s17] =	ssyncset.done $0x0  }
0xbf: {  	p0 =	sne.s32 s23, $0x5080;
	s3 =	sadd.s32 $0x150, s24;
	[sflag:s17] =	ssyncadd.s32 $0xFFFFE700  }
0xc0: {  	[tilespmem:s7], [sflag:$0x5] =	stream.indirect.gather [hbm4b:s4+s1], $0x80, s3, s1, $0xb8;
	[tilespmem:$0x1F7C0] =	vst v63  }
.Ltmp2:
0xc1: {  	_ = 	snop;
	(pc) =	sbr.rel @p0 .LBB2_6-.Ltmp2, $4  }
0xc2: {  	_ =	swait.ge [sflag:s18], $0x1900  }
0xc3: {  	[sflag:s18] =	ssyncset.done $0x0  }
0xc4: {  	s23 =	sadd.s32 $0x380, s23;
	s24 =	sadd.s32 $0x188, s24;
	[sflag:s18] =	ssyncadd.s32 $0xFFFFE700  }
0xc5: {  	[tilespmem:s9], [sflag:$0x7] =	stream.indirect.gather [hbm4b:s4+s1], $0x80, s24, s1, $0xb8;
	[tilespmem:$0x1F7C0] =	vst v63  }
0xc6: {  	_ =	swait.ge [sflag:s10], $0x1900  }
0xc7: {  	[sflag:s10] =	ssyncset.done $0x0  }
0xc8: {  	[sflag:s10] =	ssyncadd.s32 $0xFFFFE700  }
0xc9: {  	[spmem:s2] =	stream.indirect.scatter.add.f32 [tilespmem:s29], [sflag:$0x2], $0x80, s19, s1, $0xb8;
	[tilespmem:$0x1F7C0] =	vst v63  }
0xca: {  	v2 =	vld [tilespmem:$0x2AE0];
	_ =	sdelay $0x7  }
0xcb: {  	[tilespmem:v2+s11+$0x0] =	vst.idx.add.f32.msk $0xffff, v1  }
0xcc: {  	v2 =	vld [tilespmem:$0x2AF0];
	_ =	sdelay $0x7  }
0xcd: {  	[tilespmem:v2+s11+$0x0] =	vst.idx.add.f32.msk $0xffff, v1  }
0xce: {  	v2 =	vld [tilespmem:$0x2B00];
	_ =	sdelay $0x7  }
0xcf: {  	[tilespmem:v2+s11+$0x0] =	vst.idx.add.f32.msk $0xffff, v1  }
0xd0: {  	v2 =	vld [tilespmem:$0x2B02];
	_ =	sdelay $0x7  }
0xd1: {  	[tilespmem:v2+s11+$0x0] =	vst.idx.add.f32.msk vm0, v1  }
0xd2: {  	_ =	swait.ge [sflag:s12], $0x1900  }
0xd3: {  	[sflag:s12] =	ssyncset.done $0x0  }
0xd4: {  	[sflag:s12] =	ssyncadd.s32 $0xFFFFE700  }
0xd5: {  	[spmem:s2] =	stream.indirect.scatter.add.f32 [tilespmem:s0], [sflag:$0x4], $0x80, s20, s1, $0xb8;
	[tilespmem:$0x1F7C0] =	vst v63  }
0xd6: {  	v2 =	vld [tilespmem:$0x2B18];
	_ =	sdelay $0x7  }
0xd7: {  	[tilespmem:v2+s11+$0x0] =	vst.idx.add.f32.msk $0xffff, v1  }
0xd8: {  	v2 =	vld [tilespmem:$0x2B28];
	_ =	sdelay $0x7  }
0xd9: {  	[tilespmem:v2+s11+$0x0] =	vst.idx.add.f32.msk $0xffff, v1  }
0xda: {  	v2 =	vld [tilespmem:$0x2B38];
	_ =	sdelay $0x7  }
0xdb: {  	[tilespmem:v2+s11+$0x0] =	vst.idx.add.f32.msk $0xffff, v1  }
0xdc: {  	v2 =	vld [tilespmem:$0x2B3A];
	_ =	sdelay $0x7  }
0xdd: {  	[tilespmem:v2+s11+$0x0] =	vst.idx.add.f32.msk vm0, v1  }
0xde: {  	_ =	swait.ge [sflag:s13], $0x1900  }
0xdf: {  	[sflag:s13] =	ssyncset.done $0x0  }
0xe0: {  	[sflag:s13] =	ssyncadd.s32 $0xFFFFE700  }
0xe1: {  	[spmem:s2] =	stream.indirect.scatter.add.f32 [tilespmem:s7], [sflag:$0x6], $0x80, s21, s1, $0xb8;
	[tilespmem:$0x1F7C0] =	vst v63  }
0xe2: {  	v2 =	vld [tilespmem:$0x2B50];
	_ =	sdelay $0x7  }
0xe3: {  	[tilespmem:v2+s11+$0x0] =	vst.idx.add.f32.msk $0xffff, v1  }
0xe4: {  	v2 =	vld [tilespmem:$0x2B60];
	_ =	sdelay $0x7  }
0xe5: {  	[tilespmem:v2+s11+$0x0] =	vst.idx.add.f32.msk $0xffff, v1  }
0xe6: {  	v2 =	vld [tilespmem:$0x2B70];
	_ =	sdelay $0x7  }
0xe7: {  	[tilespmem:v2+s11+$0x0] =	vst.idx.add.f32.msk $0xffff, v1  }
0xe8: {  	v2 =	vld [tilespmem:$0x2B72];
	_ =	sdelay $0x7  }
0xe9: {  	[tilespmem:v2+s11+$0x0] =	vst.idx.add.f32.msk vm0, v1  }
0xea: {  	_ =	swait.ge [sflag:s14], $0x1900  }
0xeb: {  	[sflag:s14] =	ssyncset.done $0x0  }
0xec: {  	[sflag:s14] =	ssyncadd.s32 $0xFFFFE700  }
0xed: {  	[spmem:s2] =	stream.indirect.scatter.add.f32 [tilespmem:s9], [sflag:$0x8], $0x80, s22, s1, $0xb8;
	[tilespmem:$0x1F7C0] =	vst v63  }
0xee: {  	v2 =	vld [tilespmem:$0x2B88];
	_ =	sdelay $0x7  }
0xef: {  	[tilespmem:v2+s11+$0x0] =	vst.idx.add.f32.msk $0xffff, v1  }
0xf0: {  	v2 =	vld [tilespmem:$0x2B98];
	_ =	sdelay $0x7  }
0xf1: {  	[tilespmem:v2+s11+$0x0] =	vst.idx.add.f32.msk $0xffff, v1  }
0xf2: {  	v2 =	vld [tilespmem:$0x2BA8];
	_ =	sdelay $0x7  }
0xf3: {  	[tilespmem:v2+s11+$0x0] =	vst.idx.add.f32.msk $0xffff, v1  }
0xf4: {  	v2 =	vld [tilespmem:$0x2BAA];
	_ =	sdelay $0x7  }
0xf5: {  	[tilespmem:v2+s11+$0x0] =	vst.idx.add.f32.msk vm0, v1  }
0xf6: {  	_ =	swait.ge [sflag:s15], $0x1900  }
0xf7: {  	[sflag:s15] =	ssyncset.done $0x0  }
0xf8: {  	[sflag:s15] =	ssyncadd.s32 $0xFFFFE700  }
0xf9: {  	_ =	swait.ge [sflag:s16], $0x1900  }
0xfa: {  	[sflag:s16] =	ssyncset.done $0x0  }
0xfb: {  	[sflag:s16] =	ssyncadd.s32 $0xFFFFE700  }
0xfc: {  	_ =	swait.ge [sflag:s17], $0x1900  }
0xfd: {  	[sflag:s17] =	ssyncset.done $0x0  }
0xfe: {  	[sflag:s17] =	ssyncadd.s32 $0xFFFFE700  }
0xff: {  	_ =	swait.ge [sflag:s18], $0x1900  }
0x100: {  	[sflag:s18] =	ssyncset.done $0x0  }
0x101: {  	s23 =	simm.s32 $0x0;
	s3 =	rddreg [dreg:$0x12];
	[sflag:s18] =	ssyncadd.s32 $0xFFFFE700  }
0x102: {  	[tilespmem:s23], [sflag:$0x9] =	stream.linear.gather [hbm4b:s3+s23], $0x15E0, $0x38;
	[tilespmem:$0x1F7C0] =	vst v63  }
0x103: {  	_ =	swait.ge [sflag:s30], $0x15E0  }
0x104: {  	[sflag:s30] =	ssyncset.done $0x0  }
0x105: {  	s24 =	simm.s32 $0x15E0;
	s3 =	rddreg [dreg:$0x13];
	[sflag:s30] =	ssyncadd.s32 $0xFFFFEA20  }
0x106: {  	[tilespmem:s24], [sflag:$0x9] =	stream.linear.gather [hbm4b:s3+s23], $0x15E0, $0x38;
	[tilespmem:$0x1F7C0] =	vst v63  }
0x107: {  	_ =	swait.ge [sflag:s30], $0x15E0  }
0x108: {  	[sflag:s30] =	ssyncset.done $0x0  }
0x109: {  	[sflag:s30] =	ssyncadd.s32 $0xFFFFEA20  }
0x10a: {  	[tilespmem:s29], [sflag:$0x1] =	stream.indirect.gather [hbm4b:s4+s1], $0x80, s23, s1, $0xb8;
	[tilespmem:$0x1F7C0] =	vst v63  }
0x10b: {  	s24 =	simm.s32 $0x38  }
0x10c: {  	[tilespmem:s0], [sflag:$0x3] =	stream.indirect.gather [hbm4b:s4+s1], $0x80, s24, s1, $0xb8;
	[tilespmem:$0x1F7C0] =	vst v63  }
0x10d: {  	_ = 	snop  }
0x10e: {  	[tilespmem:s7], [sflag:$0x5] =	stream.indirect.gather [hbm4b:s4+s1], $0x80, s6, s1, $0xb8;
	[tilespmem:$0x1F7C0] =	vst v63  }
0x10f: {  	_ = 	snop  }
0x110: {  	[tilespmem:s9], [sflag:$0x7] =	stream.indirect.gather [hbm4b:s4+s1], $0x80, s8, s1, $0xb8;
	[tilespmem:$0x1F7C0] =	vst v63  }
.LBB2_8:
0x111: {  	_ =	swait.ge [sflag:s10], $0x1900  }
0x112: {  	s24 =	sshra.s32 s23, $0x2;
	[sflag:s10] =	ssyncset.done $0x0  }
0x113: {  	s3 =	sadd.s32 $0x15E0, s24;
	[sflag:s10] =	ssyncadd.s32 $0xFFFFE700  }
0x114: {  	[spmem:s2] =	stream.indirect.scatter.add.f32 [tilespmem:s29], [sflag:$0x2], $0x80, s3, s1, $0xb8;
	[tilespmem:$0x1F7C0] =	vst v63  }
0x115: {  	v2 =	vld [tilespmem:s24+$0x15E0];
	_ =	sdelay $0x7  }
0x116: {  	[tilespmem:v2+s11+$0x0] =	vst.idx.add.f32.msk $0xffff, v1  }
0x117: {  	v2 =	vld [tilespmem:s24+$0x15F0];
	_ =	sdelay $0x7  }
0x118: {  	[tilespmem:v2+s11+$0x0] =	vst.idx.add.f32.msk $0xffff, v1  }
0x119: {  	v2 =	vld [tilespmem:s24+$0x1600];
	_ =	sdelay $0x7  }
0x11a: {  	[tilespmem:v2+s11+$0x0] =	vst.idx.add.f32.msk $0xffff, v1  }
0x11b: {  	v2 =	vld [tilespmem:s24+$0x1602];
	_ =	sdelay $0x7  }
0x11c: {  	[tilespmem:v2+s11+$0x0] =	vst.idx.add.f32.msk vm0, v1  }
0x11d: {  	_ =	swait.ge [sflag:s12], $0x1900  }
0x11e: {  	[sflag:s12] =	ssyncset.done $0x0  }
0x11f: {  	s3 =	sadd.s32 $0x1618, s24;
	[sflag:s12] =	ssyncadd.s32 $0xFFFFE700  }
0x120: {  	[spmem:s2] =	stream.indirect.scatter.add.f32 [tilespmem:s0], [sflag:$0x4], $0x80, s3, s1, $0xb8;
	[tilespmem:$0x1F7C0] =	vst v63  }
0x121: {  	v2 =	vld [tilespmem:s24+$0x1618];
	_ =	sdelay $0x7  }
0x122: {  	[tilespmem:v2+s11+$0x0] =	vst.idx.add.f32.msk $0xffff, v1  }
0x123: {  	v2 =	vld [tilespmem:s24+$0x1628];
	_ =	sdelay $0x7  }
0x124: {  	[tilespmem:v2+s11+$0x0] =	vst.idx.add.f32.msk $0xffff, v1  }
0x125: {  	v2 =	vld [tilespmem:s24+$0x1638];
	_ =	sdelay $0x7  }
0x126: {  	[tilespmem:v2+s11+$0x0] =	vst.idx.add.f32.msk $0xffff, v1  }
0x127: {  	v2 =	vld [tilespmem:s24+$0x163A];
	_ =	sdelay $0x7  }
0x128: {  	[tilespmem:v2+s11+$0x0] =	vst.idx.add.f32.msk vm0, v1  }
0x129: {  	_ =	swait.ge [sflag:s13], $0x1900  }
0x12a: {  	[sflag:s13] =	ssyncset.done $0x0  }
0x12b: {  	s3 =	sadd.s32 $0x1650, s24;
	[sflag:s13] =	ssyncadd.s32 $0xFFFFE700  }
0x12c: {  	[spmem:s2] =	stream.indirect.scatter.add.f32 [tilespmem:s7], [sflag:$0x6], $0x80, s3, s1, $0xb8;
	[tilespmem:$0x1F7C0] =	vst v63  }
0x12d: {  	v2 =	vld [tilespmem:s24+$0x1650];
	_ =	sdelay $0x7  }
0x12e: {  	[tilespmem:v2+s11+$0x0] =	vst.idx.add.f32.msk $0xffff, v1  }
0x12f: {  	v2 =	vld [tilespmem:s24+$0x1660];
	_ =	sdelay $0x7  }
0x130: {  	[tilespmem:v2+s11+$0x0] =	vst.idx.add.f32.msk $0xffff, v1  }
0x131: {  	v2 =	vld [tilespmem:s24+$0x1670];
	_ =	sdelay $0x7  }
0x132: {  	[tilespmem:v2+s11+$0x0] =	vst.idx.add.f32.msk $0xffff, v1  }
0x133: {  	v2 =	vld [tilespmem:s24+$0x1672];
	_ =	sdelay $0x7  }
0x134: {  	[tilespmem:v2+s11+$0x0] =	vst.idx.add.f32.msk vm0, v1  }
0x135: {  	_ =	swait.ge [sflag:s14], $0x1900  }
0x136: {  	[sflag:s14] =	ssyncset.done $0x0  }
0x137: {  	s3 =	sadd.s32 $0x1688, s24;
	[sflag:s14] =	ssyncadd.s32 $0xFFFFE700  }
0x138: {  	[spmem:s2] =	stream.indirect.scatter.add.f32 [tilespmem:s9], [sflag:$0x8], $0x80, s3, s1, $0xb8;
	[tilespmem:$0x1F7C0] =	vst v63  }
0x139: {  	v2 =	vld [tilespmem:s24+$0x1688];
	_ =	sdelay $0x7  }
0x13a: {  	[tilespmem:v2+s11+$0x0] =	vst.idx.add.f32.msk $0xffff, v1  }
0x13b: {  	v2 =	vld [tilespmem:s24+$0x1698];
	_ =	sdelay $0x7  }
0x13c: {  	[tilespmem:v2+s11+$0x0] =	vst.idx.add.f32.msk $0xffff, v1  }
0x13d: {  	v2 =	vld [tilespmem:s24+$0x16A8];
	_ =	sdelay $0x7  }
0x13e: {  	[tilespmem:v2+s11+$0x0] =	vst.idx.add.f32.msk $0xffff, v1  }
0x13f: {  	v2 =	vld [tilespmem:s24+$0x16AA];
	_ =	sdelay $0x7  }
0x140: {  	[tilespmem:v2+s11+$0x0] =	vst.idx.add.f32.msk vm0, v1  }
0x141: {  	_ =	swait.ge [sflag:s15], $0x1900  }
0x142: {  	[sflag:s15] =	ssyncset.done $0x0  }
0x143: {  	s3 =	sadd.s32 $0xE0, s24;
	[sflag:s15] =	ssyncadd.s32 $0xFFFFE700  }
0x144: {  	[tilespmem:s29], [sflag:$0x1] =	stream.indirect.gather [hbm4b:s4+s1], $0x80, s3, s1, $0xb8;
	[tilespmem:$0x1F7C0] =	vst v63  }
0x145: {  	_ =	swait.ge [sflag:s16], $0x1900  }
0x146: {  	[sflag:s16] =	ssyncset.done $0x0  }
0x147: {  	s3 =	sadd.s32 $0x118, s24;
	[sflag:s16] =	ssyncadd.s32 $0xFFFFE700  }
0x148: {  	[tilespmem:s0], [sflag:$0x3] =	stream.indirect.gather [hbm4b:s4+s1], $0x80, s3, s1, $0xb8;
	[tilespmem:$0x1F7C0] =	vst v63  }
0x149: {  	_ =	swait.ge [sflag:s17], $0x1900  }
0x14a: {  	[sflag:s17] =	ssyncset.done $0x0  }
0x14b: {  	p0 =	sne.s32 s23, $0x5080;
	s3 =	sadd.s32 $0x150, s24;
	[sflag:s17] =	ssyncadd.s32 $0xFFFFE700  }
0x14c: {  	[tilespmem:s7], [sflag:$0x5] =	stream.indirect.gather [hbm4b:s4+s1], $0x80, s3, s1, $0xb8;
	[tilespmem:$0x1F7C0] =	vst v63  }
.Ltmp3:
0x14d: {  	_ = 	snop;
	(pc) =	sbr.rel @p0 .LBB2_8-.Ltmp3, $4  }
0x14e: {  	_ =	swait.ge [sflag:s18], $0x1900  }
0x14f: {  	[sflag:s18] =	ssyncset.done $0x0  }
0x150: {  	s23 =	sadd.s32 $0x380, s23;
	s24 =	sadd.s32 $0x188, s24;
	[sflag:s18] =	ssyncadd.s32 $0xFFFFE700  }
0x151: {  	[tilespmem:s9], [sflag:$0x7] =	stream.indirect.gather [hbm4b:s4+s1], $0x80, s24, s1, $0xb8;
	[tilespmem:$0x1F7C0] =	vst v63  }
0x152: {  	_ =	swait.ge [sflag:s10], $0x1900  }
0x153: {  	[sflag:s10] =	ssyncset.done $0x0  }
0x154: {  	[sflag:s10] =	ssyncadd.s32 $0xFFFFE700  }
0x155: {  	[spmem:s2] =	stream.indirect.scatter.add.f32 [tilespmem:s29], [sflag:$0x2], $0x80, s19, s1, $0xb8;
	[tilespmem:$0x1F7C0] =	vst v63  }
0x156: {  	v2 =	vld [tilespmem:$0x2AE0];
	_ =	sdelay $0x7  }
0x157: {  	[tilespmem:v2+s11+$0x0] =	vst.idx.add.f32.msk $0xffff, v1  }
0x158: {  	v2 =	vld [tilespmem:$0x2AF0];
	_ =	sdelay $0x7  }
0x159: {  	[tilespmem:v2+s11+$0x0] =	vst.idx.add.f32.msk $0xffff, v1  }
0x15a: {  	v2 =	vld [tilespmem:$0x2B00];
	_ =	sdelay $0x7  }
0x15b: {  	[tilespmem:v2+s11+$0x0] =	vst.idx.add.f32.msk $0xffff, v1  }
0x15c: {  	v2 =	vld [tilespmem:$0x2B02];
	_ =	sdelay $0x7  }
0x15d: {  	[tilespmem:v2+s11+$0x0] =	vst.idx.add.f32.msk vm0, v1  }
0x15e: {  	_ =	swait.ge [sflag:s12], $0x1900  }
0x15f: {  	[sflag:s12] =	ssyncset.done $0x0  }
0x160: {  	[sflag:s12] =	ssyncadd.s32 $0xFFFFE700  }
0x161: {  	[spmem:s2] =	stream.indirect.scatter.add.f32 [tilespmem:s0], [sflag:$0x4], $0x80, s20, s1, $0xb8;
	[tilespmem:$0x1F7C0] =	vst v63  }
0x162: {  	v2 =	vld [tilespmem:$0x2B18];
	_ =	sdelay $0x7  }
0x163: {  	[tilespmem:v2+s11+$0x0] =	vst.idx.add.f32.msk $0xffff, v1  }
0x164: {  	v2 =	vld [tilespmem:$0x2B28];
	_ =	sdelay $0x7  }
0x165: {  	[tilespmem:v2+s11+$0x0] =	vst.idx.add.f32.msk $0xffff, v1  }
0x166: {  	v2 =	vld [tilespmem:$0x2B38];
	_ =	sdelay $0x7  }
0x167: {  	[tilespmem:v2+s11+$0x0] =	vst.idx.add.f32.msk $0xffff, v1  }
0x168: {  	v2 =	vld [tilespmem:$0x2B3A];
	_ =	sdelay $0x7  }
0x169: {  	[tilespmem:v2+s11+$0x0] =	vst.idx.add.f32.msk vm0, v1  }
0x16a: {  	_ =	swait.ge [sflag:s13], $0x1900  }
0x16b: {  	[sflag:s13] =	ssyncset.done $0x0  }
0x16c: {  	[sflag:s13] =	ssyncadd.s32 $0xFFFFE700  }
0x16d: {  	[spmem:s2] =	stream.indirect.scatter.add.f32 [tilespmem:s7], [sflag:$0x6], $0x80, s21, s1, $0xb8;
	[tilespmem:$0x1F7C0] =	vst v63  }
0x16e: {  	v2 =	vld [tilespmem:$0x2B50];
	_ =	sdelay $0x7  }
0x16f: {  	[tilespmem:v2+s11+$0x0] =	vst.idx.add.f32.msk $0xffff, v1  }
0x170: {  	v2 =	vld [tilespmem:$0x2B60];
	_ =	sdelay $0x7  }
0x171: {  	[tilespmem:v2+s11+$0x0] =	vst.idx.add.f32.msk $0xffff, v1  }
0x172: {  	v2 =	vld [tilespmem:$0x2B70];
	_ =	sdelay $0x7  }
0x173: {  	[tilespmem:v2+s11+$0x0] =	vst.idx.add.f32.msk $0xffff, v1  }
0x174: {  	v2 =	vld [tilespmem:$0x2B72];
	_ =	sdelay $0x7  }
0x175: {  	[tilespmem:v2+s11+$0x0] =	vst.idx.add.f32.msk vm0, v1  }
0x176: {  	_ =	swait.ge [sflag:s14], $0x1900  }
0x177: {  	[sflag:s14] =	ssyncset.done $0x0  }
0x178: {  	[sflag:s14] =	ssyncadd.s32 $0xFFFFE700  }
0x179: {  	[spmem:s2] =	stream.indirect.scatter.add.f32 [tilespmem:s9], [sflag:$0x8], $0x80, s22, s1, $0xb8;
	[tilespmem:$0x1F7C0] =	vst v63  }
0x17a: {  	v2 =	vld [tilespmem:$0x2B88];
	_ =	sdelay $0x7  }
0x17b: {  	[tilespmem:v2+s11+$0x0] =	vst.idx.add.f32.msk $0xffff, v1  }
0x17c: {  	v2 =	vld [tilespmem:$0x2B98];
	_ =	sdelay $0x7  }
0x17d: {  	[tilespmem:v2+s11+$0x0] =	vst.idx.add.f32.msk $0xffff, v1  }
0x17e: {  	v2 =	vld [tilespmem:$0x2BA8];
	_ =	sdelay $0x7  }
0x17f: {  	[tilespmem:v2+s11+$0x0] =	vst.idx.add.f32.msk $0xffff, v1  }
0x180: {  	v2 =	vld [tilespmem:$0x2BAA];
	_ =	sdelay $0x7  }
0x181: {  	[tilespmem:v2+s11+$0x0] =	vst.idx.add.f32.msk vm0, v1  }
0x182: {  	_ =	swait.ge [sflag:s15], $0x1900  }
0x183: {  	[sflag:s15] =	ssyncset.done $0x0  }
0x184: {  	[sflag:s15] =	ssyncadd.s32 $0xFFFFE700  }
0x185: {  	_ =	swait.ge [sflag:s16], $0x1900  }
0x186: {  	[sflag:s16] =	ssyncset.done $0x0  }
0x187: {  	[sflag:s16] =	ssyncadd.s32 $0xFFFFE700  }
0x188: {  	_ =	swait.ge [sflag:s17], $0x1900  }
0x189: {  	[sflag:s17] =	ssyncset.done $0x0  }
0x18a: {  	[sflag:s17] =	ssyncadd.s32 $0xFFFFE700  }
0x18b: {  	_ =	swait.ge [sflag:s18], $0x1900  }
0x18c: {  	[sflag:s18] =	ssyncset.done $0x0  }
0x18d: {  	s3 =	simm.s32 $0x0;
	s23 =	rddreg [dreg:$0x14];
	[sflag:s18] =	ssyncadd.s32 $0xFFFFE700  }
0x18e: {  	[hbm4b:s23+s3] =	stream.linear.scatter [tilespmem:s11], [sflag:$0x9], $0x2800, $0x38;
	[tilespmem:$0x1F7C0] =	vst v63  }
0x18f: {  	_ =	swait.ge [sflag:s30], $0x2800  }
0x190: {  	s31 =	sadd.s32 $0x1, s31;
	[sflag:s30] =	ssyncset.done $0x0  }
0x191: {  	s24 =	stileid.u32;
	p0 =	sne.s32 s31, s25;
	[sflag:s30] =	ssyncadd.s32 $0xFFFFD800  }
0x192: {  	s3 =	sshll.u32 s24, $0x6;
	s23 =	sshrl.u32 s5, $0x3;
	[bflag:$0x0] =	sbarrier.arrive $0xFFFF  }
.Ltmp4:
0x193: {  	s3 =	sor.u32 $0x1C09, s3;
	s24 =	rddreg [dreg:$0x15];
	(pc) =	sbr.rel @p0 .LBB2_1-.Ltmp4, $4  }
0x194: {  	[hbm:s24], [sflag:s3] =	dma.local [spmem:s23], $0x2800  }
0x195: {  	_ =	swait.ge [sflag:s30], $0x2800  }
0x196: {  	[sflag:s30] =	ssyncset.done $0x0  }
0x197: {  	[sflag:s30] =	ssyncadd.s32 $0xFFFFD800  }
0x198: {  	_ =	sfence.sel $0x180000  }
0x199: {  	[bflag:$0x0] =	sbarrier.arrive $0xFFFF  }
0x19a: {  	_ =	strace $0x90000047  }
0x19b: {  	s0 =	stileid.u32;
	[bflag:$0x2] =	sbarrier.arrive $0xFFFF  }
0x19c: {  	p0 =	sne.s32 s0, $0x0;
	s0 =	rddreg [dreg:$0x2]  }
0x19d: {  	s0 =	sadd.s32 @!p0 $0x100000, s0  }
0x19e: {  	[sflag:s0] =	ssyncadd.tile.s32 @!p0 $0x1;
	_ =	shalt  }
.Lfunc_end2:
_tile_overlayer_lowered:
.L_overlay_start_2:
0x19f: {  	(tag) =	ssettag $0x2  }
0x1a0: {  	s0 =	rddreg [dreg:$0x0];
	s2 =	stileid.u32  }
0x1a1: {  	s1 =	rddreg [dreg:$0x1];
	p0 =	sne.s32 s2, $0x0  }
0x1a2: {  	s3 =	rddreg [dreg:$0x2];
	[bflag:$0x3] =	sbarrier.arrive $0xFFFF;
	s2 =	simm.s32 @!p0 $0x1C09  }
0x1a3: {  	[timem:s3], [sflag:s2] =	dma.local @!p0 [hbm:s0], s1  }
0x1a4: {  	s0 =	simm.s32 @!p0 $0x9  }
0x1a5: {  	_ =	swait.ge @!p0 [sflag:s0], s1  }
0x1a6: {  	s1 =	ssub.s32 @!p0 $0x0, s1;
	[sflag:s0] =	ssyncset.done @!p0 $0x0  }
0x1a7: {  	[sflag:s0] =	ssyncadd.s32 @!p0 s1  }
0x1a8: {  	[bflag:$0x3] =	sbarrier.arrive $0xFFFF  }
0x1a9: {  	_ =	shalt  }

// kernel: kernel.9.cloned.1.call-start
scs
__scs_entry_jumppad:
0x0: {  	(pc) =	sbr.rel $0x88, $3  }
0x1: {  	(tag) =	ssettag $0x0;
	lr =	simm.s32 $0x1  }
0x2: {  	[smem:$0x3F95] =	sst lr;
	_ =	strace $0xD0000000  }
0x3: {  	_ = 	snop  }
0x4: {  	_ = 	snop  }
0x5: {  	_ = 	snop  }
0x6: {  	_ = 	snop  }
0x7: {  	_ = 	snop  }
__scs_overlays_trampoline_lowered:
0x8: {  	[smem:$0x3FA4] =	sst s0  }
0x9: {  	[smem:$0x3FA5] =	sst s1  }
0xa: {  	[smem:$0x3FA6] =	sst s2  }
0xb: {  	[smem:$0x3FA7] =	sst s3  }
0xc: {  	[smem:$0x3FA8] =	sst s4  }
0xd: {  	[smem:$0x3FA9] =	sst s5  }
0xe: {  	[smem:$0x3FAA] =	sst s6  }
0xf: {  	[smem:$0x3FAB] =	sst s7  }
0x10: {  	[smem:$0x3FAC] =	sst s8  }
0x11: {  	[smem:$0x3FAD] =	sst s9;
	s0 =	simm.s32 @!p0 $0x0  }
0x12: {  	s1 =	sld [smem:$0x3F93];
	s0 =	simm.s32 @p0 $0x1  }
0x13: {  	[smem:$0x3FAE] =	sst s0;
	s0 =	simm.s32 @!p1 $0x0  }
0x14: {  	s2 =	sld [smem:$0x3F92];
	s0 =	simm.s32 @p1 $0x1  }
0x15: {  	[smem:$0x3FAF] =	sst s0;
	s0 =	simm.s32 @!p2 $0x0  }
0x16: {  	s3 =	sld [smem:$0x3FDB];
	s0 =	simm.s32 @p2 $0x1  }
0x17: {  	s4 =	simm.s32 $0x1BF5;
	[smem:$0x3FB1] =	sst s0  }
0x18: {  	s0 =	sld [smem:$0x3F94];
	_ =	swait.ge [sflag:s4], $0x0  }
0x19: {  	s7 =	sld [smem:$0x3F95]  }
0x1a: {  	s8 =	sadd.s32 $0xFFFFE003, lr  }
0x1b: {  	s9 =	sadd.s32 $0xFFFFFEF7, lr;
	s5 =	simm.s32 $0xFFFFFFFF;
	p2 =	slt.u32 s8, $0xFFFFF086  }
0x1c: {  	p1 =	slt.u32 s9, $0xF7A;
	s5 =	simm.s32 @!p2 $0x0  }
0x1d: {  	s5 =	simm.s32 @p1 $0x1;
	p0 =	seq.s32 s7, s2  }
0x1e: {  	s7 =	smul.u32 @!p0 $0xF7A, s2;
	p2 =	seq.s32 @!p0 s5, $0x0  }
0x1f: {  	s9 =	smul.u32 $0xF7A, s1;
	s8 =	simm.s32 @!p0 $0x1BF5;
	p2 =	por !p2, p0  }
0x20: {  	[sflag:s8] =	ssyncset.s32 @!p0 $0xFFFFF086;
	s6 =	sadd.s32 @!p0 s3, s7;
	s7 =	simm.s32 @!p0 $0x108  }
0x21: {  	s3 =	sadd.s32 s3, s9;
	s6 =	sadd.s32 @!p0 $0x88, s6;
	s7 =	simm.s32 @p2 $0x1082  }
0x22: {  	[simem:s7], [sflag:s8] =	dma.local @!p0 [hbm:s6], $0xF7A  }
0x23: {  	s9 =	sor.u32 $0xD0000000, s2;
	s6 =	simm.s32 $0x108;
	_ =	swait.ge @!p0 [sflag:s8], $0x0  }
0x24: {  	s3 =	sadd.s32 $0x88, s3;
	s6 =	simm.s32 @!p1 $0x1082;
	[sflag:s4] =	ssyncset.s32 $0xFFFFF086  }
0x25: {  	[simem:s6], [sflag:s4] =	dma.local [hbm:s3], $0xF7A  }
0x26: {  	[smem:$0x3F95] =	sst s1;
	(tag) =	ssettag s2;
	_ =	strace s9  }
0x27: {  	s1 =	sld [smem:$0x3FA5]  }
0x28: {  	s2 =	sld [smem:$0x3FA6]  }
0x29: {  	s4 =	sld [smem:$0x3FA8]  }
0x2a: {  	p0 =	seq.s32 s5, $0x0;
	s5 =	sld [smem:$0x3FA9]  }
0x2b: {  	s6 =	sld [smem:$0x3FAA]  }
0x2c: {  	s7 =	sld [smem:$0x3FAB]  }
0x2d: {  	s3 =	simm.s32 $0x108;
	s8 =	sld [smem:$0x3FAC]  }
0x2e: {  	s3 =	simm.s32 @!p0 $0x1082;
	s9 =	sld [smem:$0x3FAD]  }
0x2f: {  	lr =	sadd.s32 s0, s3;
	s0 =	sld [smem:$0x3FA4]  }
0x30: {  	s3 =	sld [smem:$0x3FA7]  }
0x31: {  	[smem:$0x3FB0] =	sst s10  }
0x32: {  	s10 =	sld [smem:$0x3FAE];
	_ =	sdelay $0x3  }
0x33: {  	p0 =	seq.s32 s10, $0x1;
	s10 =	sld [smem:$0x3FB0];
	_ =	sdelay $0x3  }
0x34: {  	[smem:$0x3FB0] =	sst s10  }
0x35: {  	s10 =	sld [smem:$0x3FAF];
	_ =	sdelay $0x3  }
0x36: {  	p1 =	seq.s32 s10, $0x1;
	s10 =	sld [smem:$0x3FB0];
	_ =	sdelay $0x3  }
0x37: {  	[smem:$0x3FB0] =	sst s10  }
0x38: {  	s10 =	sld [smem:$0x3FB1]  }
0x39: {  	_ = 	snop;
	(pc) =	sbr.ind lr, $3  }
0x3a: {  	_ = 	snop  }
0x3b: {  	_ = 	snop  }
0x3c: {  	p2 =	seq.s32 s10, $0x1;
	s10 =	sld [smem:$0x3FB0]  }
0x3d: {  	_ =	shalt  }
0x3e: {  	_ =	shalt  }
0x3f: {  	_ =	shalt  }
0x40: {  	_ =	shalt  }
0x41: {  	_ =	shalt  }
0x42: {  	_ =	shalt  }
0x43: {  	_ =	shalt  }
0x44: {  	_ =	shalt  }
0x45: {  	_ =	shalt  }
0x46: {  	_ =	shalt  }
0x47: {  	_ =	shalt  }
0x48: {  	_ =	shalt  }
0x49: {  	_ =	shalt  }
0x4a: {  	_ =	shalt  }
0x4b: {  	_ =	shalt  }
0x4c: {  	_ =	shalt  }
0x4d: {  	_ =	shalt  }
0x4e: {  	_ =	shalt  }
0x4f: {  	_ =	shalt  }
0x50: {  	_ =	shalt  }
0x51: {  	_ =	shalt  }
0x52: {  	_ =	shalt  }
0x53: {  	_ =	shalt  }
0x54: {  	_ =	shalt  }
0x55: {  	_ =	shalt  }
0x56: {  	_ =	shalt  }
0x57: {  	_ =	shalt  }
0x58: {  	_ =	shalt  }
0x59: {  	_ =	shalt  }
0x5a: {  	_ =	shalt  }
0x5b: {  	_ =	shalt  }
0x5c: {  	_ =	shalt  }
0x5d: {  	_ =	shalt  }
0x5e: {  	_ =	shalt  }
0x5f: {  	_ =	shalt  }
0x60: {  	_ =	shalt  }
0x61: {  	_ =	shalt  }
0x62: {  	_ =	shalt  }
0x63: {  	_ =	shalt  }
0x64: {  	_ =	shalt  }
0x65: {  	_ =	shalt  }
0x66: {  	_ =	shalt  }
0x67: {  	_ =	shalt  }
0x68: {  	_ =	shalt  }
0x69: {  	_ =	shalt  }
0x6a: {  	_ =	shalt  }
0x6b: {  	_ =	shalt  }
0x6c: {  	_ =	shalt  }
0x6d: {  	_ =	shalt  }
0x6e: {  	_ =	shalt  }
0x6f: {  	_ =	shalt  }
0x70: {  	_ =	shalt  }
0x71: {  	_ =	shalt  }
0x72: {  	_ =	shalt  }
0x73: {  	_ =	shalt  }
0x74: {  	_ =	shalt  }
0x75: {  	_ =	shalt  }
0x76: {  	_ =	shalt  }
0x77: {  	_ =	shalt  }
0x78: {  	_ =	shalt  }
0x79: {  	_ =	shalt  }
0x7a: {  	_ =	shalt  }
0x7b: {  	_ =	shalt  }
0x7c: {  	_ =	shalt  }
0x7d: {  	_ =	shalt  }
0x7e: {  	_ =	shalt  }
0x7f: {  	_ =	shalt  }
0x80: {  	_ =	shalt  }
0x81: {  	_ =	shalt  }
0x82: {  	_ =	shalt  }
0x83: {  	_ =	shalt  }
0x84: {  	_ =	shalt  }
0x85: {  	_ =	shalt  }
0x86: {  	_ =	shalt  }
0x87: {  	_ =	shalt  }
.Lfunc_end0:
.L_simem_size_0:
called_computation.1_lowered:
.L_overlay_start_0:
0x88: {  	s2 =	sld [smem:$0x3FD9]  }
0x89: {  	s3 =	sld [smem:$0x3FFE];
	_ =	sdelay $0x1  }
0x8a: {  	s1 =	srdreg.scid  }
0x8b: {  	s0 =	sand.u32 $0x1, s1  }
0x8c: {  	s16 =	sshll.u32 s0, $0xA;
	s2 =	sadd.s32 s3, s2  }
0x8d: {  	s2 =	sadd.s32 s2, s16  }
0x8e: {  	[smem:$0x3FBC] =	sst s2  }
0x8f: {  	_ = 	snop  }
0x90: {  	(tm) =	ssettm $0x1  }
0x91: {  	s17 =	sld [smem:$0x3FFB];
	_ =	sdelay $0x3  }
0x92: {  	_ =	strace s17  }
0x93: {  	s2 =	sld [smem:$0x3FFC];
	_ =	sdelay $0x3  }
0x94: {  	_ =	strace s2  }
0x95: {  	s2 =	sld [smem:$0x3FFD];
	_ =	sdelay $0x3  }
0x96: {  	_ =	strace s2  }
0x97: {  	_ =	strace $0x8FFFFFFF  }
0x98: {  	s18 =	sld [smem:$0x3FDB];
	_ =	sdelay $0x1  }
0x99: {  	s19 =	simm.s32 $_scs_section_size  }
0x9a: {  	s4 =	simm.s32 $_size__tile_overlayer_lowered;
	s5 =	simm.s32 $_tile_overlayer_lowered  }
0x9b: {  	s22 =	simm.s32 $0x1BFF;
	s21 =	sshll.u32 s5, $0x1;
	s2 =	sadd.s32 s19, s18  }
0x9c: {  	s6 =	simm.s32 $0x0;
	s20 =	sshll.u32 s4, $0x1;
	s4 =	sadd.s32 s21, s2  }
0x9d: {  	[timem:s6], [sflag:s22] =	dma.local [hbm:s4], s20  }
0x9e: {  	_ =	swait.ge [sflag:s22], s20  }
0x9f: {  	s3 =	ssub.s32 $0x0, s20;
	[sflag:s22] =	ssyncset.done $0x0  }
0xa0: {  	[sflag:s22] =	ssyncadd.s32 s3;
	_ =	sdelay $0x1  }
0xa1: {  	s23 =	simm.s32 $0x1B8B  }
0xa2: {  	_ =	swait.ge [sflag:s23], $0x1  }
0xa3: {  	[sflag:s23] =	ssyncset.done $0x0  }
0xa4: {  	s25 =	simm.s32 $0x1B8E;
	s24 =	sld [smem:$0x3FFE];
	[sflag:s23] =	ssyncadd.s32 $0xFFFFFFFF  }
0xa5: {  	s26 =	simm.s32 $execute0_lowered;
	[smem:$0x3FD2] =	sst s25  }
0xa6: {  	s4 =	sshll.u32 s26, $0x1;
	_ =	strace $0x80000049;
	[dreg:$0x1] =	wrdreg $0xFFFFFFFF  }
0xa7: {  	s28 =	simm.s32 $_size_execute0_lowered;
	s2 =	sadd.s32 s2, s4;
	[dreg:$0x0] =	wrdreg $0x0  }
0xa8: {  	s4 =	sshll.u32 s28, $0x1;
	[dreg:$0x2] =	wrdreg s2  }
0xa9: {  	[dreg:$0x3] =	wrdreg s4  }
0xaa: {  	[dreg:$0x4] =	wrdreg $0xC0  }
0xab: {  	_ =	task [dreg:s6], $0x5FFFF  }
0xac: {  	[dreg:$0x1] =	wrdreg $0xFFFFFFFF  }
0xad: {  	[dreg:$0x0] =	wrdreg $0x60  }
0xae: {  	[dreg:$0x2] =	wrdreg s24  }
0xaf: {  	[dreg:$0x3] =	wrdreg $0x2BC00  }
0xb0: {  	[dreg:$0x4] =	wrdreg $0x9  }
0xb1: {  	_ =	task.clear_ibuf [dreg:s6], $0x5FFFF;
	_ =	strace $0x90000049  }
0xb2: {  	s29 =	simm.s32 $0x9;
	_ =	strace $0x8000004B  }
0xb3: {  	_ =	swait.ge [sflag:s29], $0x1  }
0xb4: {  	[sflag:s29] =	ssyncadd.s32 $0xFFFFFFFF  }
0xb5: {  	_ =	strace $0x9000004B  }
0xb6: {  	_ =	sfence  }
0xb7: {  	s30 =	sld [smem:$0x0];
	_ =	sdelay $0x2  }
0xb8: {  	s31 =	sshll.u32 s1, $0xD;
	s1 =	sshrl.u32 s1, $0x2  }
0xb9: {  	s3 =	sand.u32 $0x4000, s31;
	s1 =	sadd.s32 s1, s30  }
0xba: {  	s0 =	sor.u32 s3, s0;
	s1 =	sshll.u32 s1, $0x11  }
0xbb: {  	s0 =	sor.u32 s1, s0  }
0xbc: {  	s0 =	sadd.s32 $0x8F2B, s0  }
0xbd: {  	[sflag:s0] =	ssyncadd.remote.s32 $0x1  }
0xbe: {  	_ =	sfence.sel $0xFFFF  }
0xbf: {  	[dreg:$0x0] =	wrdreg $0xFFFFFFFF;
	(pc) =	sbr.abs _section_cstart, $3  }
0xc0: {  	[dreg:$0x1] =	wrdreg $0xFFFFFFFF  }
0xc1: {  	_ =	task.clear_ibuf [dreg:s6], $0x2FFFF;
	_ =	strace $0x9FFFFFFF  }
0xc2: {  	(tm) =	ssettm $0x7FFFFFFF  }
0xc3: {  	_ =	shalt  }
tec
execute0_lowered:
.L_overlay_start_1:
0x0: {  	(tag) =	ssettag $0x1  }
0x1: {  	s0 =	srdreg.scid  }
0x2: {  	s7 =	stileid.u32;
	s0 =	sand.u32 $0x1, s0  }
0x3: {  	s6 =	smul.u32 $0x2800, s7;
	s3 =	sshll.u32 s0, $0x4  }
0x4: {  	s4 =	sor.u32 s7, s3;
	s7 =	smul.u32 $0x50000, s7  }
0x5: {  	s5 =	smul.u32 $0x2BC0, s4  }
0x6: {  	s1 =	rddreg [dreg:$0x0]  }
0x7: {  	s2 =	rddreg [dreg:$0x1];
	s7 =	sshrl.u32 s7, $0x2;
	s5 =	sshrl.u32 s5, $0x3  }
0x8: {  	s3 =	simm.s32 $0x0;
	s9 =	sadd.s32 s5, s1;
	s5 =	sadd.s32 s7, s2  }
0x9: {  	[smem:$0x7FF] =	sst s3;
	s10 =	sadd.s32 $0x1400, s5  }
0xa: {  	_ =	strace $0x8000004A;
	s11 =	sadd.s32 $0x2800, s5;
	[dreg:$0x3] =	wrdreg s10  }
0xb: {  	s12 =	sadd.s32 $0x3C00, s5;
	[dreg:$0x4] =	wrdreg s11  }
0xc: {  	s13 =	sadd.s32 $0x5000, s5;
	[dreg:$0x5] =	wrdreg s12  }
0xd: {  	s28 =	simm.s32 $0x16BC0;
	s14 =	sadd.s32 $0x6400, s5;
	[dreg:$0x6] =	wrdreg s13  }
0xe: {  	s29 =	simm.s32 $0x9;
	s15 =	sadd.s32 $0x7800, s5;
	[dreg:$0x7] =	wrdreg s14  }
0xf: {  	s31 =	simm.s32 $0x32;
	s16 =	sadd.s32 $0x8C00, s5;
	[dreg:$0x8] =	wrdreg s15  }
0x10: {  	s8 =	smul.u32 $0x28000, s0;
	s17 =	sadd.s32 $0xA000, s5;
	[dreg:$0x9] =	wrdreg s16  }
0x11: {  	s0 =	ssub.s32 $0x2, s0;
	s18 =	sadd.s32 $0xB400, s5;
	[dreg:$0xa] =	wrdreg s17  }
0x12: {  	s4 =	sadd.s32 $0x19400, s1;
	s19 =	sadd.s32 $0xC800, s5;
	[dreg:$0xb] =	wrdreg s18  }
0x13: {  	s6 =	sadd.s32 s6, s8;
	s20 =	sadd.s32 $0xDC00, s5;
	[dreg:$0xc] =	wrdreg s19  }
0x14: {  	s8 =	sshrl.u32 s0, $0x1;
	s21 =	sadd.s32 $0xF000, s5;
	[dreg:$0xd] =	wrdreg s20  }
0x15: {  	s0 =	ssub.s32 s0, s8;
	s22 =	sadd.s32 $0x10400, s5;
	[dreg:$0xe] =	wrdreg s21  }
0x16: {  	s8 =	simm.s32 $0xA8;
	s23 =	sadd.s32 $0x11800, s5;
	[dreg:$0xf] =	wrdreg s22  }
0x17: {  	s1 =	sadd.s32 s6, s1;
	s24 =	sadd.s32 $0x3600, s9;
	[dreg:$0x10] =	wrdreg s23  }
0x18: {  	s6 =	simm.s32 $0x70;
	s25 =	sadd.s32 $0xE500, s9;
	[dreg:$0x11] =	wrdreg s24  }
0x19: {  	s7 =	simm.s32 $0x19DC0;
	s26 =	sadd.s32 $0x38BC, s9;
	[dreg:$0x12] =	wrdreg s25  }
0x1a: {  	s30 =	sadd.s32 $0xE7BC, s9;
	s9 =	simm.s32 $0x1B6C0;
	[dreg:$0x13] =	wrdreg s26  }
0x1b: {  	[dreg:$0x14] =	wrdreg s30;
	s24 =	sadd.s32 $0x41400, s1;
	s25 =	smax.u32 s0, $0x1  }
0x1c: {  	s26 =	sadd.s32 $0x12C00, s5;
	s1 =	simm.s32 $0x38;
	s0 =	simm.s32 $0x184C0  }
0x1d: {  	s10 =	simm.s32 $0x1;
	s11 =	simm.s32 $0x3;
	s12 =	simm.s32 $0x5  }
0x1e: {  	s13 =	simm.s32 $0x7;
	s14 =	simm.s32 $0x2;
	s15 =	simm.s32 $0x4  }
0x1f: {  	s16 =	simm.s32 $0x6;
	s17 =	simm.s32 $0x8;
	s18 =	simm.s32 $0x2AE0  }
0x20: {  	v0 =	vimm.f32 $0.0e+00;
	s19 =	simm.s32 $0x2B18;
	s20 =	simm.s32 $0x2B50;
	s21 =	simm.s32 $0x2B88  }
.LBB2_1:
0x21: {  	s22 =	simm.s32 $0x70;
	s30 =	simm.s32 $0x3C0  }
.LBB2_2:
0x22: {  	p0 =	sne.s32 s30, $0x4FC0;
	[tilespmem:s22+$0x16BC0] =	vst v0  }
0x23: {  	[tilespmem:s22+$0x16B50] =	vst v0  }
0x24: {  	[tilespmem:s22+$0x16B60] =	vst v0  }
.Ltmp0:
0x25: {  	[tilespmem:s22+$0x16B70] =	vst v0;
	(pc) =	sbr.rel @p0 .LBB2_2-.Ltmp0, $4  }
0x26: {  	[tilespmem:s22+$0x16B80] =	vst v0  }
0x27: {  	[tilespmem:s22+$0x16B90] =	vst v0  }
0x28: {  	[tilespmem:s22+$0x16BA0] =	vst v0  }
0x29: {  	[tilespmem:s22+$0x16BB0] =	vst v0;
	s22 =	sshra.s32 s30, $0x2;
	s30 =	sadd.s32 $0x200, s30  }
0x2a: {  	[tilespmem:s22+$0x16BC0] =	vst v0  }
0x2b: {  	[tilespmem:s22+$0x16B50] =	vst v0  }
0x2c: {  	[tilespmem:s22+$0x16B60] =	vst v0  }
0x2d: {  	[tilespmem:s22+$0x16B70] =	vst v0  }
0x2e: {  	[tilespmem:s22+$0x16B80] =	vst v0  }
0x2f: {  	[tilespmem:s22+$0x16B90] =	vst v0  }
0x30: {  	[tilespmem:s22+$0x16BA0] =	vst v0  }
0x31: {  	[tilespmem:s22+$0x16BB0] =	vst v0  }
0x32: {  	[spmem:s5] =	stream.linear.scatter [tilespmem:s28], [sflag:$0x9], $0x1400, $0x38;
	[tilespmem:$0x1CFC0] =	vst v63  }
0x33: {  	_ =	swait.ge [sflag:s29], $0x1400  }
0x34: {  	[sflag:s29] =	ssyncset.done $0x0  }
0x35: {  	s23 =	rddreg [dreg:$0x3];
	[sflag:s29] =	ssyncadd.s32 $0xFFFFEC00  }
0x36: {  	[spmem:s23] =	stream.linear.scatter [tilespmem:s28], [sflag:$0x9], $0x1400, $0x38;
	[tilespmem:$0x1CFC0] =	vst v63  }
0x37: {  	_ =	swait.ge [sflag:s29], $0x1400  }
0x38: {  	[sflag:s29] =	ssyncset.done $0x0  }
0x39: {  	s23 =	rddreg [dreg:$0x4];
	[sflag:s29] =	ssyncadd.s32 $0xFFFFEC00  }
0x3a: {  	[spmem:s23] =	stream.linear.scatter [tilespmem:s28], [sflag:$0x9], $0x1400, $0x38;
	[tilespmem:$0x1CFC0] =	vst v63  }
0x3b: {  	_ =	swait.ge [sflag:s29], $0x1400  }
0x3c: {  	[sflag:s29] =	ssyncset.done $0x0  }
0x3d: {  	s23 =	rddreg [dreg:$0x5];
	[sflag:s29] =	ssyncadd.s32 $0xFFFFEC00  }
0x3e: {  	[spmem:s23] =	stream.linear.scatter [tilespmem:s28], [sflag:$0x9], $0x1400, $0x38;
	[tilespmem:$0x1CFC0] =	vst v63  }
0x3f: {  	_ =	swait.ge [sflag:s29], $0x1400  }
0x40: {  	[sflag:s29] =	ssyncset.done $0x0  }
0x41: {  	s23 =	rddreg [dreg:$0x6];
	[sflag:s29] =	ssyncadd.s32 $0xFFFFEC00  }
0x42: {  	[spmem:s23] =	stream.linear.scatter [tilespmem:s28], [sflag:$0x9], $0x1400, $0x38;
	[tilespmem:$0x1CFC0] =	vst v63  }
0x43: {  	_ =	swait.ge [sflag:s29], $0x1400  }
0x44: {  	[sflag:s29] =	ssyncset.done $0x0  }
0x45: {  	s23 =	rddreg [dreg:$0x7];
	[sflag:s29] =	ssyncadd.s32 $0xFFFFEC00  }
0x46: {  	[spmem:s23] =	stream.linear.scatter [tilespmem:s28], [sflag:$0x9], $0x1400, $0x38;
	[tilespmem:$0x1CFC0] =	vst v63  }
0x47: {  	_ =	swait.ge [sflag:s29], $0x1400  }
0x48: {  	[sflag:s29] =	ssyncset.done $0x0  }
0x49: {  	s23 =	rddreg [dreg:$0x8];
	[sflag:s29] =	ssyncadd.s32 $0xFFFFEC00  }
0x4a: {  	[spmem:s23] =	stream.linear.scatter [tilespmem:s28], [sflag:$0x9], $0x1400, $0x38;
	[tilespmem:$0x1CFC0] =	vst v63  }
0x4b: {  	_ =	swait.ge [sflag:s29], $0x1400  }
0x4c: {  	[sflag:s29] =	ssyncset.done $0x0  }
0x4d: {  	s23 =	rddreg [dreg:$0x9];
	[sflag:s29] =	ssyncadd.s32 $0xFFFFEC00  }
0x4e: {  	[spmem:s23] =	stream.linear.scatter [tilespmem:s28], [sflag:$0x9], $0x1400, $0x38;
	[tilespmem:$0x1CFC0] =	vst v63  }
0x4f: {  	_ =	swait.ge [sflag:s29], $0x1400  }
0x50: {  	[sflag:s29] =	ssyncset.done $0x0  }
0x51: {  	s23 =	rddreg [dreg:$0xa];
	[sflag:s29] =	ssyncadd.s32 $0xFFFFEC00  }
0x52: {  	[spmem:s23] =	stream.linear.scatter [tilespmem:s28], [sflag:$0x9], $0x1400, $0x38;
	[tilespmem:$0x1CFC0] =	vst v63  }
0x53: {  	_ =	swait.ge [sflag:s29], $0x1400  }
0x54: {  	[sflag:s29] =	ssyncset.done $0x0  }
0x55: {  	s23 =	rddreg [dreg:$0xb];
	[sflag:s29] =	ssyncadd.s32 $0xFFFFEC00  }
0x56: {  	[spmem:s23] =	stream.linear.scatter [tilespmem:s28], [sflag:$0x9], $0x1400, $0x38;
	[tilespmem:$0x1CFC0] =	vst v63  }
0x57: {  	_ =	swait.ge [sflag:s29], $0x1400  }
0x58: {  	[sflag:s29] =	ssyncset.done $0x0  }
0x59: {  	s23 =	rddreg [dreg:$0xc];
	[sflag:s29] =	ssyncadd.s32 $0xFFFFEC00  }
0x5a: {  	[spmem:s23] =	stream.linear.scatter [tilespmem:s28], [sflag:$0x9], $0x1400, $0x38;
	[tilespmem:$0x1CFC0] =	vst v63  }
0x5b: {  	_ =	swait.ge [sflag:s29], $0x1400  }
0x5c: {  	[sflag:s29] =	ssyncset.done $0x0  }
0x5d: {  	s23 =	rddreg [dreg:$0xd];
	[sflag:s29] =	ssyncadd.s32 $0xFFFFEC00  }
0x5e: {  	[spmem:s23] =	stream.linear.scatter [tilespmem:s28], [sflag:$0x9], $0x1400, $0x38;
	[tilespmem:$0x1CFC0] =	vst v63  }
0x5f: {  	_ =	swait.ge [sflag:s29], $0x1400  }
0x60: {  	[sflag:s29] =	ssyncset.done $0x0  }
0x61: {  	s23 =	rddreg [dreg:$0xe];
	[sflag:s29] =	ssyncadd.s32 $0xFFFFEC00  }
0x62: {  	[spmem:s23] =	stream.linear.scatter [tilespmem:s28], [sflag:$0x9], $0x1400, $0x38;
	[tilespmem:$0x1CFC0] =	vst v63  }
0x63: {  	_ =	swait.ge [sflag:s29], $0x1400  }
0x64: {  	[sflag:s29] =	ssyncset.done $0x0  }
0x65: {  	s23 =	rddreg [dreg:$0xf];
	[sflag:s29] =	ssyncadd.s32 $0xFFFFEC00  }
0x66: {  	[spmem:s23] =	stream.linear.scatter [tilespmem:s28], [sflag:$0x9], $0x1400, $0x38;
	[tilespmem:$0x1CFC0] =	vst v63  }
0x67: {  	_ =	swait.ge [sflag:s29], $0x1400  }
0x68: {  	[sflag:s29] =	ssyncset.done $0x0  }
0x69: {  	s23 =	rddreg [dreg:$0x10];
	[sflag:s29] =	ssyncadd.s32 $0xFFFFEC00  }
0x6a: {  	[spmem:s23] =	stream.linear.scatter [tilespmem:s28], [sflag:$0x9], $0x1400, $0x38;
	[tilespmem:$0x1CFC0] =	vst v63  }
0x6b: {  	_ =	swait.ge [sflag:s29], $0x1400  }
0x6c: {  	[sflag:s29] =	ssyncset.done $0x0  }
0x6d: {  	[sflag:s29] =	ssyncadd.s32 $0xFFFFEC00  }
0x6e: {  	[spmem:s26] =	stream.linear.scatter [tilespmem:s28], [sflag:$0x9], $0x1400, $0x38;
	[tilespmem:$0x1CFC0] =	vst v63  }
0x6f: {  	_ =	swait.ge [sflag:s29], $0x1400  }
0x70: {  	[sflag:s29] =	ssyncset.done $0x0  }
0x71: {  	s22 =	simm.s32 $0x0;
	s23 =	rddreg [dreg:$0x11];
	[sflag:s29] =	ssyncadd.s32 $0xFFFFEC00  }
0x72: {  	[tilespmem:s22], [sflag:$0x9] =	stream.linear.gather [hbm4b:s23+s22], $0x15E0, $0x38;
	[tilespmem:$0x1CFC0] =	vst v63  }
0x73: {  	_ =	swait.ge [sflag:s29], $0x15E0  }
0x74: {  	[sflag:s29] =	ssyncset.done $0x0  }
0x75: {  	s30 =	simm.s32 $0x15E0;
	s23 =	rddreg [dreg:$0x12];
	[sflag:s29] =	ssyncadd.s32 $0xFFFFEA20  }
0x76: {  	[tilespmem:s30], [sflag:$0x9] =	stream.linear.gather [hbm4b:s23+s22], $0x15E0, $0x38;
	[tilespmem:$0x1CFC0] =	vst v63  }
0x77: {  	_ =	swait.ge [sflag:s29], $0x15E0  }
0x78: {  	[sflag:s29] =	ssyncset.done $0x0  }
0x79: {  	[sflag:s29] =	ssyncadd.s32 $0xFFFFEA20  }
0x7a: {  	[bflag:$0x0] =	sbarrier.arrive $0xFFFF  }
0x7b: {  	[tilespmem:s28], [sflag:$0x1] =	stream.indirect.gather [hbm4b:s4+s31], $0x80, s22, s31, $0xb8;
	[tilespmem:$0x1CFC0] =	vst v63  }
0x7c: {  	_ = 	snop  }
0x7d: {  	[tilespmem:s0], [sflag:$0x3] =	stream.indirect.gather [hbm4b:s4+s31], $0x80, s1, s31, $0xb8;
	[tilespmem:$0x1CFC0] =	vst v63  }
0x7e: {  	_ = 	snop  }
0x7f: {  	[tilespmem:s7], [sflag:$0x5] =	stream.indirect.gather [hbm4b:s4+s31], $0x80, s6, s31, $0xb8;
	[tilespmem:$0x1CFC0] =	vst v63  }
0x80: {  	_ = 	snop  }
0x81: {  	[tilespmem:s9], [sflag:$0x7] =	stream.indirect.gather [hbm4b:s4+s31], $0x80, s8, s31, $0xb8;
	[tilespmem:$0x1CFC0] =	vst v63  }
0x82: {  	_ =	swait.ge [sflag:s10], $0x1900  }
0x83: {  	[sflag:s10] =	ssyncset.done $0x0  }
0x84: {  	s23 =	simm.s32 $0x15E0;
	[sflag:s10] =	ssyncadd.s32 $0xFFFFE700  }
0x85: {  	[spmem:s2] =	stream.indirect.scatter.add.f32 [tilespmem:s28], [sflag:$0x2], $0x80, s23, s31, $0xb8;
	[tilespmem:$0x1CFC0] =	vst v63  }
0x86: {  	_ =	swait.ge [sflag:s11], $0x1900  }
0x87: {  	[sflag:s11] =	ssyncset.done $0x0  }
0x88: {  	s23 =	simm.s32 $0x1618;
	[sflag:s11] =	ssyncadd.s32 $0xFFFFE700  }
0x89: {  	[spmem:s2] =	stream.indirect.scatter.add.f32 [tilespmem:s0], [sflag:$0x4], $0x80, s23, s31, $0xb8;
	[tilespmem:$0x1CFC0] =	vst v63  }
0x8a: {  	_ =	swait.ge [sflag:s12], $0x1900  }
0x8b: {  	[sflag:s12] =	ssyncset.done $0x0  }
0x8c: {  	s23 =	simm.s32 $0x1650;
	[sflag:s12] =	ssyncadd.s32 $0xFFFFE700  }
0x8d: {  	[spmem:s2] =	stream.indirect.scatter.add.f32 [tilespmem:s7], [sflag:$0x6], $0x80, s23, s31, $0xb8;
	[tilespmem:$0x1CFC0] =	vst v63  }
0x8e: {  	_ =	swait.ge [sflag:s13], $0x1900  }
0x8f: {  	[sflag:s13] =	ssyncset.done $0x0  }
0x90: {  	s23 =	simm.s32 $0x1688;
	[sflag:s13] =	ssyncadd.s32 $0xFFFFE700  }
0x91: {  	[spmem:s2] =	stream.indirect.scatter.add.f32 [tilespmem:s9], [sflag:$0x8], $0x80, s23, s31, $0xb8;
	[tilespmem:$0x1CFC0] =	vst v63  }
0x92: {  	_ =	swait.ge [sflag:s14], $0x1900  }
0x93: {  	[sflag:s14] =	ssyncset.done $0x0  }
0x94: {  	s23 =	simm.s32 $0xE0;
	[sflag:s14] =	ssyncadd.s32 $0xFFFFE700  }
0x95: {  	[tilespmem:s28], [sflag:$0x1] =	stream.indirect.gather [hbm4b:s4+s31], $0x80, s23, s31, $0xb8;
	[tilespmem:$0x1CFC0] =	vst v63  }
0x96: {  	_ =	swait.ge [sflag:s15], $0x1900  }
0x97: {  	[sflag:s15] =	ssyncset.done $0x0  }
0x98: {  	s23 =	simm.s32 $0x118;
	[sflag:s15] =	ssyncadd.s32 $0xFFFFE700  }
0x99: {  	[tilespmem:s0], [sflag:$0x3] =	stream.indirect.gather [hbm4b:s4+s31], $0x80, s23, s31, $0xb8;
	[tilespmem:$0x1CFC0] =	vst v63  }
0x9a: {  	_ =	swait.ge [sflag:s16], $0x1900  }
0x9b: {  	[sflag:s16] =	ssyncset.done $0x0  }
0x9c: {  	s23 =	simm.s32 $0x150;
	[sflag:s16] =	ssyncadd.s32 $0xFFFFE700  }
0x9d: {  	[tilespmem:s7], [sflag:$0x5] =	stream.indirect.gather [hbm4b:s4+s31], $0x80, s23, s31, $0xb8;
	[tilespmem:$0x1CFC0] =	vst v63  }
0x9e: {  	_ =	swait.ge [sflag:s17], $0x1900  }
0x9f: {  	[sflag:s17] =	ssyncset.done $0x0  }
0xa0: {  	s30 =	simm.s32 $0x380;
	s22 =	simm.s32 $0x188;
	[sflag:s17] =	ssyncadd.s32 $0xFFFFE700  }
.LBB2_4:
0xa1: {  	[tilespmem:s9], [sflag:$0x7] =	stream.indirect.gather [hbm4b:s4+s31], $0x80, s22, s31, $0xb8;
	[tilespmem:$0x1CFC0] =	vst v63  }
0xa2: {  	s22 =	smov.u32 s30  }
0xa3: {  	p0 =	sne.s32 s30, $0x5080;
	s30 =	sadd.s32 $0x380, s30;
	_ =	swait.ge [sflag:s10], $0x1900  }
0xa4: {  	s22 =	sshra.s32 s22, $0x2;
	[sflag:s10] =	ssyncset.done $0x0  }
0xa5: {  	s23 =	sadd.s32 $0x15E0, s22;
	[sflag:s10] =	ssyncadd.s32 $0xFFFFE700  }
0xa6: {  	[spmem:s2] =	stream.indirect.scatter.add.f32 [tilespmem:s28], [sflag:$0x2], $0x80, s23, s31, $0xb8;
	[tilespmem:$0x1CFC0] =	vst v63  }
0xa7: {  	_ =	swait.ge [sflag:s11], $0x1900  }
0xa8: {  	[sflag:s11] =	ssyncset.done $0x0  }
0xa9: {  	s23 =	sadd.s32 $0x1618, s22;
	[sflag:s11] =	ssyncadd.s32 $0xFFFFE700  }
0xaa: {  	[spmem:s2] =	stream.indirect.scatter.add.f32 [tilespmem:s0], [sflag:$0x4], $0x80, s23, s31, $0xb8;
	[tilespmem:$0x1CFC0] =	vst v63  }
0xab: {  	_ =	swait.ge [sflag:s12], $0x1900  }
0xac: {  	[sflag:s12] =	ssyncset.done $0x0  }
0xad: {  	s23 =	sadd.s32 $0x1650, s22;
	[sflag:s12] =	ssyncadd.s32 $0xFFFFE700  }
0xae: {  	[spmem:s2] =	stream.indirect.scatter.add.f32 [tilespmem:s7], [sflag:$0x6], $0x80, s23, s31, $0xb8;
	[tilespmem:$0x1CFC0] =	vst v63  }
0xaf: {  	_ =	swait.ge [sflag:s13], $0x1900  }
0xb0: {  	[sflag:s13] =	ssyncset.done $0x0  }
0xb1: {  	s23 =	sadd.s32 $0x1688, s22;
	[sflag:s13] =	ssyncadd.s32 $0xFFFFE700  }
0xb2: {  	[spmem:s2] =	stream.indirect.scatter.add.f32 [tilespmem:s9], [sflag:$0x8], $0x80, s23, s31, $0xb8;
	[tilespmem:$0x1CFC0] =	vst v63  }
0xb3: {  	_ =	swait.ge [sflag:s14], $0x1900  }
0xb4: {  	[sflag:s14] =	ssyncset.done $0x0  }
0xb5: {  	s23 =	sadd.s32 $0xE0, s22;
	[sflag:s14] =	ssyncadd.s32 $0xFFFFE700  }
0xb6: {  	[tilespmem:s28], [sflag:$0x1] =	stream.indirect.gather [hbm4b:s4+s31], $0x80, s23, s31, $0xb8;
	[tilespmem:$0x1CFC0] =	vst v63  }
0xb7: {  	_ =	swait.ge [sflag:s15], $0x1900  }
0xb8: {  	[sflag:s15] =	ssyncset.done $0x0  }
0xb9: {  	s23 =	sadd.s32 $0x118, s22;
	[sflag:s15] =	ssyncadd.s32 $0xFFFFE700  }
0xba: {  	[tilespmem:s0], [sflag:$0x3] =	stream.indirect.gather [hbm4b:s4+s31], $0x80, s23, s31, $0xb8;
	[tilespmem:$0x1CFC0] =	vst v63  }
0xbb: {  	_ =	swait.ge [sflag:s16], $0x1900  }
0xbc: {  	[sflag:s16] =	ssyncset.done $0x0  }
.Ltmp1:
0xbd: {  	s23 =	sadd.s32 $0x150, s22;
	[sflag:s16] =	ssyncadd.s32 $0xFFFFE700;
	(pc) =	sbr.rel @p0 .LBB2_4-.Ltmp1, $4  }
0xbe: {  	[tilespmem:s7], [sflag:$0x5] =	stream.indirect.gather [hbm4b:s4+s31], $0x80, s23, s31, $0xb8;
	[tilespmem:$0x1CFC0] =	vst v63  }
0xbf: {  	_ =	swait.ge [sflag:s17], $0x1900  }
0xc0: {  	[sflag:s17] =	ssyncset.done $0x0  }
0xc1: {  	s22 =	sadd.s32 $0x188, s22;
	[sflag:s17] =	ssyncadd.s32 $0xFFFFE700  }
0xc2: {  	[tilespmem:s9], [sflag:$0x7] =	stream.indirect.gather [hbm4b:s4+s31], $0x80, s22, s31, $0xb8;
	[tilespmem:$0x1CFC0] =	vst v63  }
0xc3: {  	_ =	swait.ge [sflag:s10], $0x1900  }
0xc4: {  	[sflag:s10] =	ssyncset.done $0x0  }
0xc5: {  	[sflag:s10] =	ssyncadd.s32 $0xFFFFE700  }
0xc6: {  	[spmem:s2] =	stream.indirect.scatter.add.f32 [tilespmem:s28], [sflag:$0x2], $0x80, s18, s31, $0xb8;
	[tilespmem:$0x1CFC0] =	vst v63  }
0xc7: {  	_ =	swait.ge [sflag:s11], $0x1900  }
0xc8: {  	[sflag:s11] =	ssyncset.done $0x0  }
0xc9: {  	[sflag:s11] =	ssyncadd.s32 $0xFFFFE700  }
0xca: {  	[spmem:s2] =	stream.indirect.scatter.add.f32 [tilespmem:s0], [sflag:$0x4], $0x80, s19, s31, $0xb8;
	[tilespmem:$0x1CFC0] =	vst v63  }
0xcb: {  	_ =	swait.ge [sflag:s12], $0x1900  }
0xcc: {  	[sflag:s12] =	ssyncset.done $0x0  }
0xcd: {  	[sflag:s12] =	ssyncadd.s32 $0xFFFFE700  }
0xce: {  	[spmem:s2] =	stream.indirect.scatter.add.f32 [tilespmem:s7], [sflag:$0x6], $0x80, s20, s31, $0xb8;
	[tilespmem:$0x1CFC0] =	vst v63  }
0xcf: {  	_ =	swait.ge [sflag:s13], $0x1900  }
0xd0: {  	[sflag:s13] =	ssyncset.done $0x0  }
0xd1: {  	[sflag:s13] =	ssyncadd.s32 $0xFFFFE700  }
0xd2: {  	[spmem:s2] =	stream.indirect.scatter.add.f32 [tilespmem:s9], [sflag:$0x8], $0x80, s21, s31, $0xb8;
	[tilespmem:$0x1CFC0] =	vst v63  }
0xd3: {  	_ =	swait.ge [sflag:s14], $0x1900  }
0xd4: {  	[sflag:s14] =	ssyncset.done $0x0  }
0xd5: {  	[sflag:s14] =	ssyncadd.s32 $0xFFFFE700  }
0xd6: {  	_ =	swait.ge [sflag:s15], $0x1900  }
0xd7: {  	[sflag:s15] =	ssyncset.done $0x0  }
0xd8: {  	[sflag:s15] =	ssyncadd.s32 $0xFFFFE700  }
0xd9: {  	_ =	swait.ge [sflag:s16], $0x1900  }
0xda: {  	[sflag:s16] =	ssyncset.done $0x0  }
0xdb: {  	[sflag:s16] =	ssyncadd.s32 $0xFFFFE700  }
0xdc: {  	_ =	swait.ge [sflag:s17], $0x1900  }
0xdd: {  	[sflag:s17] =	ssyncset.done $0x0  }
0xde: {  	s22 =	simm.s32 $0x0;
	s23 =	rddreg [dreg:$0x13];
	[sflag:s17] =	ssyncadd.s32 $0xFFFFE700  }
0xdf: {  	[tilespmem:s22], [sflag:$0x9] =	stream.linear.gather [hbm4b:s23+s22], $0x15E0, $0x38;
	[tilespmem:$0x1CFC0] =	vst v63  }
0xe0: {  	_ =	swait.ge [sflag:s29], $0x15E0  }
0xe1: {  	[sflag:s29] =	ssyncset.done $0x0  }
0xe2: {  	s30 =	simm.s32 $0x15E0;
	s23 =	rddreg [dreg:$0x14];
	[sflag:s29] =	ssyncadd.s32 $0xFFFFEA20  }
0xe3: {  	[tilespmem:s30], [sflag:$0x9] =	stream.linear.gather [hbm4b:s23+s22], $0x15E0, $0x38;
	[tilespmem:$0x1CFC0] =	vst v63  }
0xe4: {  	_ =	swait.ge [sflag:s29], $0x15E0  }
0xe5: {  	[sflag:s29] =	ssyncset.done $0x0  }
0xe6: {  	[sflag:s29] =	ssyncadd.s32 $0xFFFFEA20  }
0xe7: {  	[tilespmem:s28], [sflag:$0x1] =	stream.indirect.gather [hbm4b:s4+s31], $0x80, s22, s31, $0xb8;
	[tilespmem:$0x1CFC0] =	vst v63  }
0xe8: {  	_ = 	snop  }
0xe9: {  	[tilespmem:s0], [sflag:$0x3] =	stream.indirect.gather [hbm4b:s4+s31], $0x80, s1, s31, $0xb8;
	[tilespmem:$0x1CFC0] =	vst v63  }
0xea: {  	_ = 	snop  }
0xeb: {  	[tilespmem:s7], [sflag:$0x5] =	stream.indirect.gather [hbm4b:s4+s31], $0x80, s6, s31, $0xb8;
	[tilespmem:$0x1CFC0] =	vst v63  }
0xec: {  	_ = 	snop  }
0xed: {  	[tilespmem:s9], [sflag:$0x7] =	stream.indirect.gather [hbm4b:s4+s31], $0x80, s8, s31, $0xb8;
	[tilespmem:$0x1CFC0] =	vst v63  }
0xee: {  	_ =	swait.ge [sflag:s10], $0x1900  }
0xef: {  	[sflag:s10] =	ssyncset.done $0x0  }
0xf0: {  	s23 =	simm.s32 $0x15E0;
	[sflag:s10] =	ssyncadd.s32 $0xFFFFE700  }
0xf1: {  	[spmem:s2] =	stream.indirect.scatter.add.f32 [tilespmem:s28], [sflag:$0x2], $0x80, s23, s31, $0xb8;
	[tilespmem:$0x1CFC0] =	vst v63  }
0xf2: {  	_ =	swait.ge [sflag:s11], $0x1900  }
0xf3: {  	[sflag:s11] =	ssyncset.done $0x0  }
0xf4: {  	s23 =	simm.s32 $0x1618;
	[sflag:s11] =	ssyncadd.s32 $0xFFFFE700  }
0xf5: {  	[spmem:s2] =	stream.indirect.scatter.add.f32 [tilespmem:s0], [sflag:$0x4], $0x80, s23, s31, $0xb8;
	[tilespmem:$0x1CFC0] =	vst v63  }
0xf6: {  	_ =	swait.ge [sflag:s12], $0x1900  }
0xf7: {  	[sflag:s12] =	ssyncset.done $0x0  }
0xf8: {  	s23 =	simm.s32 $0x1650;
	[sflag:s12] =	ssyncadd.s32 $0xFFFFE700  }
0xf9: {  	[spmem:s2] =	stream.indirect.scatter.add.f32 [tilespmem:s7], [sflag:$0x6], $0x80, s23, s31, $0xb8;
	[tilespmem:$0x1CFC0] =	vst v63  }
0xfa: {  	_ =	swait.ge [sflag:s13], $0x1900  }
0xfb: {  	[sflag:s13] =	ssyncset.done $0x0  }
0xfc: {  	s23 =	simm.s32 $0x1688;
	[sflag:s13] =	ssyncadd.s32 $0xFFFFE700  }
0xfd: {  	[spmem:s2] =	stream.indirect.scatter.add.f32 [tilespmem:s9], [sflag:$0x8], $0x80, s23, s31, $0xb8;
	[tilespmem:$0x1CFC0] =	vst v63  }
0xfe: {  	_ =	swait.ge [sflag:s14], $0x1900  }
0xff: {  	[sflag:s14] =	ssyncset.done $0x0  }
0x100: {  	s23 =	simm.s32 $0xE0;
	[sflag:s14] =	ssyncadd.s32 $0xFFFFE700  }
0x101: {  	[tilespmem:s28], [sflag:$0x1] =	stream.indirect.gather [hbm4b:s4+s31], $0x80, s23, s31, $0xb8;
	[tilespmem:$0x1CFC0] =	vst v63  }
0x102: {  	_ =	swait.ge [sflag:s15], $0x1900  }
0x103: {  	[sflag:s15] =	ssyncset.done $0x0  }
0x104: {  	s23 =	simm.s32 $0x118;
	[sflag:s15] =	ssyncadd.s32 $0xFFFFE700  }
0x105: {  	[tilespmem:s0], [sflag:$0x3] =	stream.indirect.gather [hbm4b:s4+s31], $0x80, s23, s31, $0xb8;
	[tilespmem:$0x1CFC0] =	vst v63  }
0x106: {  	_ =	swait.ge [sflag:s16], $0x1900  }
0x107: {  	[sflag:s16] =	ssyncset.done $0x0  }
0x108: {  	s23 =	simm.s32 $0x150;
	[sflag:s16] =	ssyncadd.s32 $0xFFFFE700  }
0x109: {  	[tilespmem:s7], [sflag:$0x5] =	stream.indirect.gather [hbm4b:s4+s31], $0x80, s23, s31, $0xb8;
	[tilespmem:$0x1CFC0] =	vst v63  }
0x10a: {  	_ =	swait.ge [sflag:s17], $0x1900  }
0x10b: {  	[sflag:s17] =	ssyncset.done $0x0  }
0x10c: {  	s30 =	simm.s32 $0x380;
	s22 =	simm.s32 $0x188;
	[sflag:s17] =	ssyncadd.s32 $0xFFFFE700  }
.LBB2_6:
0x10d: {  	[tilespmem:s9], [sflag:$0x7] =	stream.indirect.gather [hbm4b:s4+s31], $0x80, s22, s31, $0xb8;
	[tilespmem:$0x1CFC0] =	vst v63  }
0x10e: {  	s22 =	smov.u32 s30  }
0x10f: {  	p0 =	sne.s32 s30, $0x5080;
	s30 =	sadd.s32 $0x380, s30;
	_ =	swait.ge [sflag:s10], $0x1900  }
0x110: {  	s22 =	sshra.s32 s22, $0x2;
	[sflag:s10] =	ssyncset.done $0x0  }
0x111: {  	s23 =	sadd.s32 $0x15E0, s22;
	[sflag:s10] =	ssyncadd.s32 $0xFFFFE700  }
0x112: {  	[spmem:s2] =	stream.indirect.scatter.add.f32 [tilespmem:s28], [sflag:$0x2], $0x80, s23, s31, $0xb8;
	[tilespmem:$0x1CFC0] =	vst v63  }
0x113: {  	_ =	swait.ge [sflag:s11], $0x1900  }
0x114: {  	[sflag:s11] =	ssyncset.done $0x0  }
0x115: {  	s23 =	sadd.s32 $0x1618, s22;
	[sflag:s11] =	ssyncadd.s32 $0xFFFFE700  }
0x116: {  	[spmem:s2] =	stream.indirect.scatter.add.f32 [tilespmem:s0], [sflag:$0x4], $0x80, s23, s31, $0xb8;
	[tilespmem:$0x1CFC0] =	vst v63  }
0x117: {  	_ =	swait.ge [sflag:s12], $0x1900  }
0x118: {  	[sflag:s12] =	ssyncset.done $0x0  }
0x119: {  	s23 =	sadd.s32 $0x1650, s22;
	[sflag:s12] =	ssyncadd.s32 $0xFFFFE700  }
0x11a: {  	[spmem:s2] =	stream.indirect.scatter.add.f32 [tilespmem:s7], [sflag:$0x6], $0x80, s23, s31, $0xb8;
	[tilespmem:$0x1CFC0] =	vst v63  }
0x11b: {  	_ =	swait.ge [sflag:s13], $0x1900  }
0x11c: {  	[sflag:s13] =	ssyncset.done $0x0  }
0x11d: {  	s23 =	sadd.s32 $0x1688, s22;
	[sflag:s13] =	ssyncadd.s32 $0xFFFFE700  }
0x11e: {  	[spmem:s2] =	stream.indirect.scatter.add.f32 [tilespmem:s9], [sflag:$0x8], $0x80, s23, s31, $0xb8;
	[tilespmem:$0x1CFC0] =	vst v63  }
0x11f: {  	_ =	swait.ge [sflag:s14], $0x1900  }
0x120: {  	[sflag:s14] =	ssyncset.done $0x0  }
0x121: {  	s23 =	sadd.s32 $0xE0, s22;
	[sflag:s14] =	ssyncadd.s32 $0xFFFFE700  }
0x122: {  	[tilespmem:s28], [sflag:$0x1] =	stream.indirect.gather [hbm4b:s4+s31], $0x80, s23, s31, $0xb8;
	[tilespmem:$0x1CFC0] =	vst v63  }
0x123: {  	_ =	swait.ge [sflag:s15], $0x1900  }
0x124: {  	[sflag:s15] =	ssyncset.done $0x0  }
0x125: {  	s23 =	sadd.s32 $0x118, s22;
	[sflag:s15] =	ssyncadd.s32 $0xFFFFE700  }
0x126: {  	[tilespmem:s0], [sflag:$0x3] =	stream.indirect.gather [hbm4b:s4+s31], $0x80, s23, s31, $0xb8;
	[tilespmem:$0x1CFC0] =	vst v63  }
0x127: {  	_ =	swait.ge [sflag:s16], $0x1900  }
0x128: {  	[sflag:s16] =	ssyncset.done $0x0  }
.Ltmp2:
0x129: {  	s23 =	sadd.s32 $0x150, s22;
	[sflag:s16] =	ssyncadd.s32 $0xFFFFE700;
	(pc) =	sbr.rel @p0 .LBB2_6-.Ltmp2, $4  }
0x12a: {  	[tilespmem:s7], [sflag:$0x5] =	stream.indirect.gather [hbm4b:s4+s31], $0x80, s23, s31, $0xb8;
	[tilespmem:$0x1CFC0] =	vst v63  }
0x12b: {  	_ =	swait.ge [sflag:s17], $0x1900  }
0x12c: {  	[sflag:s17] =	ssyncset.done $0x0  }
0x12d: {  	s22 =	sadd.s32 $0x188, s22;
	[sflag:s17] =	ssyncadd.s32 $0xFFFFE700  }
0x12e: {  	[tilespmem:s9], [sflag:$0x7] =	stream.indirect.gather [hbm4b:s4+s31], $0x80, s22, s31, $0xb8;
	[tilespmem:$0x1CFC0] =	vst v63  }
0x12f: {  	_ =	swait.ge [sflag:s10], $0x1900  }
0x130: {  	[sflag:s10] =	ssyncset.done $0x0  }
0x131: {  	[sflag:s10] =	ssyncadd.s32 $0xFFFFE700  }
0x132: {  	[spmem:s2] =	stream.indirect.scatter.add.f32 [tilespmem:s28], [sflag:$0x2], $0x80, s18, s31, $0xb8;
	[tilespmem:$0x1CFC0] =	vst v63  }
0x133: {  	_ =	swait.ge [sflag:s11], $0x1900  }
0x134: {  	[sflag:s11] =	ssyncset.done $0x0  }
0x135: {  	[sflag:s11] =	ssyncadd.s32 $0xFFFFE700  }
0x136: {  	[spmem:s2] =	stream.indirect.scatter.add.f32 [tilespmem:s0], [sflag:$0x4], $0x80, s19, s31, $0xb8;
	[tilespmem:$0x1CFC0] =	vst v63  }
0x137: {  	_ =	swait.ge [sflag:s12], $0x1900  }
0x138: {  	[sflag:s12] =	ssyncset.done $0x0  }
0x139: {  	[sflag:s12] =	ssyncadd.s32 $0xFFFFE700  }
0x13a: {  	[spmem:s2] =	stream.indirect.scatter.add.f32 [tilespmem:s7], [sflag:$0x6], $0x80, s20, s31, $0xb8;
	[tilespmem:$0x1CFC0] =	vst v63  }
0x13b: {  	_ =	swait.ge [sflag:s13], $0x1900  }
0x13c: {  	[sflag:s13] =	ssyncset.done $0x0  }
0x13d: {  	[sflag:s13] =	ssyncadd.s32 $0xFFFFE700  }
0x13e: {  	[spmem:s2] =	stream.indirect.scatter.add.f32 [tilespmem:s9], [sflag:$0x8], $0x80, s21, s31, $0xb8;
	[tilespmem:$0x1CFC0] =	vst v63  }
0x13f: {  	_ =	swait.ge [sflag:s14], $0x1900  }
0x140: {  	[sflag:s14] =	ssyncset.done $0x0  }
0x141: {  	[sflag:s14] =	ssyncadd.s32 $0xFFFFE700  }
0x142: {  	_ =	swait.ge [sflag:s15], $0x1900  }
0x143: {  	[sflag:s15] =	ssyncset.done $0x0  }
0x144: {  	[sflag:s15] =	ssyncadd.s32 $0xFFFFE700  }
0x145: {  	_ =	swait.ge [sflag:s16], $0x1900  }
0x146: {  	[sflag:s16] =	ssyncset.done $0x0  }
0x147: {  	[sflag:s16] =	ssyncadd.s32 $0xFFFFE700  }
0x148: {  	s30 =	stileid.u32;
	_ =	swait.ge [sflag:s17], $0x1900  }
0x149: {  	s23 =	sshrl.u32 s5, $0x3;
	s3 =	sadd.s32 $0x1, s3;
	[sflag:s17] =	ssyncset.done $0x0  }
0x14a: {  	s22 =	sshll.u32 s30, $0x6;
	p0 =	sne.s32 s3, s25;
	[sflag:s17] =	ssyncadd.s32 $0xFFFFE700  }
.Ltmp3:
0x14b: {  	s22 =	sor.u32 $0x1C09, s22;
	[bflag:$0x0] =	sbarrier.arrive $0xFFFF;
	(pc) =	sbr.rel @p0 .LBB2_1-.Ltmp3, $4  }
0x14c: {  	[hbm:s24], [sflag:s22] =	dma.local [spmem:s23], $0x2800  }
0x14d: {  	_ =	swait.ge [sflag:s29], $0x2800  }
0x14e: {  	[sflag:s29] =	ssyncset.done $0x0  }
0x14f: {  	[sflag:s29] =	ssyncadd.s32 $0xFFFFD800  }
0x150: {  	_ =	sfence.sel $0x180000  }
0x151: {  	[bflag:$0x0] =	sbarrier.arrive $0xFFFF  }
0x152: {  	_ =	strace $0x9000004A  }
0x153: {  	s0 =	stileid.u32;
	[bflag:$0x2] =	sbarrier.arrive $0xFFFF  }
0x154: {  	p0 =	sne.s32 s0, $0x0;
	s0 =	rddreg [dreg:$0x2]  }
0x155: {  	s0 =	sadd.s32 @!p0 $0x100000, s0  }
0x156: {  	[sflag:s0] =	ssyncadd.tile.s32 @!p0 $0x1;
	_ =	shalt  }
.Lfunc_end2:
_tile_overlayer_lowered:
.L_overlay_start_2:
0x157: {  	(tag) =	ssettag $0x2  }
0x158: {  	s0 =	rddreg [dreg:$0x0];
	s2 =	stileid.u32  }
0x159: {  	s1 =	rddreg [dreg:$0x1];
	p0 =	sne.s32 s2, $0x0  }
0x15a: {  	s3 =	rddreg [dreg:$0x2];
	[bflag:$0x3] =	sbarrier.arrive $0xFFFF;
	s2 =	simm.s32 @!p0 $0x1C09  }
0x15b: {  	[timem:s3], [sflag:s2] =	dma.local @!p0 [hbm:s0], s1  }
0x15c: {  	s0 =	simm.s32 @!p0 $0x9  }
0x15d: {  	_ =	swait.ge @!p0 [sflag:s0], s1  }
0x15e: {  	s1 =	ssub.s32 @!p0 $0x0, s1;
	[sflag:s0] =	ssyncset.done @!p0 $0x0  }
0x15f: {  	[sflag:s0] =	ssyncadd.s32 @!p0 s1  }
0x160: {  	[bflag:$0x3] =	sbarrier.arrive $0xFFFF  }
0x161: {  	_ =	shalt  }

</sc_bundles>
